<compile_context>
chip_gen: v7x
topology: tpu7x:2x2x1
jax: 0.10.2.dev20260603
libtpu: 0.0.44.dev20260713+nightly
codegen_flags: <defaults>
</compile_context>

<pallas_src>
import functools

import jax
import jax.numpy as jnp
from jax import lax
from jax.experimental import pallas as pl
from jax.experimental.pallas import tpu as pltpu
from jax.experimental.pallas import tpu_sc as plsc


def _ids_body(zt_ref, cbt_ref, ids3_ref):
    cbt = cbt_ref[...]
    bias = 0.5 * jnp.sum(cbt * cbt, axis=0)[:, None]
    n_b = zt_ref.shape[0]
    n_ch, CH = ids3_ref.shape[2], ids3_ref.shape[3]
    for b in range(n_b):
        zbt = zt_ref[b]
        score = lax.dot_general(
            cbt, zbt, (((0,), (0,)), ((), ())),
            preferred_element_type=jnp.float32)
        score = score - bias
        ids = jnp.argmax(score, axis=0).astype(jnp.int32)
        ids3_ref[b, 0] = ids.reshape(n_ch, CH)


def _tc_ids(zt, cbt):
    B, D, T = zt.shape
    K = cbt.shape[1]
    n_ch, CH = T // 128, 128
    NB = 8
    ids3 = pl.pallas_call(
        _ids_body,
        grid=(B // NB,),
        in_specs=[
            pl.BlockSpec((NB, D, T), lambda i: (i, 0, 0)),
            pl.BlockSpec((D, K), lambda i: (0, 0)),
        ],
        out_specs=pl.BlockSpec((NB, 1, n_ch, CH), lambda i: (i, 0, 0, 0)),
        out_shape=jax.ShapeDtypeStruct((B, 1, n_ch, CH), jnp.int32),
    )(zt, cbt)
    ids3 = ids3.reshape(B, n_ch, CH)
    return ids3, ids3.reshape(B, T)


def _sc_gather_t(cbt, ids, B, D, T):
    K = cbt.shape[1]
    mesh = plsc.VectorSubcoreMesh(core_axis_name="c", subcore_axis_name="s")

    @functools.partial(
        pl.kernel,
        mesh=mesh,
        compiler_params=pltpu.CompilerParams(
            use_tc_tiling_on_sc=False, needs_layout_passes=False),
        out_type=jax.ShapeDtypeStruct((B, D // 8, T // 128, 8, 128),
                                      jnp.float32),
        scratch_types=[
            pltpu.VMEM((D, K), jnp.float32),
            pltpu.VMEM((T,), jnp.int32),
            pltpu.VMEM((D // 8, T // 128, 8, 128), jnp.float32),
            pltpu.SemaphoreType.DMA,
            pltpu.SemaphoreType.DMA,
            pltpu.SemaphoreType.DMA,
        ],
    )
    def k(cb_hbm, idx_hbm, out_hbm, cb_v, idx_v, zq_v, sem_cb, sem_ix,
          sem_out):
        nc = lax.axis_size("c")
        wid = lax.axis_index("s") * nc + lax.axis_index("c")
        cb_cp = pltpu.async_copy(cb_hbm, cb_v, sem_cb)
        ix_cp = pltpu.async_copy(idx_hbm.at[wid], idx_v, sem_ix)
        cb_cp.wait()
        ix_cp.wait()

        out_cps = []
        for p in range(D // 8):

            @plsc.parallel_loop(0, T // 16, step=1, unroll=8)
            def band(i, p=p):
                ids16 = idx_v[pl.ds(i * 16, 16)]
                tb = i // 8
                lo = (i % 8) * 16
                for dd in range(8):
                    dvec = jnp.full((16,), p * 8 + dd, jnp.int32)
                    vals = plsc.load_gather(cb_v, [dvec, ids16])
                    zq_v[p, tb, dd, pl.ds(lo, 16)] = vals

            out_cps.append(
                pltpu.async_copy(zq_v.at[p], out_hbm.at[wid, p], sem_out))
        for cp in out_cps:
            cp.wait()

    return k(cbt, ids)


def kernel(z, codebook):
    B, T, D = z.shape
    K = codebook.shape[0]
    zt = jnp.swapaxes(z, 1, 2)
    cbt = codebook.T
    ids3, ids = _tc_ids(zt, cbt)
    zq5 = _sc_gather_t(cbt, ids3.reshape(B, T), B, D, T)
    zq_t = zq5.transpose(0, 1, 3, 2, 4).reshape(B, D, T)
    return jnp.swapaxes(zq_t, 1, 2), ids

# --- scband reference (transcript-rebuilt; emitter-appended) ---
"""Pipeline reference for scband-complex-vq2-72258529788557 (READ-ONLY COPY).

The authoritative reference and input builder live on the scoring server;
editing this copy changes nothing except your own understanding.
"""

import jax, jax.numpy as jnp
import numpy as np


def setup_inputs(seed: int = 0) -> dict:
    key = jax.random.key(seed)
    k1, k2 = jax.random.split(key)
    z = jax.random.normal(k1, (32, 1024, 64), dtype=jnp.float32)
    codebook = jax.random.normal(k2, (512, 64), dtype=jnp.float32)
    return {"z": z, "codebook": codebook}


def reference(z, codebook):
    # Vector quantization: nearest-neighbor codebook lookup with
    # straight-through estimator, as in VectorQuantize of the VQUnet family.
    B, T, D = z.shape
    z_flat = z.reshape(-1, D)  # [B*T, D]
    # squared euclidean distances ||z||^2 - 2 z.e^T + ||e||^2
    dist = (
        jnp.sum(z_flat ** 2, axis=1, keepdims=True)
        - 2.0 * z_flat @ codebook.T
        + jnp.sum(codebook ** 2, axis=1)[None, :]
    )  # [B*T, K]
    z_id = jnp.argmin(dist, axis=1)  # [B*T]
    z_q = jnp.take(codebook, z_id, axis=0).reshape(B, T, D)
    # straight-through: forward value is z_q, gradient flows to z
    z_q_st = z + jax.lax.stop_gradient(z_q - z)
    return z_q_st, z_id.reshape(B, T)

if __name__ == "__main__":
    import jax
    _d = setup_inputs()
    print(jax.jit(kernel)(*tuple(_d.values())))

</pallas_src>

<mosaic_0001>
#map = affine_map<(d0, d1) -> (0, 0)>
#map1 = affine_map<(d0, d1) -> (0, 0, 0, 0, 0)>
module attributes {stable_mosaic.version = 14 : i64} {
  func.func @k(%arg0: i32, %arg1: i32, %arg2: memref<64x512xf32, #tpu.memory_space<hbm>>, %arg3: memref<32x1024xi32, #tpu.memory_space<hbm>>, %arg4: memref<32x8x8x8x128xf32, #tpu.memory_space<hbm>>, %arg5: memref<64x512xf32, #tpu.memory_space<vmem>>, %arg6: memref<1024xi32, #tpu.memory_space<vmem>>, %arg7: memref<8x8x8x128xf32, #tpu.memory_space<vmem>>, %arg8: memref<!tpu.dma_semaphore, #tpu.memory_space<semaphore_mem>>, %arg9: memref<!tpu.dma_semaphore, #tpu.memory_space<semaphore_mem>>, %arg10: memref<!tpu.dma_semaphore, #tpu.memory_space<semaphore_mem>>) attributes {dimension_semantics = [#tpu.dimension_semantics<core_parallel>, #tpu.dimension_semantics<subcore_parallel>], iteration_bounds = array<i64: 2, 16>, scalar_prefetch = 0 : i64, scratch_operands = 6 : i64, tpu.core_type = #tpu.core_type<sc_vector_subcore>, window_params = [{transform_indices = #map}, {transform_indices = #map}, {transform_indices = #map1}]} {
    %mul3A = arith.constant 2 : i32
    %mul3A_0 = arith.muli %arg1, %mul3A : i32
    %add3A = arith.addi %mul3A_0, %arg0 : i32
    tpu.enqueue_dma source(%arg2 : memref<64x512xf32, #tpu.memory_space<hbm>>) target(%arg5 : memref<64x512xf32, #tpu.memory_space<vmem>>) target_semaphore(%arg8 : memref<!tpu.dma_semaphore, #tpu.memory_space<semaphore_mem>>)
    %dma_start3A = arith.constant 0 : i32
    %dma_start3A_1 = tpu.memref_slice %arg3[%add3A, %dma_start3A] : memref<32x1024xi32, #tpu.memory_space<hbm>> -> memref<1x1024xi32, #tpu.memory_space<hbm>>
    %dma_start3A_2 = tpu.memref_squeeze %dma_start3A_1 : memref<1x1024xi32, #tpu.memory_space<hbm>> -> memref<1024xi32, #tpu.memory_space<hbm>>
    %dma_start3A_3 = arith.constant 0 : i32
    %dma_start3A_4 = tpu.memref_slice %arg3[%add3A, %dma_start3A_3] : memref<32x1024xi32, #tpu.memory_space<hbm>> -> memref<1x1024xi32, #tpu.memory_space<hbm>>
    %dma_start3A_5 = tpu.memref_squeeze %dma_start3A_4 : memref<1x1024xi32, #tpu.memory_space<hbm>> -> memref<1024xi32, #tpu.memory_space<hbm>>
    tpu.enqueue_dma source(%dma_start3A_5 : memref<1024xi32, #tpu.memory_space<hbm>>) target(%arg6 : memref<1024xi32, #tpu.memory_space<vmem>>) target_semaphore(%arg9 : memref<!tpu.dma_semaphore, #tpu.memory_space<semaphore_mem>>)
    tpu.wait_dma2 semaphore(%arg8 : memref<!tpu.dma_semaphore, #tpu.memory_space<semaphore_mem>>) src(%arg2 : memref<64x512xf32, #tpu.memory_space<hbm>>) dst(%arg5 : memref<64x512xf32, #tpu.memory_space<vmem>>)
    %dma_wait3A = arith.constant 0 : i32
    %dma_wait3A_6 = tpu.memref_slice %arg3[%add3A, %dma_wait3A] : memref<32x1024xi32, #tpu.memory_space<hbm>> -> memref<1x1024xi32, #tpu.memory_space<hbm>>
    %dma_wait3A_7 = tpu.memref_squeeze %dma_wait3A_6 : memref<1x1024xi32, #tpu.memory_space<hbm>> -> memref<1024xi32, #tpu.memory_space<hbm>>
    %dma_wait3A_8 = arith.constant 0 : i32
    %dma_wait3A_9 = tpu.memref_slice %arg3[%add3A, %dma_wait3A_8] : memref<32x1024xi32, #tpu.memory_space<hbm>> -> memref<1x1024xi32, #tpu.memory_space<hbm>>
    %dma_wait3A_10 = tpu.memref_squeeze %dma_wait3A_9 : memref<1x1024xi32, #tpu.memory_space<hbm>> -> memref<1024xi32, #tpu.memory_space<hbm>>
    tpu.wait_dma2 semaphore(%arg9 : memref<!tpu.dma_semaphore, #tpu.memory_space<semaphore_mem>>) src(%dma_wait3A_10 : memref<1024xi32, #tpu.memory_space<hbm>>) dst(%arg6 : memref<1024xi32, #tpu.memory_space<vmem>>)
    %parallel_loop3A = arith.constant 0 : i32
    %parallel_loop3A_11 = arith.constant 64 : i32
    %parallel_loop3A_12 = arith.constant 1 : i32
    scf.for %parallel_loop3A_386 = %parallel_loop3A to %parallel_loop3A_11 step %parallel_loop3A_12  : i32 {
      %parallel_loop3A_387 = arith.constant 16 : i32
      %parallel_loop3A_388 = arith.muli %parallel_loop3A_386, %parallel_loop3A_387 : i32
      %parallel_loop3A_389 = arith.index_cast %parallel_loop3A_388 : i32 to index
      %parallel_loop3A_390 = tpu.vector_load %arg6[%parallel_loop3A_389] {strides = array<i32>} : memref<1024xi32, #tpu.memory_space<vmem>>, vector<16xi32>,
      %parallel_loop3A_391 = arith.constant 8 : i32
      %parallel_loop3A_392 = arith.divsi %parallel_loop3A_386, %parallel_loop3A_391 : i32
      %parallel_loop3A_393 = arith.constant 0 : i32
      %parallel_loop3A_394 = arith.cmpi sgt, %parallel_loop3A_386, %parallel_loop3A_393 : i32
      %parallel_loop3A_395 = arith.extui %parallel_loop3A_394 : i1 to i32
      %parallel_loop3A_396 = arith.constant 0 : i32
      %parallel_loop3A_397 = arith.cmpi slt, %parallel_loop3A_386, %parallel_loop3A_396 : i32
      %parallel_loop3A_398 = arith.extui %parallel_loop3A_397 : i1 to i32
      %parallel_loop3A_399 = arith.subi %parallel_loop3A_395, %parallel_loop3A_398 : i32
      %parallel_loop3A_400 = arith.constant 0 : i32
      %parallel_loop3A_401 = arith.cmpi sgt, %parallel_loop3A_391, %parallel_loop3A_400 : i32
      %parallel_loop3A_402 = arith.extui %parallel_loop3A_401 : i1 to i32
      %parallel_loop3A_403 = arith.constant 0 : i32
      %parallel_loop3A_404 = arith.cmpi slt, %parallel_loop3A_391, %parallel_loop3A_403 : i32
      %parallel_loop3A_405 = arith.extui %parallel_loop3A_404 : i1 to i32
      %parallel_loop3A_406 = arith.subi %parallel_loop3A_402, %parallel_loop3A_405 : i32
      %parallel_loop3A_407 = arith.cmpi ne, %parallel_loop3A_399, %parallel_loop3A_406 : i32
      %parallel_loop3A_408 = arith.remsi %parallel_loop3A_386, %parallel_loop3A_391 : i32
      %parallel_loop3A_409 = arith.constant 0 : i32
      %parallel_loop3A_410 = arith.cmpi ne, %parallel_loop3A_408, %parallel_loop3A_409 : i32
      %parallel_loop3A_411 = arith.andi %parallel_loop3A_407, %parallel_loop3A_410 : i1
      %parallel_loop3A_412 = arith.constant 1 : i32
      %parallel_loop3A_413 = arith.subi %parallel_loop3A_392, %parallel_loop3A_412 : i32
      %parallel_loop3A_414 = arith.select %parallel_loop3A_411, %parallel_loop3A_413, %parallel_loop3A_392 : i32
      %parallel_loop3A_415 = arith.constant 8 : i32
      %parallel_loop3A_416 = arith.constant 0 : i32
      %parallel_loop3A_417 = arith.cmpi eq, %parallel_loop3A_415, %parallel_loop3A_416 : i32
      %parallel_loop3A_418 = arith.constant 1 : i32
      %parallel_loop3A_419 = arith.select %parallel_loop3A_417, %parallel_loop3A_418, %parallel_loop3A_415 : i32
      %parallel_loop3A_420 = arith.remsi %parallel_loop3A_386, %parallel_loop3A_419 : i32
      %parallel_loop3A_421 = arith.constant 0 : i32
      %parallel_loop3A_422 = arith.cmpi ne, %parallel_loop3A_420, %parallel_loop3A_421 : i32
      %parallel_loop3A_423 = arith.constant 0 : i32
      %parallel_loop3A_424 = arith.cmpi slt, %parallel_loop3A_420, %parallel_loop3A_423 : i32
      %parallel_loop3A_425 = arith.constant 0 : i32
      %parallel_loop3A_426 = arith.cmpi slt, %parallel_loop3A_419, %parallel_loop3A_425 : i32
      %parallel_loop3A_427 = arith.xori %parallel_loop3A_424, %parallel_loop3A_426 : i1
      %parallel_loop3A_428 = arith.andi %parallel_loop3A_427, %parallel_loop3A_422 : i1
      %parallel_loop3A_429 = arith.addi %parallel_loop3A_420, %parallel_loop3A_419 : i32
      %parallel_loop3A_430 = arith.select %parallel_loop3A_428, %parallel_loop3A_429, %parallel_loop3A_420 : i32
      %parallel_loop3A_431 = arith.constant 16 : i32
      %parallel_loop3A_432 = arith.muli %parallel_loop3A_430, %parallel_loop3A_431 : i32
      %parallel_loop3A_433 = arith.constant 0 : i32
      %parallel_loop3A_434 = vector.broadcast %parallel_loop3A_433 : i32 to vector<16xi32>
      %parallel_loop3A_435 = tpu.vector_load_idx %arg5[%parallel_loop3A_434, %parallel_loop3A_390] : memref<64x512xf32, #tpu.memory_space<vmem>>[vector<16xi32>, vector<16xi32>], vector<16xf32>,
      %parallel_loop3A_436 = arith.constant 0 : i32
      %parallel_loop3A_437 = arith.constant 0 : i32
      %parallel_loop3A_438 = arith.index_cast %parallel_loop3A_436 : i32 to index
      %parallel_loop3A_439 = arith.index_cast %parallel_loop3A_414 : i32 to index
      %parallel_loop3A_440 = arith.index_cast %parallel_loop3A_437 : i32 to index
      %parallel_loop3A_441 = arith.index_cast %parallel_loop3A_432 : i32 to index
      %parallel_loop3A_442 = tpu.vector_load %arg7[%parallel_loop3A_438, %parallel_loop3A_439, %parallel_loop3A_440, %parallel_loop3A_441] {strides = array<i32>} : memref<8x8x8x128xf32, #tpu.memory_space<vmem>>, vector<16xf32>,
      tpu.vector_store %arg7[%parallel_loop3A_438, %parallel_loop3A_439, %parallel_loop3A_440, %parallel_loop3A_441], %parallel_loop3A_435 {strides = array<i32>} : memref<8x8x8x128xf32, #tpu.memory_space<vmem>>, vector<16xf32>,
      %parallel_loop3A_443 = arith.constant 1 : i32
      %parallel_loop3A_444 = vector.broadcast %parallel_loop3A_443 : i32 to vector<16xi32>
      %parallel_loop3A_445 = tpu.vector_load_idx %arg5[%parallel_loop3A_444, %parallel_loop3A_390] : memref<64x512xf32, #tpu.memory_space<vmem>>[vector<16xi32>, vector<16xi32>], vector<16xf32>,
      %parallel_loop3A_446 = arith.constant 0 : i32
      %parallel_loop3A_447 = arith.constant 1 : i32
      %parallel_loop3A_448 = arith.index_cast %parallel_loop3A_446 : i32 to index
      %parallel_loop3A_449 = arith.index_cast %parallel_loop3A_414 : i32 to index
      %parallel_loop3A_450 = arith.index_cast %parallel_loop3A_447 : i32 to index
      %parallel_loop3A_451 = arith.index_cast %parallel_loop3A_432 : i32 to index
      %parallel_loop3A_452 = tpu.vector_load %arg7[%parallel_loop3A_448, %parallel_loop3A_449, %parallel_loop3A_450, %parallel_loop3A_451] {strides = array<i32>} : memref<8x8x8x128xf32, #tpu.memory_space<vmem>>, vector<16xf32>,
      tpu.vector_store %arg7[%parallel_loop3A_448, %parallel_loop3A_449, %parallel_loop3A_450, %parallel_loop3A_451], %parallel_loop3A_445 {strides = array<i32>} : memref<8x8x8x128xf32, #tpu.memory_space<vmem>>, vector<16xf32>,
      %parallel_loop3A_453 = arith.constant 2 : i32
      %parallel_loop3A_454 = vector.broadcast %parallel_loop3A_453 : i32 to vector<16xi32>
      %parallel_loop3A_455 = tpu.vector_load_idx %arg5[%parallel_loop3A_454, %parallel_loop3A_390] : memref<64x512xf32, #tpu.memory_space<vmem>>[vector<16xi32>, vector<16xi32>], vector<16xf32>,
      %parallel_loop3A_456 = arith.constant 0 : i32
      %parallel_loop3A_457 = arith.constant 2 : i32
      %parallel_loop3A_458 = arith.index_cast %parallel_loop3A_456 : i32 to index
      %parallel_loop3A_459 = arith.index_cast %parallel_loop3A_414 : i32 to index
      %parallel_loop3A_460 = arith.index_cast %parallel_loop3A_457 : i32 to index
      %parallel_loop3A_461 = arith.index_cast %parallel_loop3A_432 : i32 to index
      %parallel_loop3A_462 = tpu.vector_load %arg7[%parallel_loop3A_458, %parallel_loop3A_459, %parallel_loop3A_460, %parallel_loop3A_461] {strides = array<i32>} : memref<8x8x8x128xf32, #tpu.memory_space<vmem>>, vector<16xf32>,
      tpu.vector_store %arg7[%parallel_loop3A_458, %parallel_loop3A_459, %parallel_loop3A_460, %parallel_loop3A_461], %parallel_loop3A_455 {strides = array<i32>} : memref<8x8x8x128xf32, #tpu.memory_space<vmem>>, vector<16xf32>,
      %parallel_loop3A_463 = arith.constant 3 : i32
      %parallel_loop3A_464 = vector.broadcast %parallel_loop3A_463 : i32 to vector<16xi32>
      %parallel_loop3A_465 = tpu.vector_load_idx %arg5[%parallel_loop3A_464, %parallel_loop3A_390] : memref<64x512xf32, #tpu.memory_space<vmem>>[vector<16xi32>, vector<16xi32>], vector<16xf32>,
      %parallel_loop3A_466 = arith.constant 0 : i32
      %parallel_loop3A_467 = arith.constant 3 : i32
      %parallel_loop3A_468 = arith.index_cast %parallel_loop3A_466 : i32 to index
      %parallel_loop3A_469 = arith.index_cast %parallel_loop3A_414 : i32 to index
      %parallel_loop3A_470 = arith.index_cast %parallel_loop3A_467 : i32 to index
      %parallel_loop3A_471 = arith.index_cast %parallel_loop3A_432 : i32 to index
      %parallel_loop3A_472 = tpu.vector_load %arg7[%parallel_loop3A_468, %parallel_loop3A_469, %parallel_loop3A_470, %parallel_loop3A_471] {strides = array<i32>} : memref<8x8x8x128xf32, #tpu.memory_space<vmem>>, vector<16xf32>,
      tpu.vector_store %arg7[%parallel_loop3A_468, %parallel_loop3A_469, %parallel_loop3A_470, %parallel_loop3A_471], %parallel_loop3A_465 {strides = array<i32>} : memref<8x8x8x128xf32, #tpu.memory_space<vmem>>, vector<16xf32>,
      %parallel_loop3A_473 = arith.constant 4 : i32
      %parallel_loop3A_474 = vector.broadcast %parallel_loop3A_473 : i32 to vector<16xi32>
      %parallel_loop3A_475 = tpu.vector_load_idx %arg5[%parallel_loop3A_474, %parallel_loop3A_390] : memref<64x512xf32, #tpu.memory_space<vmem>>[vector<16xi32>, vector<16xi32>], vector<16xf32>,
      %parallel_loop3A_476 = arith.constant 0 : i32
      %parallel_loop3A_477 = arith.constant 4 : i32
      %parallel_loop3A_478 = arith.index_cast %parallel_loop3A_476 : i32 to index
      %parallel_loop3A_479 = arith.index_cast %parallel_loop3A_414 : i32 to index
      %parallel_loop3A_480 = arith.index_cast %parallel_loop3A_477 : i32 to index
      %parallel_loop3A_481 = arith.index_cast %parallel_loop3A_432 : i32 to index
      %parallel_loop3A_482 = tpu.vector_load %arg7[%parallel_loop3A_478, %parallel_loop3A_479, %parallel_loop3A_480, %parallel_loop3A_481] {strides = array<i32>} : memref<8x8x8x128xf32, #tpu.memory_space<vmem>>, vector<16xf32>,
      tpu.vector_store %arg7[%parallel_loop3A_478, %parallel_loop3A_479, %parallel_loop3A_480, %parallel_loop3A_481], %parallel_loop3A_475 {strides = array<i32>} : memref<8x8x8x128xf32, #tpu.memory_space<vmem>>, vector<16xf32>,
      %parallel_loop3A_483 = arith.constant 5 : i32
      %parallel_loop3A_484 = vector.broadcast %parallel_loop3A_483 : i32 to vector<16xi32>
      %parallel_loop3A_485 = tpu.vector_load_idx %arg5[%parallel_loop3A_484, %parallel_loop3A_390] : memref<64x512xf32, #tpu.memory_space<vmem>>[vector<16xi32>, vector<16xi32>], vector<16xf32>,
      %parallel_loop3A_486 = arith.constant 0 : i32
      %parallel_loop3A_487 = arith.constant 5 : i32
      %parallel_loop3A_488 = arith.index_cast %parallel_loop3A_486 : i32 to index
      %parallel_loop3A_489 = arith.index_cast %parallel_loop3A_414 : i32 to index
      %parallel_loop3A_490 = arith.index_cast %parallel_loop3A_487 : i32 to index
      %parallel_loop3A_491 = arith.index_cast %parallel_loop3A_432 : i32 to index
      %parallel_loop3A_492 = tpu.vector_load %arg7[%parallel_loop3A_488, %parallel_loop3A_489, %parallel_loop3A_490, %parallel_loop3A_491] {strides = array<i32>} : memref<8x8x8x128xf32, #tpu.memory_space<vmem>>, vector<16xf32>,
      tpu.vector_store %arg7[%parallel_loop3A_488, %parallel_loop3A_489, %parallel_loop3A_490, %parallel_loop3A_491], %parallel_loop3A_485 {strides = array<i32>} : memref<8x8x8x128xf32, #tpu.memory_space<vmem>>, vector<16xf32>,
      %parallel_loop3A_493 = arith.constant 6 : i32
      %parallel_loop3A_494 = vector.broadcast %parallel_loop3A_493 : i32 to vector<16xi32>
      %parallel_loop3A_495 = tpu.vector_load_idx %arg5[%parallel_loop3A_494, %parallel_loop3A_390] : memref<64x512xf32, #tpu.memory_space<vmem>>[vector<16xi32>, vector<16xi32>], vector<16xf32>,
      %parallel_loop3A_496 = arith.constant 0 : i32
      %parallel_loop3A_497 = arith.constant 6 : i32
      %parallel_loop3A_498 = arith.index_cast %parallel_loop3A_496 : i32 to index
      %parallel_loop3A_499 = arith.index_cast %parallel_loop3A_414 : i32 to index
      %parallel_loop3A_500 = arith.index_cast %parallel_loop3A_497 : i32 to index
      %parallel_loop3A_501 = arith.index_cast %parallel_loop3A_432 : i32 to index
      %parallel_loop3A_502 = tpu.vector_load %arg7[%parallel_loop3A_498, %parallel_loop3A_499, %parallel_loop3A_500, %parallel_loop3A_501] {strides = array<i32>} : memref<8x8x8x128xf32, #tpu.memory_space<vmem>>, vector<16xf32>,
      tpu.vector_store %arg7[%parallel_loop3A_498, %parallel_loop3A_499, %parallel_loop3A_500, %parallel_loop3A_501], %parallel_loop3A_495 {strides = array<i32>} : memref<8x8x8x128xf32, #tpu.memory_space<vmem>>, vector<16xf32>,
      %parallel_loop3A_503 = arith.constant 7 : i32
      %parallel_loop3A_504 = vector.broadcast %parallel_loop3A_503 : i32 to vector<16xi32>
      %parallel_loop3A_505 = tpu.vector_load_idx %arg5[%parallel_loop3A_504, %parallel_loop3A_390] : memref<64x512xf32, #tpu.memory_space<vmem>>[vector<16xi32>, vector<16xi32>], vector<16xf32>,
      %parallel_loop3A_506 = arith.constant 0 : i32
      %parallel_loop3A_507 = arith.constant 7 : i32
      %parallel_loop3A_508 = arith.index_cast %parallel_loop3A_506 : i32 to index
      %parallel_loop3A_509 = arith.index_cast %parallel_loop3A_414 : i32 to index
      %parallel_loop3A_510 = arith.index_cast %parallel_loop3A_507 : i32 to index
      %parallel_loop3A_511 = arith.index_cast %parallel_loop3A_432 : i32 to index
      %parallel_loop3A_512 = tpu.vector_load %arg7[%parallel_loop3A_508, %parallel_loop3A_509, %parallel_loop3A_510, %parallel_loop3A_511] {strides = array<i32>} : memref<8x8x8x128xf32, #tpu.memory_space<vmem>>, vector<16xf32>,
      tpu.vector_store %arg7[%parallel_loop3A_508, %parallel_loop3A_509, %parallel_loop3A_510, %parallel_loop3A_511], %parallel_loop3A_505 {strides = array<i32>} : memref<8x8x8x128xf32, #tpu.memory_space<vmem>>, vector<16xf32>,
    } {sc.loop_unroll_factor = 8 : i64, sc.parallel_access}
    %dma_start3A_13 = arith.constant 0 : i32
    %dma_start3A_14 = arith.constant 0 : i32
    %dma_start3A_15 = arith.constant 0 : i32
    %dma_start3A_16 = arith.constant 0 : i32
    %dma_start3A_17 = arith.constant 0 : i32
    %dma_start3A_18 = tpu.memref_slice %arg7[%dma_start3A_13, %dma_start3A_15, %dma_start3A_16, %dma_start3A_17] : memref<8x8x8x128xf32, #tpu.memory_space<vmem>> -> memref<1x8x8x128xf32, #tpu.memory_space<vmem>>
    %dma_start3A_19 = tpu.memref_squeeze %dma_start3A_18 : memref<1x8x8x128xf32, #tpu.memory_space<vmem>> -> memref<8x8x128xf32, #tpu.memory_space<vmem>>
    %dma_start3A_20 = arith.constant 0 : i32
    %dma_start3A_21 = arith.constant 0 : i32
    %dma_start3A_22 = arith.constant 0 : i32
    %dma_start3A_23 = tpu.memref_slice %arg4[%add3A, %dma_start3A_14, %dma_start3A_20, %dma_start3A_21, %dma_start3A_22] : memref<32x8x8x8x128xf32, #tpu.memory_space<hbm>> -> memref<1x1x8x8x128xf32, #tpu.memory_space<hbm>>
    %dma_start3A_24 = tpu.memref_squeeze %dma_start3A_23 : memref<1x1x8x8x128xf32, #tpu.memory_space<hbm>> -> memref<8x8x128xf32, #tpu.memory_space<hbm>>
    %dma_start3A_25 = arith.constant 0 : i32
    %dma_start3A_26 = arith.constant 0 : i32
    %dma_start3A_27 = arith.constant 0 : i32
    %dma_start3A_28 = tpu.memref_slice %arg4[%add3A, %dma_start3A_14, %dma_start3A_25, %dma_start3A_26, %dma_start3A_27] : memref<32x8x8x8x128xf32, #tpu.memory_space<hbm>> -> memref<1x1x8x8x128xf32, #tpu.memory_space<hbm>>
    %dma_start3A_29 = tpu.memref_squeeze %dma_start3A_28 : memref<1x1x8x8x128xf32, #tpu.memory_space<hbm>> -> memref<8x8x128xf32, #tpu.memory_space<hbm>>
    %dma_start3A_30 = arith.constant 0 : i32
    %dma_start3A_31 = arith.constant 0 : i32
    %dma_start3A_32 = arith.constant 0 : i32
    %dma_start3A_33 = tpu.memref_slice %arg7[%dma_start3A_13, %dma_start3A_30, %dma_start3A_31, %dma_start3A_32] : memref<8x8x8x128xf32, #tpu.memory_space<vmem>> -> memref<1x8x8x128xf32, #tpu.memory_space<vmem>>
    %dma_start3A_34 = tpu.memref_squeeze %dma_start3A_33 : memref<1x8x8x128xf32, #tpu.memory_space<vmem>> -> memref<8x8x128xf32, #tpu.memory_space<vmem>>
    tpu.enqueue_dma source(%dma_start3A_34 : memref<8x8x128xf32, #tpu.memory_space<vmem>>) target(%dma_start3A_29 : memref<8x8x128xf32, #tpu.memory_space<hbm>>) target_semaphore(%arg10 : memref<!tpu.dma_semaphore, #tpu.memory_space<semaphore_mem>>)
    %parallel_loop3A_35 = arith.constant 0 : i32
    %parallel_loop3A_36 = arith.constant 64 : i32
    %parallel_loop3A_37 = arith.constant 1 : i32
    scf.for %parallel_loop3A_386 = %parallel_loop3A_35 to %parallel_loop3A_36 step %parallel_loop3A_37  : i32 {
      %parallel_loop3A_387 = arith.constant 16 : i32
      %parallel_loop3A_388 = arith.muli %parallel_loop3A_386, %parallel_loop3A_387 : i32
      %parallel_loop3A_389 = arith.index_cast %parallel_loop3A_388 : i32 to index
      %parallel_loop3A_390 = tpu.vector_load %arg6[%parallel_loop3A_389] {strides = array<i32>} : memref<1024xi32, #tpu.memory_space<vmem>>, vector<16xi32>,
      %parallel_loop3A_391 = arith.constant 8 : i32
      %parallel_loop3A_392 = arith.divsi %parallel_loop3A_386, %parallel_loop3A_391 : i32
      %parallel_loop3A_393 = arith.constant 0 : i32
      %parallel_loop3A_394 = arith.cmpi sgt, %parallel_loop3A_386, %parallel_loop3A_393 : i32
      %parallel_loop3A_395 = arith.extui %parallel_loop3A_394 : i1 to i32
      %parallel_loop3A_396 = arith.constant 0 : i32
      %parallel_loop3A_397 = arith.cmpi slt, %parallel_loop3A_386, %parallel_loop3A_396 : i32
      %parallel_loop3A_398 = arith.extui %parallel_loop3A_397 : i1 to i32
      %parallel_loop3A_399 = arith.subi %parallel_loop3A_395, %parallel_loop3A_398 : i32
      %parallel_loop3A_400 = arith.constant 0 : i32
      %parallel_loop3A_401 = arith.cmpi sgt, %parallel_loop3A_391, %parallel_loop3A_400 : i32
      %parallel_loop3A_402 = arith.extui %parallel_loop3A_401 : i1 to i32
      %parallel_loop3A_403 = arith.constant 0 : i32
      %parallel_loop3A_404 = arith.cmpi slt, %parallel_loop3A_391, %parallel_loop3A_403 : i32
      %parallel_loop3A_405 = arith.extui %parallel_loop3A_404 : i1 to i32
      %parallel_loop3A_406 = arith.subi %parallel_loop3A_402, %parallel_loop3A_405 : i32
      %parallel_loop3A_407 = arith.cmpi ne, %parallel_loop3A_399, %parallel_loop3A_406 : i32
      %parallel_loop3A_408 = arith.remsi %parallel_loop3A_386, %parallel_loop3A_391 : i32
      %parallel_loop3A_409 = arith.constant 0 : i32
      %parallel_loop3A_410 = arith.cmpi ne, %parallel_loop3A_408, %parallel_loop3A_409 : i32
      %parallel_loop3A_411 = arith.andi %parallel_loop3A_407, %parallel_loop3A_410 : i1
      %parallel_loop3A_412 = arith.constant 1 : i32
      %parallel_loop3A_413 = arith.subi %parallel_loop3A_392, %parallel_loop3A_412 : i32
      %parallel_loop3A_414 = arith.select %parallel_loop3A_411, %parallel_loop3A_413, %parallel_loop3A_392 : i32
      %parallel_loop3A_415 = arith.constant 8 : i32
      %parallel_loop3A_416 = arith.constant 0 : i32
      %parallel_loop3A_417 = arith.cmpi eq, %parallel_loop3A_415, %parallel_loop3A_416 : i32
      %parallel_loop3A_418 = arith.constant 1 : i32
      %parallel_loop3A_419 = arith.select %parallel_loop3A_417, %parallel_loop3A_418, %parallel_loop3A_415 : i32
      %parallel_loop3A_420 = arith.remsi %parallel_loop3A_386, %parallel_loop3A_419 : i32
      %parallel_loop3A_421 = arith.constant 0 : i32
      %parallel_loop3A_422 = arith.cmpi ne, %parallel_loop3A_420, %parallel_loop3A_421 : i32
      %parallel_loop3A_423 = arith.constant 0 : i32
      %parallel_loop3A_424 = arith.cmpi slt, %parallel_loop3A_420, %parallel_loop3A_423 : i32
      %parallel_loop3A_425 = arith.constant 0 : i32
      %parallel_loop3A_426 = arith.cmpi slt, %parallel_loop3A_419, %parallel_loop3A_425 : i32
      %parallel_loop3A_427 = arith.xori %parallel_loop3A_424, %parallel_loop3A_426 : i1
      %parallel_loop3A_428 = arith.andi %parallel_loop3A_427, %parallel_loop3A_422 : i1
      %parallel_loop3A_429 = arith.addi %parallel_loop3A_420, %parallel_loop3A_419 : i32
      %parallel_loop3A_430 = arith.select %parallel_loop3A_428, %parallel_loop3A_429, %parallel_loop3A_420 : i32
      %parallel_loop3A_431 = arith.constant 16 : i32
      %parallel_loop3A_432 = arith.muli %parallel_loop3A_430, %parallel_loop3A_431 : i32
      %parallel_loop3A_433 = arith.constant 8 : i32
      %parallel_loop3A_434 = vector.broadcast %parallel_loop3A_433 : i32 to vector<16xi32>
      %parallel_loop3A_435 = tpu.vector_load_idx %arg5[%parallel_loop3A_434, %parallel_loop3A_390] : memref<64x512xf32, #tpu.memory_space<vmem>>[vector<16xi32>, vector<16xi32>], vector<16xf32>,
      %parallel_loop3A_436 = arith.constant 1 : i32
      %parallel_loop3A_437 = arith.constant 0 : i32
      %parallel_loop3A_438 = arith.index_cast %parallel_loop3A_436 : i32 to index
      %parallel_loop3A_439 = arith.index_cast %parallel_loop3A_414 : i32 to index
      %parallel_loop3A_440 = arith.index_cast %parallel_loop3A_437 : i32 to index
      %parallel_loop3A_441 = arith.index_cast %parallel_loop3A_432 : i32 to index
      %parallel_loop3A_442 = tpu.vector_load %arg7[%parallel_loop3A_438, %parallel_loop3A_439, %parallel_loop3A_440, %parallel_loop3A_441] {strides = array<i32>} : memref<8x8x8x128xf32, #tpu.memory_space<vmem>>, vector<16xf32>,
      tpu.vector_store %arg7[%parallel_loop3A_438, %parallel_loop3A_439, %parallel_loop3A_440, %parallel_loop3A_441], %parallel_loop3A_435 {strides = array<i32>} : memref<8x8x8x128xf32, #tpu.memory_space<vmem>>, vector<16xf32>,
      %parallel_loop3A_443 = arith.constant 9 : i32
      %parallel_loop3A_444 = vector.broadcast %parallel_loop3A_443 : i32 to vector<16xi32>
      %parallel_loop3A_445 = tpu.vector_load_idx %arg5[%parallel_loop3A_444, %parallel_loop3A_390] : memref<64x512xf32, #tpu.memory_space<vmem>>[vector<16xi32>, vector<16xi32>], vector<16xf32>,
      %parallel_loop3A_446 = arith.constant 1 : i32
      %parallel_loop3A_447 = arith.constant 1 : i32
      %parallel_loop3A_448 = arith.index_cast %parallel_loop3A_446 : i32 to index
      %parallel_loop3A_449 = arith.index_cast %parallel_loop3A_414 : i32 to index
      %parallel_loop3A_450 = arith.index_cast %parallel_loop3A_447 : i32 to index
      %parallel_loop3A_451 = arith.index_cast %parallel_loop3A_432 : i32 to index
      %parallel_loop3A_452 = tpu.vector_load %arg7[%parallel_loop3A_448, %parallel_loop3A_449, %parallel_loop3A_450, %parallel_loop3A_451] {strides = array<i32>} : memref<8x8x8x128xf32, #tpu.memory_space<vmem>>, vector<16xf32>,
      tpu.vector_store %arg7[%parallel_loop3A_448, %parallel_loop3A_449, %parallel_loop3A_450, %parallel_loop3A_451], %parallel_loop3A_445 {strides = array<i32>} : memref<8x8x8x128xf32, #tpu.memory_space<vmem>>, vector<16xf32>,
      %parallel_loop3A_453 = arith.constant 10 : i32
      %parallel_loop3A_454 = vector.broadcast %parallel_loop3A_453 : i32 to vector<16xi32>
      %parallel_loop3A_455 = tpu.vector_load_idx %arg5[%parallel_loop3A_454, %parallel_loop3A_390] : memref<64x512xf32, #tpu.memory_space<vmem>>[vector<16xi32>, vector<16xi32>], vector<16xf32>,
      %parallel_loop3A_456 = arith.constant 1 : i32
      %parallel_loop3A_457 = arith.constant 2 : i32
      %parallel_loop3A_458 = arith.index_cast %parallel_loop3A_456 : i32 to index
      %parallel_loop3A_459 = arith.index_cast %parallel_loop3A_414 : i32 to index
      %parallel_loop3A_460 = arith.index_cast %parallel_loop3A_457 : i32 to index
      %parallel_loop3A_461 = arith.index_cast %parallel_loop3A_432 : i32 to index
      %parallel_loop3A_462 = tpu.vector_load %arg7[%parallel_loop3A_458, %parallel_loop3A_459, %parallel_loop3A_460, %parallel_loop3A_461] {strides = array<i32>} : memref<8x8x8x128xf32, #tpu.memory_space<vmem>>, vector<16xf32>,
      tpu.vector_store %arg7[%parallel_loop3A_458, %parallel_loop3A_459, %parallel_loop3A_460, %parallel_loop3A_461], %parallel_loop3A_455 {strides = array<i32>} : memref<8x8x8x128xf32, #tpu.memory_space<vmem>>, vector<16xf32>,
      %parallel_loop3A_463 = arith.constant 11 : i32
      %parallel_loop3A_464 = vector.broadcast %parallel_loop3A_463 : i32 to vector<16xi32>
      %parallel_loop3A_465 = tpu.vector_load_idx %arg5[%parallel_loop3A_464, %parallel_loop3A_390] : memref<64x512xf32, #tpu.memory_space<vmem>>[vector<16xi32>, vector<16xi32>], vector<16xf32>,
      %parallel_loop3A_466 = arith.constant 1 : i32
      %parallel_loop3A_467 = arith.constant 3 : i32
      %parallel_loop3A_468 = arith.index_cast %parallel_loop3A_466 : i32 to index
      %parallel_loop3A_469 = arith.index_cast %parallel_loop3A_414 : i32 to index
      %parallel_loop3A_470 = arith.index_cast %parallel_loop3A_467 : i32 to index
      %parallel_loop3A_471 = arith.index_cast %parallel_loop3A_432 : i32 to index
      %parallel_loop3A_472 = tpu.vector_load %arg7[%parallel_loop3A_468, %parallel_loop3A_469, %parallel_loop3A_470, %parallel_loop3A_471] {strides = array<i32>} : memref<8x8x8x128xf32, #tpu.memory_space<vmem>>, vector<16xf32>,
      tpu.vector_store %arg7[%parallel_loop3A_468, %parallel_loop3A_469, %parallel_loop3A_470, %parallel_loop3A_471], %parallel_loop3A_465 {strides = array<i32>} : memref<8x8x8x128xf32, #tpu.memory_space<vmem>>, vector<16xf32>,
      %parallel_loop3A_473 = arith.constant 12 : i32
      %parallel_loop3A_474 = vector.broadcast %parallel_loop3A_473 : i32 to vector<16xi32>
      %parallel_loop3A_475 = tpu.vector_load_idx %arg5[%parallel_loop3A_474, %parallel_loop3A_390] : memref<64x512xf32, #tpu.memory_space<vmem>>[vector<16xi32>, vector<16xi32>], vector<16xf32>,
      %parallel_loop3A_476 = arith.constant 1 : i32
      %parallel_loop3A_477 = arith.constant 4 : i32
      %parallel_loop3A_478 = arith.index_cast %parallel_loop3A_476 : i32 to index
      %parallel_loop3A_479 = arith.index_cast %parallel_loop3A_414 : i32 to index
      %parallel_loop3A_480 = arith.index_cast %parallel_loop3A_477 : i32 to index
      %parallel_loop3A_481 = arith.index_cast %parallel_loop3A_432 : i32 to index
      %parallel_loop3A_482 = tpu.vector_load %arg7[%parallel_loop3A_478, %parallel_loop3A_479, %parallel_loop3A_480, %parallel_loop3A_481] {strides = array<i32>} : memref<8x8x8x128xf32, #tpu.memory_space<vmem>>, vector<16xf32>,
      tpu.vector_store %arg7[%parallel_loop3A_478, %parallel_loop3A_479, %parallel_loop3A_480, %parallel_loop3A_481], %parallel_loop3A_475 {strides = array<i32>} : memref<8x8x8x128xf32, #tpu.memory_space<vmem>>, vector<16xf32>,
      %parallel_loop3A_483 = arith.constant 13 : i32
      %parallel_loop3A_484 = vector.broadcast %parallel_loop3A_483 : i32 to vector<16xi32>
      %parallel_loop3A_485 = tpu.vector_load_idx %arg5[%parallel_loop3A_484, %parallel_loop3A_390] : memref<64x512xf32, #tpu.memory_space<vmem>>[vector<16xi32>, vector<16xi32>], vector<16xf32>,
      %parallel_loop3A_486 = arith.constant 1 : i32
      %parallel_loop3A_487 = arith.constant 5 : i32
      %parallel_loop3A_488 = arith.index_cast %parallel_loop3A_486 : i32 to index
      %parallel_loop3A_489 = arith.index_cast %parallel_loop3A_414 : i32 to index
      %parallel_loop3A_490 = arith.index_cast %parallel_loop3A_487 : i32 to index
      %parallel_loop3A_491 = arith.index_cast %parallel_loop3A_432 : i32 to index
      %parallel_loop3A_492 = tpu.vector_load %arg7[%parallel_loop3A_488, %parallel_loop3A_489, %parallel_loop3A_490, %parallel_loop3A_491] {strides = array<i32>} : memref<8x8x8x128xf32, #tpu.memory_space<vmem>>, vector<16xf32>,
      tpu.vector_store %arg7[%parallel_loop3A_488, %parallel_loop3A_489, %parallel_loop3A_490, %parallel_loop3A_491], %parallel_loop3A_485 {strides = array<i32>} : memref<8x8x8x128xf32, #tpu.memory_space<vmem>>, vector<16xf32>,
      %parallel_loop3A_493 = arith.constant 14 : i32
      %parallel_loop3A_494 = vector.broadcast %parallel_loop3A_493 : i32 to vector<16xi32>
      %parallel_loop3A_495 = tpu.vector_load_idx %arg5[%parallel_loop3A_494, %parallel_loop3A_390] : memref<64x512xf32, #tpu.memory_space<vmem>>[vector<16xi32>, vector<16xi32>], vector<16xf32>,
      %parallel_loop3A_496 = arith.constant 1 : i32
      %parallel_loop3A_497 = arith.constant 6 : i32
      %parallel_loop3A_498 = arith.index_cast %parallel_loop3A_496 : i32 to index
      %parallel_loop3A_499 = arith.index_cast %parallel_loop3A_414 : i32 to index
      %parallel_loop3A_500 = arith.index_cast %parallel_loop3A_497 : i32 to index
      %parallel_loop3A_501 = arith.index_cast %parallel_loop3A_432 : i32 to index
      %parallel_loop3A_502 = tpu.vector_load %arg7[%parallel_loop3A_498, %parallel_loop3A_499, %parallel_loop3A_500, %parallel_loop3A_501] {strides = array<i32>} : memref<8x8x8x128xf32, #tpu.memory_space<vmem>>, vector<16xf32>,
      tpu.vector_store %arg7[%parallel_loop3A_498, %parallel_loop3A_499, %parallel_loop3A_500, %parallel_loop3A_501], %parallel_loop3A_495 {strides = array<i32>} : memref<8x8x8x128xf32, #tpu.memory_space<vmem>>, vector<16xf32>,
      %parallel_loop3A_503 = arith.constant 15 : i32
      %parallel_loop3A_504 = vector.broadcast %parallel_loop3A_503 : i32 to vector<16xi32>
      %parallel_loop3A_505 = tpu.vector_load_idx %arg5[%parallel_loop3A_504, %parallel_loop3A_390] : memref<64x512xf32, #tpu.memory_space<vmem>>[vector<16xi32>, vector<16xi32>], vector<16xf32>,
      %parallel_loop3A_506 = arith.constant 1 : i32
      %parallel_loop3A_507 = arith.constant 7 : i32
      %parallel_loop3A_508 = arith.index_cast %parallel_loop3A_506 : i32 to index
      %parallel_loop3A_509 = arith.index_cast %parallel_loop3A_414 : i32 to index
      %parallel_loop3A_510 = arith.index_cast %parallel_loop3A_507 : i32 to index
      %parallel_loop3A_511 = arith.index_cast %parallel_loop3A_432 : i32 to index
      %parallel_loop3A_512 = tpu.vector_load %arg7[%parallel_loop3A_508, %parallel_loop3A_509, %parallel_loop3A_510, %parallel_loop3A_511] {strides = array<i32>} : memref<8x8x8x128xf32, #tpu.memory_space<vmem>>, vector<16xf32>,
      tpu.vector_store %arg7[%parallel_loop3A_508, %parallel_loop3A_509, %parallel_loop3A_510, %parallel_loop3A_511], %parallel_loop3A_505 {strides = array<i32>} : memref<8x8x8x128xf32, #tpu.memory_space<vmem>>, vector<16xf32>,
    } {sc.loop_unroll_factor = 8 : i64, sc.parallel_access}
    %dma_start3A_38 = arith.constant 1 : i32
    %dma_start3A_39 = arith.constant 1 : i32
    %dma_start3A_40 = arith.constant 0 : i32
    %dma_start3A_41 = arith.constant 0 : i32
    %dma_start3A_42 = arith.constant 0 : i32
    %dma_start3A_43 = tpu.memref_slice %arg7[%dma_start3A_38, %dma_start3A_40, %dma_start3A_41, %dma_start3A_42] : memref<8x8x8x128xf32, #tpu.memory_space<vmem>> -> memref<1x8x8x128xf32, #tpu.memory_space<vmem>>
    %dma_start3A_44 = tpu.memref_squeeze %dma_start3A_43 : memref<1x8x8x128xf32, #tpu.memory_space<vmem>> -> memref<8x8x128xf32, #tpu.memory_space<vmem>>
    %dma_start3A_45 = arith.constant 0 : i32
    %dma_start3A_46 = arith.constant 0 : i32
    %dma_start3A_47 = arith.constant 0 : i32
    %dma_start3A_48 = tpu.memref_slice %arg4[%add3A, %dma_start3A_39, %dma_start3A_45, %dma_start3A_46, %dma_start3A_47] : memref<32x8x8x8x128xf32, #tpu.memory_space<hbm>> -> memref<1x1x8x8x128xf32, #tpu.memory_space<hbm>>
    %dma_start3A_49 = tpu.memref_squeeze %dma_start3A_48 : memref<1x1x8x8x128xf32, #tpu.memory_space<hbm>> -> memref<8x8x128xf32, #tpu.memory_space<hbm>>
    %dma_start3A_50 = arith.constant 0 : i32
    %dma_start3A_51 = arith.constant 0 : i32
    %dma_start3A_52 = arith.constant 0 : i32
    %dma_start3A_53 = tpu.memref_slice %arg4[%add3A, %dma_start3A_39, %dma_start3A_50, %dma_start3A_51, %dma_start3A_52] : memref<32x8x8x8x128xf32, #tpu.memory_space<hbm>> -> memref<1x1x8x8x128xf32, #tpu.memory_space<hbm>>
    %dma_start3A_54 = tpu.memref_squeeze %dma_start3A_53 : memref<1x1x8x8x128xf32, #tpu.memory_space<hbm>> -> memref<8x8x128xf32, #tpu.memory_space<hbm>>
    %dma_start3A_55 = arith.constant 0 : i32
    %dma_start3A_56 = arith.constant 0 : i32
    %dma_start3A_57 = arith.constant 0 : i32
    %dma_start3A_58 = tpu.memref_slice %arg7[%dma_start3A_38, %dma_start3A_55, %dma_start3A_56, %dma_start3A_57] : memref<8x8x8x128xf32, #tpu.memory_space<vmem>> -> memref<1x8x8x128xf32, #tpu.memory_space<vmem>>
    %dma_start3A_59 = tpu.memref_squeeze %dma_start3A_58 : memref<1x8x8x128xf32, #tpu.memory_space<vmem>> -> memref<8x8x128xf32, #tpu.memory_space<vmem>>
    tpu.enqueue_dma source(%dma_start3A_59 : memref<8x8x128xf32, #tpu.memory_space<vmem>>) target(%dma_start3A_54 : memref<8x8x128xf32, #tpu.memory_space<hbm>>) target_semaphore(%arg10 : memref<!tpu.dma_semaphore, #tpu.memory_space<semaphore_mem>>)
    %parallel_loop3A_60 = arith.constant 0 : i32
    %parallel_loop3A_61 = arith.constant 64 : i32
    %parallel_loop3A_62 = arith.constant 1 : i32
    scf.for %parallel_loop3A_386 = %parallel_loop3A_60 to %parallel_loop3A_61 step %parallel_loop3A_62  : i32 {
      %parallel_loop3A_387 = arith.constant 16 : i32
      %parallel_loop3A_388 = arith.muli %parallel_loop3A_386, %parallel_loop3A_387 : i32
      %parallel_loop3A_389 = arith.index_cast %parallel_loop3A_388 : i32 to index
      %parallel_loop3A_390 = tpu.vector_load %arg6[%parallel_loop3A_389] {strides = array<i32>} : memref<1024xi32, #tpu.memory_space<vmem>>, vector<16xi32>,
      %parallel_loop3A_391 = arith.constant 8 : i32
      %parallel_loop3A_392 = arith.divsi %parallel_loop3A_386, %parallel_loop3A_391 : i32
      %parallel_loop3A_393 = arith.constant 0 : i32
      %parallel_loop3A_394 = arith.cmpi sgt, %parallel_loop3A_386, %parallel_loop3A_393 : i32
      %parallel_loop3A_395 = arith.extui %parallel_loop3A_394 : i1 to i32
      %parallel_loop3A_396 = arith.constant 0 : i32
      %parallel_loop3A_397 = arith.cmpi slt, %parallel_loop3A_386, %parallel_loop3A_396 : i32
      %parallel_loop3A_398 = arith.extui %parallel_loop3A_397 : i1 to i32
      %parallel_loop3A_399 = arith.subi %parallel_loop3A_395, %parallel_loop3A_398 : i32
      %parallel_loop3A_400 = arith.constant 0 : i32
      %parallel_loop3A_401 = arith.cmpi sgt, %parallel_loop3A_391, %parallel_loop3A_400 : i32
      %parallel_loop3A_402 = arith.extui %parallel_loop3A_401 : i1 to i32
      %parallel_loop3A_403 = arith.constant 0 : i32
      %parallel_loop3A_404 = arith.cmpi slt, %parallel_loop3A_391, %parallel_loop3A_403 : i32
      %parallel_loop3A_405 = arith.extui %parallel_loop3A_404 : i1 to i32
      %parallel_loop3A_406 = arith.subi %parallel_loop3A_402, %parallel_loop3A_405 : i32
      %parallel_loop3A_407 = arith.cmpi ne, %parallel_loop3A_399, %parallel_loop3A_406 : i32
      %parallel_loop3A_408 = arith.remsi %parallel_loop3A_386, %parallel_loop3A_391 : i32
      %parallel_loop3A_409 = arith.constant 0 : i32
      %parallel_loop3A_410 = arith.cmpi ne, %parallel_loop3A_408, %parallel_loop3A_409 : i32
      %parallel_loop3A_411 = arith.andi %parallel_loop3A_407, %parallel_loop3A_410 : i1
      %parallel_loop3A_412 = arith.constant 1 : i32
      %parallel_loop3A_413 = arith.subi %parallel_loop3A_392, %parallel_loop3A_412 : i32
      %parallel_loop3A_414 = arith.select %parallel_loop3A_411, %parallel_loop3A_413, %parallel_loop3A_392 : i32
      %parallel_loop3A_415 = arith.constant 8 : i32
      %parallel_loop3A_416 = arith.constant 0 : i32
      %parallel_loop3A_417 = arith.cmpi eq, %parallel_loop3A_415, %parallel_loop3A_416 : i32
      %parallel_loop3A_418 = arith.constant 1 : i32
      %parallel_loop3A_419 = arith.select %parallel_loop3A_417, %parallel_loop3A_418, %parallel_loop3A_415 : i32
      %parallel_loop3A_420 = arith.remsi %parallel_loop3A_386, %parallel_loop3A_419 : i32
      %parallel_loop3A_421 = arith.constant 0 : i32
      %parallel_loop3A_422 = arith.cmpi ne, %parallel_loop3A_420, %parallel_loop3A_421 : i32
      %parallel_loop3A_423 = arith.constant 0 : i32
      %parallel_loop3A_424 = arith.cmpi slt, %parallel_loop3A_420, %parallel_loop3A_423 : i32
      %parallel_loop3A_425 = arith.constant 0 : i32
      %parallel_loop3A_426 = arith.cmpi slt, %parallel_loop3A_419, %parallel_loop3A_425 : i32
      %parallel_loop3A_427 = arith.xori %parallel_loop3A_424, %parallel_loop3A_426 : i1
      %parallel_loop3A_428 = arith.andi %parallel_loop3A_427, %parallel_loop3A_422 : i1
      %parallel_loop3A_429 = arith.addi %parallel_loop3A_420, %parallel_loop3A_419 : i32
      %parallel_loop3A_430 = arith.select %parallel_loop3A_428, %parallel_loop3A_429, %parallel_loop3A_420 : i32
      %parallel_loop3A_431 = arith.constant 16 : i32
      %parallel_loop3A_432 = arith.muli %parallel_loop3A_430, %parallel_loop3A_431 : i32
      %parallel_loop3A_433 = arith.constant 16 : i32
      %parallel_loop3A_434 = vector.broadcast %parallel_loop3A_433 : i32 to vector<16xi32>
      %parallel_loop3A_435 = tpu.vector_load_idx %arg5[%parallel_loop3A_434, %parallel_loop3A_390] : memref<64x512xf32, #tpu.memory_space<vmem>>[vector<16xi32>, vector<16xi32>], vector<16xf32>,
      %parallel_loop3A_436 = arith.constant 2 : i32
      %parallel_loop3A_437 = arith.constant 0 : i32
      %parallel_loop3A_438 = arith.index_cast %parallel_loop3A_436 : i32 to index
      %parallel_loop3A_439 = arith.index_cast %parallel_loop3A_414 : i32 to index
      %parallel_loop3A_440 = arith.index_cast %parallel_loop3A_437 : i32 to index
      %parallel_loop3A_441 = arith.index_cast %parallel_loop3A_432 : i32 to index
      %parallel_loop3A_442 = tpu.vector_load %arg7[%parallel_loop3A_438, %parallel_loop3A_439, %parallel_loop3A_440, %parallel_loop3A_441] {strides = array<i32>} : memref<8x8x8x128xf32, #tpu.memory_space<vmem>>, vector<16xf32>,
      tpu.vector_store %arg7[%parallel_loop3A_438, %parallel_loop3A_439, %parallel_loop3A_440, %parallel_loop3A_441], %parallel_loop3A_435 {strides = array<i32>} : memref<8x8x8x128xf32, #tpu.memory_space<vmem>>, vector<16xf32>,
      %parallel_loop3A_443 = arith.constant 17 : i32
      %parallel_loop3A_444 = vector.broadcast %parallel_loop3A_443 : i32 to vector<16xi32>
      %parallel_loop3A_445 = tpu.vector_load_idx %arg5[%parallel_loop3A_444, %parallel_loop3A_390] : memref<64x512xf32, #tpu.memory_space<vmem>>[vector<16xi32>, vector<16xi32>], vector<16xf32>,
      %parallel_loop3A_446 = arith.constant 2 : i32
      %parallel_loop3A_447 = arith.constant 1 : i32
      %parallel_loop3A_448 = arith.index_cast %parallel_loop3A_446 : i32 to index
      %parallel_loop3A_449 = arith.index_cast %parallel_loop3A_414 : i32 to index
      %parallel_loop3A_450 = arith.index_cast %parallel_loop3A_447 : i32 to index
      %parallel_loop3A_451 = arith.index_cast %parallel_loop3A_432 : i32 to index
      %parallel_loop3A_452 = tpu.vector_load %arg7[%parallel_loop3A_448, %parallel_loop3A_449, %parallel_loop3A_450, %parallel_loop3A_451] {strides = array<i32>} : memref<8x8x8x128xf32, #tpu.memory_space<vmem>>, vector<16xf32>,
      tpu.vector_store %arg7[%parallel_loop3A_448, %parallel_loop3A_449, %parallel_loop3A_450, %parallel_loop3A_451], %parallel_loop3A_445 {strides = array<i32>} : memref<8x8x8x128xf32, #tpu.memory_space<vmem>>, vector<16xf32>,
      %parallel_loop3A_453 = arith.constant 18 : i32
      %parallel_loop3A_454 = vector.broadcast %parallel_loop3A_453 : i32 to vector<16xi32>
      %parallel_loop3A_455 = tpu.vector_load_idx %arg5[%parallel_loop3A_454, %parallel_loop3A_390] : memref<64x512xf32, #tpu.memory_space<vmem>>[vector<16xi32>, vector<16xi32>], vector<16xf32>,
      %parallel_loop3A_456 = arith.constant 2 : i32
      %parallel_loop3A_457 = arith.constant 2 : i32
      %parallel_loop3A_458 = arith.index_cast %parallel_loop3A_456 : i32 to index
      %parallel_loop3A_459 = arith.index_cast %parallel_loop3A_414 : i32 to index
      %parallel_loop3A_460 = arith.index_cast %parallel_loop3A_457 : i32 to index
      %parallel_loop3A_461 = arith.index_cast %parallel_loop3A_432 : i32 to index
      %parallel_loop3A_462 = tpu.vector_load %arg7[%parallel_loop3A_458, %parallel_loop3A_459, %parallel_loop3A_460, %parallel_loop3A_461] {strides = array<i32>} : memref<8x8x8x128xf32, #tpu.memory_space<vmem>>, vector<16xf32>,
      tpu.vector_store %arg7[%parallel_loop3A_458, %parallel_loop3A_459, %parallel_loop3A_460, %parallel_loop3A_461], %parallel_loop3A_455 {strides = array<i32>} : memref<8x8x8x128xf32, #tpu.memory_space<vmem>>, vector<16xf32>,
      %parallel_loop3A_463 = arith.constant 19 : i32
      %parallel_loop3A_464 = vector.broadcast %parallel_loop3A_463 : i32 to vector<16xi32>
      %parallel_loop3A_465 = tpu.vector_load_idx %arg5[%parallel_loop3A_464, %parallel_loop3A_390] : memref<64x512xf32, #tpu.memory_space<vmem>>[vector<16xi32>, vector<16xi32>], vector<16xf32>,
      %parallel_loop3A_466 = arith.constant 2 : i32
      %parallel_loop3A_467 = arith.constant 3 : i32
      %parallel_loop3A_468 = arith.index_cast %parallel_loop3A_466 : i32 to index
      %parallel_loop3A_469 = arith.index_cast %parallel_loop3A_414 : i32 to index
      %parallel_loop3A_470 = arith.index_cast %parallel_loop3A_467 : i32 to index
      %parallel_loop3A_471 = arith.index_cast %parallel_loop3A_432 : i32 to index
      %parallel_loop3A_472 = tpu.vector_load %arg7[%parallel_loop3A_468, %parallel_loop3A_469, %parallel_loop3A_470, %parallel_loop3A_471] {strides = array<i32>} : memref<8x8x8x128xf32, #tpu.memory_space<vmem>>, vector<16xf32>,
      tpu.vector_store %arg7[%parallel_loop3A_468, %parallel_loop3A_469, %parallel_loop3A_470, %parallel_loop3A_471], %parallel_loop3A_465 {strides = array<i32>} : memref<8x8x8x128xf32, #tpu.memory_space<vmem>>, vector<16xf32>,
      %parallel_loop3A_473 = arith.constant 20 : i32
      %parallel_loop3A_474 = vector.broadcast %parallel_loop3A_473 : i32 to vector<16xi32>
      %parallel_loop3A_475 = tpu.vector_load_idx %arg5[%parallel_loop3A_474, %parallel_loop3A_390] : memref<64x512xf32, #tpu.memory_space<vmem>>[vector<16xi32>, vector<16xi32>], vector<16xf32>,
      %parallel_loop3A_476 = arith.constant 2 : i32
      %parallel_loop3A_477 = arith.constant 4 : i32
      %parallel_loop3A_478 = arith.index_cast %parallel_loop3A_476 : i32 to index
      %parallel_loop3A_479 = arith.index_cast %parallel_loop3A_414 : i32 to index
      %parallel_loop3A_480 = arith.index_cast %parallel_loop3A_477 : i32 to index
      %parallel_loop3A_481 = arith.index_cast %parallel_loop3A_432 : i32 to index
      %parallel_loop3A_482 = tpu.vector_load %arg7[%parallel_loop3A_478, %parallel_loop3A_479, %parallel_loop3A_480, %parallel_loop3A_481] {strides = array<i32>} : memref<8x8x8x128xf32, #tpu.memory_space<vmem>>, vector<16xf32>,
      tpu.vector_store %arg7[%parallel_loop3A_478, %parallel_loop3A_479, %parallel_loop3A_480, %parallel_loop3A_481], %parallel_loop3A_475 {strides = array<i32>} : memref<8x8x8x128xf32, #tpu.memory_space<vmem>>, vector<16xf32>,
      %parallel_loop3A_483 = arith.constant 21 : i32
      %parallel_loop3A_484 = vector.broadcast %parallel_loop3A_483 : i32 to vector<16xi32>
      %parallel_loop3A_485 = tpu.vector_load_idx %arg5[%parallel_loop3A_484, %parallel_loop3A_390] : memref<64x512xf32, #tpu.memory_space<vmem>>[vector<16xi32>, vector<16xi32>], vector<16xf32>,
      %parallel_loop3A_486 = arith.constant 2 : i32
      %parallel_loop3A_487 = arith.constant 5 : i32
      %parallel_loop3A_488 = arith.index_cast %parallel_loop3A_486 : i32 to index
      %parallel_loop3A_489 = arith.index_cast %parallel_loop3A_414 : i32 to index
      %parallel_loop3A_490 = arith.index_cast %parallel_loop3A_487 : i32 to index
      %parallel_loop3A_491 = arith.index_cast %parallel_loop3A_432 : i32 to index
      %parallel_loop3A_492 = tpu.vector_load %arg7[%parallel_loop3A_488, %parallel_loop3A_489, %parallel_loop3A_490, %parallel_loop3A_491] {strides = array<i32>} : memref<8x8x8x128xf32, #tpu.memory_space<vmem>>, vector<16xf32>,
      tpu.vector_store %arg7[%parallel_loop3A_488, %parallel_loop3A_489, %parallel_loop3A_490, %parallel_loop3A_491], %parallel_loop3A_485 {strides = array<i32>} : memref<8x8x8x128xf32, #tpu.memory_space<vmem>>, vector<16xf32>,
      %parallel_loop3A_493 = arith.constant 22 : i32
      %parallel_loop3A_494 = vector.broadcast %parallel_loop3A_493 : i32 to vector<16xi32>
      %parallel_loop3A_495 = tpu.vector_load_idx %arg5[%parallel_loop3A_494, %parallel_loop3A_390] : memref<64x512xf32, #tpu.memory_space<vmem>>[vector<16xi32>, vector<16xi32>], vector<16xf32>,
      %parallel_loop3A_496 = arith.constant 2 : i32
      %parallel_loop3A_497 = arith.constant 6 : i32
      %parallel_loop3A_498 = arith.index_cast %parallel_loop3A_496 : i32 to index
      %parallel_loop3A_499 = arith.index_cast %parallel_loop3A_414 : i32 to index
      %parallel_loop3A_500 = arith.index_cast %parallel_loop3A_497 : i32 to index
      %parallel_loop3A_501 = arith.index_cast %parallel_loop3A_432 : i32 to index
      %parallel_loop3A_502 = tpu.vector_load %arg7[%parallel_loop3A_498, %parallel_loop3A_499, %parallel_loop3A_500, %parallel_loop3A_501] {strides = array<i32>} : memref<8x8x8x128xf32, #tpu.memory_space<vmem>>, vector<16xf32>,
      tpu.vector_store %arg7[%parallel_loop3A_498, %parallel_loop3A_499, %parallel_loop3A_500, %parallel_loop3A_501], %parallel_loop3A_495 {strides = array<i32>} : memref<8x8x8x128xf32, #tpu.memory_space<vmem>>, vector<16xf32>,
      %parallel_loop3A_503 = arith.constant 23 : i32
      %parallel_loop3A_504 = vector.broadcast %parallel_loop3A_503 : i32 to vector<16xi32>
      %parallel_loop3A_505 = tpu.vector_load_idx %arg5[%parallel_loop3A_504, %parallel_loop3A_390] : memref<64x512xf32, #tpu.memory_space<vmem>>[vector<16xi32>, vector<16xi32>], vector<16xf32>,
      %parallel_loop3A_506 = arith.constant 2 : i32
      %parallel_loop3A_507 = arith.constant 7 : i32
      %parallel_loop3A_508 = arith.index_cast %parallel_loop3A_506 : i32 to index
      %parallel_loop3A_509 = arith.index_cast %parallel_loop3A_414 : i32 to index
      %parallel_loop3A_510 = arith.index_cast %parallel_loop3A_507 : i32 to index
      %parallel_loop3A_511 = arith.index_cast %parallel_loop3A_432 : i32 to index
      %parallel_loop3A_512 = tpu.vector_load %arg7[%parallel_loop3A_508, %parallel_loop3A_509, %parallel_loop3A_510, %parallel_loop3A_511] {strides = array<i32>} : memref<8x8x8x128xf32, #tpu.memory_space<vmem>>, vector<16xf32>,
      tpu.vector_store %arg7[%parallel_loop3A_508, %parallel_loop3A_509, %parallel_loop3A_510, %parallel_loop3A_511], %parallel_loop3A_505 {strides = array<i32>} : memref<8x8x8x128xf32, #tpu.memory_space<vmem>>, vector<16xf32>,
    } {sc.loop_unroll_factor = 8 : i64, sc.parallel_access}
    %dma_start3A_63 = arith.constant 2 : i32
    %dma_start3A_64 = arith.constant 2 : i32
    %dma_start3A_65 = arith.constant 0 : i32
    %dma_start3A_66 = arith.constant 0 : i32
    %dma_start3A_67 = arith.constant 0 : i32
    %dma_start3A_68 = tpu.memref_slice %arg7[%dma_start3A_63, %dma_start3A_65, %dma_start3A_66, %dma_start3A_67] : memref<8x8x8x128xf32, #tpu.memory_space<vmem>> -> memref<1x8x8x128xf32, #tpu.memory_space<vmem>>
    %dma_start3A_69 = tpu.memref_squeeze %dma_start3A_68 : memref<1x8x8x128xf32, #tpu.memory_space<vmem>> -> memref<8x8x128xf32, #tpu.memory_space<vmem>>
    %dma_start3A_70 = arith.constant 0 : i32
    %dma_start3A_71 = arith.constant 0 : i32
    %dma_start3A_72 = arith.constant 0 : i32
    %dma_start3A_73 = tpu.memref_slice %arg4[%add3A, %dma_start3A_64, %dma_start3A_70, %dma_start3A_71, %dma_start3A_72] : memref<32x8x8x8x128xf32, #tpu.memory_space<hbm>> -> memref<1x1x8x8x128xf32, #tpu.memory_space<hbm>>
    %dma_start3A_74 = tpu.memref_squeeze %dma_start3A_73 : memref<1x1x8x8x128xf32, #tpu.memory_space<hbm>> -> memref<8x8x128xf32, #tpu.memory_space<hbm>>
    %dma_start3A_75 = arith.constant 0 : i32
    %dma_start3A_76 = arith.constant 0 : i32
    %dma_start3A_77 = arith.constant 0 : i32
    %dma_start3A_78 = tpu.memref_slice %arg4[%add3A, %dma_start3A_64, %dma_start3A_75, %dma_start3A_76, %dma_start3A_77] : memref<32x8x8x8x128xf32, #tpu.memory_space<hbm>> -> memref<1x1x8x8x128xf32, #tpu.memory_space<hbm>>
    %dma_start3A_79 = tpu.memref_squeeze %dma_start3A_78 : memref<1x1x8x8x128xf32, #tpu.memory_space<hbm>> -> memref<8x8x128xf32, #tpu.memory_space<hbm>>
    %dma_start3A_80 = arith.constant 0 : i32
    %dma_start3A_81 = arith.constant 0 : i32
    %dma_start3A_82 = arith.constant 0 : i32
    %dma_start3A_83 = tpu.memref_slice %arg7[%dma_start3A_63, %dma_start3A_80, %dma_start3A_81, %dma_start3A_82] : memref<8x8x8x128xf32, #tpu.memory_space<vmem>> -> memref<1x8x8x128xf32, #tpu.memory_space<vmem>>
    %dma_start3A_84 = tpu.memref_squeeze %dma_start3A_83 : memref<1x8x8x128xf32, #tpu.memory_space<vmem>> -> memref<8x8x128xf32, #tpu.memory_space<vmem>>
    tpu.enqueue_dma source(%dma_start3A_84 : memref<8x8x128xf32, #tpu.memory_space<vmem>>) target(%dma_start3A_79 : memref<8x8x128xf32, #tpu.memory_space<hbm>>) target_semaphore(%arg10 : memref<!tpu.dma_semaphore, #tpu.memory_space<semaphore_mem>>)
    %parallel_loop3A_85 = arith.constant 0 : i32
    %parallel_loop3A_86 = arith.constant 64 : i32
    %parallel_loop3A_87 = arith.constant 1 : i32
    scf.for %parallel_loop3A_386 = %parallel_loop3A_85 to %parallel_loop3A_86 step %parallel_loop3A_87  : i32 {
      %parallel_loop3A_387 = arith.constant 16 : i32
      %parallel_loop3A_388 = arith.muli %parallel_loop3A_386, %parallel_loop3A_387 : i32
      %parallel_loop3A_389 = arith.index_cast %parallel_loop3A_388 : i32 to index
      %parallel_loop3A_390 = tpu.vector_load %arg6[%parallel_loop3A_389] {strides = array<i32>} : memref<1024xi32, #tpu.memory_space<vmem>>, vector<16xi32>,
      %parallel_loop3A_391 = arith.constant 8 : i32
      %parallel_loop3A_392 = arith.divsi %parallel_loop3A_386, %parallel_loop3A_391 : i32
      %parallel_loop3A_393 = arith.constant 0 : i32
      %parallel_loop3A_394 = arith.cmpi sgt, %parallel_loop3A_386, %parallel_loop3A_393 : i32
      %parallel_loop3A_395 = arith.extui %parallel_loop3A_394 : i1 to i32
      %parallel_loop3A_396 = arith.constant 0 : i32
      %parallel_loop3A_397 = arith.cmpi slt, %parallel_loop3A_386, %parallel_loop3A_396 : i32
      %parallel_loop3A_398 = arith.extui %parallel_loop3A_397 : i1 to i32
      %parallel_loop3A_399 = arith.subi %parallel_loop3A_395, %parallel_loop3A_398 : i32
      %parallel_loop3A_400 = arith.constant 0 : i32
      %parallel_loop3A_401 = arith.cmpi sgt, %parallel_loop3A_391, %parallel_loop3A_400 : i32
      %parallel_loop3A_402 = arith.extui %parallel_loop3A_401 : i1 to i32
      %parallel_loop3A_403 = arith.constant 0 : i32
      %parallel_loop3A_404 = arith.cmpi slt, %parallel_loop3A_391, %parallel_loop3A_403 : i32
      %parallel_loop3A_405 = arith.extui %parallel_loop3A_404 : i1 to i32
      %parallel_loop3A_406 = arith.subi %parallel_loop3A_402, %parallel_loop3A_405 : i32
      %parallel_loop3A_407 = arith.cmpi ne, %parallel_loop3A_399, %parallel_loop3A_406 : i32
      %parallel_loop3A_408 = arith.remsi %parallel_loop3A_386, %parallel_loop3A_391 : i32
      %parallel_loop3A_409 = arith.constant 0 : i32
      %parallel_loop3A_410 = arith.cmpi ne, %parallel_loop3A_408, %parallel_loop3A_409 : i32
      %parallel_loop3A_411 = arith.andi %parallel_loop3A_407, %parallel_loop3A_410 : i1
      %parallel_loop3A_412 = arith.constant 1 : i32
      %parallel_loop3A_413 = arith.subi %parallel_loop3A_392, %parallel_loop3A_412 : i32
      %parallel_loop3A_414 = arith.select %parallel_loop3A_411, %parallel_loop3A_413, %parallel_loop3A_392 : i32
      %parallel_loop3A_415 = arith.constant 8 : i32
      %parallel_loop3A_416 = arith.constant 0 : i32
      %parallel_loop3A_417 = arith.cmpi eq, %parallel_loop3A_415, %parallel_loop3A_416 : i32
      %parallel_loop3A_418 = arith.constant 1 : i32
      %parallel_loop3A_419 = arith.select %parallel_loop3A_417, %parallel_loop3A_418, %parallel_loop3A_415 : i32
      %parallel_loop3A_420 = arith.remsi %parallel_loop3A_386, %parallel_loop3A_419 : i32
      %parallel_loop3A_421 = arith.constant 0 : i32
      %parallel_loop3A_422 = arith.cmpi ne, %parallel_loop3A_420, %parallel_loop3A_421 : i32
      %parallel_loop3A_423 = arith.constant 0 : i32
      %parallel_loop3A_424 = arith.cmpi slt, %parallel_loop3A_420, %parallel_loop3A_423 : i32
      %parallel_loop3A_425 = arith.constant 0 : i32
      %parallel_loop3A_426 = arith.cmpi slt, %parallel_loop3A_419, %parallel_loop3A_425 : i32
      %parallel_loop3A_427 = arith.xori %parallel_loop3A_424, %parallel_loop3A_426 : i1
      %parallel_loop3A_428 = arith.andi %parallel_loop3A_427, %parallel_loop3A_422 : i1
      %parallel_loop3A_429 = arith.addi %parallel_loop3A_420, %parallel_loop3A_419 : i32
      %parallel_loop3A_430 = arith.select %parallel_loop3A_428, %parallel_loop3A_429, %parallel_loop3A_420 : i32
      %parallel_loop3A_431 = arith.constant 16 : i32
      %parallel_loop3A_432 = arith.muli %parallel_loop3A_430, %parallel_loop3A_431 : i32
      %parallel_loop3A_433 = arith.constant 24 : i32
      %parallel_loop3A_434 = vector.broadcast %parallel_loop3A_433 : i32 to vector<16xi32>
      %parallel_loop3A_435 = tpu.vector_load_idx %arg5[%parallel_loop3A_434, %parallel_loop3A_390] : memref<64x512xf32, #tpu.memory_space<vmem>>[vector<16xi32>, vector<16xi32>], vector<16xf32>,
      %parallel_loop3A_436 = arith.constant 3 : i32
      %parallel_loop3A_437 = arith.constant 0 : i32
      %parallel_loop3A_438 = arith.index_cast %parallel_loop3A_436 : i32 to index
      %parallel_loop3A_439 = arith.index_cast %parallel_loop3A_414 : i32 to index
      %parallel_loop3A_440 = arith.index_cast %parallel_loop3A_437 : i32 to index
      %parallel_loop3A_441 = arith.index_cast %parallel_loop3A_432 : i32 to index
      %parallel_loop3A_442 = tpu.vector_load %arg7[%parallel_loop3A_438, %parallel_loop3A_439, %parallel_loop3A_440, %parallel_loop3A_441] {strides = array<i32>} : memref<8x8x8x128xf32, #tpu.memory_space<vmem>>, vector<16xf32>,
      tpu.vector_store %arg7[%parallel_loop3A_438, %parallel_loop3A_439, %parallel_loop3A_440, %parallel_loop3A_441], %parallel_loop3A_435 {strides = array<i32>} : memref<8x8x8x128xf32, #tpu.memory_space<vmem>>, vector<16xf32>,
      %parallel_loop3A_443 = arith.constant 25 : i32
      %parallel_loop3A_444 = vector.broadcast %parallel_loop3A_443 : i32 to vector<16xi32>
      %parallel_loop3A_445 = tpu.vector_load_idx %arg5[%parallel_loop3A_444, %parallel_loop3A_390] : memref<64x512xf32, #tpu.memory_space<vmem>>[vector<16xi32>, vector<16xi32>], vector<16xf32>,
      %parallel_loop3A_446 = arith.constant 3 : i32
      %parallel_loop3A_447 = arith.constant 1 : i32
      %parallel_loop3A_448 = arith.index_cast %parallel_loop3A_446 : i32 to index
      %parallel_loop3A_449 = arith.index_cast %parallel_loop3A_414 : i32 to index
      %parallel_loop3A_450 = arith.index_cast %parallel_loop3A_447 : i32 to index
      %parallel_loop3A_451 = arith.index_cast %parallel_loop3A_432 : i32 to index
      %parallel_loop3A_452 = tpu.vector_load %arg7[%parallel_loop3A_448, %parallel_loop3A_449, %parallel_loop3A_450, %parallel_loop3A_451] {strides = array<i32>} : memref<8x8x8x128xf32, #tpu.memory_space<vmem>>, vector<16xf32>,
      tpu.vector_store %arg7[%parallel_loop3A_448, %parallel_loop3A_449, %parallel_loop3A_450, %parallel_loop3A_451], %parallel_loop3A_445 {strides = array<i32>} : memref<8x8x8x128xf32, #tpu.memory_space<vmem>>, vector<16xf32>,
      %parallel_loop3A_453 = arith.constant 26 : i32
      %parallel_loop3A_454 = vector.broadcast %parallel_loop3A_453 : i32 to vector<16xi32>
      %parallel_loop3A_455 = tpu.vector_load_idx %arg5[%parallel_loop3A_454, %parallel_loop3A_390] : memref<64x512xf32, #tpu.memory_space<vmem>>[vector<16xi32>, vector<16xi32>], vector<16xf32>,
      %parallel_loop3A_456 = arith.constant 3 : i32
      %parallel_loop3A_457 = arith.constant 2 : i32
      %parallel_loop3A_458 = arith.index_cast %parallel_loop3A_456 : i32 to index
      %parallel_loop3A_459 = arith.index_cast %parallel_loop3A_414 : i32 to index
      %parallel_loop3A_460 = arith.index_cast %parallel_loop3A_457 : i32 to index
      %parallel_loop3A_461 = arith.index_cast %parallel_loop3A_432 : i32 to index
      %parallel_loop3A_462 = tpu.vector_load %arg7[%parallel_loop3A_458, %parallel_loop3A_459, %parallel_loop3A_460, %parallel_loop3A_461] {strides = array<i32>} : memref<8x8x8x128xf32, #tpu.memory_space<vmem>>, vector<16xf32>,
      tpu.vector_store %arg7[%parallel_loop3A_458, %parallel_loop3A_459, %parallel_loop3A_460, %parallel_loop3A_461], %parallel_loop3A_455 {strides = array<i32>} : memref<8x8x8x128xf32, #tpu.memory_space<vmem>>, vector<16xf32>,
      %parallel_loop3A_463 = arith.constant 27 : i32
      %parallel_loop3A_464 = vector.broadcast %parallel_loop3A_463 : i32 to vector<16xi32>
      %parallel_loop3A_465 = tpu.vector_load_idx %arg5[%parallel_loop3A_464, %parallel_loop3A_390] : memref<64x512xf32, #tpu.memory_space<vmem>>[vector<16xi32>, vector<16xi32>], vector<16xf32>,
      %parallel_loop3A_466 = arith.constant 3 : i32
      %parallel_loop3A_467 = arith.constant 3 : i32
      %parallel_loop3A_468 = arith.index_cast %parallel_loop3A_466 : i32 to index
      %parallel_loop3A_469 = arith.index_cast %parallel_loop3A_414 : i32 to index
      %parallel_loop3A_470 = arith.index_cast %parallel_loop3A_467 : i32 to index
      %parallel_loop3A_471 = arith.index_cast %parallel_loop3A_432 : i32 to index
      %parallel_loop3A_472 = tpu.vector_load %arg7[%parallel_loop3A_468, %parallel_loop3A_469, %parallel_loop3A_470, %parallel_loop3A_471] {strides = array<i32>} : memref<8x8x8x128xf32, #tpu.memory_space<vmem>>, vector<16xf32>,
      tpu.vector_store %arg7[%parallel_loop3A_468, %parallel_loop3A_469, %parallel_loop3A_470, %parallel_loop3A_471], %parallel_loop3A_465 {strides = array<i32>} : memref<8x8x8x128xf32, #tpu.memory_space<vmem>>, vector<16xf32>,
      %parallel_loop3A_473 = arith.constant 28 : i32
      %parallel_loop3A_474 = vector.broadcast %parallel_loop3A_473 : i32 to vector<16xi32>
      %parallel_loop3A_475 = tpu.vector_load_idx %arg5[%parallel_loop3A_474, %parallel_loop3A_390] : memref<64x512xf32, #tpu.memory_space<vmem>>[vector<16xi32>, vector<16xi32>], vector<16xf32>,
      %parallel_loop3A_476 = arith.constant 3 : i32
      %parallel_loop3A_477 = arith.constant 4 : i32
      %parallel_loop3A_478 = arith.index_cast %parallel_loop3A_476 : i32 to index
      %parallel_loop3A_479 = arith.index_cast %parallel_loop3A_414 : i32 to index
      %parallel_loop3A_480 = arith.index_cast %parallel_loop3A_477 : i32 to index
      %parallel_loop3A_481 = arith.index_cast %parallel_loop3A_432 : i32 to index
      %parallel_loop3A_482 = tpu.vector_load %arg7[%parallel_loop3A_478, %parallel_loop3A_479, %parallel_loop3A_480, %parallel_loop3A_481] {strides = array<i32>} : memref<8x8x8x128xf32, #tpu.memory_space<vmem>>, vector<16xf32>,
      tpu.vector_store %arg7[%parallel_loop3A_478, %parallel_loop3A_479, %parallel_loop3A_480, %parallel_loop3A_481], %parallel_loop3A_475 {strides = array<i32>} : memref<8x8x8x128xf32, #tpu.memory_space<vmem>>, vector<16xf32>,
      %parallel_loop3A_483 = arith.constant 29 : i32
      %parallel_loop3A_484 = vector.broadcast %parallel_loop3A_483 : i32 to vector<16xi32>
      %parallel_loop3A_485 = tpu.vector_load_idx %arg5[%parallel_loop3A_484, %parallel_loop3A_390] : memref<64x512xf32, #tpu.memory_space<vmem>>[vector<16xi32>, vector<16xi32>], vector<16xf32>,
      %parallel_loop3A_486 = arith.constant 3 : i32
      %parallel_loop3A_487 = arith.constant 5 : i32
      %parallel_loop3A_488 = arith.index_cast %parallel_loop3A_486 : i32 to index
      %parallel_loop3A_489 = arith.index_cast %parallel_loop3A_414 : i32 to index
      %parallel_loop3A_490 = arith.index_cast %parallel_loop3A_487 : i32 to index
      %parallel_loop3A_491 = arith.index_cast %parallel_loop3A_432 : i32 to index
      %parallel_loop3A_492 = tpu.vector_load %arg7[%parallel_loop3A_488, %parallel_loop3A_489, %parallel_loop3A_490, %parallel_loop3A_491] {strides = array<i32>} : memref<8x8x8x128xf32, #tpu.memory_space<vmem>>, vector<16xf32>,
      tpu.vector_store %arg7[%parallel_loop3A_488, %parallel_loop3A_489, %parallel_loop3A_490, %parallel_loop3A_491], %parallel_loop3A_485 {strides = array<i32>} : memref<8x8x8x128xf32, #tpu.memory_space<vmem>>, vector<16xf32>,
      %parallel_loop3A_493 = arith.constant 30 : i32
      %parallel_loop3A_494 = vector.broadcast %parallel_loop3A_493 : i32 to vector<16xi32>
      %parallel_loop3A_495 = tpu.vector_load_idx %arg5[%parallel_loop3A_494, %parallel_loop3A_390] : memref<64x512xf32, #tpu.memory_space<vmem>>[vector<16xi32>, vector<16xi32>], vector<16xf32>,
      %parallel_loop3A_496 = arith.constant 3 : i32
      %parallel_loop3A_497 = arith.constant 6 : i32
      %parallel_loop3A_498 = arith.index_cast %parallel_loop3A_496 : i32 to index
      %parallel_loop3A_499 = arith.index_cast %parallel_loop3A_414 : i32 to index
      %parallel_loop3A_500 = arith.index_cast %parallel_loop3A_497 : i32 to index
      %parallel_loop3A_501 = arith.index_cast %parallel_loop3A_432 : i32 to index
      %parallel_loop3A_502 = tpu.vector_load %arg7[%parallel_loop3A_498, %parallel_loop3A_499, %parallel_loop3A_500, %parallel_loop3A_501] {strides = array<i32>} : memref<8x8x8x128xf32, #tpu.memory_space<vmem>>, vector<16xf32>,
      tpu.vector_store %arg7[%parallel_loop3A_498, %parallel_loop3A_499, %parallel_loop3A_500, %parallel_loop3A_501], %parallel_loop3A_495 {strides = array<i32>} : memref<8x8x8x128xf32, #tpu.memory_space<vmem>>, vector<16xf32>,
      %parallel_loop3A_503 = arith.constant 31 : i32
      %parallel_loop3A_504 = vector.broadcast %parallel_loop3A_503 : i32 to vector<16xi32>
      %parallel_loop3A_505 = tpu.vector_load_idx %arg5[%parallel_loop3A_504, %parallel_loop3A_390] : memref<64x512xf32, #tpu.memory_space<vmem>>[vector<16xi32>, vector<16xi32>], vector<16xf32>,
      %parallel_loop3A_506 = arith.constant 3 : i32
      %parallel_loop3A_507 = arith.constant 7 : i32
      %parallel_loop3A_508 = arith.index_cast %parallel_loop3A_506 : i32 to index
      %parallel_loop3A_509 = arith.index_cast %parallel_loop3A_414 : i32 to index
      %parallel_loop3A_510 = arith.index_cast %parallel_loop3A_507 : i32 to index
      %parallel_loop3A_511 = arith.index_cast %parallel_loop3A_432 : i32 to index
      %parallel_loop3A_512 = tpu.vector_load %arg7[%parallel_loop3A_508, %parallel_loop3A_509, %parallel_loop3A_510, %parallel_loop3A_511] {strides = array<i32>} : memref<8x8x8x128xf32, #tpu.memory_space<vmem>>, vector<16xf32>,
      tpu.vector_store %arg7[%parallel_loop3A_508, %parallel_loop3A_509, %parallel_loop3A_510, %parallel_loop3A_511], %parallel_loop3A_505 {strides = array<i32>} : memref<8x8x8x128xf32, #tpu.memory_space<vmem>>, vector<16xf32>,
    } {sc.loop_unroll_factor = 8 : i64, sc.parallel_access}
    %dma_start3A_88 = arith.constant 3 : i32
    %dma_start3A_89 = arith.constant 3 : i32
    %dma_start3A_90 = arith.constant 0 : i32
    %dma_start3A_91 = arith.constant 0 : i32
    %dma_start3A_92 = arith.constant 0 : i32
    %dma_start3A_93 = tpu.memref_slice %arg7[%dma_start3A_88, %dma_start3A_90, %dma_start3A_91, %dma_start3A_92] : memref<8x8x8x128xf32, #tpu.memory_space<vmem>> -> memref<1x8x8x128xf32, #tpu.memory_space<vmem>>
    %dma_start3A_94 = tpu.memref_squeeze %dma_start3A_93 : memref<1x8x8x128xf32, #tpu.memory_space<vmem>> -> memref<8x8x128xf32, #tpu.memory_space<vmem>>
    %dma_start3A_95 = arith.constant 0 : i32
    %dma_start3A_96 = arith.constant 0 : i32
    %dma_start3A_97 = arith.constant 0 : i32
    %dma_start3A_98 = tpu.memref_slice %arg4[%add3A, %dma_start3A_89, %dma_start3A_95, %dma_start3A_96, %dma_start3A_97] : memref<32x8x8x8x128xf32, #tpu.memory_space<hbm>> -> memref<1x1x8x8x128xf32, #tpu.memory_space<hbm>>
    %dma_start3A_99 = tpu.memref_squeeze %dma_start3A_98 : memref<1x1x8x8x128xf32, #tpu.memory_space<hbm>> -> memref<8x8x128xf32, #tpu.memory_space<hbm>>
    %dma_start3A_100 = arith.constant 0 : i32
    %dma_start3A_101 = arith.constant 0 : i32
    %dma_start3A_102 = arith.constant 0 : i32
    %dma_start3A_103 = tpu.memref_slice %arg4[%add3A, %dma_start3A_89, %dma_start3A_100, %dma_start3A_101, %dma_start3A_102] : memref<32x8x8x8x128xf32, #tpu.memory_space<hbm>> -> memref<1x1x8x8x128xf32, #tpu.memory_space<hbm>>
    %dma_start3A_104 = tpu.memref_squeeze %dma_start3A_103 : memref<1x1x8x8x128xf32, #tpu.memory_space<hbm>> -> memref<8x8x128xf32, #tpu.memory_space<hbm>>
    %dma_start3A_105 = arith.constant 0 : i32
    %dma_start3A_106 = arith.constant 0 : i32
    %dma_start3A_107 = arith.constant 0 : i32
    %dma_start3A_108 = tpu.memref_slice %arg7[%dma_start3A_88, %dma_start3A_105, %dma_start3A_106, %dma_start3A_107] : memref<8x8x8x128xf32, #tpu.memory_space<vmem>> -> memref<1x8x8x128xf32, #tpu.memory_space<vmem>>
    %dma_start3A_109 = tpu.memref_squeeze %dma_start3A_108 : memref<1x8x8x128xf32, #tpu.memory_space<vmem>> -> memref<8x8x128xf32, #tpu.memory_space<vmem>>
    tpu.enqueue_dma source(%dma_start3A_109 : memref<8x8x128xf32, #tpu.memory_space<vmem>>) target(%dma_start3A_104 : memref<8x8x128xf32, #tpu.memory_space<hbm>>) target_semaphore(%arg10 : memref<!tpu.dma_semaphore, #tpu.memory_space<semaphore_mem>>)
    %parallel_loop3A_110 = arith.constant 0 : i32
    %parallel_loop3A_111 = arith.constant 64 : i32
    %parallel_loop3A_112 = arith.constant 1 : i32
    scf.for %parallel_loop3A_386 = %parallel_loop3A_110 to %parallel_loop3A_111 step %parallel_loop3A_112  : i32 {
      %parallel_loop3A_387 = arith.constant 16 : i32
      %parallel_loop3A_388 = arith.muli %parallel_loop3A_386, %parallel_loop3A_387 : i32
      %parallel_loop3A_389 = arith.index_cast %parallel_loop3A_388 : i32 to index
      %parallel_loop3A_390 = tpu.vector_load %arg6[%parallel_loop3A_389] {strides = array<i32>} : memref<1024xi32, #tpu.memory_space<vmem>>, vector<16xi32>,
      %parallel_loop3A_391 = arith.constant 8 : i32
      %parallel_loop3A_392 = arith.divsi %parallel_loop3A_386, %parallel_loop3A_391 : i32
      %parallel_loop3A_393 = arith.constant 0 : i32
      %parallel_loop3A_394 = arith.cmpi sgt, %parallel_loop3A_386, %parallel_loop3A_393 : i32
      %parallel_loop3A_395 = arith.extui %parallel_loop3A_394 : i1 to i32
      %parallel_loop3A_396 = arith.constant 0 : i32
      %parallel_loop3A_397 = arith.cmpi slt, %parallel_loop3A_386, %parallel_loop3A_396 : i32
      %parallel_loop3A_398 = arith.extui %parallel_loop3A_397 : i1 to i32
      %parallel_loop3A_399 = arith.subi %parallel_loop3A_395, %parallel_loop3A_398 : i32
      %parallel_loop3A_400 = arith.constant 0 : i32
      %parallel_loop3A_401 = arith.cmpi sgt, %parallel_loop3A_391, %parallel_loop3A_400 : i32
      %parallel_loop3A_402 = arith.extui %parallel_loop3A_401 : i1 to i32
      %parallel_loop3A_403 = arith.constant 0 : i32
      %parallel_loop3A_404 = arith.cmpi slt, %parallel_loop3A_391, %parallel_loop3A_403 : i32
      %parallel_loop3A_405 = arith.extui %parallel_loop3A_404 : i1 to i32
      %parallel_loop3A_406 = arith.subi %parallel_loop3A_402, %parallel_loop3A_405 : i32
      %parallel_loop3A_407 = arith.cmpi ne, %parallel_loop3A_399, %parallel_loop3A_406 : i32
      %parallel_loop3A_408 = arith.remsi %parallel_loop3A_386, %parallel_loop3A_391 : i32
      %parallel_loop3A_409 = arith.constant 0 : i32
      %parallel_loop3A_410 = arith.cmpi ne, %parallel_loop3A_408, %parallel_loop3A_409 : i32
      %parallel_loop3A_411 = arith.andi %parallel_loop3A_407, %parallel_loop3A_410 : i1
      %parallel_loop3A_412 = arith.constant 1 : i32
      %parallel_loop3A_413 = arith.subi %parallel_loop3A_392, %parallel_loop3A_412 : i32
      %parallel_loop3A_414 = arith.select %parallel_loop3A_411, %parallel_loop3A_413, %parallel_loop3A_392 : i32
      %parallel_loop3A_415 = arith.constant 8 : i32
      %parallel_loop3A_416 = arith.constant 0 : i32
      %parallel_loop3A_417 = arith.cmpi eq, %parallel_loop3A_415, %parallel_loop3A_416 : i32
      %parallel_loop3A_418 = arith.constant 1 : i32
      %parallel_loop3A_419 = arith.select %parallel_loop3A_417, %parallel_loop3A_418, %parallel_loop3A_415 : i32
      %parallel_loop3A_420 = arith.remsi %parallel_loop3A_386, %parallel_loop3A_419 : i32
      %parallel_loop3A_421 = arith.constant 0 : i32
      %parallel_loop3A_422 = arith.cmpi ne, %parallel_loop3A_420, %parallel_loop3A_421 : i32
      %parallel_loop3A_423 = arith.constant 0 : i32
      %parallel_loop3A_424 = arith.cmpi slt, %parallel_loop3A_420, %parallel_loop3A_423 : i32
      %parallel_loop3A_425 = arith.constant 0 : i32
      %parallel_loop3A_426 = arith.cmpi slt, %parallel_loop3A_419, %parallel_loop3A_425 : i32
      %parallel_loop3A_427 = arith.xori %parallel_loop3A_424, %parallel_loop3A_426 : i1
      %parallel_loop3A_428 = arith.andi %parallel_loop3A_427, %parallel_loop3A_422 : i1
      %parallel_loop3A_429 = arith.addi %parallel_loop3A_420, %parallel_loop3A_419 : i32
      %parallel_loop3A_430 = arith.select %parallel_loop3A_428, %parallel_loop3A_429, %parallel_loop3A_420 : i32
      %parallel_loop3A_431 = arith.constant 16 : i32
      %parallel_loop3A_432 = arith.muli %parallel_loop3A_430, %parallel_loop3A_431 : i32
      %parallel_loop3A_433 = arith.constant 32 : i32
      %parallel_loop3A_434 = vector.broadcast %parallel_loop3A_433 : i32 to vector<16xi32>
      %parallel_loop3A_435 = tpu.vector_load_idx %arg5[%parallel_loop3A_434, %parallel_loop3A_390] : memref<64x512xf32, #tpu.memory_space<vmem>>[vector<16xi32>, vector<16xi32>], vector<16xf32>,
      %parallel_loop3A_436 = arith.constant 4 : i32
      %parallel_loop3A_437 = arith.constant 0 : i32
      %parallel_loop3A_438 = arith.index_cast %parallel_loop3A_436 : i32 to index
      %parallel_loop3A_439 = arith.index_cast %parallel_loop3A_414 : i32 to index
      %parallel_loop3A_440 = arith.index_cast %parallel_loop3A_437 : i32 to index
      %parallel_loop3A_441 = arith.index_cast %parallel_loop3A_432 : i32 to index
      %parallel_loop3A_442 = tpu.vector_load %arg7[%parallel_loop3A_438, %parallel_loop3A_439, %parallel_loop3A_440, %parallel_loop3A_441] {strides = array<i32>} : memref<8x8x8x128xf32, #tpu.memory_space<vmem>>, vector<16xf32>,
      tpu.vector_store %arg7[%parallel_loop3A_438, %parallel_loop3A_439, %parallel_loop3A_440, %parallel_loop3A_441], %parallel_loop3A_435 {strides = array<i32>} : memref<8x8x8x128xf32, #tpu.memory_space<vmem>>, vector<16xf32>,
      %parallel_loop3A_443 = arith.constant 33 : i32
      %parallel_loop3A_444 = vector.broadcast %parallel_loop3A_443 : i32 to vector<16xi32>
      %parallel_loop3A_445 = tpu.vector_load_idx %arg5[%parallel_loop3A_444, %parallel_loop3A_390] : memref<64x512xf32, #tpu.memory_space<vmem>>[vector<16xi32>, vector<16xi32>], vector<16xf32>,
      %parallel_loop3A_446 = arith.constant 4 : i32
      %parallel_loop3A_447 = arith.constant 1 : i32
      %parallel_loop3A_448 = arith.index_cast %parallel_loop3A_446 : i32 to index
      %parallel_loop3A_449 = arith.index_cast %parallel_loop3A_414 : i32 to index
      %parallel_loop3A_450 = arith.index_cast %parallel_loop3A_447 : i32 to index
      %parallel_loop3A_451 = arith.index_cast %parallel_loop3A_432 : i32 to index
      %parallel_loop3A_452 = tpu.vector_load %arg7[%parallel_loop3A_448, %parallel_loop3A_449, %parallel_loop3A_450, %parallel_loop3A_451] {strides = array<i32>} : memref<8x8x8x128xf32, #tpu.memory_space<vmem>>, vector<16xf32>,
      tpu.vector_store %arg7[%parallel_loop3A_448, %parallel_loop3A_449, %parallel_loop3A_450, %parallel_loop3A_451], %parallel_loop3A_445 {strides = array<i32>} : memref<8x8x8x128xf32, #tpu.memory_space<vmem>>, vector<16xf32>,
      %parallel_loop3A_453 = arith.constant 34 : i32
      %parallel_loop3A_454 = vector.broadcast %parallel_loop3A_453 : i32 to vector<16xi32>
      %parallel_loop3A_455 = tpu.vector_load_idx %arg5[%parallel_loop3A_454, %parallel_loop3A_390] : memref<64x512xf32, #tpu.memory_space<vmem>>[vector<16xi32>, vector<16xi32>], vector<16xf32>,
      %parallel_loop3A_456 = arith.constant 4 : i32
      %parallel_loop3A_457 = arith.constant 2 : i32
      %parallel_loop3A_458 = arith.index_cast %parallel_loop3A_456 : i32 to index
      %parallel_loop3A_459 = arith.index_cast %parallel_loop3A_414 : i32 to index
      %parallel_loop3A_460 = arith.index_cast %parallel_loop3A_457 : i32 to index
      %parallel_loop3A_461 = arith.index_cast %parallel_loop3A_432 : i32 to index
      %parallel_loop3A_462 = tpu.vector_load %arg7[%parallel_loop3A_458, %parallel_loop3A_459, %parallel_loop3A_460, %parallel_loop3A_461] {strides = array<i32>} : memref<8x8x8x128xf32, #tpu.memory_space<vmem>>, vector<16xf32>,
      tpu.vector_store %arg7[%parallel_loop3A_458, %parallel_loop3A_459, %parallel_loop3A_460, %parallel_loop3A_461], %parallel_loop3A_455 {strides = array<i32>} : memref<8x8x8x128xf32, #tpu.memory_space<vmem>>, vector<16xf32>,
      %parallel_loop3A_463 = arith.constant 35 : i32
      %parallel_loop3A_464 = vector.broadcast %parallel_loop3A_463 : i32 to vector<16xi32>
      %parallel_loop3A_465 = tpu.vector_load_idx %arg5[%parallel_loop3A_464, %parallel_loop3A_390] : memref<64x512xf32, #tpu.memory_space<vmem>>[vector<16xi32>, vector<16xi32>], vector<16xf32>,
      %parallel_loop3A_466 = arith.constant 4 : i32
      %parallel_loop3A_467 = arith.constant 3 : i32
      %parallel_loop3A_468 = arith.index_cast %parallel_loop3A_466 : i32 to index
      %parallel_loop3A_469 = arith.index_cast %parallel_loop3A_414 : i32 to index
      %parallel_loop3A_470 = arith.index_cast %parallel_loop3A_467 : i32 to index
      %parallel_loop3A_471 = arith.index_cast %parallel_loop3A_432 : i32 to index
      %parallel_loop3A_472 = tpu.vector_load %arg7[%parallel_loop3A_468, %parallel_loop3A_469, %parallel_loop3A_470, %parallel_loop3A_471] {strides = array<i32>} : memref<8x8x8x128xf32, #tpu.memory_space<vmem>>, vector<16xf32>,
      tpu.vector_store %arg7[%parallel_loop3A_468, %parallel_loop3A_469, %parallel_loop3A_470, %parallel_loop3A_471], %parallel_loop3A_465 {strides = array<i32>} : memref<8x8x8x128xf32, #tpu.memory_space<vmem>>, vector<16xf32>,
      %parallel_loop3A_473 = arith.constant 36 : i32
      %parallel_loop3A_474 = vector.broadcast %parallel_loop3A_473 : i32 to vector<16xi32>
      %parallel_loop3A_475 = tpu.vector_load_idx %arg5[%parallel_loop3A_474, %parallel_loop3A_390] : memref<64x512xf32, #tpu.memory_space<vmem>>[vector<16xi32>, vector<16xi32>], vector<16xf32>,
      %parallel_loop3A_476 = arith.constant 4 : i32
      %parallel_loop3A_477 = arith.constant 4 : i32
      %parallel_loop3A_478 = arith.index_cast %parallel_loop3A_476 : i32 to index
      %parallel_loop3A_479 = arith.index_cast %parallel_loop3A_414 : i32 to index
      %parallel_loop3A_480 = arith.index_cast %parallel_loop3A_477 : i32 to index
      %parallel_loop3A_481 = arith.index_cast %parallel_loop3A_432 : i32 to index
      %parallel_loop3A_482 = tpu.vector_load %arg7[%parallel_loop3A_478, %parallel_loop3A_479, %parallel_loop3A_480, %parallel_loop3A_481] {strides = array<i32>} : memref<8x8x8x128xf32, #tpu.memory_space<vmem>>, vector<16xf32>,
      tpu.vector_store %arg7[%parallel_loop3A_478, %parallel_loop3A_479, %parallel_loop3A_480, %parallel_loop3A_481], %parallel_loop3A_475 {strides = array<i32>} : memref<8x8x8x128xf32, #tpu.memory_space<vmem>>, vector<16xf32>,
      %parallel_loop3A_483 = arith.constant 37 : i32
      %parallel_loop3A_484 = vector.broadcast %parallel_loop3A_483 : i32 to vector<16xi32>
      %parallel_loop3A_485 = tpu.vector_load_idx %arg5[%parallel_loop3A_484, %parallel_loop3A_390] : memref<64x512xf32, #tpu.memory_space<vmem>>[vector<16xi32>, vector<16xi32>], vector<16xf32>,
      %parallel_loop3A_486 = arith.constant 4 : i32
      %parallel_loop3A_487 = arith.constant 5 : i32
      %parallel_loop3A_488 = arith.index_cast %parallel_loop3A_486 : i32 to index
      %parallel_loop3A_489 = arith.index_cast %parallel_loop3A_414 : i32 to index
      %parallel_loop3A_490 = arith.index_cast %parallel_loop3A_487 : i32 to index
      %parallel_loop3A_491 = arith.index_cast %parallel_loop3A_432 : i32 to index
      %parallel_loop3A_492 = tpu.vector_load %arg7[%parallel_loop3A_488, %parallel_loop3A_489, %parallel_loop3A_490, %parallel_loop3A_491] {strides = array<i32>} : memref<8x8x8x128xf32, #tpu.memory_space<vmem>>, vector<16xf32>,
      tpu.vector_store %arg7[%parallel_loop3A_488, %parallel_loop3A_489, %parallel_loop3A_490, %parallel_loop3A_491], %parallel_loop3A_485 {strides = array<i32>} : memref<8x8x8x128xf32, #tpu.memory_space<vmem>>, vector<16xf32>,
      %parallel_loop3A_493 = arith.constant 38 : i32
      %parallel_loop3A_494 = vector.broadcast %parallel_loop3A_493 : i32 to vector<16xi32>
      %parallel_loop3A_495 = tpu.vector_load_idx %arg5[%parallel_loop3A_494, %parallel_loop3A_390] : memref<64x512xf32, #tpu.memory_space<vmem>>[vector<16xi32>, vector<16xi32>], vector<16xf32>,
      %parallel_loop3A_496 = arith.constant 4 : i32
      %parallel_loop3A_497 = arith.constant 6 : i32
      %parallel_loop3A_498 = arith.index_cast %parallel_loop3A_496 : i32 to index
      %parallel_loop3A_499 = arith.index_cast %parallel_loop3A_414 : i32 to index
      %parallel_loop3A_500 = arith.index_cast %parallel_loop3A_497 : i32 to index
      %parallel_loop3A_501 = arith.index_cast %parallel_loop3A_432 : i32 to index
      %parallel_loop3A_502 = tpu.vector_load %arg7[%parallel_loop3A_498, %parallel_loop3A_499, %parallel_loop3A_500, %parallel_loop3A_501] {strides = array<i32>} : memref<8x8x8x128xf32, #tpu.memory_space<vmem>>, vector<16xf32>,
      tpu.vector_store %arg7[%parallel_loop3A_498, %parallel_loop3A_499, %parallel_loop3A_500, %parallel_loop3A_501], %parallel_loop3A_495 {strides = array<i32>} : memref<8x8x8x128xf32, #tpu.memory_space<vmem>>, vector<16xf32>,
      %parallel_loop3A_503 = arith.constant 39 : i32
      %parallel_loop3A_504 = vector.broadcast %parallel_loop3A_503 : i32 to vector<16xi32>
      %parallel_loop3A_505 = tpu.vector_load_idx %arg5[%parallel_loop3A_504, %parallel_loop3A_390] : memref<64x512xf32, #tpu.memory_space<vmem>>[vector<16xi32>, vector<16xi32>], vector<16xf32>,
      %parallel_loop3A_506 = arith.constant 4 : i32
      %parallel_loop3A_507 = arith.constant 7 : i32
      %parallel_loop3A_508 = arith.index_cast %parallel_loop3A_506 : i32 to index
      %parallel_loop3A_509 = arith.index_cast %parallel_loop3A_414 : i32 to index
      %parallel_loop3A_510 = arith.index_cast %parallel_loop3A_507 : i32 to index
      %parallel_loop3A_511 = arith.index_cast %parallel_loop3A_432 : i32 to index
      %parallel_loop3A_512 = tpu.vector_load %arg7[%parallel_loop3A_508, %parallel_loop3A_509, %parallel_loop3A_510, %parallel_loop3A_511] {strides = array<i32>} : memref<8x8x8x128xf32, #tpu.memory_space<vmem>>, vector<16xf32>,
      tpu.vector_store %arg7[%parallel_loop3A_508, %parallel_loop3A_509, %parallel_loop3A_510, %parallel_loop3A_511], %parallel_loop3A_505 {strides = array<i32>} : memref<8x8x8x128xf32, #tpu.memory_space<vmem>>, vector<16xf32>,
    } {sc.loop_unroll_factor = 8 : i64, sc.parallel_access}
    %dma_start3A_113 = arith.constant 4 : i32
    %dma_start3A_114 = arith.constant 4 : i32
    %dma_start3A_115 = arith.constant 0 : i32
    %dma_start3A_116 = arith.constant 0 : i32
    %dma_start3A_117 = arith.constant 0 : i32
    %dma_start3A_118 = tpu.memref_slice %arg7[%dma_start3A_113, %dma_start3A_115, %dma_start3A_116, %dma_start3A_117] : memref<8x8x8x128xf32, #tpu.memory_space<vmem>> -> memref<1x8x8x128xf32, #tpu.memory_space<vmem>>
    %dma_start3A_119 = tpu.memref_squeeze %dma_start3A_118 : memref<1x8x8x128xf32, #tpu.memory_space<vmem>> -> memref<8x8x128xf32, #tpu.memory_space<vmem>>
    %dma_start3A_120 = arith.constant 0 : i32
    %dma_start3A_121 = arith.constant 0 : i32
    %dma_start3A_122 = arith.constant 0 : i32
    %dma_start3A_123 = tpu.memref_slice %arg4[%add3A, %dma_start3A_114, %dma_start3A_120, %dma_start3A_121, %dma_start3A_122] : memref<32x8x8x8x128xf32, #tpu.memory_space<hbm>> -> memref<1x1x8x8x128xf32, #tpu.memory_space<hbm>>
    %dma_start3A_124 = tpu.memref_squeeze %dma_start3A_123 : memref<1x1x8x8x128xf32, #tpu.memory_space<hbm>> -> memref<8x8x128xf32, #tpu.memory_space<hbm>>
    %dma_start3A_125 = arith.constant 0 : i32
    %dma_start3A_126 = arith.constant 0 : i32
    %dma_start3A_127 = arith.constant 0 : i32
    %dma_start3A_128 = tpu.memref_slice %arg4[%add3A, %dma_start3A_114, %dma_start3A_125, %dma_start3A_126, %dma_start3A_127] : memref<32x8x8x8x128xf32, #tpu.memory_space<hbm>> -> memref<1x1x8x8x128xf32, #tpu.memory_space<hbm>>
    %dma_start3A_129 = tpu.memref_squeeze %dma_start3A_128 : memref<1x1x8x8x128xf32, #tpu.memory_space<hbm>> -> memref<8x8x128xf32, #tpu.memory_space<hbm>>
    %dma_start3A_130 = arith.constant 0 : i32
    %dma_start3A_131 = arith.constant 0 : i32
    %dma_start3A_132 = arith.constant 0 : i32
    %dma_start3A_133 = tpu.memref_slice %arg7[%dma_start3A_113, %dma_start3A_130, %dma_start3A_131, %dma_start3A_132] : memref<8x8x8x128xf32, #tpu.memory_space<vmem>> -> memref<1x8x8x128xf32, #tpu.memory_space<vmem>>
    %dma_start3A_134 = tpu.memref_squeeze %dma_start3A_133 : memref<1x8x8x128xf32, #tpu.memory_space<vmem>> -> memref<8x8x128xf32, #tpu.memory_space<vmem>>
    tpu.enqueue_dma source(%dma_start3A_134 : memref<8x8x128xf32, #tpu.memory_space<vmem>>) target(%dma_start3A_129 : memref<8x8x128xf32, #tpu.memory_space<hbm>>) target_semaphore(%arg10 : memref<!tpu.dma_semaphore, #tpu.memory_space<semaphore_mem>>)
    %parallel_loop3A_135 = arith.constant 0 : i32
    %parallel_loop3A_136 = arith.constant 64 : i32
    %parallel_loop3A_137 = arith.constant 1 : i32
    scf.for %parallel_loop3A_386 = %parallel_loop3A_135 to %parallel_loop3A_136 step %parallel_loop3A_137  : i32 {
      %parallel_loop3A_387 = arith.constant 16 : i32
      %parallel_loop3A_388 = arith.muli %parallel_loop3A_386, %parallel_loop3A_387 : i32
      %parallel_loop3A_389 = arith.index_cast %parallel_loop3A_388 : i32 to index
      %parallel_loop3A_390 = tpu.vector_load %arg6[%parallel_loop3A_389] {strides = array<i32>} : memref<1024xi32, #tpu.memory_space<vmem>>, vector<16xi32>,
      %parallel_loop3A_391 = arith.constant 8 : i32
      %parallel_loop3A_392 = arith.divsi %parallel_loop3A_386, %parallel_loop3A_391 : i32
      %parallel_loop3A_393 = arith.constant 0 : i32
      %parallel_loop3A_394 = arith.cmpi sgt, %parallel_loop3A_386, %parallel_loop3A_393 : i32
      %parallel_loop3A_395 = arith.extui %parallel_loop3A_394 : i1 to i32
      %parallel_loop3A_396 = arith.constant 0 : i32
      %parallel_loop3A_397 = arith.cmpi slt, %parallel_loop3A_386, %parallel_loop3A_396 : i32
      %parallel_loop3A_398 = arith.extui %parallel_loop3A_397 : i1 to i32
      %parallel_loop3A_399 = arith.subi %parallel_loop3A_395, %parallel_loop3A_398 : i32
      %parallel_loop3A_400 = arith.constant 0 : i32
      %parallel_loop3A_401 = arith.cmpi sgt, %parallel_loop3A_391, %parallel_loop3A_400 : i32
      %parallel_loop3A_402 = arith.extui %parallel_loop3A_401 : i1 to i32
      %parallel_loop3A_403 = arith.constant 0 : i32
      %parallel_loop3A_404 = arith.cmpi slt, %parallel_loop3A_391, %parallel_loop3A_403 : i32
      %parallel_loop3A_405 = arith.extui %parallel_loop3A_404 : i1 to i32
      %parallel_loop3A_406 = arith.subi %parallel_loop3A_402, %parallel_loop3A_405 : i32
      %parallel_loop3A_407 = arith.cmpi ne, %parallel_loop3A_399, %parallel_loop3A_406 : i32
      %parallel_loop3A_408 = arith.remsi %parallel_loop3A_386, %parallel_loop3A_391 : i32
      %parallel_loop3A_409 = arith.constant 0 : i32
      %parallel_loop3A_410 = arith.cmpi ne, %parallel_loop3A_408, %parallel_loop3A_409 : i32
      %parallel_loop3A_411 = arith.andi %parallel_loop3A_407, %parallel_loop3A_410 : i1
      %parallel_loop3A_412 = arith.constant 1 : i32
      %parallel_loop3A_413 = arith.subi %parallel_loop3A_392, %parallel_loop3A_412 : i32
      %parallel_loop3A_414 = arith.select %parallel_loop3A_411, %parallel_loop3A_413, %parallel_loop3A_392 : i32
      %parallel_loop3A_415 = arith.constant 8 : i32
      %parallel_loop3A_416 = arith.constant 0 : i32
      %parallel_loop3A_417 = arith.cmpi eq, %parallel_loop3A_415, %parallel_loop3A_416 : i32
      %parallel_loop3A_418 = arith.constant 1 : i32
      %parallel_loop3A_419 = arith.select %parallel_loop3A_417, %parallel_loop3A_418, %parallel_loop3A_415 : i32
      %parallel_loop3A_420 = arith.remsi %parallel_loop3A_386, %parallel_loop3A_419 : i32
      %parallel_loop3A_421 = arith.constant 0 : i32
      %parallel_loop3A_422 = arith.cmpi ne, %parallel_loop3A_420, %parallel_loop3A_421 : i32
      %parallel_loop3A_423 = arith.constant 0 : i32
      %parallel_loop3A_424 = arith.cmpi slt, %parallel_loop3A_420, %parallel_loop3A_423 : i32
      %parallel_loop3A_425 = arith.constant 0 : i32
      %parallel_loop3A_426 = arith.cmpi slt, %parallel_loop3A_419, %parallel_loop3A_425 : i32
      %parallel_loop3A_427 = arith.xori %parallel_loop3A_424, %parallel_loop3A_426 : i1
      %parallel_loop3A_428 = arith.andi %parallel_loop3A_427, %parallel_loop3A_422 : i1
      %parallel_loop3A_429 = arith.addi %parallel_loop3A_420, %parallel_loop3A_419 : i32
      %parallel_loop3A_430 = arith.select %parallel_loop3A_428, %parallel_loop3A_429, %parallel_loop3A_420 : i32
      %parallel_loop3A_431 = arith.constant 16 : i32
      %parallel_loop3A_432 = arith.muli %parallel_loop3A_430, %parallel_loop3A_431 : i32
      %parallel_loop3A_433 = arith.constant 40 : i32
      %parallel_loop3A_434 = vector.broadcast %parallel_loop3A_433 : i32 to vector<16xi32>
      %parallel_loop3A_435 = tpu.vector_load_idx %arg5[%parallel_loop3A_434, %parallel_loop3A_390] : memref<64x512xf32, #tpu.memory_space<vmem>>[vector<16xi32>, vector<16xi32>], vector<16xf32>,
      %parallel_loop3A_436 = arith.constant 5 : i32
      %parallel_loop3A_437 = arith.constant 0 : i32
      %parallel_loop3A_438 = arith.index_cast %parallel_loop3A_436 : i32 to index
      %parallel_loop3A_439 = arith.index_cast %parallel_loop3A_414 : i32 to index
      %parallel_loop3A_440 = arith.index_cast %parallel_loop3A_437 : i32 to index
      %parallel_loop3A_441 = arith.index_cast %parallel_loop3A_432 : i32 to index
      %parallel_loop3A_442 = tpu.vector_load %arg7[%parallel_loop3A_438, %parallel_loop3A_439, %parallel_loop3A_440, %parallel_loop3A_441] {strides = array<i32>} : memref<8x8x8x128xf32, #tpu.memory_space<vmem>>, vector<16xf32>,
      tpu.vector_store %arg7[%parallel_loop3A_438, %parallel_loop3A_439, %parallel_loop3A_440, %parallel_loop3A_441], %parallel_loop3A_435 {strides = array<i32>} : memref<8x8x8x128xf32, #tpu.memory_space<vmem>>, vector<16xf32>,
      %parallel_loop3A_443 = arith.constant 41 : i32
      %parallel_loop3A_444 = vector.broadcast %parallel_loop3A_443 : i32 to vector<16xi32>
      %parallel_loop3A_445 = tpu.vector_load_idx %arg5[%parallel_loop3A_444, %parallel_loop3A_390] : memref<64x512xf32, #tpu.memory_space<vmem>>[vector<16xi32>, vector<16xi32>], vector<16xf32>,
      %parallel_loop3A_446 = arith.constant 5 : i32
      %parallel_loop3A_447 = arith.constant 1 : i32
      %parallel_loop3A_448 = arith.index_cast %parallel_loop3A_446 : i32 to index
      %parallel_loop3A_449 = arith.index_cast %parallel_loop3A_414 : i32 to index
      %parallel_loop3A_450 = arith.index_cast %parallel_loop3A_447 : i32 to index
      %parallel_loop3A_451 = arith.index_cast %parallel_loop3A_432 : i32 to index
      %parallel_loop3A_452 = tpu.vector_load %arg7[%parallel_loop3A_448, %parallel_loop3A_449, %parallel_loop3A_450, %parallel_loop3A_451] {strides = array<i32>} : memref<8x8x8x128xf32, #tpu.memory_space<vmem>>, vector<16xf32>,
      tpu.vector_store %arg7[%parallel_loop3A_448, %parallel_loop3A_449, %parallel_loop3A_450, %parallel_loop3A_451], %parallel_loop3A_445 {strides = array<i32>} : memref<8x8x8x128xf32, #tpu.memory_space<vmem>>, vector<16xf32>,
      %parallel_loop3A_453 = arith.constant 42 : i32
      %parallel_loop3A_454 = vector.broadcast %parallel_loop3A_453 : i32 to vector<16xi32>
      %parallel_loop3A_455 = tpu.vector_load_idx %arg5[%parallel_loop3A_454, %parallel_loop3A_390] : memref<64x512xf32, #tpu.memory_space<vmem>>[vector<16xi32>, vector<16xi32>], vector<16xf32>,
      %parallel_loop3A_456 = arith.constant 5 : i32
      %parallel_loop3A_457 = arith.constant 2 : i32
      %parallel_loop3A_458 = arith.index_cast %parallel_loop3A_456 : i32 to index
      %parallel_loop3A_459 = arith.index_cast %parallel_loop3A_414 : i32 to index
      %parallel_loop3A_460 = arith.index_cast %parallel_loop3A_457 : i32 to index
      %parallel_loop3A_461 = arith.index_cast %parallel_loop3A_432 : i32 to index
      %parallel_loop3A_462 = tpu.vector_load %arg7[%parallel_loop3A_458, %parallel_loop3A_459, %parallel_loop3A_460, %parallel_loop3A_461] {strides = array<i32>} : memref<8x8x8x128xf32, #tpu.memory_space<vmem>>, vector<16xf32>,
      tpu.vector_store %arg7[%parallel_loop3A_458, %parallel_loop3A_459, %parallel_loop3A_460, %parallel_loop3A_461], %parallel_loop3A_455 {strides = array<i32>} : memref<8x8x8x128xf32, #tpu.memory_space<vmem>>, vector<16xf32>,
      %parallel_loop3A_463 = arith.constant 43 : i32
      %parallel_loop3A_464 = vector.broadcast %parallel_loop3A_463 : i32 to vector<16xi32>
      %parallel_loop3A_465 = tpu.vector_load_idx %arg5[%parallel_loop3A_464, %parallel_loop3A_390] : memref<64x512xf32, #tpu.memory_space<vmem>>[vector<16xi32>, vector<16xi32>], vector<16xf32>,
      %parallel_loop3A_466 = arith.constant 5 : i32
      %parallel_loop3A_467 = arith.constant 3 : i32
      %parallel_loop3A_468 = arith.index_cast %parallel_loop3A_466 : i32 to index
      %parallel_loop3A_469 = arith.index_cast %parallel_loop3A_414 : i32 to index
      %parallel_loop3A_470 = arith.index_cast %parallel_loop3A_467 : i32 to index
      %parallel_loop3A_471 = arith.index_cast %parallel_loop3A_432 : i32 to index
      %parallel_loop3A_472 = tpu.vector_load %arg7[%parallel_loop3A_468, %parallel_loop3A_469, %parallel_loop3A_470, %parallel_loop3A_471] {strides = array<i32>} : memref<8x8x8x128xf32, #tpu.memory_space<vmem>>, vector<16xf32>,
      tpu.vector_store %arg7[%parallel_loop3A_468, %parallel_loop3A_469, %parallel_loop3A_470, %parallel_loop3A_471], %parallel_loop3A_465 {strides = array<i32>} : memref<8x8x8x128xf32, #tpu.memory_space<vmem>>, vector<16xf32>,
      %parallel_loop3A_473 = arith.constant 44 : i32
      %parallel_loop3A_474 = vector.broadcast %parallel_loop3A_473 : i32 to vector<16xi32>
      %parallel_loop3A_475 = tpu.vector_load_idx %arg5[%parallel_loop3A_474, %parallel_loop3A_390] : memref<64x512xf32, #tpu.memory_space<vmem>>[vector<16xi32>, vector<16xi32>], vector<16xf32>,
      %parallel_loop3A_476 = arith.constant 5 : i32
      %parallel_loop3A_477 = arith.constant 4 : i32
      %parallel_loop3A_478 = arith.index_cast %parallel_loop3A_476 : i32 to index
      %parallel_loop3A_479 = arith.index_cast %parallel_loop3A_414 : i32 to index
      %parallel_loop3A_480 = arith.index_cast %parallel_loop3A_477 : i32 to index
      %parallel_loop3A_481 = arith.index_cast %parallel_loop3A_432 : i32 to index
      %parallel_loop3A_482 = tpu.vector_load %arg7[%parallel_loop3A_478, %parallel_loop3A_479, %parallel_loop3A_480, %parallel_loop3A_481] {strides = array<i32>} : memref<8x8x8x128xf32, #tpu.memory_space<vmem>>, vector<16xf32>,
      tpu.vector_store %arg7[%parallel_loop3A_478, %parallel_loop3A_479, %parallel_loop3A_480, %parallel_loop3A_481], %parallel_loop3A_475 {strides = array<i32>} : memref<8x8x8x128xf32, #tpu.memory_space<vmem>>, vector<16xf32>,
      %parallel_loop3A_483 = arith.constant 45 : i32
      %parallel_loop3A_484 = vector.broadcast %parallel_loop3A_483 : i32 to vector<16xi32>
      %parallel_loop3A_485 = tpu.vector_load_idx %arg5[%parallel_loop3A_484, %parallel_loop3A_390] : memref<64x512xf32, #tpu.memory_space<vmem>>[vector<16xi32>, vector<16xi32>], vector<16xf32>,
      %parallel_loop3A_486 = arith.constant 5 : i32
      %parallel_loop3A_487 = arith.constant 5 : i32
      %parallel_loop3A_488 = arith.index_cast %parallel_loop3A_486 : i32 to index
      %parallel_loop3A_489 = arith.index_cast %parallel_loop3A_414 : i32 to index
      %parallel_loop3A_490 = arith.index_cast %parallel_loop3A_487 : i32 to index
      %parallel_loop3A_491 = arith.index_cast %parallel_loop3A_432 : i32 to index
      %parallel_loop3A_492 = tpu.vector_load %arg7[%parallel_loop3A_488, %parallel_loop3A_489, %parallel_loop3A_490, %parallel_loop3A_491] {strides = array<i32>} : memref<8x8x8x128xf32, #tpu.memory_space<vmem>>, vector<16xf32>,
      tpu.vector_store %arg7[%parallel_loop3A_488, %parallel_loop3A_489, %parallel_loop3A_490, %parallel_loop3A_491], %parallel_loop3A_485 {strides = array<i32>} : memref<8x8x8x128xf32, #tpu.memory_space<vmem>>, vector<16xf32>,
      %parallel_loop3A_493 = arith.constant 46 : i32
      %parallel_loop3A_494 = vector.broadcast %parallel_loop3A_493 : i32 to vector<16xi32>
      %parallel_loop3A_495 = tpu.vector_load_idx %arg5[%parallel_loop3A_494, %parallel_loop3A_390] : memref<64x512xf32, #tpu.memory_space<vmem>>[vector<16xi32>, vector<16xi32>], vector<16xf32>,
      %parallel_loop3A_496 = arith.constant 5 : i32
      %parallel_loop3A_497 = arith.constant 6 : i32
      %parallel_loop3A_498 = arith.index_cast %parallel_loop3A_496 : i32 to index
      %parallel_loop3A_499 = arith.index_cast %parallel_loop3A_414 : i32 to index
      %parallel_loop3A_500 = arith.index_cast %parallel_loop3A_497 : i32 to index
      %parallel_loop3A_501 = arith.index_cast %parallel_loop3A_432 : i32 to index
      %parallel_loop3A_502 = tpu.vector_load %arg7[%parallel_loop3A_498, %parallel_loop3A_499, %parallel_loop3A_500, %parallel_loop3A_501] {strides = array<i32>} : memref<8x8x8x128xf32, #tpu.memory_space<vmem>>, vector<16xf32>,
      tpu.vector_store %arg7[%parallel_loop3A_498, %parallel_loop3A_499, %parallel_loop3A_500, %parallel_loop3A_501], %parallel_loop3A_495 {strides = array<i32>} : memref<8x8x8x128xf32, #tpu.memory_space<vmem>>, vector<16xf32>,
      %parallel_loop3A_503 = arith.constant 47 : i32
      %parallel_loop3A_504 = vector.broadcast %parallel_loop3A_503 : i32 to vector<16xi32>
      %parallel_loop3A_505 = tpu.vector_load_idx %arg5[%parallel_loop3A_504, %parallel_loop3A_390] : memref<64x512xf32, #tpu.memory_space<vmem>>[vector<16xi32>, vector<16xi32>], vector<16xf32>,
      %parallel_loop3A_506 = arith.constant 5 : i32
      %parallel_loop3A_507 = arith.constant 7 : i32
      %parallel_loop3A_508 = arith.index_cast %parallel_loop3A_506 : i32 to index
      %parallel_loop3A_509 = arith.index_cast %parallel_loop3A_414 : i32 to index
      %parallel_loop3A_510 = arith.index_cast %parallel_loop3A_507 : i32 to index
      %parallel_loop3A_511 = arith.index_cast %parallel_loop3A_432 : i32 to index
      %parallel_loop3A_512 = tpu.vector_load %arg7[%parallel_loop3A_508, %parallel_loop3A_509, %parallel_loop3A_510, %parallel_loop3A_511] {strides = array<i32>} : memref<8x8x8x128xf32, #tpu.memory_space<vmem>>, vector<16xf32>,
      tpu.vector_store %arg7[%parallel_loop3A_508, %parallel_loop3A_509, %parallel_loop3A_510, %parallel_loop3A_511], %parallel_loop3A_505 {strides = array<i32>} : memref<8x8x8x128xf32, #tpu.memory_space<vmem>>, vector<16xf32>,
    } {sc.loop_unroll_factor = 8 : i64, sc.parallel_access}
    %dma_start3A_138 = arith.constant 5 : i32
    %dma_start3A_139 = arith.constant 5 : i32
    %dma_start3A_140 = arith.constant 0 : i32
    %dma_start3A_141 = arith.constant 0 : i32
    %dma_start3A_142 = arith.constant 0 : i32
    %dma_start3A_143 = tpu.memref_slice %arg7[%dma_start3A_138, %dma_start3A_140, %dma_start3A_141, %dma_start3A_142] : memref<8x8x8x128xf32, #tpu.memory_space<vmem>> -> memref<1x8x8x128xf32, #tpu.memory_space<vmem>>
    %dma_start3A_144 = tpu.memref_squeeze %dma_start3A_143 : memref<1x8x8x128xf32, #tpu.memory_space<vmem>> -> memref<8x8x128xf32, #tpu.memory_space<vmem>>
    %dma_start3A_145 = arith.constant 0 : i32
    %dma_start3A_146 = arith.constant 0 : i32
    %dma_start3A_147 = arith.constant 0 : i32
    %dma_start3A_148 = tpu.memref_slice %arg4[%add3A, %dma_start3A_139, %dma_start3A_145, %dma_start3A_146, %dma_start3A_147] : memref<32x8x8x8x128xf32, #tpu.memory_space<hbm>> -> memref<1x1x8x8x128xf32, #tpu.memory_space<hbm>>
    %dma_start3A_149 = tpu.memref_squeeze %dma_start3A_148 : memref<1x1x8x8x128xf32, #tpu.memory_space<hbm>> -> memref<8x8x128xf32, #tpu.memory_space<hbm>>
    %dma_start3A_150 = arith.constant 0 : i32
    %dma_start3A_151 = arith.constant 0 : i32
    %dma_start3A_152 = arith.constant 0 : i32
    %dma_start3A_153 = tpu.memref_slice %arg4[%add3A, %dma_start3A_139, %dma_start3A_150, %dma_start3A_151, %dma_start3A_152] : memref<32x8x8x8x128xf32, #tpu.memory_space<hbm>> -> memref<1x1x8x8x128xf32, #tpu.memory_space<hbm>>
    %dma_start3A_154 = tpu.memref_squeeze %dma_start3A_153 : memref<1x1x8x8x128xf32, #tpu.memory_space<hbm>> -> memref<8x8x128xf32, #tpu.memory_space<hbm>>
    %dma_start3A_155 = arith.constant 0 : i32
    %dma_start3A_156 = arith.constant 0 : i32
    %dma_start3A_157 = arith.constant 0 : i32
    %dma_start3A_158 = tpu.memref_slice %arg7[%dma_start3A_138, %dma_start3A_155, %dma_start3A_156, %dma_start3A_157] : memref<8x8x8x128xf32, #tpu.memory_space<vmem>> -> memref<1x8x8x128xf32, #tpu.memory_space<vmem>>
    %dma_start3A_159 = tpu.memref_squeeze %dma_start3A_158 : memref<1x8x8x128xf32, #tpu.memory_space<vmem>> -> memref<8x8x128xf32, #tpu.memory_space<vmem>>
    tpu.enqueue_dma source(%dma_start3A_159 : memref<8x8x128xf32, #tpu.memory_space<vmem>>) target(%dma_start3A_154 : memref<8x8x128xf32, #tpu.memory_space<hbm>>) target_semaphore(%arg10 : memref<!tpu.dma_semaphore, #tpu.memory_space<semaphore_mem>>)
    %parallel_loop3A_160 = arith.constant 0 : i32
    %parallel_loop3A_161 = arith.constant 64 : i32
    %parallel_loop3A_162 = arith.constant 1 : i32
    scf.for %parallel_loop3A_386 = %parallel_loop3A_160 to %parallel_loop3A_161 step %parallel_loop3A_162  : i32 {
      %parallel_loop3A_387 = arith.constant 16 : i32
      %parallel_loop3A_388 = arith.muli %parallel_loop3A_386, %parallel_loop3A_387 : i32
      %parallel_loop3A_389 = arith.index_cast %parallel_loop3A_388 : i32 to index
      %parallel_loop3A_390 = tpu.vector_load %arg6[%parallel_loop3A_389] {strides = array<i32>} : memref<1024xi32, #tpu.memory_space<vmem>>, vector<16xi32>,
      %parallel_loop3A_391 = arith.constant 8 : i32
      %parallel_loop3A_392 = arith.divsi %parallel_loop3A_386, %parallel_loop3A_391 : i32
      %parallel_loop3A_393 = arith.constant 0 : i32
      %parallel_loop3A_394 = arith.cmpi sgt, %parallel_loop3A_386, %parallel_loop3A_393 : i32
      %parallel_loop3A_395 = arith.extui %parallel_loop3A_394 : i1 to i32
      %parallel_loop3A_396 = arith.constant 0 : i32
      %parallel_loop3A_397 = arith.cmpi slt, %parallel_loop3A_386, %parallel_loop3A_396 : i32
      %parallel_loop3A_398 = arith.extui %parallel_loop3A_397 : i1 to i32
      %parallel_loop3A_399 = arith.subi %parallel_loop3A_395, %parallel_loop3A_398 : i32
      %parallel_loop3A_400 = arith.constant 0 : i32
      %parallel_loop3A_401 = arith.cmpi sgt, %parallel_loop3A_391, %parallel_loop3A_400 : i32
      %parallel_loop3A_402 = arith.extui %parallel_loop3A_401 : i1 to i32
      %parallel_loop3A_403 = arith.constant 0 : i32
      %parallel_loop3A_404 = arith.cmpi slt, %parallel_loop3A_391, %parallel_loop3A_403 : i32
      %parallel_loop3A_405 = arith.extui %parallel_loop3A_404 : i1 to i32
      %parallel_loop3A_406 = arith.subi %parallel_loop3A_402, %parallel_loop3A_405 : i32
      %parallel_loop3A_407 = arith.cmpi ne, %parallel_loop3A_399, %parallel_loop3A_406 : i32
      %parallel_loop3A_408 = arith.remsi %parallel_loop3A_386, %parallel_loop3A_391 : i32
      %parallel_loop3A_409 = arith.constant 0 : i32
      %parallel_loop3A_410 = arith.cmpi ne, %parallel_loop3A_408, %parallel_loop3A_409 : i32
      %parallel_loop3A_411 = arith.andi %parallel_loop3A_407, %parallel_loop3A_410 : i1
      %parallel_loop3A_412 = arith.constant 1 : i32
      %parallel_loop3A_413 = arith.subi %parallel_loop3A_392, %parallel_loop3A_412 : i32
      %parallel_loop3A_414 = arith.select %parallel_loop3A_411, %parallel_loop3A_413, %parallel_loop3A_392 : i32
      %parallel_loop3A_415 = arith.constant 8 : i32
      %parallel_loop3A_416 = arith.constant 0 : i32
      %parallel_loop3A_417 = arith.cmpi eq, %parallel_loop3A_415, %parallel_loop3A_416 : i32
      %parallel_loop3A_418 = arith.constant 1 : i32
      %parallel_loop3A_419 = arith.select %parallel_loop3A_417, %parallel_loop3A_418, %parallel_loop3A_415 : i32
      %parallel_loop3A_420 = arith.remsi %parallel_loop3A_386, %parallel_loop3A_419 : i32
      %parallel_loop3A_421 = arith.constant 0 : i32
      %parallel_loop3A_422 = arith.cmpi ne, %parallel_loop3A_420, %parallel_loop3A_421 : i32
      %parallel_loop3A_423 = arith.constant 0 : i32
      %parallel_loop3A_424 = arith.cmpi slt, %parallel_loop3A_420, %parallel_loop3A_423 : i32
      %parallel_loop3A_425 = arith.constant 0 : i32
      %parallel_loop3A_426 = arith.cmpi slt, %parallel_loop3A_419, %parallel_loop3A_425 : i32
      %parallel_loop3A_427 = arith.xori %parallel_loop3A_424, %parallel_loop3A_426 : i1
      %parallel_loop3A_428 = arith.andi %parallel_loop3A_427, %parallel_loop3A_422 : i1
      %parallel_loop3A_429 = arith.addi %parallel_loop3A_420, %parallel_loop3A_419 : i32
      %parallel_loop3A_430 = arith.select %parallel_loop3A_428, %parallel_loop3A_429, %parallel_loop3A_420 : i32
      %parallel_loop3A_431 = arith.constant 16 : i32
      %parallel_loop3A_432 = arith.muli %parallel_loop3A_430, %parallel_loop3A_431 : i32
      %parallel_loop3A_433 = arith.constant 48 : i32
      %parallel_loop3A_434 = vector.broadcast %parallel_loop3A_433 : i32 to vector<16xi32>
      %parallel_loop3A_435 = tpu.vector_load_idx %arg5[%parallel_loop3A_434, %parallel_loop3A_390] : memref<64x512xf32, #tpu.memory_space<vmem>>[vector<16xi32>, vector<16xi32>], vector<16xf32>,
      %parallel_loop3A_436 = arith.constant 6 : i32
      %parallel_loop3A_437 = arith.constant 0 : i32
      %parallel_loop3A_438 = arith.index_cast %parallel_loop3A_436 : i32 to index
      %parallel_loop3A_439 = arith.index_cast %parallel_loop3A_414 : i32 to index
      %parallel_loop3A_440 = arith.index_cast %parallel_loop3A_437 : i32 to index
      %parallel_loop3A_441 = arith.index_cast %parallel_loop3A_432 : i32 to index
      %parallel_loop3A_442 = tpu.vector_load %arg7[%parallel_loop3A_438, %parallel_loop3A_439, %parallel_loop3A_440, %parallel_loop3A_441] {strides = array<i32>} : memref<8x8x8x128xf32, #tpu.memory_space<vmem>>, vector<16xf32>,
      tpu.vector_store %arg7[%parallel_loop3A_438, %parallel_loop3A_439, %parallel_loop3A_440, %parallel_loop3A_441], %parallel_loop3A_435 {strides = array<i32>} : memref<8x8x8x128xf32, #tpu.memory_space<vmem>>, vector<16xf32>,
      %parallel_loop3A_443 = arith.constant 49 : i32
      %parallel_loop3A_444 = vector.broadcast %parallel_loop3A_443 : i32 to vector<16xi32>
      %parallel_loop3A_445 = tpu.vector_load_idx %arg5[%parallel_loop3A_444, %parallel_loop3A_390] : memref<64x512xf32, #tpu.memory_space<vmem>>[vector<16xi32>, vector<16xi32>], vector<16xf32>,
      %parallel_loop3A_446 = arith.constant 6 : i32
      %parallel_loop3A_447 = arith.constant 1 : i32
      %parallel_loop3A_448 = arith.index_cast %parallel_loop3A_446 : i32 to index
      %parallel_loop3A_449 = arith.index_cast %parallel_loop3A_414 : i32 to index
      %parallel_loop3A_450 = arith.index_cast %parallel_loop3A_447 : i32 to index
      %parallel_loop3A_451 = arith.index_cast %parallel_loop3A_432 : i32 to index
      %parallel_loop3A_452 = tpu.vector_load %arg7[%parallel_loop3A_448, %parallel_loop3A_449, %parallel_loop3A_450, %parallel_loop3A_451] {strides = array<i32>} : memref<8x8x8x128xf32, #tpu.memory_space<vmem>>, vector<16xf32>,
      tpu.vector_store %arg7[%parallel_loop3A_448, %parallel_loop3A_449, %parallel_loop3A_450, %parallel_loop3A_451], %parallel_loop3A_445 {strides = array<i32>} : memref<8x8x8x128xf32, #tpu.memory_space<vmem>>, vector<16xf32>,
      %parallel_loop3A_453 = arith.constant 50 : i32
      %parallel_loop3A_454 = vector.broadcast %parallel_loop3A_453 : i32 to vector<16xi32>
      %parallel_loop3A_455 = tpu.vector_load_idx %arg5[%parallel_loop3A_454, %parallel_loop3A_390] : memref<64x512xf32, #tpu.memory_space<vmem>>[vector<16xi32>, vector<16xi32>], vector<16xf32>,
      %parallel_loop3A_456 = arith.constant 6 : i32
      %parallel_loop3A_457 = arith.constant 2 : i32
      %parallel_loop3A_458 = arith.index_cast %parallel_loop3A_456 : i32 to index
      %parallel_loop3A_459 = arith.index_cast %parallel_loop3A_414 : i32 to index
      %parallel_loop3A_460 = arith.index_cast %parallel_loop3A_457 : i32 to index
      %parallel_loop3A_461 = arith.index_cast %parallel_loop3A_432 : i32 to index
      %parallel_loop3A_462 = tpu.vector_load %arg7[%parallel_loop3A_458, %parallel_loop3A_459, %parallel_loop3A_460, %parallel_loop3A_461] {strides = array<i32>} : memref<8x8x8x128xf32, #tpu.memory_space<vmem>>, vector<16xf32>,
      tpu.vector_store %arg7[%parallel_loop3A_458, %parallel_loop3A_459, %parallel_loop3A_460, %parallel_loop3A_461], %parallel_loop3A_455 {strides = array<i32>} : memref<8x8x8x128xf32, #tpu.memory_space<vmem>>, vector<16xf32>,
      %parallel_loop3A_463 = arith.constant 51 : i32
      %parallel_loop3A_464 = vector.broadcast %parallel_loop3A_463 : i32 to vector<16xi32>
      %parallel_loop3A_465 = tpu.vector_load_idx %arg5[%parallel_loop3A_464, %parallel_loop3A_390] : memref<64x512xf32, #tpu.memory_space<vmem>>[vector<16xi32>, vector<16xi32>], vector<16xf32>,
      %parallel_loop3A_466 = arith.constant 6 : i32
      %parallel_loop3A_467 = arith.constant 3 : i32
      %parallel_loop3A_468 = arith.index_cast %parallel_loop3A_466 : i32 to index
      %parallel_loop3A_469 = arith.index_cast %parallel_loop3A_414 : i32 to index
      %parallel_loop3A_470 = arith.index_cast %parallel_loop3A_467 : i32 to index
      %parallel_loop3A_471 = arith.index_cast %parallel_loop3A_432 : i32 to index
      %parallel_loop3A_472 = tpu.vector_load %arg7[%parallel_loop3A_468, %parallel_loop3A_469, %parallel_loop3A_470, %parallel_loop3A_471] {strides = array<i32>} : memref<8x8x8x128xf32, #tpu.memory_space<vmem>>, vector<16xf32>,
      tpu.vector_store %arg7[%parallel_loop3A_468, %parallel_loop3A_469, %parallel_loop3A_470, %parallel_loop3A_471], %parallel_loop3A_465 {strides = array<i32>} : memref<8x8x8x128xf32, #tpu.memory_space<vmem>>, vector<16xf32>,
      %parallel_loop3A_473 = arith.constant 52 : i32
      %parallel_loop3A_474 = vector.broadcast %parallel_loop3A_473 : i32 to vector<16xi32>
      %parallel_loop3A_475 = tpu.vector_load_idx %arg5[%parallel_loop3A_474, %parallel_loop3A_390] : memref<64x512xf32, #tpu.memory_space<vmem>>[vector<16xi32>, vector<16xi32>], vector<16xf32>,
      %parallel_loop3A_476 = arith.constant 6 : i32
      %parallel_loop3A_477 = arith.constant 4 : i32
      %parallel_loop3A_478 = arith.index_cast %parallel_loop3A_476 : i32 to index
      %parallel_loop3A_479 = arith.index_cast %parallel_loop3A_414 : i32 to index
      %parallel_loop3A_480 = arith.index_cast %parallel_loop3A_477 : i32 to index
      %parallel_loop3A_481 = arith.index_cast %parallel_loop3A_432 : i32 to index
      %parallel_loop3A_482 = tpu.vector_load %arg7[%parallel_loop3A_478, %parallel_loop3A_479, %parallel_loop3A_480, %parallel_loop3A_481] {strides = array<i32>} : memref<8x8x8x128xf32, #tpu.memory_space<vmem>>, vector<16xf32>,
      tpu.vector_store %arg7[%parallel_loop3A_478, %parallel_loop3A_479, %parallel_loop3A_480, %parallel_loop3A_481], %parallel_loop3A_475 {strides = array<i32>} : memref<8x8x8x128xf32, #tpu.memory_space<vmem>>, vector<16xf32>,
      %parallel_loop3A_483 = arith.constant 53 : i32
      %parallel_loop3A_484 = vector.broadcast %parallel_loop3A_483 : i32 to vector<16xi32>
      %parallel_loop3A_485 = tpu.vector_load_idx %arg5[%parallel_loop3A_484, %parallel_loop3A_390] : memref<64x512xf32, #tpu.memory_space<vmem>>[vector<16xi32>, vector<16xi32>], vector<16xf32>,
      %parallel_loop3A_486 = arith.constant 6 : i32
      %parallel_loop3A_487 = arith.constant 5 : i32
      %parallel_loop3A_488 = arith.index_cast %parallel_loop3A_486 : i32 to index
      %parallel_loop3A_489 = arith.index_cast %parallel_loop3A_414 : i32 to index
      %parallel_loop3A_490 = arith.index_cast %parallel_loop3A_487 : i32 to index
      %parallel_loop3A_491 = arith.index_cast %parallel_loop3A_432 : i32 to index
      %parallel_loop3A_492 = tpu.vector_load %arg7[%parallel_loop3A_488, %parallel_loop3A_489, %parallel_loop3A_490, %parallel_loop3A_491] {strides = array<i32>} : memref<8x8x8x128xf32, #tpu.memory_space<vmem>>, vector<16xf32>,
      tpu.vector_store %arg7[%parallel_loop3A_488, %parallel_loop3A_489, %parallel_loop3A_490, %parallel_loop3A_491], %parallel_loop3A_485 {strides = array<i32>} : memref<8x8x8x128xf32, #tpu.memory_space<vmem>>, vector<16xf32>,
      %parallel_loop3A_493 = arith.constant 54 : i32
      %parallel_loop3A_494 = vector.broadcast %parallel_loop3A_493 : i32 to vector<16xi32>
      %parallel_loop3A_495 = tpu.vector_load_idx %arg5[%parallel_loop3A_494, %parallel_loop3A_390] : memref<64x512xf32, #tpu.memory_space<vmem>>[vector<16xi32>, vector<16xi32>], vector<16xf32>,
      %parallel_loop3A_496 = arith.constant 6 : i32
      %parallel_loop3A_497 = arith.constant 6 : i32
      %parallel_loop3A_498 = arith.index_cast %parallel_loop3A_496 : i32 to index
      %parallel_loop3A_499 = arith.index_cast %parallel_loop3A_414 : i32 to index
      %parallel_loop3A_500 = arith.index_cast %parallel_loop3A_497 : i32 to index
      %parallel_loop3A_501 = arith.index_cast %parallel_loop3A_432 : i32 to index
      %parallel_loop3A_502 = tpu.vector_load %arg7[%parallel_loop3A_498, %parallel_loop3A_499, %parallel_loop3A_500, %parallel_loop3A_501] {strides = array<i32>} : memref<8x8x8x128xf32, #tpu.memory_space<vmem>>, vector<16xf32>,
      tpu.vector_store %arg7[%parallel_loop3A_498, %parallel_loop3A_499, %parallel_loop3A_500, %parallel_loop3A_501], %parallel_loop3A_495 {strides = array<i32>} : memref<8x8x8x128xf32, #tpu.memory_space<vmem>>, vector<16xf32>,
      %parallel_loop3A_503 = arith.constant 55 : i32
      %parallel_loop3A_504 = vector.broadcast %parallel_loop3A_503 : i32 to vector<16xi32>
      %parallel_loop3A_505 = tpu.vector_load_idx %arg5[%parallel_loop3A_504, %parallel_loop3A_390] : memref<64x512xf32, #tpu.memory_space<vmem>>[vector<16xi32>, vector<16xi32>], vector<16xf32>,
      %parallel_loop3A_506 = arith.constant 6 : i32
      %parallel_loop3A_507 = arith.constant 7 : i32
      %parallel_loop3A_508 = arith.index_cast %parallel_loop3A_506 : i32 to index
      %parallel_loop3A_509 = arith.index_cast %parallel_loop3A_414 : i32 to index
      %parallel_loop3A_510 = arith.index_cast %parallel_loop3A_507 : i32 to index
      %parallel_loop3A_511 = arith.index_cast %parallel_loop3A_432 : i32 to index
      %parallel_loop3A_512 = tpu.vector_load %arg7[%parallel_loop3A_508, %parallel_loop3A_509, %parallel_loop3A_510, %parallel_loop3A_511] {strides = array<i32>} : memref<8x8x8x128xf32, #tpu.memory_space<vmem>>, vector<16xf32>,
      tpu.vector_store %arg7[%parallel_loop3A_508, %parallel_loop3A_509, %parallel_loop3A_510, %parallel_loop3A_511], %parallel_loop3A_505 {strides = array<i32>} : memref<8x8x8x128xf32, #tpu.memory_space<vmem>>, vector<16xf32>,
    } {sc.loop_unroll_factor = 8 : i64, sc.parallel_access}
    %dma_start3A_163 = arith.constant 6 : i32
    %dma_start3A_164 = arith.constant 6 : i32
    %dma_start3A_165 = arith.constant 0 : i32
    %dma_start3A_166 = arith.constant 0 : i32
    %dma_start3A_167 = arith.constant 0 : i32
    %dma_start3A_168 = tpu.memref_slice %arg7[%dma_start3A_163, %dma_start3A_165, %dma_start3A_166, %dma_start3A_167] : memref<8x8x8x128xf32, #tpu.memory_space<vmem>> -> memref<1x8x8x128xf32, #tpu.memory_space<vmem>>
    %dma_start3A_169 = tpu.memref_squeeze %dma_start3A_168 : memref<1x8x8x128xf32, #tpu.memory_space<vmem>> -> memref<8x8x128xf32, #tpu.memory_space<vmem>>
    %dma_start3A_170 = arith.constant 0 : i32
    %dma_start3A_171 = arith.constant 0 : i32
    %dma_start3A_172 = arith.constant 0 : i32
    %dma_start3A_173 = tpu.memref_slice %arg4[%add3A, %dma_start3A_164, %dma_start3A_170, %dma_start3A_171, %dma_start3A_172] : memref<32x8x8x8x128xf32, #tpu.memory_space<hbm>> -> memref<1x1x8x8x128xf32, #tpu.memory_space<hbm>>
    %dma_start3A_174 = tpu.memref_squeeze %dma_start3A_173 : memref<1x1x8x8x128xf32, #tpu.memory_space<hbm>> -> memref<8x8x128xf32, #tpu.memory_space<hbm>>
    %dma_start3A_175 = arith.constant 0 : i32
    %dma_start3A_176 = arith.constant 0 : i32
    %dma_start3A_177 = arith.constant 0 : i32
    %dma_start3A_178 = tpu.memref_slice %arg4[%add3A, %dma_start3A_164, %dma_start3A_175, %dma_start3A_176, %dma_start3A_177] : memref<32x8x8x8x128xf32, #tpu.memory_space<hbm>> -> memref<1x1x8x8x128xf32, #tpu.memory_space<hbm>>
    %dma_start3A_179 = tpu.memref_squeeze %dma_start3A_178 : memref<1x1x8x8x128xf32, #tpu.memory_space<hbm>> -> memref<8x8x128xf32, #tpu.memory_space<hbm>>
    %dma_start3A_180 = arith.constant 0 : i32
    %dma_start3A_181 = arith.constant 0 : i32
    %dma_start3A_182 = arith.constant 0 : i32
    %dma_start3A_183 = tpu.memref_slice %arg7[%dma_start3A_163, %dma_start3A_180, %dma_start3A_181, %dma_start3A_182] : memref<8x8x8x128xf32, #tpu.memory_space<vmem>> -> memref<1x8x8x128xf32, #tpu.memory_space<vmem>>
    %dma_start3A_184 = tpu.memref_squeeze %dma_start3A_183 : memref<1x8x8x128xf32, #tpu.memory_space<vmem>> -> memref<8x8x128xf32, #tpu.memory_space<vmem>>
    tpu.enqueue_dma source(%dma_start3A_184 : memref<8x8x128xf32, #tpu.memory_space<vmem>>) target(%dma_start3A_179 : memref<8x8x128xf32, #tpu.memory_space<hbm>>) target_semaphore(%arg10 : memref<!tpu.dma_semaphore, #tpu.memory_space<semaphore_mem>>)
    %parallel_loop3A_185 = arith.constant 0 : i32
    %parallel_loop3A_186 = arith.constant 64 : i32
    %parallel_loop3A_187 = arith.constant 1 : i32
    scf.for %parallel_loop3A_386 = %parallel_loop3A_185 to %parallel_loop3A_186 step %parallel_loop3A_187  : i32 {
      %parallel_loop3A_387 = arith.constant 16 : i32
      %parallel_loop3A_388 = arith.muli %parallel_loop3A_386, %parallel_loop3A_387 : i32
      %parallel_loop3A_389 = arith.index_cast %parallel_loop3A_388 : i32 to index
      %parallel_loop3A_390 = tpu.vector_load %arg6[%parallel_loop3A_389] {strides = array<i32>} : memref<1024xi32, #tpu.memory_space<vmem>>, vector<16xi32>,
      %parallel_loop3A_391 = arith.constant 8 : i32
      %parallel_loop3A_392 = arith.divsi %parallel_loop3A_386, %parallel_loop3A_391 : i32
      %parallel_loop3A_393 = arith.constant 0 : i32
      %parallel_loop3A_394 = arith.cmpi sgt, %parallel_loop3A_386, %parallel_loop3A_393 : i32
      %parallel_loop3A_395 = arith.extui %parallel_loop3A_394 : i1 to i32
      %parallel_loop3A_396 = arith.constant 0 : i32
      %parallel_loop3A_397 = arith.cmpi slt, %parallel_loop3A_386, %parallel_loop3A_396 : i32
      %parallel_loop3A_398 = arith.extui %parallel_loop3A_397 : i1 to i32
      %parallel_loop3A_399 = arith.subi %parallel_loop3A_395, %parallel_loop3A_398 : i32
      %parallel_loop3A_400 = arith.constant 0 : i32
      %parallel_loop3A_401 = arith.cmpi sgt, %parallel_loop3A_391, %parallel_loop3A_400 : i32
      %parallel_loop3A_402 = arith.extui %parallel_loop3A_401 : i1 to i32
      %parallel_loop3A_403 = arith.constant 0 : i32
      %parallel_loop3A_404 = arith.cmpi slt, %parallel_loop3A_391, %parallel_loop3A_403 : i32
      %parallel_loop3A_405 = arith.extui %parallel_loop3A_404 : i1 to i32
      %parallel_loop3A_406 = arith.subi %parallel_loop3A_402, %parallel_loop3A_405 : i32
      %parallel_loop3A_407 = arith.cmpi ne, %parallel_loop3A_399, %parallel_loop3A_406 : i32
      %parallel_loop3A_408 = arith.remsi %parallel_loop3A_386, %parallel_loop3A_391 : i32
      %parallel_loop3A_409 = arith.constant 0 : i32
      %parallel_loop3A_410 = arith.cmpi ne, %parallel_loop3A_408, %parallel_loop3A_409 : i32
      %parallel_loop3A_411 = arith.andi %parallel_loop3A_407, %parallel_loop3A_410 : i1
      %parallel_loop3A_412 = arith.constant 1 : i32
      %parallel_loop3A_413 = arith.subi %parallel_loop3A_392, %parallel_loop3A_412 : i32
      %parallel_loop3A_414 = arith.select %parallel_loop3A_411, %parallel_loop3A_413, %parallel_loop3A_392 : i32
      %parallel_loop3A_415 = arith.constant 8 : i32
      %parallel_loop3A_416 = arith.constant 0 : i32
      %parallel_loop3A_417 = arith.cmpi eq, %parallel_loop3A_415, %parallel_loop3A_416 : i32
      %parallel_loop3A_418 = arith.constant 1 : i32
      %parallel_loop3A_419 = arith.select %parallel_loop3A_417, %parallel_loop3A_418, %parallel_loop3A_415 : i32
      %parallel_loop3A_420 = arith.remsi %parallel_loop3A_386, %parallel_loop3A_419 : i32
      %parallel_loop3A_421 = arith.constant 0 : i32
      %parallel_loop3A_422 = arith.cmpi ne, %parallel_loop3A_420, %parallel_loop3A_421 : i32
      %parallel_loop3A_423 = arith.constant 0 : i32
      %parallel_loop3A_424 = arith.cmpi slt, %parallel_loop3A_420, %parallel_loop3A_423 : i32
      %parallel_loop3A_425 = arith.constant 0 : i32
      %parallel_loop3A_426 = arith.cmpi slt, %parallel_loop3A_419, %parallel_loop3A_425 : i32
      %parallel_loop3A_427 = arith.xori %parallel_loop3A_424, %parallel_loop3A_426 : i1
      %parallel_loop3A_428 = arith.andi %parallel_loop3A_427, %parallel_loop3A_422 : i1
      %parallel_loop3A_429 = arith.addi %parallel_loop3A_420, %parallel_loop3A_419 : i32
      %parallel_loop3A_430 = arith.select %parallel_loop3A_428, %parallel_loop3A_429, %parallel_loop3A_420 : i32
      %parallel_loop3A_431 = arith.constant 16 : i32
      %parallel_loop3A_432 = arith.muli %parallel_loop3A_430, %parallel_loop3A_431 : i32
      %parallel_loop3A_433 = arith.constant 56 : i32
      %parallel_loop3A_434 = vector.broadcast %parallel_loop3A_433 : i32 to vector<16xi32>
      %parallel_loop3A_435 = tpu.vector_load_idx %arg5[%parallel_loop3A_434, %parallel_loop3A_390] : memref<64x512xf32, #tpu.memory_space<vmem>>[vector<16xi32>, vector<16xi32>], vector<16xf32>,
      %parallel_loop3A_436 = arith.constant 7 : i32
      %parallel_loop3A_437 = arith.constant 0 : i32
      %parallel_loop3A_438 = arith.index_cast %parallel_loop3A_436 : i32 to index
      %parallel_loop3A_439 = arith.index_cast %parallel_loop3A_414 : i32 to index
      %parallel_loop3A_440 = arith.index_cast %parallel_loop3A_437 : i32 to index
      %parallel_loop3A_441 = arith.index_cast %parallel_loop3A_432 : i32 to index
      %parallel_loop3A_442 = tpu.vector_load %arg7[%parallel_loop3A_438, %parallel_loop3A_439, %parallel_loop3A_440, %parallel_loop3A_441] {strides = array<i32>} : memref<8x8x8x128xf32, #tpu.memory_space<vmem>>, vector<16xf32>,
      tpu.vector_store %arg7[%parallel_loop3A_438, %parallel_loop3A_439, %parallel_loop3A_440, %parallel_loop3A_441], %parallel_loop3A_435 {strides = array<i32>} : memref<8x8x8x128xf32, #tpu.memory_space<vmem>>, vector<16xf32>,
      %parallel_loop3A_443 = arith.constant 57 : i32
      %parallel_loop3A_444 = vector.broadcast %parallel_loop3A_443 : i32 to vector<16xi32>
      %parallel_loop3A_445 = tpu.vector_load_idx %arg5[%parallel_loop3A_444, %parallel_loop3A_390] : memref<64x512xf32, #tpu.memory_space<vmem>>[vector<16xi32>, vector<16xi32>], vector<16xf32>,
      %parallel_loop3A_446 = arith.constant 7 : i32
      %parallel_loop3A_447 = arith.constant 1 : i32
      %parallel_loop3A_448 = arith.index_cast %parallel_loop3A_446 : i32 to index
      %parallel_loop3A_449 = arith.index_cast %parallel_loop3A_414 : i32 to index
      %parallel_loop3A_450 = arith.index_cast %parallel_loop3A_447 : i32 to index
      %parallel_loop3A_451 = arith.index_cast %parallel_loop3A_432 : i32 to index
      %parallel_loop3A_452 = tpu.vector_load %arg7[%parallel_loop3A_448, %parallel_loop3A_449, %parallel_loop3A_450, %parallel_loop3A_451] {strides = array<i32>} : memref<8x8x8x128xf32, #tpu.memory_space<vmem>>, vector<16xf32>,
      tpu.vector_store %arg7[%parallel_loop3A_448, %parallel_loop3A_449, %parallel_loop3A_450, %parallel_loop3A_451], %parallel_loop3A_445 {strides = array<i32>} : memref<8x8x8x128xf32, #tpu.memory_space<vmem>>, vector<16xf32>,
      %parallel_loop3A_453 = arith.constant 58 : i32
      %parallel_loop3A_454 = vector.broadcast %parallel_loop3A_453 : i32 to vector<16xi32>
      %parallel_loop3A_455 = tpu.vector_load_idx %arg5[%parallel_loop3A_454, %parallel_loop3A_390] : memref<64x512xf32, #tpu.memory_space<vmem>>[vector<16xi32>, vector<16xi32>], vector<16xf32>,
      %parallel_loop3A_456 = arith.constant 7 : i32
      %parallel_loop3A_457 = arith.constant 2 : i32
      %parallel_loop3A_458 = arith.index_cast %parallel_loop3A_456 : i32 to index
      %parallel_loop3A_459 = arith.index_cast %parallel_loop3A_414 : i32 to index
      %parallel_loop3A_460 = arith.index_cast %parallel_loop3A_457 : i32 to index
      %parallel_loop3A_461 = arith.index_cast %parallel_loop3A_432 : i32 to index
      %parallel_loop3A_462 = tpu.vector_load %arg7[%parallel_loop3A_458, %parallel_loop3A_459, %parallel_loop3A_460, %parallel_loop3A_461] {strides = array<i32>} : memref<8x8x8x128xf32, #tpu.memory_space<vmem>>, vector<16xf32>,
      tpu.vector_store %arg7[%parallel_loop3A_458, %parallel_loop3A_459, %parallel_loop3A_460, %parallel_loop3A_461], %parallel_loop3A_455 {strides = array<i32>} : memref<8x8x8x128xf32, #tpu.memory_space<vmem>>, vector<16xf32>,
      %parallel_loop3A_463 = arith.constant 59 : i32
      %parallel_loop3A_464 = vector.broadcast %parallel_loop3A_463 : i32 to vector<16xi32>
      %parallel_loop3A_465 = tpu.vector_load_idx %arg5[%parallel_loop3A_464, %parallel_loop3A_390] : memref<64x512xf32, #tpu.memory_space<vmem>>[vector<16xi32>, vector<16xi32>], vector<16xf32>,
      %parallel_loop3A_466 = arith.constant 7 : i32
      %parallel_loop3A_467 = arith.constant 3 : i32
      %parallel_loop3A_468 = arith.index_cast %parallel_loop3A_466 : i32 to index
      %parallel_loop3A_469 = arith.index_cast %parallel_loop3A_414 : i32 to index
      %parallel_loop3A_470 = arith.index_cast %parallel_loop3A_467 : i32 to index
      %parallel_loop3A_471 = arith.index_cast %parallel_loop3A_432 : i32 to index
      %parallel_loop3A_472 = tpu.vector_load %arg7[%parallel_loop3A_468, %parallel_loop3A_469, %parallel_loop3A_470, %parallel_loop3A_471] {strides = array<i32>} : memref<8x8x8x128xf32, #tpu.memory_space<vmem>>, vector<16xf32>,
      tpu.vector_store %arg7[%parallel_loop3A_468, %parallel_loop3A_469, %parallel_loop3A_470, %parallel_loop3A_471], %parallel_loop3A_465 {strides = array<i32>} : memref<8x8x8x128xf32, #tpu.memory_space<vmem>>, vector<16xf32>,
      %parallel_loop3A_473 = arith.constant 60 : i32
      %parallel_loop3A_474 = vector.broadcast %parallel_loop3A_473 : i32 to vector<16xi32>
      %parallel_loop3A_475 = tpu.vector_load_idx %arg5[%parallel_loop3A_474, %parallel_loop3A_390] : memref<64x512xf32, #tpu.memory_space<vmem>>[vector<16xi32>, vector<16xi32>], vector<16xf32>,
      %parallel_loop3A_476 = arith.constant 7 : i32
      %parallel_loop3A_477 = arith.constant 4 : i32
      %parallel_loop3A_478 = arith.index_cast %parallel_loop3A_476 : i32 to index
      %parallel_loop3A_479 = arith.index_cast %parallel_loop3A_414 : i32 to index
      %parallel_loop3A_480 = arith.index_cast %parallel_loop3A_477 : i32 to index
      %parallel_loop3A_481 = arith.index_cast %parallel_loop3A_432 : i32 to index
      %parallel_loop3A_482 = tpu.vector_load %arg7[%parallel_loop3A_478, %parallel_loop3A_479, %parallel_loop3A_480, %parallel_loop3A_481] {strides = array<i32>} : memref<8x8x8x128xf32, #tpu.memory_space<vmem>>, vector<16xf32>,
      tpu.vector_store %arg7[%parallel_loop3A_478, %parallel_loop3A_479, %parallel_loop3A_480, %parallel_loop3A_481], %parallel_loop3A_475 {strides = array<i32>} : memref<8x8x8x128xf32, #tpu.memory_space<vmem>>, vector<16xf32>,
      %parallel_loop3A_483 = arith.constant 61 : i32
      %parallel_loop3A_484 = vector.broadcast %parallel_loop3A_483 : i32 to vector<16xi32>
      %parallel_loop3A_485 = tpu.vector_load_idx %arg5[%parallel_loop3A_484, %parallel_loop3A_390] : memref<64x512xf32, #tpu.memory_space<vmem>>[vector<16xi32>, vector<16xi32>], vector<16xf32>,
      %parallel_loop3A_486 = arith.constant 7 : i32
      %parallel_loop3A_487 = arith.constant 5 : i32
      %parallel_loop3A_488 = arith.index_cast %parallel_loop3A_486 : i32 to index
      %parallel_loop3A_489 = arith.index_cast %parallel_loop3A_414 : i32 to index
      %parallel_loop3A_490 = arith.index_cast %parallel_loop3A_487 : i32 to index
      %parallel_loop3A_491 = arith.index_cast %parallel_loop3A_432 : i32 to index
      %parallel_loop3A_492 = tpu.vector_load %arg7[%parallel_loop3A_488, %parallel_loop3A_489, %parallel_loop3A_490, %parallel_loop3A_491] {strides = array<i32>} : memref<8x8x8x128xf32, #tpu.memory_space<vmem>>, vector<16xf32>,
      tpu.vector_store %arg7[%parallel_loop3A_488, %parallel_loop3A_489, %parallel_loop3A_490, %parallel_loop3A_491], %parallel_loop3A_485 {strides = array<i32>} : memref<8x8x8x128xf32, #tpu.memory_space<vmem>>, vector<16xf32>,
      %parallel_loop3A_493 = arith.constant 62 : i32
      %parallel_loop3A_494 = vector.broadcast %parallel_loop3A_493 : i32 to vector<16xi32>
      %parallel_loop3A_495 = tpu.vector_load_idx %arg5[%parallel_loop3A_494, %parallel_loop3A_390] : memref<64x512xf32, #tpu.memory_space<vmem>>[vector<16xi32>, vector<16xi32>], vector<16xf32>,
      %parallel_loop3A_496 = arith.constant 7 : i32
      %parallel_loop3A_497 = arith.constant 6 : i32
      %parallel_loop3A_498 = arith.index_cast %parallel_loop3A_496 : i32 to index
      %parallel_loop3A_499 = arith.index_cast %parallel_loop3A_414 : i32 to index
      %parallel_loop3A_500 = arith.index_cast %parallel_loop3A_497 : i32 to index
      %parallel_loop3A_501 = arith.index_cast %parallel_loop3A_432 : i32 to index
      %parallel_loop3A_502 = tpu.vector_load %arg7[%parallel_loop3A_498, %parallel_loop3A_499, %parallel_loop3A_500, %parallel_loop3A_501] {strides = array<i32>} : memref<8x8x8x128xf32, #tpu.memory_space<vmem>>, vector<16xf32>,
      tpu.vector_store %arg7[%parallel_loop3A_498, %parallel_loop3A_499, %parallel_loop3A_500, %parallel_loop3A_501], %parallel_loop3A_495 {strides = array<i32>} : memref<8x8x8x128xf32, #tpu.memory_space<vmem>>, vector<16xf32>,
      %parallel_loop3A_503 = arith.constant 63 : i32
      %parallel_loop3A_504 = vector.broadcast %parallel_loop3A_503 : i32 to vector<16xi32>
      %parallel_loop3A_505 = tpu.vector_load_idx %arg5[%parallel_loop3A_504, %parallel_loop3A_390] : memref<64x512xf32, #tpu.memory_space<vmem>>[vector<16xi32>, vector<16xi32>], vector<16xf32>,
      %parallel_loop3A_506 = arith.constant 7 : i32
      %parallel_loop3A_507 = arith.constant 7 : i32
      %parallel_loop3A_508 = arith.index_cast %parallel_loop3A_506 : i32 to index
      %parallel_loop3A_509 = arith.index_cast %parallel_loop3A_414 : i32 to index
      %parallel_loop3A_510 = arith.index_cast %parallel_loop3A_507 : i32 to index
      %parallel_loop3A_511 = arith.index_cast %parallel_loop3A_432 : i32 to index
      %parallel_loop3A_512 = tpu.vector_load %arg7[%parallel_loop3A_508, %parallel_loop3A_509, %parallel_loop3A_510, %parallel_loop3A_511] {strides = array<i32>} : memref<8x8x8x128xf32, #tpu.memory_space<vmem>>, vector<16xf32>,
      tpu.vector_store %arg7[%parallel_loop3A_508, %parallel_loop3A_509, %parallel_loop3A_510, %parallel_loop3A_511], %parallel_loop3A_505 {strides = array<i32>} : memref<8x8x8x128xf32, #tpu.memory_space<vmem>>, vector<16xf32>,
    } {sc.loop_unroll_factor = 8 : i64, sc.parallel_access}
    %dma_start3A_188 = arith.constant 7 : i32
    %dma_start3A_189 = arith.constant 7 : i32
    %dma_start3A_190 = arith.constant 0 : i32
    %dma_start3A_191 = arith.constant 0 : i32
    %dma_start3A_192 = arith.constant 0 : i32
    %dma_start3A_193 = tpu.memref_slice %arg7[%dma_start3A_188, %dma_start3A_190, %dma_start3A_191, %dma_start3A_192] : memref<8x8x8x128xf32, #tpu.memory_space<vmem>> -> memref<1x8x8x128xf32, #tpu.memory_space<vmem>>
    %dma_start3A_194 = tpu.memref_squeeze %dma_start3A_193 : memref<1x8x8x128xf32, #tpu.memory_space<vmem>> -> memref<8x8x128xf32, #tpu.memory_space<vmem>>
    %dma_start3A_195 = arith.constant 0 : i32
    %dma_start3A_196 = arith.constant 0 : i32
    %dma_start3A_197 = arith.constant 0 : i32
    %dma_start3A_198 = tpu.memref_slice %arg4[%add3A, %dma_start3A_189, %dma_start3A_195, %dma_start3A_196, %dma_start3A_197] : memref<32x8x8x8x128xf32, #tpu.memory_space<hbm>> -> memref<1x1x8x8x128xf32, #tpu.memory_space<hbm>>
    %dma_start3A_199 = tpu.memref_squeeze %dma_start3A_198 : memref<1x1x8x8x128xf32, #tpu.memory_space<hbm>> -> memref<8x8x128xf32, #tpu.memory_space<hbm>>
    %dma_start3A_200 = arith.constant 0 : i32
    %dma_start3A_201 = arith.constant 0 : i32
    %dma_start3A_202 = arith.constant 0 : i32
    %dma_start3A_203 = tpu.memref_slice %arg4[%add3A, %dma_start3A_189, %dma_start3A_200, %dma_start3A_201, %dma_start3A_202] : memref<32x8x8x8x128xf32, #tpu.memory_space<hbm>> -> memref<1x1x8x8x128xf32, #tpu.memory_space<hbm>>
    %dma_start3A_204 = tpu.memref_squeeze %dma_start3A_203 : memref<1x1x8x8x128xf32, #tpu.memory_space<hbm>> -> memref<8x8x128xf32, #tpu.memory_space<hbm>>
    %dma_start3A_205 = arith.constant 0 : i32
    %dma_start3A_206 = arith.constant 0 : i32
    %dma_start3A_207 = arith.constant 0 : i32
    %dma_start3A_208 = tpu.memref_slice %arg7[%dma_start3A_188, %dma_start3A_205, %dma_start3A_206, %dma_start3A_207] : memref<8x8x8x128xf32, #tpu.memory_space<vmem>> -> memref<1x8x8x128xf32, #tpu.memory_space<vmem>>
    %dma_start3A_209 = tpu.memref_squeeze %dma_start3A_208 : memref<1x8x8x128xf32, #tpu.memory_space<vmem>> -> memref<8x8x128xf32, #tpu.memory_space<vmem>>
    tpu.enqueue_dma source(%dma_start3A_209 : memref<8x8x128xf32, #tpu.memory_space<vmem>>) target(%dma_start3A_204 : memref<8x8x128xf32, #tpu.memory_space<hbm>>) target_semaphore(%arg10 : memref<!tpu.dma_semaphore, #tpu.memory_space<semaphore_mem>>)
    %dma_wait3A_210 = arith.constant 0 : i32
    %dma_wait3A_211 = arith.constant 0 : i32
    %dma_wait3A_212 = arith.constant 0 : i32
    %dma_wait3A_213 = arith.constant 0 : i32
    %dma_wait3A_214 = arith.constant 0 : i32
    %dma_wait3A_215 = tpu.memref_slice %arg7[%dma_wait3A_210, %dma_wait3A_212, %dma_wait3A_213, %dma_wait3A_214] : memref<8x8x8x128xf32, #tpu.memory_space<vmem>> -> memref<1x8x8x128xf32, #tpu.memory_space<vmem>>
    %dma_wait3A_216 = tpu.memref_squeeze %dma_wait3A_215 : memref<1x8x8x128xf32, #tpu.memory_space<vmem>> -> memref<8x8x128xf32, #tpu.memory_space<vmem>>
    %dma_wait3A_217 = arith.constant 0 : i32
    %dma_wait3A_218 = arith.constant 0 : i32
    %dma_wait3A_219 = arith.constant 0 : i32
    %dma_wait3A_220 = tpu.memref_slice %arg4[%add3A, %dma_wait3A_211, %dma_wait3A_217, %dma_wait3A_218, %dma_wait3A_219] : memref<32x8x8x8x128xf32, #tpu.memory_space<hbm>> -> memref<1x1x8x8x128xf32, #tpu.memory_space<hbm>>
    %dma_wait3A_221 = tpu.memref_squeeze %dma_wait3A_220 : memref<1x1x8x8x128xf32, #tpu.memory_space<hbm>> -> memref<8x8x128xf32, #tpu.memory_space<hbm>>
    %dma_wait3A_222 = arith.constant 0 : i32
    %dma_wait3A_223 = arith.constant 0 : i32
    %dma_wait3A_224 = arith.constant 0 : i32
    %dma_wait3A_225 = tpu.memref_slice %arg4[%add3A, %dma_wait3A_211, %dma_wait3A_222, %dma_wait3A_223, %dma_wait3A_224] : memref<32x8x8x8x128xf32, #tpu.memory_space<hbm>> -> memref<1x1x8x8x128xf32, #tpu.memory_space<hbm>>
    %dma_wait3A_226 = tpu.memref_squeeze %dma_wait3A_225 : memref<1x1x8x8x128xf32, #tpu.memory_space<hbm>> -> memref<8x8x128xf32, #tpu.memory_space<hbm>>
    %dma_wait3A_227 = arith.constant 0 : i32
    %dma_wait3A_228 = arith.constant 0 : i32
    %dma_wait3A_229 = arith.constant 0 : i32
    %dma_wait3A_230 = tpu.memref_slice %arg7[%dma_wait3A_210, %dma_wait3A_227, %dma_wait3A_228, %dma_wait3A_229] : memref<8x8x8x128xf32, #tpu.memory_space<vmem>> -> memref<1x8x8x128xf32, #tpu.memory_space<vmem>>
    %dma_wait3A_231 = tpu.memref_squeeze %dma_wait3A_230 : memref<1x8x8x128xf32, #tpu.memory_space<vmem>> -> memref<8x8x128xf32, #tpu.memory_space<vmem>>
    tpu.wait_dma2 semaphore(%arg10 : memref<!tpu.dma_semaphore, #tpu.memory_space<semaphore_mem>>) src(%dma_wait3A_231 : memref<8x8x128xf32, #tpu.memory_space<vmem>>) dst(%dma_wait3A_226 : memref<8x8x128xf32, #tpu.memory_space<hbm>>)
    %dma_wait3A_232 = arith.constant 1 : i32
    %dma_wait3A_233 = arith.constant 1 : i32
    %dma_wait3A_234 = arith.constant 0 : i32
    %dma_wait3A_235 = arith.constant 0 : i32
    %dma_wait3A_236 = arith.constant 0 : i32
    %dma_wait3A_237 = tpu.memref_slice %arg7[%dma_wait3A_232, %dma_wait3A_234, %dma_wait3A_235, %dma_wait3A_236] : memref<8x8x8x128xf32, #tpu.memory_space<vmem>> -> memref<1x8x8x128xf32, #tpu.memory_space<vmem>>
    %dma_wait3A_238 = tpu.memref_squeeze %dma_wait3A_237 : memref<1x8x8x128xf32, #tpu.memory_space<vmem>> -> memref<8x8x128xf32, #tpu.memory_space<vmem>>
    %dma_wait3A_239 = arith.constant 0 : i32
    %dma_wait3A_240 = arith.constant 0 : i32
    %dma_wait3A_241 = arith.constant 0 : i32
    %dma_wait3A_242 = tpu.memref_slice %arg4[%add3A, %dma_wait3A_233, %dma_wait3A_239, %dma_wait3A_240, %dma_wait3A_241] : memref<32x8x8x8x128xf32, #tpu.memory_space<hbm>> -> memref<1x1x8x8x128xf32, #tpu.memory_space<hbm>>
    %dma_wait3A_243 = tpu.memref_squeeze %dma_wait3A_242 : memref<1x1x8x8x128xf32, #tpu.memory_space<hbm>> -> memref<8x8x128xf32, #tpu.memory_space<hbm>>
    %dma_wait3A_244 = arith.constant 0 : i32
    %dma_wait3A_245 = arith.constant 0 : i32
    %dma_wait3A_246 = arith.constant 0 : i32
    %dma_wait3A_247 = tpu.memref_slice %arg4[%add3A, %dma_wait3A_233, %dma_wait3A_244, %dma_wait3A_245, %dma_wait3A_246] : memref<32x8x8x8x128xf32, #tpu.memory_space<hbm>> -> memref<1x1x8x8x128xf32, #tpu.memory_space<hbm>>
    %dma_wait3A_248 = tpu.memref_squeeze %dma_wait3A_247 : memref<1x1x8x8x128xf32, #tpu.memory_space<hbm>> -> memref<8x8x128xf32, #tpu.memory_space<hbm>>
    %dma_wait3A_249 = arith.constant 0 : i32
    %dma_wait3A_250 = arith.constant 0 : i32
    %dma_wait3A_251 = arith.constant 0 : i32
    %dma_wait3A_252 = tpu.memref_slice %arg7[%dma_wait3A_232, %dma_wait3A_249, %dma_wait3A_250, %dma_wait3A_251] : memref<8x8x8x128xf32, #tpu.memory_space<vmem>> -> memref<1x8x8x128xf32, #tpu.memory_space<vmem>>
    %dma_wait3A_253 = tpu.memref_squeeze %dma_wait3A_252 : memref<1x8x8x128xf32, #tpu.memory_space<vmem>> -> memref<8x8x128xf32, #tpu.memory_space<vmem>>
    tpu.wait_dma2 semaphore(%arg10 : memref<!tpu.dma_semaphore, #tpu.memory_space<semaphore_mem>>) src(%dma_wait3A_253 : memref<8x8x128xf32, #tpu.memory_space<vmem>>) dst(%dma_wait3A_248 : memref<8x8x128xf32, #tpu.memory_space<hbm>>)
    %dma_wait3A_254 = arith.constant 2 : i32
    %dma_wait3A_255 = arith.constant 2 : i32
    %dma_wait3A_256 = arith.constant 0 : i32
    %dma_wait3A_257 = arith.constant 0 : i32
    %dma_wait3A_258 = arith.constant 0 : i32
    %dma_wait3A_259 = tpu.memref_slice %arg7[%dma_wait3A_254, %dma_wait3A_256, %dma_wait3A_257, %dma_wait3A_258] : memref<8x8x8x128xf32, #tpu.memory_space<vmem>> -> memref<1x8x8x128xf32, #tpu.memory_space<vmem>>
    %dma_wait3A_260 = tpu.memref_squeeze %dma_wait3A_259 : memref<1x8x8x128xf32, #tpu.memory_space<vmem>> -> memref<8x8x128xf32, #tpu.memory_space<vmem>>
    %dma_wait3A_261 = arith.constant 0 : i32
    %dma_wait3A_262 = arith.constant 0 : i32
    %dma_wait3A_263 = arith.constant 0 : i32
    %dma_wait3A_264 = tpu.memref_slice %arg4[%add3A, %dma_wait3A_255, %dma_wait3A_261, %dma_wait3A_262, %dma_wait3A_263] : memref<32x8x8x8x128xf32, #tpu.memory_space<hbm>> -> memref<1x1x8x8x128xf32, #tpu.memory_space<hbm>>
    %dma_wait3A_265 = tpu.memref_squeeze %dma_wait3A_264 : memref<1x1x8x8x128xf32, #tpu.memory_space<hbm>> -> memref<8x8x128xf32, #tpu.memory_space<hbm>>
    %dma_wait3A_266 = arith.constant 0 : i32
    %dma_wait3A_267 = arith.constant 0 : i32
    %dma_wait3A_268 = arith.constant 0 : i32
    %dma_wait3A_269 = tpu.memref_slice %arg4[%add3A, %dma_wait3A_255, %dma_wait3A_266, %dma_wait3A_267, %dma_wait3A_268] : memref<32x8x8x8x128xf32, #tpu.memory_space<hbm>> -> memref<1x1x8x8x128xf32, #tpu.memory_space<hbm>>
    %dma_wait3A_270 = tpu.memref_squeeze %dma_wait3A_269 : memref<1x1x8x8x128xf32, #tpu.memory_space<hbm>> -> memref<8x8x128xf32, #tpu.memory_space<hbm>>
    %dma_wait3A_271 = arith.constant 0 : i32
    %dma_wait3A_272 = arith.constant 0 : i32
    %dma_wait3A_273 = arith.constant 0 : i32
    %dma_wait3A_274 = tpu.memref_slice %arg7[%dma_wait3A_254, %dma_wait3A_271, %dma_wait3A_272, %dma_wait3A_273] : memref<8x8x8x128xf32, #tpu.memory_space<vmem>> -> memref<1x8x8x128xf32, #tpu.memory_space<vmem>>
    %dma_wait3A_275 = tpu.memref_squeeze %dma_wait3A_274 : memref<1x8x8x128xf32, #tpu.memory_space<vmem>> -> memref<8x8x128xf32, #tpu.memory_space<vmem>>
    tpu.wait_dma2 semaphore(%arg10 : memref<!tpu.dma_semaphore, #tpu.memory_space<semaphore_mem>>) src(%dma_wait3A_275 : memref<8x8x128xf32, #tpu.memory_space<vmem>>) dst(%dma_wait3A_270 : memref<8x8x128xf32, #tpu.memory_space<hbm>>)
    %dma_wait3A_276 = arith.constant 3 : i32
    %dma_wait3A_277 = arith.constant 3 : i32
    %dma_wait3A_278 = arith.constant 0 : i32
    %dma_wait3A_279 = arith.constant 0 : i32
    %dma_wait3A_280 = arith.constant 0 : i32
    %dma_wait3A_281 = tpu.memref_slice %arg7[%dma_wait3A_276, %dma_wait3A_278, %dma_wait3A_279, %dma_wait3A_280] : memref<8x8x8x128xf32, #tpu.memory_space<vmem>> -> memref<1x8x8x128xf32, #tpu.memory_space<vmem>>
    %dma_wait3A_282 = tpu.memref_squeeze %dma_wait3A_281 : memref<1x8x8x128xf32, #tpu.memory_space<vmem>> -> memref<8x8x128xf32, #tpu.memory_space<vmem>>
    %dma_wait3A_283 = arith.constant 0 : i32
    %dma_wait3A_284 = arith.constant 0 : i32
    %dma_wait3A_285 = arith.constant 0 : i32
    %dma_wait3A_286 = tpu.memref_slice %arg4[%add3A, %dma_wait3A_277, %dma_wait3A_283, %dma_wait3A_284, %dma_wait3A_285] : memref<32x8x8x8x128xf32, #tpu.memory_space<hbm>> -> memref<1x1x8x8x128xf32, #tpu.memory_space<hbm>>
    %dma_wait3A_287 = tpu.memref_squeeze %dma_wait3A_286 : memref<1x1x8x8x128xf32, #tpu.memory_space<hbm>> -> memref<8x8x128xf32, #tpu.memory_space<hbm>>
    %dma_wait3A_288 = arith.constant 0 : i32
    %dma_wait3A_289 = arith.constant 0 : i32
    %dma_wait3A_290 = arith.constant 0 : i32
    %dma_wait3A_291 = tpu.memref_slice %arg4[%add3A, %dma_wait3A_277, %dma_wait3A_288, %dma_wait3A_289, %dma_wait3A_290] : memref<32x8x8x8x128xf32, #tpu.memory_space<hbm>> -> memref<1x1x8x8x128xf32, #tpu.memory_space<hbm>>
    %dma_wait3A_292 = tpu.memref_squeeze %dma_wait3A_291 : memref<1x1x8x8x128xf32, #tpu.memory_space<hbm>> -> memref<8x8x128xf32, #tpu.memory_space<hbm>>
    %dma_wait3A_293 = arith.constant 0 : i32
    %dma_wait3A_294 = arith.constant 0 : i32
    %dma_wait3A_295 = arith.constant 0 : i32
    %dma_wait3A_296 = tpu.memref_slice %arg7[%dma_wait3A_276, %dma_wait3A_293, %dma_wait3A_294, %dma_wait3A_295] : memref<8x8x8x128xf32, #tpu.memory_space<vmem>> -> memref<1x8x8x128xf32, #tpu.memory_space<vmem>>
    %dma_wait3A_297 = tpu.memref_squeeze %dma_wait3A_296 : memref<1x8x8x128xf32, #tpu.memory_space<vmem>> -> memref<8x8x128xf32, #tpu.memory_space<vmem>>
    tpu.wait_dma2 semaphore(%arg10 : memref<!tpu.dma_semaphore, #tpu.memory_space<semaphore_mem>>) src(%dma_wait3A_297 : memref<8x8x128xf32, #tpu.memory_space<vmem>>) dst(%dma_wait3A_292 : memref<8x8x128xf32, #tpu.memory_space<hbm>>)
    %dma_wait3A_298 = arith.constant 4 : i32
    %dma_wait3A_299 = arith.constant 4 : i32
    %dma_wait3A_300 = arith.constant 0 : i32
    %dma_wait3A_301 = arith.constant 0 : i32
    %dma_wait3A_302 = arith.constant 0 : i32
    %dma_wait3A_303 = tpu.memref_slice %arg7[%dma_wait3A_298, %dma_wait3A_300, %dma_wait3A_301, %dma_wait3A_302] : memref<8x8x8x128xf32, #tpu.memory_space<vmem>> -> memref<1x8x8x128xf32, #tpu.memory_space<vmem>>
    %dma_wait3A_304 = tpu.memref_squeeze %dma_wait3A_303 : memref<1x8x8x128xf32, #tpu.memory_space<vmem>> -> memref<8x8x128xf32, #tpu.memory_space<vmem>>
    %dma_wait3A_305 = arith.constant 0 : i32
    %dma_wait3A_306 = arith.constant 0 : i32
    %dma_wait3A_307 = arith.constant 0 : i32
    %dma_wait3A_308 = tpu.memref_slice %arg4[%add3A, %dma_wait3A_299, %dma_wait3A_305, %dma_wait3A_306, %dma_wait3A_307] : memref<32x8x8x8x128xf32, #tpu.memory_space<hbm>> -> memref<1x1x8x8x128xf32, #tpu.memory_space<hbm>>
    %dma_wait3A_309 = tpu.memref_squeeze %dma_wait3A_308 : memref<1x1x8x8x128xf32, #tpu.memory_space<hbm>> -> memref<8x8x128xf32, #tpu.memory_space<hbm>>
    %dma_wait3A_310 = arith.constant 0 : i32
    %dma_wait3A_311 = arith.constant 0 : i32
    %dma_wait3A_312 = arith.constant 0 : i32
    %dma_wait3A_313 = tpu.memref_slice %arg4[%add3A, %dma_wait3A_299, %dma_wait3A_310, %dma_wait3A_311, %dma_wait3A_312] : memref<32x8x8x8x128xf32, #tpu.memory_space<hbm>> -> memref<1x1x8x8x128xf32, #tpu.memory_space<hbm>>
    %dma_wait3A_314 = tpu.memref_squeeze %dma_wait3A_313 : memref<1x1x8x8x128xf32, #tpu.memory_space<hbm>> -> memref<8x8x128xf32, #tpu.memory_space<hbm>>
    %dma_wait3A_315 = arith.constant 0 : i32
    %dma_wait3A_316 = arith.constant 0 : i32
    %dma_wait3A_317 = arith.constant 0 : i32
    %dma_wait3A_318 = tpu.memref_slice %arg7[%dma_wait3A_298, %dma_wait3A_315, %dma_wait3A_316, %dma_wait3A_317] : memref<8x8x8x128xf32, #tpu.memory_space<vmem>> -> memref<1x8x8x128xf32, #tpu.memory_space<vmem>>
    %dma_wait3A_319 = tpu.memref_squeeze %dma_wait3A_318 : memref<1x8x8x128xf32, #tpu.memory_space<vmem>> -> memref<8x8x128xf32, #tpu.memory_space<vmem>>
    tpu.wait_dma2 semaphore(%arg10 : memref<!tpu.dma_semaphore, #tpu.memory_space<semaphore_mem>>) src(%dma_wait3A_319 : memref<8x8x128xf32, #tpu.memory_space<vmem>>) dst(%dma_wait3A_314 : memref<8x8x128xf32, #tpu.memory_space<hbm>>)
    %dma_wait3A_320 = arith.constant 5 : i32
    %dma_wait3A_321 = arith.constant 5 : i32
    %dma_wait3A_322 = arith.constant 0 : i32
    %dma_wait3A_323 = arith.constant 0 : i32
    %dma_wait3A_324 = arith.constant 0 : i32
    %dma_wait3A_325 = tpu.memref_slice %arg7[%dma_wait3A_320, %dma_wait3A_322, %dma_wait3A_323, %dma_wait3A_324] : memref<8x8x8x128xf32, #tpu.memory_space<vmem>> -> memref<1x8x8x128xf32, #tpu.memory_space<vmem>>
    %dma_wait3A_326 = tpu.memref_squeeze %dma_wait3A_325 : memref<1x8x8x128xf32, #tpu.memory_space<vmem>> -> memref<8x8x128xf32, #tpu.memory_space<vmem>>
    %dma_wait3A_327 = arith.constant 0 : i32
    %dma_wait3A_328 = arith.constant 0 : i32
    %dma_wait3A_329 = arith.constant 0 : i32
    %dma_wait3A_330 = tpu.memref_slice %arg4[%add3A, %dma_wait3A_321, %dma_wait3A_327, %dma_wait3A_328, %dma_wait3A_329] : memref<32x8x8x8x128xf32, #tpu.memory_space<hbm>> -> memref<1x1x8x8x128xf32, #tpu.memory_space<hbm>>
    %dma_wait3A_331 = tpu.memref_squeeze %dma_wait3A_330 : memref<1x1x8x8x128xf32, #tpu.memory_space<hbm>> -> memref<8x8x128xf32, #tpu.memory_space<hbm>>
    %dma_wait3A_332 = arith.constant 0 : i32
    %dma_wait3A_333 = arith.constant 0 : i32
    %dma_wait3A_334 = arith.constant 0 : i32
    %dma_wait3A_335 = tpu.memref_slice %arg4[%add3A, %dma_wait3A_321, %dma_wait3A_332, %dma_wait3A_333, %dma_wait3A_334] : memref<32x8x8x8x128xf32, #tpu.memory_space<hbm>> -> memref<1x1x8x8x128xf32, #tpu.memory_space<hbm>>
    %dma_wait3A_336 = tpu.memref_squeeze %dma_wait3A_335 : memref<1x1x8x8x128xf32, #tpu.memory_space<hbm>> -> memref<8x8x128xf32, #tpu.memory_space<hbm>>
    %dma_wait3A_337 = arith.constant 0 : i32
    %dma_wait3A_338 = arith.constant 0 : i32
    %dma_wait3A_339 = arith.constant 0 : i32
    %dma_wait3A_340 = tpu.memref_slice %arg7[%dma_wait3A_320, %dma_wait3A_337, %dma_wait3A_338, %dma_wait3A_339] : memref<8x8x8x128xf32, #tpu.memory_space<vmem>> -> memref<1x8x8x128xf32, #tpu.memory_space<vmem>>
    %dma_wait3A_341 = tpu.memref_squeeze %dma_wait3A_340 : memref<1x8x8x128xf32, #tpu.memory_space<vmem>> -> memref<8x8x128xf32, #tpu.memory_space<vmem>>
    tpu.wait_dma2 semaphore(%arg10 : memref<!tpu.dma_semaphore, #tpu.memory_space<semaphore_mem>>) src(%dma_wait3A_341 : memref<8x8x128xf32, #tpu.memory_space<vmem>>) dst(%dma_wait3A_336 : memref<8x8x128xf32, #tpu.memory_space<hbm>>)
    %dma_wait3A_342 = arith.constant 6 : i32
    %dma_wait3A_343 = arith.constant 6 : i32
    %dma_wait3A_344 = arith.constant 0 : i32
    %dma_wait3A_345 = arith.constant 0 : i32
    %dma_wait3A_346 = arith.constant 0 : i32
    %dma_wait3A_347 = tpu.memref_slice %arg7[%dma_wait3A_342, %dma_wait3A_344, %dma_wait3A_345, %dma_wait3A_346] : memref<8x8x8x128xf32, #tpu.memory_space<vmem>> -> memref<1x8x8x128xf32, #tpu.memory_space<vmem>>
    %dma_wait3A_348 = tpu.memref_squeeze %dma_wait3A_347 : memref<1x8x8x128xf32, #tpu.memory_space<vmem>> -> memref<8x8x128xf32, #tpu.memory_space<vmem>>
    %dma_wait3A_349 = arith.constant 0 : i32
    %dma_wait3A_350 = arith.constant 0 : i32
    %dma_wait3A_351 = arith.constant 0 : i32
    %dma_wait3A_352 = tpu.memref_slice %arg4[%add3A, %dma_wait3A_343, %dma_wait3A_349, %dma_wait3A_350, %dma_wait3A_351] : memref<32x8x8x8x128xf32, #tpu.memory_space<hbm>> -> memref<1x1x8x8x128xf32, #tpu.memory_space<hbm>>
    %dma_wait3A_353 = tpu.memref_squeeze %dma_wait3A_352 : memref<1x1x8x8x128xf32, #tpu.memory_space<hbm>> -> memref<8x8x128xf32, #tpu.memory_space<hbm>>
    %dma_wait3A_354 = arith.constant 0 : i32
    %dma_wait3A_355 = arith.constant 0 : i32
    %dma_wait3A_356 = arith.constant 0 : i32
    %dma_wait3A_357 = tpu.memref_slice %arg4[%add3A, %dma_wait3A_343, %dma_wait3A_354, %dma_wait3A_355, %dma_wait3A_356] : memref<32x8x8x8x128xf32, #tpu.memory_space<hbm>> -> memref<1x1x8x8x128xf32, #tpu.memory_space<hbm>>
    %dma_wait3A_358 = tpu.memref_squeeze %dma_wait3A_357 : memref<1x1x8x8x128xf32, #tpu.memory_space<hbm>> -> memref<8x8x128xf32, #tpu.memory_space<hbm>>
    %dma_wait3A_359 = arith.constant 0 : i32
    %dma_wait3A_360 = arith.constant 0 : i32
    %dma_wait3A_361 = arith.constant 0 : i32
    %dma_wait3A_362 = tpu.memref_slice %arg7[%dma_wait3A_342, %dma_wait3A_359, %dma_wait3A_360, %dma_wait3A_361] : memref<8x8x8x128xf32, #tpu.memory_space<vmem>> -> memref<1x8x8x128xf32, #tpu.memory_space<vmem>>
    %dma_wait3A_363 = tpu.memref_squeeze %dma_wait3A_362 : memref<1x8x8x128xf32, #tpu.memory_space<vmem>> -> memref<8x8x128xf32, #tpu.memory_space<vmem>>
    tpu.wait_dma2 semaphore(%arg10 : memref<!tpu.dma_semaphore, #tpu.memory_space<semaphore_mem>>) src(%dma_wait3A_363 : memref<8x8x128xf32, #tpu.memory_space<vmem>>) dst(%dma_wait3A_358 : memref<8x8x128xf32, #tpu.memory_space<hbm>>)
    %dma_wait3A_364 = arith.constant 7 : i32
    %dma_wait3A_365 = arith.constant 7 : i32
    %dma_wait3A_366 = arith.constant 0 : i32
    %dma_wait3A_367 = arith.constant 0 : i32
    %dma_wait3A_368 = arith.constant 0 : i32
    %dma_wait3A_369 = tpu.memref_slice %arg7[%dma_wait3A_364, %dma_wait3A_366, %dma_wait3A_367, %dma_wait3A_368] : memref<8x8x8x128xf32, #tpu.memory_space<vmem>> -> memref<1x8x8x128xf32, #tpu.memory_space<vmem>>
    %dma_wait3A_370 = tpu.memref_squeeze %dma_wait3A_369 : memref<1x8x8x128xf32, #tpu.memory_space<vmem>> -> memref<8x8x128xf32, #tpu.memory_space<vmem>>
    %dma_wait3A_371 = arith.constant 0 : i32
    %dma_wait3A_372 = arith.constant 0 : i32
    %dma_wait3A_373 = arith.constant 0 : i32
    %dma_wait3A_374 = tpu.memref_slice %arg4[%add3A, %dma_wait3A_365, %dma_wait3A_371, %dma_wait3A_372, %dma_wait3A_373] : memref<32x8x8x8x128xf32, #tpu.memory_space<hbm>> -> memref<1x1x8x8x128xf32, #tpu.memory_space<hbm>>
    %dma_wait3A_375 = tpu.memref_squeeze %dma_wait3A_374 : memref<1x1x8x8x128xf32, #tpu.memory_space<hbm>> -> memref<8x8x128xf32, #tpu.memory_space<hbm>>
    %dma_wait3A_376 = arith.constant 0 : i32
    %dma_wait3A_377 = arith.constant 0 : i32
    %dma_wait3A_378 = arith.constant 0 : i32
    %dma_wait3A_379 = tpu.memref_slice %arg4[%add3A, %dma_wait3A_365, %dma_wait3A_376, %dma_wait3A_377, %dma_wait3A_378] : memref<32x8x8x8x128xf32, #tpu.memory_space<hbm>> -> memref<1x1x8x8x128xf32, #tpu.memory_space<hbm>>
    %dma_wait3A_380 = tpu.memref_squeeze %dma_wait3A_379 : memref<1x1x8x8x128xf32, #tpu.memory_space<hbm>> -> memref<8x8x128xf32, #tpu.memory_space<hbm>>
    %dma_wait3A_381 = arith.constant 0 : i32
    %dma_wait3A_382 = arith.constant 0 : i32
    %dma_wait3A_383 = arith.constant 0 : i32
    %dma_wait3A_384 = tpu.memref_slice %arg7[%dma_wait3A_364, %dma_wait3A_381, %dma_wait3A_382, %dma_wait3A_383] : memref<8x8x8x128xf32, #tpu.memory_space<vmem>> -> memref<1x8x8x128xf32, #tpu.memory_space<vmem>>
    %dma_wait3A_385 = tpu.memref_squeeze %dma_wait3A_384 : memref<1x8x8x128xf32, #tpu.memory_space<vmem>> -> memref<8x8x128xf32, #tpu.memory_space<vmem>>
    tpu.wait_dma2 semaphore(%arg10 : memref<!tpu.dma_semaphore, #tpu.memory_space<semaphore_mem>>) src(%dma_wait3A_385 : memref<8x8x128xf32, #tpu.memory_space<vmem>>) dst(%dma_wait3A_380 : memref<8x8x128xf32, #tpu.memory_space<hbm>>)
    return
  }
}

module attributes {stable_mosaic.version = 14 : i64} {
  func.func @_ids_body(%arg0: i32, %arg1: memref<8x64x1024xf32, #tpu.memory_space<vmem>>, %arg2: memref<64x512xf32, #tpu.memory_space<vmem>>, %arg3: memref<8x1x8x128xi32, #tpu.memory_space<vmem>>) attributes {dimension_semantics = [#tpu.dimension_semantics<arbitrary>], iteration_bounds = array<i64: 4>, scalar_prefetch = 0 : i64, scratch_operands = 0 : i64, tpu.core_type = #tpu.core_type<tc>, window_params = [{transform_indices = @transform_0, window_bounds = array<i64: 8, 64, 1024>}, {pipeline_mode = #tpu.pipeline_mode<synchronous>, transform_indices = @transform_1, window_bounds = array<i64: 64, 512>}, {transform_indices = @transform_2, window_bounds = array<i64: 8, 1, 8, 128>}]} {
    %get3A = arith.constant 0 : index
    %get3A_0 = arith.constant 0 : index
    %get3A_1 = vector.load %arg2[%get3A, %get3A_0] : memref<64x512xf32, #tpu.memory_space<vmem>>, vector<64x512xf32>
    %mul3A = arith.mulf %get3A_1, %get3A_1 : vector<64x512xf32>
    %reduce_sum3A = arith.constant dense<0.000000e+00> : vector<512xf32>
    %reduce_sum3A_2 = vector.multi_reduction <add>, %mul3A, %reduce_sum3A [0] : vector<64x512xf32> to vector<512xf32>
    %broadcast_in_dim3A = vector.shape_cast %reduce_sum3A_2 : vector<512xf32> to vector<512x1xf32>
    %mul3A_3 = arith.constant 5.000000e-01 : f32
    %mul3A_4 = vector.broadcast %mul3A_3 : f32 to vector<512x1xf32>
    %mul3A_5 = arith.mulf %mul3A_4, %broadcast_in_dim3A : vector<512x1xf32>
    %get3A_6 = arith.constant 0 : index
    %get3A_7 = arith.constant 0 : index
    %get3A_8 = arith.constant 0 : index
    %get3A_9 = vector.load %arg1[%get3A_6, %get3A_7, %get3A_8] : memref<8x64x1024xf32, #tpu.memory_space<vmem>>, vector<1x64x1024xf32>
    %get3A_10 = vector.shape_cast %get3A_9 : vector<1x64x1024xf32> to vector<64x1024xf32>
    %dot_general3A = arith.constant dense<0.000000e+00> : vector<512x1024xf32>
    %dot_general3A_11 = tpu.matmul %get3A_1, %get3A_10, %dot_general3A {dimension_numbers = #tpu.dot_dimension_numbers<[0], [0], [1], [1], [0, 1, 1, 1], [], []>, transpose_lhs_hint = false} : vector<64x512xf32>, vector<64x1024xf32>, vector<512x1024xf32> -> vector<512x1024xf32>
    %sub3A = vector.broadcast %mul3A_5 : vector<512x1xf32> to vector<512x1024xf32>
    %sub3A_12 = arith.subf %dot_general3A_11, %sub3A : vector<512x1024xf32>
    %argmax3A = tpu.reduce_index %sub3A_12 {axis = 0 : i32, kind = #tpu.reduction_kind<arg_max>} : vector<512x1024xf32> -> vector<1024xi32>
    %reshape3A = vector.shape_cast %argmax3A : vector<1024xi32> to vector<8x128xi32>
    %swap3A = arith.constant 0 : index
    %swap3A_13 = arith.constant 0 : index
    %swap3A_14 = arith.constant 0 : index
    %swap3A_15 = arith.constant 0 : index
    %swap3A_16 = vector.load %arg3[%swap3A, %swap3A_13, %swap3A_14, %swap3A_15] : memref<8x1x8x128xi32, #tpu.memory_space<vmem>>, vector<1x1x8x128xi32>
    %swap3A_17 = vector.shape_cast %swap3A_16 : vector<1x1x8x128xi32> to vector<8x128xi32>
    %swap3A_18 = vector.shape_cast %reshape3A : vector<8x128xi32> to vector<1x1x8x128xi32>
    tpu.vector_store %arg3[%swap3A, %swap3A_13, %swap3A_14, %swap3A_15], %swap3A_18 {strides = array<i32>} : memref<8x1x8x128xi32, #tpu.memory_space<vmem>>, vector<1x1x8x128xi32>,
    %get3A_19 = arith.constant 1 : index
    %get3A_20 = arith.constant 0 : index
    %get3A_21 = arith.constant 0 : index
    %get3A_22 = vector.load %arg1[%get3A_19, %get3A_20, %get3A_21] : memref<8x64x1024xf32, #tpu.memory_space<vmem>>, vector<1x64x1024xf32>
    %get3A_23 = vector.shape_cast %get3A_22 : vector<1x64x1024xf32> to vector<64x1024xf32>
    %dot_general3A_24 = arith.constant dense<0.000000e+00> : vector<512x1024xf32>
    %dot_general3A_25 = tpu.matmul %get3A_1, %get3A_23, %dot_general3A_24 {dimension_numbers = #tpu.dot_dimension_numbers<[0], [0], [1], [1], [0, 1, 1, 1], [], []>, transpose_lhs_hint = false} : vector<64x512xf32>, vector<64x1024xf32>, vector<512x1024xf32> -> vector<512x1024xf32>
    %sub3A_26 = vector.broadcast %mul3A_5 : vector<512x1xf32> to vector<512x1024xf32>
    %sub3A_27 = arith.subf %dot_general3A_25, %sub3A_26 : vector<512x1024xf32>
    %argmax3A_28 = tpu.reduce_index %sub3A_27 {axis = 0 : i32, kind = #tpu.reduction_kind<arg_max>} : vector<512x1024xf32> -> vector<1024xi32>
    %reshape3A_29 = vector.shape_cast %argmax3A_28 : vector<1024xi32> to vector<8x128xi32>
    %swap3A_30 = arith.constant 1 : index
    %swap3A_31 = arith.constant 0 : index
    %swap3A_32 = arith.constant 0 : index
    %swap3A_33 = arith.constant 0 : index
    %swap3A_34 = vector.load %arg3[%swap3A_30, %swap3A_31, %swap3A_32, %swap3A_33] : memref<8x1x8x128xi32, #tpu.memory_space<vmem>>, vector<1x1x8x128xi32>
    %swap3A_35 = vector.shape_cast %swap3A_34 : vector<1x1x8x128xi32> to vector<8x128xi32>
    %swap3A_36 = vector.shape_cast %reshape3A_29 : vector<8x128xi32> to vector<1x1x8x128xi32>
    tpu.vector_store %arg3[%swap3A_30, %swap3A_31, %swap3A_32, %swap3A_33], %swap3A_36 {strides = array<i32>} : memref<8x1x8x128xi32, #tpu.memory_space<vmem>>, vector<1x1x8x128xi32>,
    %get3A_37 = arith.constant 2 : index
    %get3A_38 = arith.constant 0 : index
    %get3A_39 = arith.constant 0 : index
    %get3A_40 = vector.load %arg1[%get3A_37, %get3A_38, %get3A_39] : memref<8x64x1024xf32, #tpu.memory_space<vmem>>, vector<1x64x1024xf32>
    %get3A_41 = vector.shape_cast %get3A_40 : vector<1x64x1024xf32> to vector<64x1024xf32>
    %dot_general3A_42 = arith.constant dense<0.000000e+00> : vector<512x1024xf32>
    %dot_general3A_43 = tpu.matmul %get3A_1, %get3A_41, %dot_general3A_42 {dimension_numbers = #tpu.dot_dimension_numbers<[0], [0], [1], [1], [0, 1, 1, 1], [], []>, transpose_lhs_hint = false} : vector<64x512xf32>, vector<64x1024xf32>, vector<512x1024xf32> -> vector<512x1024xf32>
    %sub3A_44 = vector.broadcast %mul3A_5 : vector<512x1xf32> to vector<512x1024xf32>
    %sub3A_45 = arith.subf %dot_general3A_43, %sub3A_44 : vector<512x1024xf32>
    %argmax3A_46 = tpu.reduce_index %sub3A_45 {axis = 0 : i32, kind = #tpu.reduction_kind<arg_max>} : vector<512x1024xf32> -> vector<1024xi32>
    %reshape3A_47 = vector.shape_cast %argmax3A_46 : vector<1024xi32> to vector<8x128xi32>
    %swap3A_48 = arith.constant 2 : index
    %swap3A_49 = arith.constant 0 : index
    %swap3A_50 = arith.constant 0 : index
    %swap3A_51 = arith.constant 0 : index
    %swap3A_52 = vector.load %arg3[%swap3A_48, %swap3A_49, %swap3A_50, %swap3A_51] : memref<8x1x8x128xi32, #tpu.memory_space<vmem>>, vector<1x1x8x128xi32>
    %swap3A_53 = vector.shape_cast %swap3A_52 : vector<1x1x8x128xi32> to vector<8x128xi32>
    %swap3A_54 = vector.shape_cast %reshape3A_47 : vector<8x128xi32> to vector<1x1x8x128xi32>
    tpu.vector_store %arg3[%swap3A_48, %swap3A_49, %swap3A_50, %swap3A_51], %swap3A_54 {strides = array<i32>} : memref<8x1x8x128xi32, #tpu.memory_space<vmem>>, vector<1x1x8x128xi32>,
    %get3A_55 = arith.constant 3 : index
    %get3A_56 = arith.constant 0 : index
    %get3A_57 = arith.constant 0 : index
    %get3A_58 = vector.load %arg1[%get3A_55, %get3A_56, %get3A_57] : memref<8x64x1024xf32, #tpu.memory_space<vmem>>, vector<1x64x1024xf32>
    %get3A_59 = vector.shape_cast %get3A_58 : vector<1x64x1024xf32> to vector<64x1024xf32>
    %dot_general3A_60 = arith.constant dense<0.000000e+00> : vector<512x1024xf32>
    %dot_general3A_61 = tpu.matmul %get3A_1, %get3A_59, %dot_general3A_60 {dimension_numbers = #tpu.dot_dimension_numbers<[0], [0], [1], [1], [0, 1, 1, 1], [], []>, transpose_lhs_hint = false} : vector<64x512xf32>, vector<64x1024xf32>, vector<512x1024xf32> -> vector<512x1024xf32>
    %sub3A_62 = vector.broadcast %mul3A_5 : vector<512x1xf32> to vector<512x1024xf32>
    %sub3A_63 = arith.subf %dot_general3A_61, %sub3A_62 : vector<512x1024xf32>
    %argmax3A_64 = tpu.reduce_index %sub3A_63 {axis = 0 : i32, kind = #tpu.reduction_kind<arg_max>} : vector<512x1024xf32> -> vector<1024xi32>
    %reshape3A_65 = vector.shape_cast %argmax3A_64 : vector<1024xi32> to vector<8x128xi32>
    %swap3A_66 = arith.constant 3 : index
    %swap3A_67 = arith.constant 0 : index
    %swap3A_68 = arith.constant 0 : index
    %swap3A_69 = arith.constant 0 : index
    %swap3A_70 = vector.load %arg3[%swap3A_66, %swap3A_67, %swap3A_68, %swap3A_69] : memref<8x1x8x128xi32, #tpu.memory_space<vmem>>, vector<1x1x8x128xi32>
    %swap3A_71 = vector.shape_cast %swap3A_70 : vector<1x1x8x128xi32> to vector<8x128xi32>
    %swap3A_72 = vector.shape_cast %reshape3A_65 : vector<8x128xi32> to vector<1x1x8x128xi32>
    tpu.vector_store %arg3[%swap3A_66, %swap3A_67, %swap3A_68, %swap3A_69], %swap3A_72 {strides = array<i32>} : memref<8x1x8x128xi32, #tpu.memory_space<vmem>>, vector<1x1x8x128xi32>,
    %get3A_73 = arith.constant 4 : index
    %get3A_74 = arith.constant 0 : index
    %get3A_75 = arith.constant 0 : index
    %get3A_76 = vector.load %arg1[%get3A_73, %get3A_74, %get3A_75] : memref<8x64x1024xf32, #tpu.memory_space<vmem>>, vector<1x64x1024xf32>
    %get3A_77 = vector.shape_cast %get3A_76 : vector<1x64x1024xf32> to vector<64x1024xf32>
    %dot_general3A_78 = arith.constant dense<0.000000e+00> : vector<512x1024xf32>
    %dot_general3A_79 = tpu.matmul %get3A_1, %get3A_77, %dot_general3A_78 {dimension_numbers = #tpu.dot_dimension_numbers<[0], [0], [1], [1], [0, 1, 1, 1], [], []>, transpose_lhs_hint = false} : vector<64x512xf32>, vector<64x1024xf32>, vector<512x1024xf32> -> vector<512x1024xf32>
    %sub3A_80 = vector.broadcast %mul3A_5 : vector<512x1xf32> to vector<512x1024xf32>
    %sub3A_81 = arith.subf %dot_general3A_79, %sub3A_80 : vector<512x1024xf32>
    %argmax3A_82 = tpu.reduce_index %sub3A_81 {axis = 0 : i32, kind = #tpu.reduction_kind<arg_max>} : vector<512x1024xf32> -> vector<1024xi32>
    %reshape3A_83 = vector.shape_cast %argmax3A_82 : vector<1024xi32> to vector<8x128xi32>
    %swap3A_84 = arith.constant 4 : index
    %swap3A_85 = arith.constant 0 : index
    %swap3A_86 = arith.constant 0 : index
    %swap3A_87 = arith.constant 0 : index
    %swap3A_88 = vector.load %arg3[%swap3A_84, %swap3A_85, %swap3A_86, %swap3A_87] : memref<8x1x8x128xi32, #tpu.memory_space<vmem>>, vector<1x1x8x128xi32>
    %swap3A_89 = vector.shape_cast %swap3A_88 : vector<1x1x8x128xi32> to vector<8x128xi32>
    %swap3A_90 = vector.shape_cast %reshape3A_83 : vector<8x128xi32> to vector<1x1x8x128xi32>
    tpu.vector_store %arg3[%swap3A_84, %swap3A_85, %swap3A_86, %swap3A_87], %swap3A_90 {strides = array<i32>} : memref<8x1x8x128xi32, #tpu.memory_space<vmem>>, vector<1x1x8x128xi32>,
    %get3A_91 = arith.constant 5 : index
    %get3A_92 = arith.constant 0 : index
    %get3A_93 = arith.constant 0 : index
    %get3A_94 = vector.load %arg1[%get3A_91, %get3A_92, %get3A_93] : memref<8x64x1024xf32, #tpu.memory_space<vmem>>, vector<1x64x1024xf32>
    %get3A_95 = vector.shape_cast %get3A_94 : vector<1x64x1024xf32> to vector<64x1024xf32>
    %dot_general3A_96 = arith.constant dense<0.000000e+00> : vector<512x1024xf32>
    %dot_general3A_97 = tpu.matmul %get3A_1, %get3A_95, %dot_general3A_96 {dimension_numbers = #tpu.dot_dimension_numbers<[0], [0], [1], [1], [0, 1, 1, 1], [], []>, transpose_lhs_hint = false} : vector<64x512xf32>, vector<64x1024xf32>, vector<512x1024xf32> -> vector<512x1024xf32>
    %sub3A_98 = vector.broadcast %mul3A_5 : vector<512x1xf32> to vector<512x1024xf32>
    %sub3A_99 = arith.subf %dot_general3A_97, %sub3A_98 : vector<512x1024xf32>
    %argmax3A_100 = tpu.reduce_index %sub3A_99 {axis = 0 : i32, kind = #tpu.reduction_kind<arg_max>} : vector<512x1024xf32> -> vector<1024xi32>
    %reshape3A_101 = vector.shape_cast %argmax3A_100 : vector<1024xi32> to vector<8x128xi32>
    %swap3A_102 = arith.constant 5 : index
    %swap3A_103 = arith.constant 0 : index
    %swap3A_104 = arith.constant 0 : index
    %swap3A_105 = arith.constant 0 : index
    %swap3A_106 = vector.load %arg3[%swap3A_102, %swap3A_103, %swap3A_104, %swap3A_105] : memref<8x1x8x128xi32, #tpu.memory_space<vmem>>, vector<1x1x8x128xi32>
    %swap3A_107 = vector.shape_cast %swap3A_106 : vector<1x1x8x128xi32> to vector<8x128xi32>
    %swap3A_108 = vector.shape_cast %reshape3A_101 : vector<8x128xi32> to vector<1x1x8x128xi32>
    tpu.vector_store %arg3[%swap3A_102, %swap3A_103, %swap3A_104, %swap3A_105], %swap3A_108 {strides = array<i32>} : memref<8x1x8x128xi32, #tpu.memory_space<vmem>>, vector<1x1x8x128xi32>,
    %get3A_109 = arith.constant 6 : index
    %get3A_110 = arith.constant 0 : index
    %get3A_111 = arith.constant 0 : index
    %get3A_112 = vector.load %arg1[%get3A_109, %get3A_110, %get3A_111] : memref<8x64x1024xf32, #tpu.memory_space<vmem>>, vector<1x64x1024xf32>
    %get3A_113 = vector.shape_cast %get3A_112 : vector<1x64x1024xf32> to vector<64x1024xf32>
    %dot_general3A_114 = arith.constant dense<0.000000e+00> : vector<512x1024xf32>
    %dot_general3A_115 = tpu.matmul %get3A_1, %get3A_113, %dot_general3A_114 {dimension_numbers = #tpu.dot_dimension_numbers<[0], [0], [1], [1], [0, 1, 1, 1], [], []>, transpose_lhs_hint = false} : vector<64x512xf32>, vector<64x1024xf32>, vector<512x1024xf32> -> vector<512x1024xf32>
    %sub3A_116 = vector.broadcast %mul3A_5 : vector<512x1xf32> to vector<512x1024xf32>
    %sub3A_117 = arith.subf %dot_general3A_115, %sub3A_116 : vector<512x1024xf32>
    %argmax3A_118 = tpu.reduce_index %sub3A_117 {axis = 0 : i32, kind = #tpu.reduction_kind<arg_max>} : vector<512x1024xf32> -> vector<1024xi32>
    %reshape3A_119 = vector.shape_cast %argmax3A_118 : vector<1024xi32> to vector<8x128xi32>
    %swap3A_120 = arith.constant 6 : index
    %swap3A_121 = arith.constant 0 : index
    %swap3A_122 = arith.constant 0 : index
    %swap3A_123 = arith.constant 0 : index
    %swap3A_124 = vector.load %arg3[%swap3A_120, %swap3A_121, %swap3A_122, %swap3A_123] : memref<8x1x8x128xi32, #tpu.memory_space<vmem>>, vector<1x1x8x128xi32>
    %swap3A_125 = vector.shape_cast %swap3A_124 : vector<1x1x8x128xi32> to vector<8x128xi32>
    %swap3A_126 = vector.shape_cast %reshape3A_119 : vector<8x128xi32> to vector<1x1x8x128xi32>
    tpu.vector_store %arg3[%swap3A_120, %swap3A_121, %swap3A_122, %swap3A_123], %swap3A_126 {strides = array<i32>} : memref<8x1x8x128xi32, #tpu.memory_space<vmem>>, vector<1x1x8x128xi32>,
    %get3A_127 = arith.constant 7 : index
    %get3A_128 = arith.constant 0 : index
    %get3A_129 = arith.constant 0 : index
    %get3A_130 = vector.load %arg1[%get3A_127, %get3A_128, %get3A_129] : memref<8x64x1024xf32, #tpu.memory_space<vmem>>, vector<1x64x1024xf32>
    %get3A_131 = vector.shape_cast %get3A_130 : vector<1x64x1024xf32> to vector<64x1024xf32>
    %dot_general3A_132 = arith.constant dense<0.000000e+00> : vector<512x1024xf32>
    %dot_general3A_133 = tpu.matmul %get3A_1, %get3A_131, %dot_general3A_132 {dimension_numbers = #tpu.dot_dimension_numbers<[0], [0], [1], [1], [0, 1, 1, 1], [], []>, transpose_lhs_hint = false} : vector<64x512xf32>, vector<64x1024xf32>, vector<512x1024xf32> -> vector<512x1024xf32>
    %sub3A_134 = vector.broadcast %mul3A_5 : vector<512x1xf32> to vector<512x1024xf32>
    %sub3A_135 = arith.subf %dot_general3A_133, %sub3A_134 : vector<512x1024xf32>
    %argmax3A_136 = tpu.reduce_index %sub3A_135 {axis = 0 : i32, kind = #tpu.reduction_kind<arg_max>} : vector<512x1024xf32> -> vector<1024xi32>
    %reshape3A_137 = vector.shape_cast %argmax3A_136 : vector<1024xi32> to vector<8x128xi32>
    %swap3A_138 = arith.constant 7 : index
    %swap3A_139 = arith.constant 0 : index
    %swap3A_140 = arith.constant 0 : index
    %swap3A_141 = arith.constant 0 : index
    %swap3A_142 = vector.load %arg3[%swap3A_138, %swap3A_139, %swap3A_140, %swap3A_141] : memref<8x1x8x128xi32, #tpu.memory_space<vmem>>, vector<1x1x8x128xi32>
    %swap3A_143 = vector.shape_cast %swap3A_142 : vector<1x1x8x128xi32> to vector<8x128xi32>
    %swap3A_144 = vector.shape_cast %reshape3A_137 : vector<8x128xi32> to vector<1x1x8x128xi32>
    tpu.vector_store %arg3[%swap3A_138, %swap3A_139, %swap3A_140, %swap3A_141], %swap3A_144 {strides = array<i32>} : memref<8x1x8x128xi32, #tpu.memory_space<vmem>>, vector<1x1x8x128xi32>,
    return
  }
  func.func @transform_0(%arg0: i32) -> (i32, i32, i32) {
    %c0_i32 = arith.constant 0 : i32
    %c0_i32_0 = arith.constant 0 : i32
    %c0_i32_1 = arith.constant 0 : i32
    return %arg0, %c0_i32, %c0_i32_0 : i32, i32, i32
  }
  func.func @transform_1(%arg0: i32) -> (i32, i32) {
    %c0_i32 = arith.constant 0 : i32
    %c0_i32_0 = arith.constant 0 : i32
    %c0_i32_1 = arith.constant 0 : i32
    return %c0_i32, %c0_i32_0 : i32, i32
  }
  func.func @transform_2(%arg0: i32) -> (i32, i32, i32, i32) {
    %c0_i32 = arith.constant 0 : i32
    %c0_i32_0 = arith.constant 0 : i32
    %c0_i32_1 = arith.constant 0 : i32
    %c0_i32_2 = arith.constant 0 : i32
    return %arg0, %c0_i32, %c0_i32_0, %c0_i32_1 : i32, i32, i32, i32
  }
}

</mosaic_0001>

<sc_bundles>
// kernel: kernel.4.cloned.1.call-start
scs
__scs_entry_jumppad:
0x0: {  	(pc) =	sbr.rel $0x88, $3  }
0x1: {  	(tag) =	ssettag $0x0;
	lr =	simm.s32 $0x1  }
0x2: {  	[smem:$0x3F9F] =	sst lr;
	_ =	strace $0xD0000000  }
0x3: {  	_ = 	snop  }
0x4: {  	_ = 	snop  }
0x5: {  	_ = 	snop  }
0x6: {  	_ = 	snop  }
0x7: {  	_ = 	snop  }
__scs_overlays_trampoline_lowered:
0x8: {  	[smem:$0x3FAE] =	sst s0  }
0x9: {  	[smem:$0x3FAF] =	sst s1  }
0xa: {  	[smem:$0x3FB0] =	sst s2  }
0xb: {  	[smem:$0x3FB1] =	sst s3  }
0xc: {  	[smem:$0x3FB2] =	sst s4  }
0xd: {  	[smem:$0x3FB3] =	sst s5  }
0xe: {  	[smem:$0x3FB4] =	sst s6  }
0xf: {  	[smem:$0x3FB5] =	sst s7  }
0x10: {  	[smem:$0x3FB6] =	sst s8  }
0x11: {  	[smem:$0x3FB7] =	sst s9;
	s0 =	simm.s32 @!p0 $0x0  }
0x12: {  	s1 =	sld [smem:$0x3F9D];
	s0 =	simm.s32 @p0 $0x1  }
0x13: {  	[smem:$0x3FB8] =	sst s0;
	s0 =	simm.s32 @!p1 $0x0  }
0x14: {  	s2 =	sld [smem:$0x3F9C];
	s0 =	simm.s32 @p1 $0x1  }
0x15: {  	[smem:$0x3FB9] =	sst s0;
	s0 =	simm.s32 @!p2 $0x0  }
0x16: {  	s3 =	sld [smem:$0x3FDB];
	s0 =	simm.s32 @p2 $0x1  }
0x17: {  	s4 =	simm.s32 $0x1BF5;
	[smem:$0x3FBB] =	sst s0  }
0x18: {  	s0 =	sld [smem:$0x3F9E];
	_ =	swait.ge [sflag:s4], $0x0  }
0x19: {  	s7 =	sld [smem:$0x3F9F]  }
0x1a: {  	s8 =	sadd.s32 $0xFFFFE003, lr  }
0x1b: {  	s9 =	sadd.s32 $0xFFFFFEF7, lr;
	s5 =	simm.s32 $0xFFFFFFFF;
	p2 =	slt.u32 s8, $0xFFFFF086  }
0x1c: {  	p1 =	slt.u32 s9, $0xF7A;
	s5 =	simm.s32 @!p2 $0x0  }
0x1d: {  	s5 =	simm.s32 @p1 $0x1;
	p0 =	seq.s32 s7, s2  }
0x1e: {  	s7 =	smul.u32 @!p0 $0xF7A, s2;
	p2 =	seq.s32 @!p0 s5, $0x0  }
0x1f: {  	s9 =	smul.u32 $0xF7A, s1;
	s8 =	simm.s32 @!p0 $0x1BF5;
	p2 =	por !p2, p0  }
0x20: {  	[sflag:s8] =	ssyncset.s32 @!p0 $0xFFFFF086;
	s6 =	sadd.s32 @!p0 s3, s7;
	s7 =	simm.s32 @!p0 $0x108  }
0x21: {  	s3 =	sadd.s32 s3, s9;
	s6 =	sadd.s32 @!p0 $0x88, s6;
	s7 =	simm.s32 @p2 $0x1082  }
0x22: {  	[simem:s7], [sflag:s8] =	dma.local @!p0 [hbm:s6], $0xF7A  }
0x23: {  	s9 =	sor.u32 $0xD0000000, s2;
	s6 =	simm.s32 $0x108;
	_ =	swait.ge @!p0 [sflag:s8], $0x0  }
0x24: {  	s3 =	sadd.s32 $0x88, s3;
	s6 =	simm.s32 @!p1 $0x1082;
	[sflag:s4] =	ssyncset.s32 $0xFFFFF086  }
0x25: {  	[simem:s6], [sflag:s4] =	dma.local [hbm:s3], $0xF7A  }
0x26: {  	[smem:$0x3F9F] =	sst s1;
	(tag) =	ssettag s2;
	_ =	strace s9  }
0x27: {  	s1 =	sld [smem:$0x3FAF]  }
0x28: {  	s2 =	sld [smem:$0x3FB0]  }
0x29: {  	s4 =	sld [smem:$0x3FB2]  }
0x2a: {  	p0 =	seq.s32 s5, $0x0;
	s5 =	sld [smem:$0x3FB3]  }
0x2b: {  	s6 =	sld [smem:$0x3FB4]  }
0x2c: {  	s7 =	sld [smem:$0x3FB5]  }
0x2d: {  	s3 =	simm.s32 $0x108;
	s8 =	sld [smem:$0x3FB6]  }
0x2e: {  	s3 =	simm.s32 @!p0 $0x1082;
	s9 =	sld [smem:$0x3FB7]  }
0x2f: {  	lr =	sadd.s32 s0, s3;
	s0 =	sld [smem:$0x3FAE]  }
0x30: {  	s3 =	sld [smem:$0x3FB1]  }
0x31: {  	[smem:$0x3FBA] =	sst s10  }
0x32: {  	s10 =	sld [smem:$0x3FB8];
	_ =	sdelay $0x3  }
0x33: {  	p0 =	seq.s32 s10, $0x1;
	s10 =	sld [smem:$0x3FBA];
	_ =	sdelay $0x3  }
0x34: {  	[smem:$0x3FBA] =	sst s10  }
0x35: {  	s10 =	sld [smem:$0x3FB9];
	_ =	sdelay $0x3  }
0x36: {  	p1 =	seq.s32 s10, $0x1;
	s10 =	sld [smem:$0x3FBA];
	_ =	sdelay $0x3  }
0x37: {  	[smem:$0x3FBA] =	sst s10  }
0x38: {  	s10 =	sld [smem:$0x3FBB]  }
0x39: {  	_ = 	snop;
	(pc) =	sbr.ind lr, $3  }
0x3a: {  	_ = 	snop  }
0x3b: {  	_ = 	snop  }
0x3c: {  	p2 =	seq.s32 s10, $0x1;
	s10 =	sld [smem:$0x3FBA]  }
0x3d: {  	_ =	shalt  }
0x3e: {  	_ =	shalt  }
0x3f: {  	_ =	shalt  }
0x40: {  	_ =	shalt  }
0x41: {  	_ =	shalt  }
0x42: {  	_ =	shalt  }
0x43: {  	_ =	shalt  }
0x44: {  	_ =	shalt  }
0x45: {  	_ =	shalt  }
0x46: {  	_ =	shalt  }
0x47: {  	_ =	shalt  }
0x48: {  	_ =	shalt  }
0x49: {  	_ =	shalt  }
0x4a: {  	_ =	shalt  }
0x4b: {  	_ =	shalt  }
0x4c: {  	_ =	shalt  }
0x4d: {  	_ =	shalt  }
0x4e: {  	_ =	shalt  }
0x4f: {  	_ =	shalt  }
0x50: {  	_ =	shalt  }
0x51: {  	_ =	shalt  }
0x52: {  	_ =	shalt  }
0x53: {  	_ =	shalt  }
0x54: {  	_ =	shalt  }
0x55: {  	_ =	shalt  }
0x56: {  	_ =	shalt  }
0x57: {  	_ =	shalt  }
0x58: {  	_ =	shalt  }
0x59: {  	_ =	shalt  }
0x5a: {  	_ =	shalt  }
0x5b: {  	_ =	shalt  }
0x5c: {  	_ =	shalt  }
0x5d: {  	_ =	shalt  }
0x5e: {  	_ =	shalt  }
0x5f: {  	_ =	shalt  }
0x60: {  	_ =	shalt  }
0x61: {  	_ =	shalt  }
0x62: {  	_ =	shalt  }
0x63: {  	_ =	shalt  }
0x64: {  	_ =	shalt  }
0x65: {  	_ =	shalt  }
0x66: {  	_ =	shalt  }
0x67: {  	_ =	shalt  }
0x68: {  	_ =	shalt  }
0x69: {  	_ =	shalt  }
0x6a: {  	_ =	shalt  }
0x6b: {  	_ =	shalt  }
0x6c: {  	_ =	shalt  }
0x6d: {  	_ =	shalt  }
0x6e: {  	_ =	shalt  }
0x6f: {  	_ =	shalt  }
0x70: {  	_ =	shalt  }
0x71: {  	_ =	shalt  }
0x72: {  	_ =	shalt  }
0x73: {  	_ =	shalt  }
0x74: {  	_ =	shalt  }
0x75: {  	_ =	shalt  }
0x76: {  	_ =	shalt  }
0x77: {  	_ =	shalt  }
0x78: {  	_ =	shalt  }
0x79: {  	_ =	shalt  }
0x7a: {  	_ =	shalt  }
0x7b: {  	_ =	shalt  }
0x7c: {  	_ =	shalt  }
0x7d: {  	_ =	shalt  }
0x7e: {  	_ =	shalt  }
0x7f: {  	_ =	shalt  }
0x80: {  	_ =	shalt  }
0x81: {  	_ =	shalt  }
0x82: {  	_ =	shalt  }
0x83: {  	_ =	shalt  }
0x84: {  	_ =	shalt  }
0x85: {  	_ =	shalt  }
0x86: {  	_ =	shalt  }
0x87: {  	_ =	shalt  }
.Lfunc_end0:
.L_simem_size_0:
called_computation_lowered:
.L_overlay_start_0:
0x88: {  	s2 =	sld [smem:$0x3FD9]  }
0x89: {  	s3 =	sld [smem:$0x3FFE];
	_ =	sdelay $0x1  }
0x8a: {  	s1 =	srdreg.scid  }
0x8b: {  	s0 =	sand.u32 $0x1, s1  }
0x8c: {  	s14 =	sshll.u32 s0, $0xA;
	s2 =	sadd.s32 s3, s2  }
0x8d: {  	s2 =	sadd.s32 s2, s14  }
0x8e: {  	[smem:$0x3FC6] =	sst s2  }
0x8f: {  	_ = 	snop  }
0x90: {  	s2 =	sld [smem:$0x3FD0];
	_ =	sdelay $0x2  }
0x91: {  	s15 =	simm.s32 $0xA;
	s4 =	simm.s32 $0x10  }
0x92: {  	[smem:s4], [sflag:s15] =	dma.local [hbm:s2], $0x1  }
0x93: {  	_ =	swait.eq [sflag:s15], $0x1  }
0x94: {  	[sflag:s15] =	ssyncset.done $0x0  }
0x95: {  	[sflag:s15] =	ssyncadd.s32 $0xFFFFFFFF  }
0x96: {  	s16 =	sld [smem:$0x10];
	(tm) =	ssettm $0x1  }
0x97: {  	s17 =	sld [smem:$0x3FFB];
	_ =	sdelay $0x3  }
0x98: {  	_ =	strace s17  }
0x99: {  	s3 =	sld [smem:$0x3FFC];
	_ =	sdelay $0x3  }
0x9a: {  	_ =	strace s3  }
0x9b: {  	s3 =	sld [smem:$0x3FFD];
	_ =	sdelay $0x3  }
0x9c: {  	_ =	strace s3  }
0x9d: {  	_ =	strace $0x8FFFFFFF  }
0x9e: {  	s18 =	sld [smem:$0x3FDB];
	_ =	sdelay $0x1  }
0x9f: {  	s19 =	simm.s32 $_scs_section_size  }
0xa0: {  	s5 =	simm.s32 $_size__tile_overlayer_lowered;
	s6 =	simm.s32 $_tile_overlayer_lowered  }
0xa1: {  	s22 =	simm.s32 $0x1BFF;
	s21 =	sshll.u32 s6, $0x1;
	s3 =	sadd.s32 s19, s18  }
0xa2: {  	s7 =	simm.s32 $0x0;
	s20 =	sshll.u32 s5, $0x1;
	s5 =	sadd.s32 s21, s3  }
0xa3: {  	[timem:s7], [sflag:s22] =	dma.local [hbm:s5], s20  }
0xa4: {  	_ =	swait.ge [sflag:s22], s20  }
0xa5: {  	s4 =	ssub.s32 $0x0, s20;
	[sflag:s22] =	ssyncset.done $0x0  }
0xa6: {  	[sflag:s22] =	ssyncadd.s32 s4;
	_ =	sdelay $0x1  }
0xa7: {  	s23 =	simm.s32 $0x1B8B  }
0xa8: {  	_ =	swait.ge [sflag:s23], $0x1  }
0xa9: {  	[sflag:s23] =	ssyncset.done $0x0  }
0xaa: {  	s25 =	simm.s32 $0x1B8E;
	s24 =	sld [smem:$0x3FFE];
	[sflag:s23] =	ssyncadd.s32 $0xFFFFFFFF  }
0xab: {  	s26 =	simm.s32 $execute0_lowered;
	[smem:$0x3FD2] =	sst s25  }
0xac: {  	s5 =	sshll.u32 s26, $0x1;
	_ =	strace $0x80000046;
	[dreg:$0x1] =	wrdreg $0xFFFFFFFF  }
0xad: {  	s28 =	simm.s32 $_size_execute0_lowered;
	s3 =	sadd.s32 s3, s5;
	[dreg:$0x0] =	wrdreg $0x0  }
0xae: {  	s5 =	sshll.u32 s28, $0x1;
	[dreg:$0x2] =	wrdreg s3  }
0xaf: {  	[dreg:$0x3] =	wrdreg s5  }
0xb0: {  	[dreg:$0x4] =	wrdreg $0xC0  }
0xb1: {  	_ =	task [dreg:s7], $0x5FFFF  }
0xb2: {  	[dreg:$0x1] =	wrdreg $0xFFFFFFFF  }
0xb3: {  	[dreg:$0x0] =	wrdreg $0x60  }
0xb4: {  	[dreg:$0x2] =	wrdreg s24  }
0xb5: {  	[dreg:$0x3] =	wrdreg s16  }
0xb6: {  	[dreg:$0x4] =	wrdreg $0x9  }
0xb7: {  	_ =	task.clear_ibuf [dreg:s7], $0x5FFFF;
	_ =	strace $0x90000046  }
0xb8: {  	s29 =	simm.s32 $0x9;
	_ =	strace $0x80000048  }
0xb9: {  	_ =	swait.ge [sflag:s29], $0x1  }
0xba: {  	[sflag:s29] =	ssyncadd.s32 $0xFFFFFFFF  }
0xbb: {  	_ =	strace $0x90000048  }
0xbc: {  	_ =	sfence  }
0xbd: {  	s30 =	sld [smem:$0x0];
	_ =	sdelay $0x2  }
0xbe: {  	s31 =	sshll.u32 s1, $0xD;
	s1 =	sshrl.u32 s1, $0x2  }
0xbf: {  	s3 =	sand.u32 $0x4000, s31;
	s1 =	sadd.s32 s1, s30  }
0xc0: {  	s0 =	sor.u32 s3, s0;
	s1 =	sshll.u32 s1, $0x11  }
0xc1: {  	s0 =	sor.u32 s1, s0  }
0xc2: {  	s0 =	sadd.s32 $0x8F2B, s0  }
0xc3: {  	[sflag:s0] =	ssyncadd.remote.s32 $0x1  }
0xc4: {  	_ =	sfence.sel $0xFFFF  }
0xc5: {  	[dreg:$0x0] =	wrdreg $0xFFFFFFFF;
	(pc) =	sbr.abs _section_cstart, $3  }
0xc6: {  	[dreg:$0x1] =	wrdreg $0xFFFFFFFF  }
0xc7: {  	_ =	task.clear_ibuf [dreg:s7], $0x2FFFF;
	_ =	strace $0x9FFFFFFF  }
0xc8: {  	(tm) =	ssettm $0x7FFFFFFF  }
0xc9: {  	_ =	shalt  }
tec
execute0_lowered:
.L_overlay_start_1:
0x0: {  	(tag) =	ssettag $0x1  }
0x1: {  	s4 =	rddreg [dreg:$0x0]  }
0x2: {  	s5 =	rddreg [dreg:$0x1]  }
0x3: {  	s0 =	rddreg [dreg:$0x2];
	s2 =	simm.s32 $0x0;
	s3 =	srdreg.scid  }
0x4: {  	s1 =	stileid.u32;
	s14 =	simm.s32 $0x8000;
	s15 =	simm.s32 $0x1  }
0x5: {  	s16 =	simm.s32 $0x2;
	s17 =	simm.s32 $0x8400;
	s18 =	simm.s32 $0xA400  }
0x6: {  	s19 =	simm.s32 $0xC400;
	s20 =	simm.s32 $0xE400;
	s21 =	simm.s32 $0x10400  }
0x7: {  	s22 =	simm.s32 $0x12400;
	s23 =	simm.s32 $0x14400;
	s24 =	simm.s32 $0x16400  }
0x8: {  	s25 =	simm.s32 $0x3;
	s26 =	simm.s32 $0x0;
	[smem:$0x7FF] =	sst s2  }
0x9: {  	s6 =	sand.u32 $0x1, s3;
	s30 =	sshll.u32 s1, $0x1;
	s3 =	sadd.s32 $0xC00, s4  }
0xa: {  	_ =	strace $0x80000047;
	s7 =	sor.u32 s6, s30;
	s6 =	ssub.s32 $0x2, s6  }
0xb: {  	s8 =	sshll.u32 s7, $0x7;
	s31 =	sshrl.u32 s6, $0x1;
	s7 =	sshll.u32 s7, $0xD  }
0xc: {  	s4 =	sadd.s32 s8, s4;
	s13 =	ssub.s32 s6, s31;
	s5 =	sadd.s32 s5, s7  }
0xd: {  	s4 =	sadd.s32 $0x1C00, s4;
	s6 =	sadd.s32 $0x400, s5;
	s7 =	sadd.s32 $0x800, s5  }
0xe: {  	s8 =	sadd.s32 $0xC00, s5;
	s9 =	sadd.s32 $0x1000, s5;
	s10 =	sadd.s32 $0x1400, s5  }
0xf: {  	s11 =	sadd.s32 $0x1800, s5;
	s12 =	sadd.s32 $0x1C00, s5;
	s13 =	smax.u32 s13, $0x1  }
.LBB2_1:
0x10: {  	[tilespmem:s2], [sflag:$0x1] =	stream.linear.gather [hbm4b:s3+s2], $0x8000, $0x38;
	[tilespmem:$0x18400] =	vst v63  }
0x11: {  	_ = 	snop  }
0x12: {  	[tilespmem:s14], [sflag:$0x2] =	stream.linear.gather [hbm4b:s4+s2], $0x400, $0x38;
	[tilespmem:$0x18400] =	vst v63  }
0x13: {  	_ =	swait.ge [sflag:s15], $0x8000  }
0x14: {  	[sflag:s15] =	ssyncset.done $0x0  }
0x15: {  	[sflag:s15] =	ssyncadd.s32 $0xFFFF8000  }
0x16: {  	_ =	swait.ge [sflag:s16], $0x400  }
0x17: {  	[sflag:s16] =	ssyncset.done $0x0  }
0x18: {  	s28 =	simm.s32 $0x8040;
	[sflag:s16] =	ssyncadd.s32 $0xFFFFFC00  }
0x19: {  	v7 =	vld [tilespmem:s28+$0x30]  }
0x1a: {  	v5 =	vld [tilespmem:s28+$0xFFFFFFD0]  }
0x1b: {  	v4 =	vld [tilespmem:s28+$0xFFFFFFE0]  }
0x1c: {  	v3 =	vld [tilespmem:s28+$0xFFFFFFF0]  }
0x1d: {  	v2 =	vld [tilespmem:s28+$0x0]  }
0x1e: {  	v1 =	vld [tilespmem:s28+$0x10]  }
0x1f: {  	v0 =	vld [tilespmem:s28+$0x20]  }
0x20: {  	v6 =	vld [tilespmem:s28+$0xFFFFFFC0]  }
0x21: {  	v8 =	vld.idx.msk [tilespmem:v7+s2+$0x0], $0xffff  }
0x22: {  	v9 =	vld.idx.msk [tilespmem:v5+s2+$0x0], $0xffff  }
0x23: {  	v10 =	vld.idx.msk [tilespmem:v4+s2+$0x0], $0xffff  }
0x24: {  	v11 =	vadd.s32 $0x200, v7;
	v12 =	vld.idx.msk [tilespmem:v3+s2+$0x0], $0xffff  }
0x25: {  	v13 =	vadd.s32 $0x200, v5;
	v14 =	vld.idx.msk [tilespmem:v2+s2+$0x0], $0xffff  }
0x26: {  	s28 =	simm.s32 $0x8600;
	v15 =	vadd.s32 $0x200, v4;
	v16 =	vld.idx.msk [tilespmem:v1+s2+$0x0], $0xffff  }
0x27: {  	v17 =	vadd.s32 $0x200, v3;
	v18 =	vld.idx.msk [tilespmem:v0+s2+$0x0], $0xffff;
	[tilespmem:s28+$0xFFFFFE70] =	vst v8  }
0x28: {  	v55 =	vadd.s32 $0x200, v1;
	v19 =	vld.idx.msk [tilespmem:v6+s2+$0x0], $0xffff;
	[tilespmem:s28+$0xFFFFFE10] =	vst v9  }
0x29: {  	v58 =	vadd.s32 $0x200, v6;
	[tilespmem:s28+$0xFFFFFE20] =	vst v10;
	v54 =	vld.idx.msk [tilespmem:v11+s2+$0x0], $0xffff  }
0x2a: {  	v59 =	vadd.s32 $0x200, v0;
	[tilespmem:s28+$0xFFFFFE30] =	vst v12;
	v56 =	vld.idx.msk [tilespmem:v13+s2+$0x0], $0xffff  }
0x2b: {  	v8 =	vadd.s32 $0x200, v2;
	[tilespmem:s28+$0xFFFFFE40] =	vst v14;
	v15 =	vld.idx.msk [tilespmem:v15+s2+$0x0], $0xffff  }
0x2c: {  	v57 =	vadd.s32 $0x400, v7;
	[tilespmem:s28+$0xFFFFFE50] =	vst v16;
	v17 =	vld.idx.msk [tilespmem:v17+s2+$0x0], $0xffff  }
0x2d: {  	v60 =	vadd.s32 $0x400, v5;
	[tilespmem:s28+$0xFFFFFE00] =	vst v19;
	v11 =	vld.idx.msk [tilespmem:v55+s2+$0x0], $0xffff  }
0x2e: {  	v61 =	vadd.s32 $0x400, v4;
	[tilespmem:s28+$0xFFFFFE60] =	vst v18;
	v13 =	vld.idx.msk [tilespmem:v58+s2+$0x0], $0xffff  }
0x2f: {  	v62 =	vadd.s32 $0x400, v3;
	v21 =	vld.idx.msk [tilespmem:v59+s2+$0x0], $0xffff;
	[tilespmem:s28+$0xFFFFFEF0] =	vst v54  }
0x30: {  	v23 =	vadd.s32 $0x400, v6;
	v8 =	vld.idx.msk [tilespmem:v8+s2+$0x0], $0xffff;
	[tilespmem:s28+$0xFFFFFE90] =	vst v56  }
0x31: {  	v24 =	vadd.s32 $0x400, v1;
	[tilespmem:s28+$0xFFFFFEA0] =	vst v15;
	v12 =	vld.idx.msk [tilespmem:v57+s2+$0x0], $0xffff  }
0x32: {  	v63 =	vadd.s32 $0x400, v2;
	[tilespmem:s28+$0xFFFFFEB0] =	vst v17;
	v16 =	vld.idx.msk [tilespmem:v60+s2+$0x0], $0xffff  }
0x33: {  	v22 =	vadd.s32 $0x600, v7;
	[tilespmem:s28+$0xFFFFFED0] =	vst v11;
	v18 =	vld.idx.msk [tilespmem:v61+s2+$0x0], $0xffff  }
0x34: {  	v25 =	vadd.s32 $0x600, v5;
	[tilespmem:s28+$0xFFFFFE80] =	vst v13;
	v9 =	vld.idx.msk [tilespmem:v62+s2+$0x0], $0xffff  }
0x35: {  	v26 =	vadd.s32 $0x600, v4;
	[tilespmem:s28+$0xFFFFFEE0] =	vst v21;
	v15 =	vld.idx.msk [tilespmem:v23+s2+$0x0], $0xffff  }
0x36: {  	v28 =	vadd.s32 $0x600, v3;
	v29 =	vld.idx.msk [tilespmem:v24+s2+$0x0], $0xffff;
	[tilespmem:s28+$0xFFFFFEC0] =	vst v8  }
0x37: {  	v31 =	vadd.s32 $0x600, v6;
	v19 =	vld.idx.msk [tilespmem:v63+s2+$0x0], $0xffff;
	[tilespmem:s28+$0xFFFFFF70] =	vst v12  }
0x38: {  	v33 =	vadd.s32 $0x600, v1;
	[tilespmem:s28+$0xFFFFFF10] =	vst v16;
	v27 =	vld.idx.msk [tilespmem:v22+s2+$0x0], $0xffff  }
0x39: {  	v8 =	vadd.s32 $0x400, v0;
	[tilespmem:s28+$0xFFFFFF20] =	vst v18;
	v11 =	vld.idx.msk [tilespmem:v25+s2+$0x0], $0xffff  }
0x3a: {  	v32 =	vadd.s32 $0x600, v2;
	[tilespmem:s28+$0xFFFFFF30] =	vst v9;
	v12 =	vld.idx.msk [tilespmem:v26+s2+$0x0], $0xffff  }
0x3b: {  	v30 =	vadd.s32 $0x800, v7;
	[tilespmem:s28+$0xFFFFFF00] =	vst v15;
	v14 =	vld.idx.msk [tilespmem:v28+s2+$0x0], $0xffff  }
0x3c: {  	v35 =	vadd.s32 $0x800, v5;
	[tilespmem:s28+$0xFFFFFF50] =	vst v29;
	v17 =	vld.idx.msk [tilespmem:v31+s2+$0x0], $0xffff  }
0x3d: {  	v37 =	vadd.s32 $0x800, v4;
	v9 =	vld.idx.msk [tilespmem:v33+s2+$0x0], $0xffff;
	[tilespmem:s28+$0xFFFFFF40] =	vst v19  }
0x3e: {  	v39 =	vadd.s32 $0x800, v6;
	v8 =	vld.idx.msk [tilespmem:v8+s2+$0x0], $0xffff;
	[tilespmem:s28+$0xFFFFFFF0] =	vst v27  }
0x3f: {  	v40 =	vadd.s32 $0x800, v3;
	v38 =	vld.idx.msk [tilespmem:v32+s2+$0x0], $0xffff;
	[tilespmem:s28+$0xFFFFFF90] =	vst v11  }
0x40: {  	v43 =	vadd.s32 $0x800, v1;
	[tilespmem:s28+$0xFFFFFFA0] =	vst v12;
	v36 =	vld.idx.msk [tilespmem:v30+s2+$0x0], $0xffff  }
0x41: {  	v34 =	vadd.s32 $0x600, v0;
	[tilespmem:s28+$0xFFFFFFB0] =	vst v14;
	v13 =	vld.idx.msk [tilespmem:v35+s2+$0x0], $0xffff  }
0x42: {  	v42 =	vadd.s32 $0x800, v2;
	[tilespmem:s28+$0xFFFFFF80] =	vst v17;
	v16 =	vld.idx.msk [tilespmem:v37+s2+$0x0], $0xffff  }
0x43: {  	v18 =	vld.idx.msk [tilespmem:v39+s2+$0x0], $0xffff;
	[tilespmem:s28+$0xFFFFFF60] =	vst v8;
	v8 =	vadd.s32 $0xA00, v7  }
0x44: {  	v45 =	vadd.s32 $0xA00, v5;
	[tilespmem:s28+$0xFFFFFFD0] =	vst v9;
	v46 =	vld.idx.msk [tilespmem:v40+s2+$0x0], $0xffff  }
0x45: {  	v48 =	vadd.s32 $0xA00, v6;
	v50 =	vld.idx.msk [tilespmem:v43+s2+$0x0], $0xffff;
	[tilespmem:s28+$0xFFFFFFC0] =	vst v38  }
0x46: {  	v49 =	vadd.s32 $0xA00, v4;
	v41 =	vld.idx.msk [tilespmem:v34+s2+$0x0], $0xffff;
	[tilespmem:s28+$0x70] =	vst v36  }
0x47: {  	v44 =	vadd.s32 $0x800, v0;
	v19 =	vld.idx.msk [tilespmem:v42+s2+$0x0], $0xffff;
	[tilespmem:s28+$0x10] =	vst v13  }
0x48: {  	v51 =	vadd.s32 $0xA00, v3;
	[tilespmem:s28+$0x20] =	vst v16;
	v8 =	vld.idx.msk [tilespmem:v8+s2+$0x0], $0xffff  }
0x49: {  	v47 =	vadd.s32 $0xC00, v7;
	[tilespmem:s28+$0x0] =	vst v18;
	v17 =	vld.idx.msk [tilespmem:v45+s2+$0x0], $0xffff  }
0x4a: {  	v52 =	vadd.s32 $0xA00, v2;
	[tilespmem:s28+$0x30] =	vst v46;
	v11 =	vld.idx.msk [tilespmem:v48+s2+$0x0], $0xffff  }
0x4b: {  	v55 =	vadd.s32 $0xC00, v6;
	v54 =	vld.idx.msk [tilespmem:v49+s2+$0x0], $0xffff;
	[tilespmem:s28+$0xFFFFFFE0] =	vst v41  }
0x4c: {  	v56 =	vadd.s32 $0xC00, v5;
	[tilespmem:s28+$0x50] =	vst v50;
	v15 =	vld.idx.msk [tilespmem:v44+s2+$0x0], $0xffff  }
0x4d: {  	v53 =	vadd.s32 $0xA00, v0;
	v14 =	vld.idx.msk [tilespmem:v51+s2+$0x0], $0xffff;
	[tilespmem:s28+$0xF0] =	vst v8  }
0x4e: {  	[tilespmem:s28+$0x40] =	vst v19;
	v8 =	vadd.s32 $0xA00, v1;
	v9 =	vld.idx.msk [tilespmem:v47+s2+$0x0], $0xffff  }
0x4f: {  	v7 =	vadd.s32 $0xE00, v7;
	v16 =	vld.idx.msk [tilespmem:v52+s2+$0x0], $0xffff;
	[tilespmem:s28+$0x80] =	vst v11  }
0x50: {  	v57 =	vadd.s32 $0xC00, v4;
	[tilespmem:s28+$0x90] =	vst v17;
	v12 =	vld.idx.msk [tilespmem:v55+s2+$0x0], $0xffff  }
0x51: {  	v58 =	vadd.s32 $0xC00, v3;
	v13 =	vld.idx.msk [tilespmem:v56+s2+$0x0], $0xffff;
	[tilespmem:s28+$0x60] =	vst v15  }
0x52: {  	v59 =	vadd.s32 $0xC00, v2;
	[tilespmem:s28+$0xA0] =	vst v54;
	v18 =	vld.idx.msk [tilespmem:v53+s2+$0x0], $0xffff  }
0x53: {  	v6 =	vadd.s32 $0xE00, v6;
	v8 =	vld.idx.msk [tilespmem:v8+s2+$0x0], $0xffff;
	[tilespmem:s28+$0x170] =	vst v9  }
0x54: {  	v60 =	vadd.s32 $0xC00, v1;
	[tilespmem:s28+$0xB0] =	vst v14;
	v7 =	vld.idx.msk [tilespmem:v7+s2+$0x0], $0xffff  }
0x55: {  	v61 =	vadd.s32 $0xC00, v0;
	v62 =	vld.idx.msk [tilespmem:v57+s2+$0x0], $0xffff;
	[tilespmem:s28+$0xC0] =	vst v16  }
0x56: {  	v5 =	vadd.s32 $0xE00, v5;
	v63 =	vld.idx.msk [tilespmem:v58+s2+$0x0], $0xffff;
	[tilespmem:s28+$0x100] =	vst v12  }
0x57: {  	v3 =	vadd.s32 $0xE00, v3;
	v9 =	vld.idx.msk [tilespmem:v59+s2+$0x0], $0xffff;
	[tilespmem:s28+$0xE0] =	vst v18  }
0x58: {  	v12 =	vld.idx.msk [tilespmem:v6+s2+$0x0], $0xffff;
	[tilespmem:s28+$0xD0] =	vst v8;
	v8 =	vadd.s32 $0xE00, v4  }
0x59: {  	v11 =	vld.idx.msk [tilespmem:v60+s2+$0x0], $0xffff;
	[tilespmem:s28+$0x1F0] =	vst v7;
	v7 =	vadd.s32 $0xE00, v2  }
0x5a: {  	v1 =	vadd.s32 $0xE00, v1;
	[tilespmem:s28+$0x110] =	vst v13;
	v10 =	vld.idx.msk [tilespmem:v61+s2+$0x0], $0xffff  }
0x5b: {  	v0 =	vadd.s32 $0xE00, v0;
	[tilespmem:s28+$0x130] =	vst v63;
	v4 =	vld.idx.msk [tilespmem:v5+s2+$0x0], $0xffff  }
0x5c: {  	[tilespmem:s28+$0x120] =	vst v62;
	v2 =	vld.idx.msk [tilespmem:v3+s2+$0x0], $0xffff  }
0x5d: {  	[tilespmem:s28+$0x140] =	vst v9;
	v5 =	vld.idx.msk [tilespmem:v8+s2+$0x0], $0xffff  }
0x5e: {  	[tilespmem:s28+$0x150] =	vst v11;
	v6 =	vld.idx.msk [tilespmem:v7+s2+$0x0], $0xffff  }
0x5f: {  	[tilespmem:s28+$0x160] =	vst v10;
	v3 =	vld.idx.msk [tilespmem:v1+s2+$0x0], $0xffff  }
0x60: {  	s29 =	simm.s32 $0x0;
	s30 =	simm.s32 $0x80C0;
	[tilespmem:s28+$0x180] =	vst v12;
	v1 =	vld.idx.msk [tilespmem:v0+s2+$0x0], $0xffff  }
.LBB2_2:
0x61: {  	v0 =	vld [tilespmem:s30+$0x30];
	s29 =	sadd.s32 $0x8, s29;
	[tilespmem:s28+$0x190] =	vst v4  }
0x62: {  	v7 =	vld [tilespmem:s30+$0xFFFFFFD0];
	p0 =	slt.u32 s29, $0x38;
	[tilespmem:s28+$0x1A0] =	vst v5  }
0x63: {  	v5 =	vld [tilespmem:s30+$0xFFFFFFE0];
	[tilespmem:s28+$0x1B0] =	vst v2  }
0x64: {  	v2 =	vld [tilespmem:s30+$0xFFFFFFF0];
	[tilespmem:s28+$0x1C0] =	vst v6  }
0x65: {  	v6 =	vld [tilespmem:s30+$0x0];
	[tilespmem:s28+$0x1D0] =	vst v3  }
0x66: {  	v3 =	vld [tilespmem:s30+$0x10];
	[tilespmem:s28+$0x1E0] =	vst v1  }
0x67: {  	v1 =	vadd.s32 $0x200, v7;
	v21 =	vadd.s32 $0x400, v7;
	v22 =	vadd.s32 $0x600, v7;
	v23 =	vld [tilespmem:s30+$0x20]  }
0x68: {  	v4 =	vld [tilespmem:s30+$0xFFFFFFC0];
	v8 =	vadd.s32 $0x200, v5;
	v24 =	vadd.s32 $0x400, v5;
	v25 =	vadd.s32 $0x600, v5  }
0x69: {  	v9 =	vadd.s32 $0x200, v2;
	v26 =	vadd.s32 $0x400, v2;
	v27 =	vadd.s32 $0x600, v2;
	v10 =	vld.idx.msk [tilespmem:v0+s2+$0x0], $0xffff  }
0x6a: {  	v11 =	vld.idx.msk [tilespmem:v7+s2+$0x0], $0xffff;
	v12 =	vadd.s32 $0x200, v6;
	v28 =	vadd.s32 $0x400, v6;
	v29 =	vadd.s32 $0x600, v6  }
0x6b: {  	v14 =	vadd.s32 $0x200, v0;
	v13 =	vld.idx.msk [tilespmem:v5+s2+$0x0], $0xffff;
	v30 =	vadd.s32 $0x200, v3;
	v31 =	vadd.s32 $0x400, v3  }
0x6c: {  	v32 =	vadd.s32 $0x600, v3;
	v16 =	vld.idx.msk [tilespmem:v2+s2+$0x0], $0xffff;
	v33 =	vadd.s32 $0x200, v23;
	v34 =	vadd.s32 $0x400, v23  }
0x6d: {  	v35 =	vadd.s32 $0x200, v4;
	v36 =	vadd.s32 $0x400, v4;
	v37 =	vadd.s32 $0x600, v4;
	v20 =	vld.idx.msk [tilespmem:v6+s2+$0x0], $0xffff  }
0x6e: {  	s28 =	sadd.s32 $0x400, s28;
	v39 =	vadd.s32 $0x800, v7;
	v41 =	vadd.s32 $0x600, v23;
	v38 =	vadd.s32 $0x800, v4;
	v40 =	vld.idx.msk [tilespmem:v3+s2+$0x0], $0xffff  }
0x6f: {  	v42 =	vadd.s32 $0x800, v5;
	v43 =	vadd.s32 $0x800, v2;
	v44 =	vadd.s32 $0x800, v6;
	v45 =	vld.idx.msk [tilespmem:v23+s2+$0x0], $0xffff;
	[tilespmem:s28+$0xFFFFFE70] =	vst v10  }
0x70: {  	v46 =	vadd.s32 $0x800, v3;
	v47 =	vadd.s32 $0x800, v23;
	v15 =	vadd.s32 $0xA00, v4;
	[tilespmem:s28+$0xFFFFFE10] =	vst v11;
	v48 =	vld.idx.msk [tilespmem:v14+s2+$0x0], $0xffff  }
0x71: {  	v50 =	vadd.s32 $0xA00, v7;
	v19 =	vadd.s32 $0xA00, v5;
	v17 =	vadd.s32 $0xA00, v2;
	v49 =	vld.idx.msk [tilespmem:v4+s2+$0x0], $0xffff;
	[tilespmem:s28+$0xFFFFFE20] =	vst v13  }
0x72: {  	v52 =	vadd.s32 $0x400, v0;
	v18 =	vadd.s32 $0xA00, v6;
	v51 =	vld.idx.msk [tilespmem:v1+s2+$0x0], $0xffff;
	[tilespmem:s28+$0xFFFFFE30] =	vst v16;
	v16 =	vadd.s32 $0xA00, v3  }
0x73: {  	v10 =	vadd.s32 $0xC00, v7;
	v13 =	vadd.s32 $0xC00, v4;
	v53 =	vld.idx.msk [tilespmem:v8+s2+$0x0], $0xffff;
	[tilespmem:s28+$0xFFFFFE40] =	vst v20;
	v20 =	vadd.s32 $0xA00, v23  }
0x74: {  	v14 =	vadd.s32 $0xC00, v5;
	v11 =	vadd.s32 $0xC00, v2;
	v8 =	vadd.s32 $0xC00, v6;
	v54 =	vld.idx.msk [tilespmem:v9+s2+$0x0], $0xffff;
	[tilespmem:s28+$0xFFFFFE50] =	vst v40  }
0x75: {  	v4 =	vadd.s32 $0xE00, v4;
	v9 =	vadd.s32 $0xC00, v23;
	v40 =	vld.idx.msk [tilespmem:v12+s2+$0x0], $0xffff;
	v12 =	vadd.s32 $0xC00, v3;
	[tilespmem:s28+$0xFFFFFE60] =	vst v45  }
0x76: {  	v7 =	vadd.s32 $0xE00, v7;
	v5 =	vadd.s32 $0xE00, v5;
	v2 =	vadd.s32 $0xE00, v2;
	v30 =	vld.idx.msk [tilespmem:v30+s2+$0x0], $0xffff;
	[tilespmem:s28+$0xFFFFFEF0] =	vst v48  }
0x77: {  	v1 =	vadd.s32 $0xE00, v23;
	v6 =	vadd.s32 $0xE00, v6;
	v3 =	vadd.s32 $0xE00, v3;
	[tilespmem:s28+$0xFFFFFE00] =	vst v49;
	v23 =	vld.idx.msk [tilespmem:v52+s2+$0x0], $0xffff  }
0x78: {  	v35 =	vld.idx.msk [tilespmem:v35+s2+$0x0], $0xffff;
	[tilespmem:s28+$0xFFFFFE90] =	vst v51  }
0x79: {  	v45 =	vadd.s32 $0x600, v0;
	[tilespmem:s28+$0xFFFFFEA0] =	vst v53;
	v33 =	vld.idx.msk [tilespmem:v33+s2+$0x0], $0xffff  }
0x7a: {  	v21 =	vld.idx.msk [tilespmem:v21+s2+$0x0], $0xffff;
	[tilespmem:s28+$0xFFFFFEB0] =	vst v54  }
0x7b: {  	v24 =	vld.idx.msk [tilespmem:v24+s2+$0x0], $0xffff;
	[tilespmem:s28+$0xFFFFFEC0] =	vst v40  }
0x7c: {  	v26 =	vld.idx.msk [tilespmem:v26+s2+$0x0], $0xffff;
	[tilespmem:s28+$0xFFFFFED0] =	vst v30  }
0x7d: {  	v28 =	vld.idx.msk [tilespmem:v28+s2+$0x0], $0xffff;
	[tilespmem:s28+$0xFFFFFF70] =	vst v23  }
0x7e: {  	[tilespmem:s28+$0xFFFFFE80] =	vst v35;
	v23 =	vld.idx.msk [tilespmem:v45+s2+$0x0], $0xffff  }
0x7f: {  	v30 =	vld.idx.msk [tilespmem:v36+s2+$0x0], $0xffff;
	[tilespmem:s28+$0xFFFFFEE0] =	vst v33  }
0x80: {  	[tilespmem:s28+$0xFFFFFF10] =	vst v21;
	v21 =	vld.idx.msk [tilespmem:v31+s2+$0x0], $0xffff;
	v31 =	vadd.s32 $0x800, v0  }
0x81: {  	[tilespmem:s28+$0xFFFFFF20] =	vst v24;
	v24 =	vld.idx.msk [tilespmem:v34+s2+$0x0], $0xffff  }
0x82: {  	v22 =	vld.idx.msk [tilespmem:v22+s2+$0x0], $0xffff;
	[tilespmem:s28+$0xFFFFFF30] =	vst v26  }
0x83: {  	v25 =	vld.idx.msk [tilespmem:v25+s2+$0x0], $0xffff;
	[tilespmem:s28+$0xFFFFFF40] =	vst v28  }
0x84: {  	v26 =	vld.idx.msk [tilespmem:v27+s2+$0x0], $0xffff;
	[tilespmem:s28+$0xFFFFFFF0] =	vst v23  }
0x85: {  	[tilespmem:s28+$0xFFFFFF00] =	vst v30;
	v23 =	vld.idx.msk [tilespmem:v31+s2+$0x0], $0xffff  }
0x86: {  	v27 =	vld.idx.msk [tilespmem:v37+s2+$0x0], $0xffff;
	[tilespmem:s28+$0xFFFFFF50] =	vst v21  }
0x87: {  	v21 =	vld.idx.msk [tilespmem:v29+s2+$0x0], $0xffff;
	[tilespmem:s28+$0xFFFFFF60] =	vst v24;
	v24 =	vadd.s32 $0xA00, v0  }
0x88: {  	[tilespmem:s28+$0xFFFFFF90] =	vst v22;
	v22 =	vld.idx.msk [tilespmem:v32+s2+$0x0], $0xffff  }
0x89: {  	[tilespmem:s28+$0xFFFFFFA0] =	vst v25;
	v25 =	vld.idx.msk [tilespmem:v41+s2+$0x0], $0xffff  }
0x8a: {  	v28 =	vld.idx.msk [tilespmem:v39+s2+$0x0], $0xffff;
	[tilespmem:s28+$0xFFFFFFB0] =	vst v26  }
0x8b: {  	v26 =	vld.idx.msk [tilespmem:v42+s2+$0x0], $0xffff;
	[tilespmem:s28+$0x70] =	vst v23  }
0x8c: {  	[tilespmem:s28+$0xFFFFFF80] =	vst v27;
	v23 =	vld.idx.msk [tilespmem:v24+s2+$0x0], $0xffff  }
0x8d: {  	v24 =	vld.idx.msk [tilespmem:v38+s2+$0x0], $0xffff;
	[tilespmem:s28+$0xFFFFFFC0] =	vst v21  }
0x8e: {  	v21 =	vld.idx.msk [tilespmem:v43+s2+$0x0], $0xffff;
	[tilespmem:s28+$0xFFFFFFD0] =	vst v22;
	v22 =	vadd.s32 $0xC00, v0  }
0x8f: {  	v27 =	vld.idx.msk [tilespmem:v44+s2+$0x0], $0xffff;
	[tilespmem:s28+$0xFFFFFFE0] =	vst v25  }
0x90: {  	[tilespmem:s28+$0x10] =	vst v28;
	v25 =	vld.idx.msk [tilespmem:v46+s2+$0x0], $0xffff  }
0x91: {  	[tilespmem:s28+$0x20] =	vst v26;
	v26 =	vld.idx.msk [tilespmem:v47+s2+$0x0], $0xffff  }
0x92: {  	v28 =	vld.idx.msk [tilespmem:v50+s2+$0x0], $0xffff;
	[tilespmem:s28+$0xF0] =	vst v23  }
0x93: {  	[tilespmem:s28+$0x0] =	vst v24;
	v22 =	vld.idx.msk [tilespmem:v22+s2+$0x0], $0xffff  }
0x94: {  	v15 =	vld.idx.msk [tilespmem:v15+s2+$0x0], $0xffff;
	[tilespmem:s28+$0x30] =	vst v21  }
0x95: {  	v0 =	vadd.s32 $0xE00, v0;
	v19 =	vld.idx.msk [tilespmem:v19+s2+$0x0], $0xffff;
	[tilespmem:s28+$0x40] =	vst v27  }
0x96: {  	v17 =	vld.idx.msk [tilespmem:v17+s2+$0x0], $0xffff;
	[tilespmem:s28+$0x50] =	vst v25  }
0x97: {  	v18 =	vld.idx.msk [tilespmem:v18+s2+$0x0], $0xffff;
	[tilespmem:s28+$0x60] =	vst v26  }
0x98: {  	[tilespmem:s28+$0x90] =	vst v28;
	v16 =	vld.idx.msk [tilespmem:v16+s2+$0x0], $0xffff  }
0x99: {  	v20 =	vld.idx.msk [tilespmem:v20+s2+$0x0], $0xffff;
	[tilespmem:s28+$0x170] =	vst v22  }
0x9a: {  	[tilespmem:s28+$0x80] =	vst v15;
	v0 =	vld.idx.msk [tilespmem:v0+s2+$0x0], $0xffff  }
0x9b: {  	v13 =	vld.idx.msk [tilespmem:v13+s2+$0x0], $0xffff;
	[tilespmem:s28+$0xA0] =	vst v19  }
0x9c: {  	v10 =	vld.idx.msk [tilespmem:v10+s2+$0x0], $0xffff;
	[tilespmem:s28+$0xB0] =	vst v17  }
0x9d: {  	v14 =	vld.idx.msk [tilespmem:v14+s2+$0x0], $0xffff;
	[tilespmem:s28+$0xC0] =	vst v18  }
0x9e: {  	v11 =	vld.idx.msk [tilespmem:v11+s2+$0x0], $0xffff;
	[tilespmem:s28+$0xD0] =	vst v16  }
0x9f: {  	v8 =	vld.idx.msk [tilespmem:v8+s2+$0x0], $0xffff;
	[tilespmem:s28+$0xE0] =	vst v20  }
0xa0: {  	v12 =	vld.idx.msk [tilespmem:v12+s2+$0x0], $0xffff;
	[tilespmem:s28+$0x1F0] =	vst v0  }
0xa1: {  	[tilespmem:s28+$0x100] =	vst v13;
	v0 =	vld.idx.msk [tilespmem:v9+s2+$0x0], $0xffff  }
0xa2: {  	v9 =	vld.idx.msk [tilespmem:v4+s2+$0x0], $0xffff;
	[tilespmem:s28+$0x110] =	vst v10  }
0xa3: {  	v4 =	vld.idx.msk [tilespmem:v7+s2+$0x0], $0xffff;
	[tilespmem:s28+$0x120] =	vst v14  }
.Ltmp0:
0xa4: {  	v5 =	vld.idx.msk [tilespmem:v5+s2+$0x0], $0xffff;
	[tilespmem:s28+$0x130] =	vst v11;
	(pc) =	sbr.rel @p0 .LBB2_2-.Ltmp0, $4  }
0xa5: {  	v2 =	vld.idx.msk [tilespmem:v2+s2+$0x0], $0xffff;
	[tilespmem:s28+$0x140] =	vst v8  }
0xa6: {  	v6 =	vld.idx.msk [tilespmem:v6+s2+$0x0], $0xffff;
	[tilespmem:s28+$0x150] =	vst v12  }
0xa7: {  	v3 =	vld.idx.msk [tilespmem:v3+s2+$0x0], $0xffff;
	[tilespmem:s28+$0x160] =	vst v0  }
0xa8: {  	s30 =	sadd.s32 $0x80, s30;
	[tilespmem:s28+$0x180] =	vst v9;
	v1 =	vld.idx.msk [tilespmem:v1+s2+$0x0], $0xffff  }
0xa9: {  	[tilespmem:s28+$0x190] =	vst v4  }
0xaa: {  	[tilespmem:s28+$0x1A0] =	vst v5  }
0xab: {  	[tilespmem:s28+$0x1B0] =	vst v2  }
0xac: {  	[tilespmem:s28+$0x1C0] =	vst v6  }
0xad: {  	[tilespmem:s28+$0x1D0] =	vst v3  }
0xae: {  	[tilespmem:s28+$0x1E0] =	vst v1;
	s28 =	simm.s32 $0x8040  }
0xaf: {  	[hbm4b:s5+s2] =	stream.linear.scatter [tilespmem:s17], [sflag:$0x3], $0x2000, $0x38;
	[tilespmem:$0x18400] =	vst v63  }
0xb0: {  	v7 =	vld [tilespmem:s28+$0x30]  }
0xb1: {  	v5 =	vld [tilespmem:s28+$0xFFFFFFD0]  }
0xb2: {  	v4 =	vld [tilespmem:s28+$0xFFFFFFE0]  }
0xb3: {  	v3 =	vld [tilespmem:s28+$0xFFFFFFF0]  }
0xb4: {  	v2 =	vld [tilespmem:s28+$0x0]  }
0xb5: {  	v0 =	vld [tilespmem:s28+$0x10];
	v8 =	vadd.s32 $0x1000, v7  }
0xb6: {  	v1 =	vld [tilespmem:s28+$0x20];
	v9 =	vadd.s32 $0x1000, v5  }
0xb7: {  	v6 =	vld [tilespmem:s28+$0xFFFFFFC0];
	v10 =	vadd.s32 $0x1000, v4  }
0xb8: {  	v11 =	vadd.s32 $0x1000, v3  }
0xb9: {  	v12 =	vadd.s32 $0x1000, v2  }
0xba: {  	v13 =	vadd.s32 $0x1000, v0;
	v8 =	vld.idx.msk [tilespmem:v8+s2+$0x0], $0xffff  }
0xbb: {  	v14 =	vadd.s32 $0x1000, v1;
	v9 =	vld.idx.msk [tilespmem:v9+s2+$0x0], $0xffff  }
0xbc: {  	v16 =	vadd.s32 $0x1000, v6;
	v10 =	vld.idx.msk [tilespmem:v10+s2+$0x0], $0xffff  }
0xbd: {  	v15 =	vadd.s32 $0x1200, v7;
	v11 =	vld.idx.msk [tilespmem:v11+s2+$0x0], $0xffff  }
0xbe: {  	v17 =	vadd.s32 $0x1200, v5;
	v12 =	vld.idx.msk [tilespmem:v12+s2+$0x0], $0xffff  }
0xbf: {  	s28 =	simm.s32 $0xA7F0;
	v18 =	vadd.s32 $0x1200, v4;
	v13 =	vld.idx.msk [tilespmem:v13+s2+$0x0], $0xffff  }
0xc0: {  	v19 =	vadd.s32 $0x1200, v3;
	v14 =	vld.idx.msk [tilespmem:v14+s2+$0x0], $0xffff;
	[tilespmem:s28+$0xFFFFFC80] =	vst v8  }
0xc1: {  	v28 =	vadd.s32 $0x1200, v0;
	v16 =	vld.idx.msk [tilespmem:v16+s2+$0x0], $0xffff;
	[tilespmem:s28+$0xFFFFFC20] =	vst v9  }
0xc2: {  	v29 =	vadd.s32 $0x1200, v6;
	[tilespmem:s28+$0xFFFFFC30] =	vst v10;
	v9 =	vld.idx.msk [tilespmem:v15+s2+$0x0], $0xffff  }
0xc3: {  	v8 =	vadd.s32 $0x1200, v2;
	[tilespmem:s28+$0xFFFFFC40] =	vst v11;
	v10 =	vld.idx.msk [tilespmem:v17+s2+$0x0], $0xffff  }
0xc4: {  	v30 =	vadd.s32 $0x1200, v1;
	[tilespmem:s28+$0xFFFFFC50] =	vst v12;
	v18 =	vld.idx.msk [tilespmem:v18+s2+$0x0], $0xffff  }
0xc5: {  	v11 =	vadd.s32 $0x1400, v7;
	[tilespmem:s28+$0xFFFFFC60] =	vst v13;
	v19 =	vld.idx.msk [tilespmem:v19+s2+$0x0], $0xffff  }
0xc6: {  	v31 =	vadd.s32 $0x1400, v5;
	[tilespmem:s28+$0xFFFFFC10] =	vst v16;
	v15 =	vld.idx.msk [tilespmem:v28+s2+$0x0], $0xffff  }
0xc7: {  	v32 =	vadd.s32 $0x1400, v4;
	[tilespmem:s28+$0xFFFFFC70] =	vst v14;
	v17 =	vld.idx.msk [tilespmem:v29+s2+$0x0], $0xffff  }
0xc8: {  	v35 =	vadd.s32 $0x1400, v6;
	v8 =	vld.idx.msk [tilespmem:v8+s2+$0x0], $0xffff;
	[tilespmem:s28+$0xFFFFFD00] =	vst v9  }
0xc9: {  	v9 =	vadd.s32 $0x1400, v3;
	[tilespmem:s28+$0xFFFFFCA0] =	vst v10;
	v10 =	vld.idx.msk [tilespmem:v30+s2+$0x0], $0xffff  }
0xca: {  	v33 =	vadd.s32 $0x1400, v2;
	[tilespmem:s28+$0xFFFFFCB0] =	vst v18;
	v11 =	vld.idx.msk [tilespmem:v11+s2+$0x0], $0xffff  }
0xcb: {  	v36 =	vadd.s32 $0x1400, v0;
	[tilespmem:s28+$0xFFFFFCC0] =	vst v19;
	v13 =	vld.idx.msk [tilespmem:v31+s2+$0x0], $0xffff  }
0xcc: {  	v34 =	vadd.s32 $0x1600, v7;
	[tilespmem:s28+$0xFFFFFC90] =	vst v17;
	v14 =	vld.idx.msk [tilespmem:v32+s2+$0x0], $0xffff  }
0xcd: {  	v37 =	vadd.s32 $0x1600, v5;
	[tilespmem:s28+$0xFFFFFCE0] =	vst v15;
	v18 =	vld.idx.msk [tilespmem:v35+s2+$0x0], $0xffff  }
0xce: {  	v40 =	vadd.s32 $0x1600, v6;
	[tilespmem:s28+$0xFFFFFCD0] =	vst v8;
	v9 =	vld.idx.msk [tilespmem:v9+s2+$0x0], $0xffff  }
0xcf: {  	v8 =	vadd.s32 $0x1400, v1;
	v16 =	vld.idx.msk [tilespmem:v33+s2+$0x0], $0xffff;
	[tilespmem:s28+$0xFFFFFCF0] =	vst v10  }
0xd0: {  	v10 =	vld.idx.msk [tilespmem:v36+s2+$0x0], $0xffff;
	[tilespmem:s28+$0xFFFFFD80] =	vst v11;
	v11 =	vadd.s32 $0x1600, v4  }
0xd1: {  	v38 =	vadd.s32 $0x1600, v3;
	[tilespmem:s28+$0xFFFFFD20] =	vst v13;
	v12 =	vld.idx.msk [tilespmem:v34+s2+$0x0], $0xffff  }
0xd2: {  	v41 =	vadd.s32 $0x1600, v2;
	[tilespmem:s28+$0xFFFFFD10] =	vst v18;
	v15 =	vld.idx.msk [tilespmem:v37+s2+$0x0], $0xffff  }
0xd3: {  	v39 =	vadd.s32 $0x1800, v7;
	[tilespmem:s28+$0xFFFFFD30] =	vst v14;
	v19 =	vld.idx.msk [tilespmem:v40+s2+$0x0], $0xffff  }
0xd4: {  	v43 =	vadd.s32 $0x1800, v5;
	v8 =	vld.idx.msk [tilespmem:v8+s2+$0x0], $0xffff;
	[tilespmem:s28+$0xFFFFFD40] =	vst v9  }
0xd5: {  	v45 =	vadd.s32 $0x1800, v6;
	[tilespmem:s28+$0xFFFFFD50] =	vst v16;
	v11 =	vld.idx.msk [tilespmem:v11+s2+$0x0], $0xffff  }
0xd6: {  	v9 =	vadd.s32 $0x1600, v0;
	[tilespmem:s28+$0xFFFFFD60] =	vst v10;
	v17 =	vld.idx.msk [tilespmem:v38+s2+$0x0], $0xffff  }
0xd7: {  	v42 =	vadd.s32 $0x1600, v1;
	v10 =	vld.idx.msk [tilespmem:v41+s2+$0x0], $0xffff;
	[tilespmem:s28+$0xFFFFFE00] =	vst v12  }
0xd8: {  	v44 =	vadd.s32 $0x1800, v4;
	[tilespmem:s28+$0xFFFFFDA0] =	vst v15;
	v13 =	vld.idx.msk [tilespmem:v39+s2+$0x0], $0xffff  }
0xd9: {  	v46 =	vadd.s32 $0x1800, v3;
	[tilespmem:s28+$0xFFFFFD90] =	vst v19;
	v12 =	vld.idx.msk [tilespmem:v43+s2+$0x0], $0xffff  }
0xda: {  	v47 =	vadd.s32 $0x1800, v2;
	v14 =	vld.idx.msk [tilespmem:v45+s2+$0x0], $0xffff;
	[tilespmem:s28+$0xFFFFFD70] =	vst v8  }
0xdb: {  	v8 =	vadd.s32 $0x1A00, v7;
	v9 =	vld.idx.msk [tilespmem:v9+s2+$0x0], $0xffff;
	[tilespmem:s28+$0xFFFFFDB0] =	vst v11  }
0xdc: {  	v50 =	vadd.s32 $0x1A00, v5;
	v11 =	vld.idx.msk [tilespmem:v42+s2+$0x0], $0xffff;
	[tilespmem:s28+$0xFFFFFDC0] =	vst v17  }
0xdd: {  	v51 =	vadd.s32 $0x1A00, v6;
	[tilespmem:s28+$0xFFFFFDD0] =	vst v10;
	v18 =	vld.idx.msk [tilespmem:v44+s2+$0x0], $0xffff  }
0xde: {  	v48 =	vadd.s32 $0x1800, v0;
	v10 =	vld.idx.msk [tilespmem:v46+s2+$0x0], $0xffff;
	[tilespmem:s28+$0xFFFFFE80] =	vst v13  }
0xdf: {  	v49 =	vadd.s32 $0x1800, v1;
	v16 =	vld.idx.msk [tilespmem:v47+s2+$0x0], $0xffff;
	[tilespmem:s28+$0xFFFFFE20] =	vst v12  }
0xe0: {  	v53 =	vadd.s32 $0x1A00, v3;
	[tilespmem:s28+$0xFFFFFE10] =	vst v14;
	v8 =	vld.idx.msk [tilespmem:v8+s2+$0x0], $0xffff  }
0xe1: {  	v54 =	vadd.s32 $0x1A00, v2;
	v19 =	vld.idx.msk [tilespmem:v50+s2+$0x0], $0xffff;
	[tilespmem:s28+$0xFFFFFDE0] =	vst v9  }
0xe2: {  	v15 =	vld.idx.msk [tilespmem:v51+s2+$0x0], $0xffff;
	v9 =	vadd.s32 $0x1C00, v7;
	[tilespmem:s28+$0xFFFFFDF0] =	vst v11  }
0xe3: {  	v57 =	vadd.s32 $0x1C00, v5;
	v52 =	vld.idx.msk [tilespmem:v48+s2+$0x0], $0xffff;
	[tilespmem:s28+$0xFFFFFE30] =	vst v18  }
0xe4: {  	v11 =	vadd.s32 $0x1A00, v4;
	v13 =	vld.idx.msk [tilespmem:v49+s2+$0x0], $0xffff;
	[tilespmem:s28+$0xFFFFFE40] =	vst v10  }
0xe5: {  	v55 =	vadd.s32 $0x1A00, v1;
	[tilespmem:s28+$0xFFFFFE50] =	vst v16;
	v56 =	vld.idx.msk [tilespmem:v53+s2+$0x0], $0xffff  }
0xe6: {  	v58 =	vld.idx.msk [tilespmem:v54+s2+$0x0], $0xffff;
	[tilespmem:s28+$0xFFFFFF00] =	vst v8;
	v8 =	vadd.s32 $0x1A00, v0  }
0xe7: {  	v60 =	vadd.s32 $0x1C00, v3;
	[tilespmem:s28+$0xFFFFFEA0] =	vst v19;
	v9 =	vld.idx.msk [tilespmem:v9+s2+$0x0], $0xffff  }
0xe8: {  	v7 =	vadd.s32 $0x1E00, v7;
	[tilespmem:s28+$0xFFFFFE90] =	vst v15;
	v12 =	vld.idx.msk [tilespmem:v57+s2+$0x0], $0xffff  }
0xe9: {  	v10 =	vld.idx.msk [tilespmem:v11+s2+$0x0], $0xffff;
	v11 =	vadd.s32 $0x1C00, v6;
	[tilespmem:s28+$0xFFFFFE70] =	vst v13  }
0xea: {  	v5 =	vadd.s32 $0x1E00, v5;
	[tilespmem:s28+$0xFFFFFE60] =	vst v52;
	v14 =	vld.idx.msk [tilespmem:v55+s2+$0x0], $0xffff  }
0xeb: {  	v59 =	vadd.s32 $0x1C00, v4;
	[tilespmem:s28+$0xFFFFFEC0] =	vst v56;
	v8 =	vld.idx.msk [tilespmem:v8+s2+$0x0], $0xffff  }
0xec: {  	v16 =	vld.idx.msk [tilespmem:v60+s2+$0x0], $0xffff;
	[tilespmem:s28+$0xFFFFFF80] =	vst v9;
	v9 =	vadd.s32 $0x1C00, v2  }
0xed: {  	v61 =	vadd.s32 $0x1C00, v0;
	[tilespmem:s28+$0xFFFFFF20] =	vst v12;
	v7 =	vld.idx.msk [tilespmem:v7+s2+$0x0], $0xffff  }
0xee: {  	v11 =	vld.idx.msk [tilespmem:v11+s2+$0x0], $0xffff;
	[tilespmem:s28+$0xFFFFFEB0] =	vst v10;
	v10 =	vadd.s32 $0x1C00, v1  }
0xef: {  	v6 =	vadd.s32 $0x1E00, v6;
	[tilespmem:s28+$0xFFFFFED0] =	vst v58;
	v5 =	vld.idx.msk [tilespmem:v5+s2+$0x0], $0xffff  }
0xf0: {  	v62 =	vadd.s32 $0x1E00, v3;
	v13 =	vld.idx.msk [tilespmem:v59+s2+$0x0], $0xffff;
	[tilespmem:s28+$0xFFFFFEF0] =	vst v14  }
0xf1: {  	v4 =	vadd.s32 $0x1E00, v4;
	[tilespmem:s28+$0xFFFFFEE0] =	vst v8;
	v9 =	vld.idx.msk [tilespmem:v9+s2+$0x0], $0xffff  }
0xf2: {  	v63 =	vadd.s32 $0x1E00, v2;
	[tilespmem:s28+$0xFFFFFF40] =	vst v16;
	v15 =	vld.idx.msk [tilespmem:v61+s2+$0x0], $0xffff  }
0xf3: {  	[tilespmem:s28+$0xFFFFFF10] =	vst v11;
	v8 =	vld.idx.msk [tilespmem:v10+s2+$0x0], $0xffff  }
0xf4: {  	[tilespmem:s28+$0x0] =	vst v7;
	v7 =	vld.idx.msk [tilespmem:v6+s2+$0x0], $0xffff  }
0xf5: {  	[tilespmem:s28+$0xFFFFFF30] =	vst v13;
	v6 =	vld.idx.msk [tilespmem:v62+s2+$0x0], $0xffff  }
0xf6: {  	v3 =	vld.idx.msk [tilespmem:v4+s2+$0x0], $0xffff;
	[tilespmem:s28+$0xFFFFFF50] =	vst v9  }
0xf7: {  	s29 =	simm.s32 $0x0;
	s30 =	simm.s32 $0x80C0;
	v2 =	vadd.s32 $0x1E00, v0;
	v1 =	vadd.s32 $0x1E00, v1;
	[tilespmem:s28+$0xFFFFFF60] =	vst v15;
	v4 =	vld.idx.msk [tilespmem:v63+s2+$0x0], $0xffff  }
.LBB2_4:
0xf8: {  	v0 =	vld [tilespmem:s30+$0x30];
	s29 =	sadd.s32 $0x8, s29;
	[tilespmem:s28+$0xFFFFFF70] =	vst v8  }
0xf9: {  	v21 =	vld [tilespmem:s30+$0xFFFFFFD0];
	p0 =	slt.u32 s29, $0x38;
	[tilespmem:s28+$0xFFFFFF90] =	vst v7  }
0xfa: {  	v22 =	vld [tilespmem:s30+$0xFFFFFFE0];
	[tilespmem:s28+$0xFFFFFFA0] =	vst v5  }
0xfb: {  	v23 =	vld [tilespmem:s30+$0xFFFFFFF0];
	[tilespmem:s28+$0xFFFFFFB0] =	vst v3  }
0xfc: {  	v24 =	vld [tilespmem:s30+$0x0];
	[tilespmem:s28+$0xFFFFFFC0] =	vst v6  }
0xfd: {  	v25 =	vld [tilespmem:s30+$0x10];
	v3 =	vadd.s32 $0x1000, v0;
	[tilespmem:s28+$0xFFFFFFD0] =	vst v4  }
0xfe: {  	v4 =	vadd.s32 $0x1000, v21;
	v5 =	vadd.s32 $0x1200, v21;
	v26 =	vadd.s32 $0x1400, v21;
	v27 =	vld [tilespmem:s30+$0x20]  }
0xff: {  	v6 =	vld [tilespmem:s30+$0xFFFFFFC0];
	v7 =	vadd.s32 $0x1000, v22;
	v8 =	vadd.s32 $0x1200, v22;
	v28 =	vadd.s32 $0x1400, v22  }
0x100: {  	v9 =	vadd.s32 $0x1000, v23;
	v11 =	vadd.s32 $0x1200, v23;
	v29 =	vadd.s32 $0x1400, v23;
	v2 =	vld.idx.msk [tilespmem:v2+s2+$0x0], $0xffff  }
0x101: {  	v10 =	vadd.s32 $0x1000, v24;
	v13 =	vadd.s32 $0x1200, v24;
	v30 =	vadd.s32 $0x1400, v24;
	v1 =	vld.idx.msk [tilespmem:v1+s2+$0x0], $0xffff  }
0x102: {  	v12 =	vadd.s32 $0x1000, v25;
	v31 =	vadd.s32 $0x1200, v25;
	v32 =	vadd.s32 $0x1400, v25;
	v3 =	vld.idx.msk [tilespmem:v3+s2+$0x0], $0xffff  }
0x103: {  	v4 =	vld.idx.msk [tilespmem:v4+s2+$0x0], $0xffff;
	v14 =	vadd.s32 $0x1000, v27;
	v33 =	vadd.s32 $0x1200, v27;
	v34 =	vadd.s32 $0x1400, v27  }
0x104: {  	v16 =	vadd.s32 $0x1200, v0;
	v15 =	vadd.s32 $0x1000, v6;
	v35 =	vadd.s32 $0x1200, v6;
	v7 =	vld.idx.msk [tilespmem:v7+s2+$0x0], $0xffff  }
0x105: {  	v38 =	vadd.s32 $0x1600, v21;
	v36 =	vadd.s32 $0x1400, v6;
	v37 =	vadd.s32 $0x1600, v6;
	v9 =	vld.idx.msk [tilespmem:v9+s2+$0x0], $0xffff  }
0x106: {  	v39 =	vadd.s32 $0x1600, v22;
	v40 =	vadd.s32 $0x1600, v23;
	v41 =	vadd.s32 $0x1600, v24;
	v20 =	vld.idx.msk [tilespmem:v10+s2+$0x0], $0xffff;
	[tilespmem:s28+$0xFFFFFFE0] =	vst v2  }
0x107: {  	v43 =	vadd.s32 $0x1600, v25;
	v44 =	vadd.s32 $0x1600, v27;
	v42 =	vadd.s32 $0x1800, v6;
	v2 =	vld.idx.msk [tilespmem:v12+s2+$0x0], $0xffff;
	[tilespmem:s28+$0xFFFFFFF0] =	vst v1;
	s28 =	sadd.s32 $0x400, s28  }
0x108: {  	v45 =	vadd.s32 $0x1800, v21;
	v46 =	vadd.s32 $0x1800, v22;
	v47 =	vadd.s32 $0x1800, v23;
	v1 =	vld.idx.msk [tilespmem:v14+s2+$0x0], $0xffff;
	[tilespmem:s28+$0xFFFFFC80] =	vst v3  }
0x109: {  	v48 =	vadd.s32 $0x1800, v24;
	v49 =	vadd.s32 $0x1800, v25;
	v50 =	vadd.s32 $0x1800, v27;
	[tilespmem:s28+$0xFFFFFC20] =	vst v4;
	v4 =	vld.idx.msk [tilespmem:v16+s2+$0x0], $0xffff  }
0x10a: {  	v52 =	vadd.s32 $0x1A00, v21;
	v18 =	vadd.s32 $0x1A00, v22;
	v17 =	vadd.s32 $0x1A00, v6;
	v51 =	vld.idx.msk [tilespmem:v15+s2+$0x0], $0xffff;
	[tilespmem:s28+$0xFFFFFC30] =	vst v7  }
0x10b: {  	v54 =	vadd.s32 $0x1400, v0;
	v19 =	vadd.s32 $0x1A00, v23;
	v15 =	vadd.s32 $0x1A00, v24;
	v53 =	vld.idx.msk [tilespmem:v5+s2+$0x0], $0xffff;
	[tilespmem:s28+$0xFFFFFC40] =	vst v9  }
0x10c: {  	v10 =	vadd.s32 $0x1C00, v6;
	v16 =	vadd.s32 $0x1A00, v27;
	v55 =	vld.idx.msk [tilespmem:v8+s2+$0x0], $0xffff;
	[tilespmem:s28+$0xFFFFFC50] =	vst v20;
	v20 =	vadd.s32 $0x1A00, v25  }
0x10d: {  	v12 =	vadd.s32 $0x1C00, v22;
	v14 =	vadd.s32 $0x1C00, v21;
	v56 =	vld.idx.msk [tilespmem:v11+s2+$0x0], $0xffff;
	v11 =	vadd.s32 $0x1C00, v23;
	[tilespmem:s28+$0xFFFFFC60] =	vst v2  }
0x10e: {  	v9 =	vadd.s32 $0x1C00, v25;
	v8 =	vadd.s32 $0x1C00, v27;
	v57 =	vld.idx.msk [tilespmem:v13+s2+$0x0], $0xffff;
	v13 =	vadd.s32 $0x1C00, v24;
	[tilespmem:s28+$0xFFFFFC70] =	vst v1  }
0x10f: {  	v3 =	vadd.s32 $0x1E00, v22;
	v7 =	vadd.s32 $0x1E00, v6;
	v5 =	vadd.s32 $0x1E00, v21;
	v21 =	vld.idx.msk [tilespmem:v31+s2+$0x0], $0xffff;
	[tilespmem:s28+$0xFFFFFD00] =	vst v4  }
0x110: {  	v6 =	vadd.s32 $0x1E00, v23;
	v2 =	vadd.s32 $0x1E00, v25;
	v4 =	vadd.s32 $0x1E00, v24;
	[tilespmem:s28+$0xFFFFFC10] =	vst v51;
	v22 =	vld.idx.msk [tilespmem:v54+s2+$0x0], $0xffff  }
0x111: {  	v1 =	vadd.s32 $0x1E00, v27;
	v23 =	vld.idx.msk [tilespmem:v35+s2+$0x0], $0xffff;
	[tilespmem:s28+$0xFFFFFCA0] =	vst v53  }
0x112: {  	v25 =	vadd.s32 $0x1600, v0;
	[tilespmem:s28+$0xFFFFFCB0] =	vst v55;
	v24 =	vld.idx.msk [tilespmem:v33+s2+$0x0], $0xffff  }
0x113: {  	v26 =	vld.idx.msk [tilespmem:v26+s2+$0x0], $0xffff;
	[tilespmem:s28+$0xFFFFFCC0] =	vst v56  }
0x114: {  	v27 =	vld.idx.msk [tilespmem:v28+s2+$0x0], $0xffff;
	[tilespmem:s28+$0xFFFFFCD0] =	vst v57  }
0x115: {  	v28 =	vld.idx.msk [tilespmem:v29+s2+$0x0], $0xffff;
	[tilespmem:s28+$0xFFFFFCE0] =	vst v21  }
0x116: {  	v21 =	vld.idx.msk [tilespmem:v30+s2+$0x0], $0xffff;
	[tilespmem:s28+$0xFFFFFD80] =	vst v22  }
0x117: {  	[tilespmem:s28+$0xFFFFFC90] =	vst v23;
	v22 =	vld.idx.msk [tilespmem:v25+s2+$0x0], $0xffff  }
0x118: {  	v23 =	vld.idx.msk [tilespmem:v36+s2+$0x0], $0xffff;
	[tilespmem:s28+$0xFFFFFCF0] =	vst v24  }
0x119: {  	v25 =	vadd.s32 $0x1800, v0;
	[tilespmem:s28+$0xFFFFFD20] =	vst v26;
	v24 =	vld.idx.msk [tilespmem:v32+s2+$0x0], $0xffff  }
0x11a: {  	[tilespmem:s28+$0xFFFFFD30] =	vst v27;
	v26 =	vld.idx.msk [tilespmem:v34+s2+$0x0], $0xffff  }
0x11b: {  	v27 =	vld.idx.msk [tilespmem:v38+s2+$0x0], $0xffff;
	[tilespmem:s28+$0xFFFFFD40] =	vst v28  }
0x11c: {  	v28 =	vld.idx.msk [tilespmem:v39+s2+$0x0], $0xffff;
	[tilespmem:s28+$0xFFFFFD50] =	vst v21  }
0x11d: {  	v21 =	vld.idx.msk [tilespmem:v40+s2+$0x0], $0xffff;
	[tilespmem:s28+$0xFFFFFE00] =	vst v22  }
0x11e: {  	[tilespmem:s28+$0xFFFFFD10] =	vst v23;
	v22 =	vld.idx.msk [tilespmem:v25+s2+$0x0], $0xffff  }
0x11f: {  	v23 =	vld.idx.msk [tilespmem:v37+s2+$0x0], $0xffff;
	[tilespmem:s28+$0xFFFFFD60] =	vst v24  }
0x120: {  	v25 =	vadd.s32 $0x1A00, v0;
	v24 =	vld.idx.msk [tilespmem:v41+s2+$0x0], $0xffff;
	[tilespmem:s28+$0xFFFFFD70] =	vst v26  }
0x121: {  	[tilespmem:s28+$0xFFFFFDA0] =	vst v27;
	v26 =	vld.idx.msk [tilespmem:v43+s2+$0x0], $0xffff  }
0x122: {  	[tilespmem:s28+$0xFFFFFDB0] =	vst v28;
	v27 =	vld.idx.msk [tilespmem:v44+s2+$0x0], $0xffff  }
0x123: {  	v28 =	vld.idx.msk [tilespmem:v45+s2+$0x0], $0xffff;
	[tilespmem:s28+$0xFFFFFDC0] =	vst v21  }
0x124: {  	v21 =	vld.idx.msk [tilespmem:v46+s2+$0x0], $0xffff;
	[tilespmem:s28+$0xFFFFFE80] =	vst v22  }
0x125: {  	[tilespmem:s28+$0xFFFFFD90] =	vst v23;
	v22 =	vld.idx.msk [tilespmem:v25+s2+$0x0], $0xffff  }
0x126: {  	v23 =	vld.idx.msk [tilespmem:v42+s2+$0x0], $0xffff;
	[tilespmem:s28+$0xFFFFFDD0] =	vst v24  }
0x127: {  	v25 =	vadd.s32 $0x1C00, v0;
	v24 =	vld.idx.msk [tilespmem:v47+s2+$0x0], $0xffff;
	[tilespmem:s28+$0xFFFFFDE0] =	vst v26  }
0x128: {  	v26 =	vld.idx.msk [tilespmem:v48+s2+$0x0], $0xffff;
	[tilespmem:s28+$0xFFFFFDF0] =	vst v27  }
0x129: {  	[tilespmem:s28+$0xFFFFFE20] =	vst v28;
	v27 =	vld.idx.msk [tilespmem:v49+s2+$0x0], $0xffff  }
0x12a: {  	[tilespmem:s28+$0xFFFFFE30] =	vst v21;
	v21 =	vld.idx.msk [tilespmem:v50+s2+$0x0], $0xffff  }
0x12b: {  	v28 =	vld.idx.msk [tilespmem:v52+s2+$0x0], $0xffff;
	[tilespmem:s28+$0xFFFFFF00] =	vst v22  }
0x12c: {  	[tilespmem:s28+$0xFFFFFE10] =	vst v23;
	v22 =	vld.idx.msk [tilespmem:v25+s2+$0x0], $0xffff  }
0x12d: {  	v17 =	vld.idx.msk [tilespmem:v17+s2+$0x0], $0xffff;
	[tilespmem:s28+$0xFFFFFE40] =	vst v24  }
0x12e: {  	v0 =	vadd.s32 $0x1E00, v0;
	v18 =	vld.idx.msk [tilespmem:v18+s2+$0x0], $0xffff;
	[tilespmem:s28+$0xFFFFFE50] =	vst v26  }
0x12f: {  	v19 =	vld.idx.msk [tilespmem:v19+s2+$0x0], $0xffff;
	[tilespmem:s28+$0xFFFFFE60] =	vst v27  }
0x130: {  	v15 =	vld.idx.msk [tilespmem:v15+s2+$0x0], $0xffff;
	[tilespmem:s28+$0xFFFFFE70] =	vst v21  }
0x131: {  	[tilespmem:s28+$0xFFFFFEA0] =	vst v28;
	v20 =	vld.idx.msk [tilespmem:v20+s2+$0x0], $0xffff  }
0x132: {  	v16 =	vld.idx.msk [tilespmem:v16+s2+$0x0], $0xffff;
	[tilespmem:s28+$0xFFFFFF80] =	vst v22  }
0x133: {  	[tilespmem:s28+$0xFFFFFE90] =	vst v17;
	v0 =	vld.idx.msk [tilespmem:v0+s2+$0x0], $0xffff  }
0x134: {  	v10 =	vld.idx.msk [tilespmem:v10+s2+$0x0], $0xffff;
	[tilespmem:s28+$0xFFFFFEB0] =	vst v18  }
0x135: {  	v14 =	vld.idx.msk [tilespmem:v14+s2+$0x0], $0xffff;
	[tilespmem:s28+$0xFFFFFEC0] =	vst v19  }
0x136: {  	v12 =	vld.idx.msk [tilespmem:v12+s2+$0x0], $0xffff;
	[tilespmem:s28+$0xFFFFFED0] =	vst v15  }
0x137: {  	v11 =	vld.idx.msk [tilespmem:v11+s2+$0x0], $0xffff;
	[tilespmem:s28+$0xFFFFFEE0] =	vst v20  }
0x138: {  	v13 =	vld.idx.msk [tilespmem:v13+s2+$0x0], $0xffff;
	[tilespmem:s28+$0xFFFFFEF0] =	vst v16  }
0x139: {  	v9 =	vld.idx.msk [tilespmem:v9+s2+$0x0], $0xffff;
	[tilespmem:s28+$0x0] =	vst v0  }
0x13a: {  	[tilespmem:s28+$0xFFFFFF10] =	vst v10;
	v8 =	vld.idx.msk [tilespmem:v8+s2+$0x0], $0xffff  }
.Ltmp1:
0x13b: {  	v7 =	vld.idx.msk [tilespmem:v7+s2+$0x0], $0xffff;
	[tilespmem:s28+$0xFFFFFF20] =	vst v14;
	(pc) =	sbr.rel @p0 .LBB2_4-.Ltmp1, $4  }
0x13c: {  	v5 =	vld.idx.msk [tilespmem:v5+s2+$0x0], $0xffff;
	[tilespmem:s28+$0xFFFFFF30] =	vst v12  }
0x13d: {  	v3 =	vld.idx.msk [tilespmem:v3+s2+$0x0], $0xffff;
	[tilespmem:s28+$0xFFFFFF40] =	vst v11  }
0x13e: {  	v6 =	vld.idx.msk [tilespmem:v6+s2+$0x0], $0xffff;
	[tilespmem:s28+$0xFFFFFF50] =	vst v13  }
0x13f: {  	s30 =	sadd.s32 $0x80, s30;
	v4 =	vld.idx.msk [tilespmem:v4+s2+$0x0], $0xffff;
	[tilespmem:s28+$0xFFFFFF60] =	vst v9  }
0x140: {  	_ =	sdelay $0x2  }
0x141: {  	[tilespmem:s28+$0xFFFFFF70] =	vst v8  }
0x142: {  	[tilespmem:s28+$0xFFFFFF90] =	vst v7;
	v0 =	vld.idx.msk [tilespmem:v2+s2+$0x0], $0xffff  }
0x143: {  	[tilespmem:s28+$0xFFFFFFA0] =	vst v5;
	v1 =	vld.idx.msk [tilespmem:v1+s2+$0x0], $0xffff  }
0x144: {  	[tilespmem:s28+$0xFFFFFFB0] =	vst v3  }
0x145: {  	[tilespmem:s28+$0xFFFFFFC0] =	vst v6  }
0x146: {  	[tilespmem:s28+$0xFFFFFFD0] =	vst v4  }
0x147: {  	[tilespmem:s28+$0xFFFFFFE0] =	vst v0  }
0x148: {  	[tilespmem:s28+$0xFFFFFFF0] =	vst v1;
	s28 =	simm.s32 $0x8040  }
0x149: {  	[hbm4b:s6+s2] =	stream.linear.scatter [tilespmem:s18], [sflag:$0x3], $0x2000, $0x38;
	[tilespmem:$0x18400] =	vst v63  }
0x14a: {  	v7 =	vld [tilespmem:s28+$0x30]  }
0x14b: {  	v5 =	vld [tilespmem:s28+$0xFFFFFFD0]  }
0x14c: {  	v4 =	vld [tilespmem:s28+$0xFFFFFFE0]  }
0x14d: {  	v3 =	vld [tilespmem:s28+$0xFFFFFFF0]  }
0x14e: {  	v2 =	vld [tilespmem:s28+$0x0]  }
0x14f: {  	v0 =	vld [tilespmem:s28+$0x10];
	v8 =	vadd.s32 $0x2000, v7  }
0x150: {  	v1 =	vld [tilespmem:s28+$0x20];
	v9 =	vadd.s32 $0x2000, v5  }
0x151: {  	v6 =	vld [tilespmem:s28+$0xFFFFFFC0];
	v10 =	vadd.s32 $0x2000, v4  }
0x152: {  	v11 =	vadd.s32 $0x2000, v3  }
0x153: {  	v12 =	vadd.s32 $0x2000, v2  }
0x154: {  	v13 =	vadd.s32 $0x2000, v0;
	v8 =	vld.idx.msk [tilespmem:v8+s2+$0x0], $0xffff  }
0x155: {  	v14 =	vadd.s32 $0x2000, v1;
	v9 =	vld.idx.msk [tilespmem:v9+s2+$0x0], $0xffff  }
0x156: {  	v16 =	vadd.s32 $0x2000, v6;
	v10 =	vld.idx.msk [tilespmem:v10+s2+$0x0], $0xffff  }
0x157: {  	v15 =	vadd.s32 $0x2200, v7;
	v11 =	vld.idx.msk [tilespmem:v11+s2+$0x0], $0xffff  }
0x158: {  	v17 =	vadd.s32 $0x2200, v5;
	v12 =	vld.idx.msk [tilespmem:v12+s2+$0x0], $0xffff  }
0x159: {  	s28 =	simm.s32 $0xC400;
	v18 =	vadd.s32 $0x2200, v4;
	v13 =	vld.idx.msk [tilespmem:v13+s2+$0x0], $0xffff  }
0x15a: {  	v19 =	vadd.s32 $0x2200, v3;
	v14 =	vld.idx.msk [tilespmem:v14+s2+$0x0], $0xffff;
	[tilespmem:s28+$0x70] =	vst v8  }
0x15b: {  	v28 =	vadd.s32 $0x2200, v0;
	v16 =	vld.idx.msk [tilespmem:v16+s2+$0x0], $0xffff;
	[tilespmem:s28+$0x10] =	vst v9  }
0x15c: {  	v29 =	vadd.s32 $0x2200, v6;
	[tilespmem:s28+$0x20] =	vst v10;
	v9 =	vld.idx.msk [tilespmem:v15+s2+$0x0], $0xffff  }
0x15d: {  	v8 =	vadd.s32 $0x2200, v2;
	[tilespmem:s28+$0x30] =	vst v11;
	v10 =	vld.idx.msk [tilespmem:v17+s2+$0x0], $0xffff  }
0x15e: {  	v30 =	vadd.s32 $0x2200, v1;
	[tilespmem:s28+$0x40] =	vst v12;
	v18 =	vld.idx.msk [tilespmem:v18+s2+$0x0], $0xffff  }
0x15f: {  	v11 =	vadd.s32 $0x2400, v7;
	[tilespmem:s28+$0x50] =	vst v13;
	v19 =	vld.idx.msk [tilespmem:v19+s2+$0x0], $0xffff  }
0x160: {  	v31 =	vadd.s32 $0x2400, v5;
	[tilespmem:s28+$0x0] =	vst v16;
	v15 =	vld.idx.msk [tilespmem:v28+s2+$0x0], $0xffff  }
0x161: {  	v32 =	vadd.s32 $0x2400, v4;
	[tilespmem:s28+$0x60] =	vst v14;
	v17 =	vld.idx.msk [tilespmem:v29+s2+$0x0], $0xffff  }
0x162: {  	v35 =	vadd.s32 $0x2400, v6;
	v8 =	vld.idx.msk [tilespmem:v8+s2+$0x0], $0xffff;
	[tilespmem:s28+$0xF0] =	vst v9  }
0x163: {  	v9 =	vadd.s32 $0x2400, v3;
	[tilespmem:s28+$0x90] =	vst v10;
	v10 =	vld.idx.msk [tilespmem:v30+s2+$0x0], $0xffff  }
0x164: {  	v33 =	vadd.s32 $0x2400, v2;
	[tilespmem:s28+$0xA0] =	vst v18;
	v11 =	vld.idx.msk [tilespmem:v11+s2+$0x0], $0xffff  }
0x165: {  	v36 =	vadd.s32 $0x2400, v0;
	[tilespmem:s28+$0xB0] =	vst v19;
	v13 =	vld.idx.msk [tilespmem:v31+s2+$0x0], $0xffff  }
0x166: {  	v34 =	vadd.s32 $0x2600, v7;
	[tilespmem:s28+$0x80] =	vst v17;
	v14 =	vld.idx.msk [tilespmem:v32+s2+$0x0], $0xffff  }
0x167: {  	v37 =	vadd.s32 $0x2600, v5;
	[tilespmem:s28+$0xD0] =	vst v15;
	v18 =	vld.idx.msk [tilespmem:v35+s2+$0x0], $0xffff  }
0x168: {  	v40 =	vadd.s32 $0x2600, v6;
	[tilespmem:s28+$0xC0] =	vst v8;
	v9 =	vld.idx.msk [tilespmem:v9+s2+$0x0], $0xffff  }
0x169: {  	v8 =	vadd.s32 $0x2400, v1;
	v16 =	vld.idx.msk [tilespmem:v33+s2+$0x0], $0xffff;
	[tilespmem:s28+$0xE0] =	vst v10  }
0x16a: {  	v10 =	vld.idx.msk [tilespmem:v36+s2+$0x0], $0xffff;
	[tilespmem:s28+$0x170] =	vst v11;
	v11 =	vadd.s32 $0x2600, v4  }
0x16b: {  	v38 =	vadd.s32 $0x2600, v3;
	[tilespmem:s28+$0x110] =	vst v13;
	v12 =	vld.idx.msk [tilespmem:v34+s2+$0x0], $0xffff  }
0x16c: {  	v41 =	vadd.s32 $0x2600, v2;
	[tilespmem:s28+$0x100] =	vst v18;
	v15 =	vld.idx.msk [tilespmem:v37+s2+$0x0], $0xffff  }
0x16d: {  	v39 =	vadd.s32 $0x2800, v7;
	[tilespmem:s28+$0x120] =	vst v14;
	v19 =	vld.idx.msk [tilespmem:v40+s2+$0x0], $0xffff  }
0x16e: {  	v43 =	vadd.s32 $0x2800, v5;
	v8 =	vld.idx.msk [tilespmem:v8+s2+$0x0], $0xffff;
	[tilespmem:s28+$0x130] =	vst v9  }
0x16f: {  	v45 =	vadd.s32 $0x2800, v6;
	[tilespmem:s28+$0x140] =	vst v16;
	v11 =	vld.idx.msk [tilespmem:v11+s2+$0x0], $0xffff  }
0x170: {  	v9 =	vadd.s32 $0x2600, v0;
	[tilespmem:s28+$0x150] =	vst v10;
	v17 =	vld.idx.msk [tilespmem:v38+s2+$0x0], $0xffff  }
0x171: {  	v42 =	vadd.s32 $0x2600, v1;
	v10 =	vld.idx.msk [tilespmem:v41+s2+$0x0], $0xffff;
	[tilespmem:s28+$0x1F0] =	vst v12  }
0x172: {  	v44 =	vadd.s32 $0x2800, v4;
	[tilespmem:s28+$0x190] =	vst v15;
	v13 =	vld.idx.msk [tilespmem:v39+s2+$0x0], $0xffff  }
0x173: {  	v46 =	vadd.s32 $0x2800, v3;
	[tilespmem:s28+$0x180] =	vst v19;
	v12 =	vld.idx.msk [tilespmem:v43+s2+$0x0], $0xffff  }
0x174: {  	v47 =	vadd.s32 $0x2800, v2;
	v14 =	vld.idx.msk [tilespmem:v45+s2+$0x0], $0xffff;
	[tilespmem:s28+$0x160] =	vst v8  }
0x175: {  	v8 =	vadd.s32 $0x2A00, v7;
	v9 =	vld.idx.msk [tilespmem:v9+s2+$0x0], $0xffff;
	[tilespmem:s28+$0x1A0] =	vst v11  }
0x176: {  	v50 =	vadd.s32 $0x2A00, v5;
	v11 =	vld.idx.msk [tilespmem:v42+s2+$0x0], $0xffff;
	[tilespmem:s28+$0x1B0] =	vst v17  }
0x177: {  	v51 =	vadd.s32 $0x2A00, v6;
	[tilespmem:s28+$0x1C0] =	vst v10;
	v18 =	vld.idx.msk [tilespmem:v44+s2+$0x0], $0xffff  }
0x178: {  	v48 =	vadd.s32 $0x2800, v0;
	v10 =	vld.idx.msk [tilespmem:v46+s2+$0x0], $0xffff;
	[tilespmem:s28+$0x270] =	vst v13  }
0x179: {  	v49 =	vadd.s32 $0x2800, v1;
	v16 =	vld.idx.msk [tilespmem:v47+s2+$0x0], $0xffff;
	[tilespmem:s28+$0x210] =	vst v12  }
0x17a: {  	v53 =	vadd.s32 $0x2A00, v3;
	[tilespmem:s28+$0x200] =	vst v14;
	v8 =	vld.idx.msk [tilespmem:v8+s2+$0x0], $0xffff  }
0x17b: {  	v54 =	vadd.s32 $0x2A00, v2;
	v19 =	vld.idx.msk [tilespmem:v50+s2+$0x0], $0xffff;
	[tilespmem:s28+$0x1D0] =	vst v9  }
0x17c: {  	v15 =	vld.idx.msk [tilespmem:v51+s2+$0x0], $0xffff;
	v9 =	vadd.s32 $0x2C00, v7;
	[tilespmem:s28+$0x1E0] =	vst v11  }
0x17d: {  	v57 =	vadd.s32 $0x2C00, v5;
	v52 =	vld.idx.msk [tilespmem:v48+s2+$0x0], $0xffff;
	[tilespmem:s28+$0x220] =	vst v18  }
0x17e: {  	v11 =	vadd.s32 $0x2A00, v4;
	v13 =	vld.idx.msk [tilespmem:v49+s2+$0x0], $0xffff;
	[tilespmem:s28+$0x230] =	vst v10  }
0x17f: {  	v55 =	vadd.s32 $0x2A00, v1;
	[tilespmem:s28+$0x240] =	vst v16;
	v56 =	vld.idx.msk [tilespmem:v53+s2+$0x0], $0xffff  }
0x180: {  	v58 =	vld.idx.msk [tilespmem:v54+s2+$0x0], $0xffff;
	[tilespmem:s28+$0x2F0] =	vst v8;
	v8 =	vadd.s32 $0x2A00, v0  }
0x181: {  	v60 =	vadd.s32 $0x2C00, v3;
	[tilespmem:s28+$0x290] =	vst v19;
	v9 =	vld.idx.msk [tilespmem:v9+s2+$0x0], $0xffff  }
0x182: {  	v7 =	vadd.s32 $0x2E00, v7;
	[tilespmem:s28+$0x280] =	vst v15;
	v12 =	vld.idx.msk [tilespmem:v57+s2+$0x0], $0xffff  }
0x183: {  	v10 =	vld.idx.msk [tilespmem:v11+s2+$0x0], $0xffff;
	v11 =	vadd.s32 $0x2C00, v6;
	[tilespmem:s28+$0x260] =	vst v13  }
0x184: {  	v5 =	vadd.s32 $0x2E00, v5;
	[tilespmem:s28+$0x250] =	vst v52;
	v14 =	vld.idx.msk [tilespmem:v55+s2+$0x0], $0xffff  }
0x185: {  	v59 =	vadd.s32 $0x2C00, v4;
	[tilespmem:s28+$0x2B0] =	vst v56;
	v8 =	vld.idx.msk [tilespmem:v8+s2+$0x0], $0xffff  }
0x186: {  	v16 =	vld.idx.msk [tilespmem:v60+s2+$0x0], $0xffff;
	[tilespmem:s28+$0x370] =	vst v9;
	v9 =	vadd.s32 $0x2C00, v2  }
0x187: {  	v61 =	vadd.s32 $0x2C00, v0;
	[tilespmem:s28+$0x310] =	vst v12;
	v7 =	vld.idx.msk [tilespmem:v7+s2+$0x0], $0xffff  }
0x188: {  	v11 =	vld.idx.msk [tilespmem:v11+s2+$0x0], $0xffff;
	[tilespmem:s28+$0x2A0] =	vst v10;
	v10 =	vadd.s32 $0x2C00, v1  }
0x189: {  	v6 =	vadd.s32 $0x2E00, v6;
	[tilespmem:s28+$0x2C0] =	vst v58;
	v5 =	vld.idx.msk [tilespmem:v5+s2+$0x0], $0xffff  }
0x18a: {  	v62 =	vadd.s32 $0x2E00, v3;
	v13 =	vld.idx.msk [tilespmem:v59+s2+$0x0], $0xffff;
	[tilespmem:s28+$0x2E0] =	vst v14  }
0x18b: {  	v4 =	vadd.s32 $0x2E00, v4;
	[tilespmem:s28+$0x2D0] =	vst v8;
	v9 =	vld.idx.msk [tilespmem:v9+s2+$0x0], $0xffff  }
0x18c: {  	v63 =	vadd.s32 $0x2E00, v2;
	[tilespmem:s28+$0x330] =	vst v16;
	v15 =	vld.idx.msk [tilespmem:v61+s2+$0x0], $0xffff  }
0x18d: {  	[tilespmem:s28+$0x300] =	vst v11;
	v8 =	vld.idx.msk [tilespmem:v10+s2+$0x0], $0xffff  }
0x18e: {  	[tilespmem:s28+$0x3F0] =	vst v7;
	v7 =	vld.idx.msk [tilespmem:v6+s2+$0x0], $0xffff  }
0x18f: {  	[tilespmem:s28+$0x320] =	vst v13;
	v6 =	vld.idx.msk [tilespmem:v62+s2+$0x0], $0xffff  }
0x190: {  	v3 =	vld.idx.msk [tilespmem:v4+s2+$0x0], $0xffff;
	[tilespmem:s28+$0x340] =	vst v9  }
0x191: {  	s29 =	simm.s32 $0x0;
	s30 =	simm.s32 $0x80C0;
	v2 =	vadd.s32 $0x2E00, v0;
	v1 =	vadd.s32 $0x2E00, v1;
	[tilespmem:s28+$0x350] =	vst v15;
	v4 =	vld.idx.msk [tilespmem:v63+s2+$0x0], $0xffff  }
.LBB2_6:
0x192: {  	v0 =	vld [tilespmem:s30+$0x30];
	s29 =	sadd.s32 $0x8, s29;
	[tilespmem:s28+$0x360] =	vst v8  }
0x193: {  	v21 =	vld [tilespmem:s30+$0xFFFFFFD0];
	p0 =	slt.u32 s29, $0x38;
	[tilespmem:s28+$0x380] =	vst v7  }
0x194: {  	v22 =	vld [tilespmem:s30+$0xFFFFFFE0];
	[tilespmem:s28+$0x390] =	vst v5  }
0x195: {  	v23 =	vld [tilespmem:s30+$0xFFFFFFF0];
	[tilespmem:s28+$0x3A0] =	vst v3  }
0x196: {  	v24 =	vld [tilespmem:s30+$0x0];
	[tilespmem:s28+$0x3B0] =	vst v6  }
0x197: {  	v25 =	vld [tilespmem:s30+$0x10];
	v3 =	vadd.s32 $0x2000, v0;
	[tilespmem:s28+$0x3C0] =	vst v4  }
0x198: {  	v4 =	vadd.s32 $0x2000, v21;
	v5 =	vadd.s32 $0x2200, v21;
	v26 =	vadd.s32 $0x2400, v21;
	v27 =	vld [tilespmem:s30+$0x20]  }
0x199: {  	v6 =	vld [tilespmem:s30+$0xFFFFFFC0];
	v7 =	vadd.s32 $0x2000, v22;
	v8 =	vadd.s32 $0x2200, v22;
	v28 =	vadd.s32 $0x2400, v22  }
0x19a: {  	v9 =	vadd.s32 $0x2000, v23;
	v11 =	vadd.s32 $0x2200, v23;
	v29 =	vadd.s32 $0x2400, v23;
	v2 =	vld.idx.msk [tilespmem:v2+s2+$0x0], $0xffff  }
0x19b: {  	v10 =	vadd.s32 $0x2000, v24;
	v13 =	vadd.s32 $0x2200, v24;
	v30 =	vadd.s32 $0x2400, v24;
	v1 =	vld.idx.msk [tilespmem:v1+s2+$0x0], $0xffff  }
0x19c: {  	v12 =	vadd.s32 $0x2000, v25;
	v31 =	vadd.s32 $0x2200, v25;
	v32 =	vadd.s32 $0x2400, v25;
	v3 =	vld.idx.msk [tilespmem:v3+s2+$0x0], $0xffff  }
0x19d: {  	v4 =	vld.idx.msk [tilespmem:v4+s2+$0x0], $0xffff;
	v14 =	vadd.s32 $0x2000, v27;
	v33 =	vadd.s32 $0x2200, v27;
	v34 =	vadd.s32 $0x2400, v27  }
0x19e: {  	v16 =	vadd.s32 $0x2200, v0;
	v15 =	vadd.s32 $0x2000, v6;
	v35 =	vadd.s32 $0x2200, v6;
	v7 =	vld.idx.msk [tilespmem:v7+s2+$0x0], $0xffff  }
0x19f: {  	v38 =	vadd.s32 $0x2600, v21;
	v36 =	vadd.s32 $0x2400, v6;
	v37 =	vadd.s32 $0x2600, v6;
	v9 =	vld.idx.msk [tilespmem:v9+s2+$0x0], $0xffff  }
0x1a0: {  	v39 =	vadd.s32 $0x2600, v22;
	v40 =	vadd.s32 $0x2600, v23;
	v41 =	vadd.s32 $0x2600, v24;
	v20 =	vld.idx.msk [tilespmem:v10+s2+$0x0], $0xffff;
	[tilespmem:s28+$0x3D0] =	vst v2  }
0x1a1: {  	v43 =	vadd.s32 $0x2600, v25;
	v44 =	vadd.s32 $0x2600, v27;
	v42 =	vadd.s32 $0x2800, v6;
	v2 =	vld.idx.msk [tilespmem:v12+s2+$0x0], $0xffff;
	[tilespmem:s28+$0x3E0] =	vst v1;
	s28 =	sadd.s32 $0x400, s28  }
0x1a2: {  	v45 =	vadd.s32 $0x2800, v21;
	v46 =	vadd.s32 $0x2800, v22;
	v47 =	vadd.s32 $0x2800, v23;
	v1 =	vld.idx.msk [tilespmem:v14+s2+$0x0], $0xffff;
	[tilespmem:s28+$0x70] =	vst v3  }
0x1a3: {  	v48 =	vadd.s32 $0x2800, v24;
	v49 =	vadd.s32 $0x2800, v25;
	v50 =	vadd.s32 $0x2800, v27;
	[tilespmem:s28+$0x10] =	vst v4;
	v4 =	vld.idx.msk [tilespmem:v16+s2+$0x0], $0xffff  }
0x1a4: {  	v52 =	vadd.s32 $0x2A00, v21;
	v18 =	vadd.s32 $0x2A00, v22;
	v17 =	vadd.s32 $0x2A00, v6;
	v51 =	vld.idx.msk [tilespmem:v15+s2+$0x0], $0xffff;
	[tilespmem:s28+$0x20] =	vst v7  }
0x1a5: {  	v54 =	vadd.s32 $0x2400, v0;
	v19 =	vadd.s32 $0x2A00, v23;
	v15 =	vadd.s32 $0x2A00, v24;
	v53 =	vld.idx.msk [tilespmem:v5+s2+$0x0], $0xffff;
	[tilespmem:s28+$0x30] =	vst v9  }
0x1a6: {  	v10 =	vadd.s32 $0x2C00, v6;
	v16 =	vadd.s32 $0x2A00, v27;
	v55 =	vld.idx.msk [tilespmem:v8+s2+$0x0], $0xffff;
	[tilespmem:s28+$0x40] =	vst v20;
	v20 =	vadd.s32 $0x2A00, v25  }
0x1a7: {  	v12 =	vadd.s32 $0x2C00, v22;
	v14 =	vadd.s32 $0x2C00, v21;
	v56 =	vld.idx.msk [tilespmem:v11+s2+$0x0], $0xffff;
	v11 =	vadd.s32 $0x2C00, v23;
	[tilespmem:s28+$0x50] =	vst v2  }
0x1a8: {  	v9 =	vadd.s32 $0x2C00, v25;
	v8 =	vadd.s32 $0x2C00, v27;
	v57 =	vld.idx.msk [tilespmem:v13+s2+$0x0], $0xffff;
	v13 =	vadd.s32 $0x2C00, v24;
	[tilespmem:s28+$0x60] =	vst v1  }
0x1a9: {  	v3 =	vadd.s32 $0x2E00, v22;
	v7 =	vadd.s32 $0x2E00, v6;
	v5 =	vadd.s32 $0x2E00, v21;
	v21 =	vld.idx.msk [tilespmem:v31+s2+$0x0], $0xffff;
	[tilespmem:s28+$0xF0] =	vst v4  }
0x1aa: {  	v6 =	vadd.s32 $0x2E00, v23;
	v2 =	vadd.s32 $0x2E00, v25;
	v4 =	vadd.s32 $0x2E00, v24;
	[tilespmem:s28+$0x0] =	vst v51;
	v22 =	vld.idx.msk [tilespmem:v54+s2+$0x0], $0xffff  }
0x1ab: {  	v1 =	vadd.s32 $0x2E00, v27;
	v23 =	vld.idx.msk [tilespmem:v35+s2+$0x0], $0xffff;
	[tilespmem:s28+$0x90] =	vst v53  }
0x1ac: {  	v25 =	vadd.s32 $0x2600, v0;
	[tilespmem:s28+$0xA0] =	vst v55;
	v24 =	vld.idx.msk [tilespmem:v33+s2+$0x0], $0xffff  }
0x1ad: {  	v26 =	vld.idx.msk [tilespmem:v26+s2+$0x0], $0xffff;
	[tilespmem:s28+$0xB0] =	vst v56  }
0x1ae: {  	v27 =	vld.idx.msk [tilespmem:v28+s2+$0x0], $0xffff;
	[tilespmem:s28+$0xC0] =	vst v57  }
0x1af: {  	v28 =	vld.idx.msk [tilespmem:v29+s2+$0x0], $0xffff;
	[tilespmem:s28+$0xD0] =	vst v21  }
0x1b0: {  	v21 =	vld.idx.msk [tilespmem:v30+s2+$0x0], $0xffff;
	[tilespmem:s28+$0x170] =	vst v22  }
0x1b1: {  	[tilespmem:s28+$0x80] =	vst v23;
	v22 =	vld.idx.msk [tilespmem:v25+s2+$0x0], $0xffff  }
0x1b2: {  	v23 =	vld.idx.msk [tilespmem:v36+s2+$0x0], $0xffff;
	[tilespmem:s28+$0xE0] =	vst v24  }
0x1b3: {  	v25 =	vadd.s32 $0x2800, v0;
	[tilespmem:s28+$0x110] =	vst v26;
	v24 =	vld.idx.msk [tilespmem:v32+s2+$0x0], $0xffff  }
0x1b4: {  	[tilespmem:s28+$0x120] =	vst v27;
	v26 =	vld.idx.msk [tilespmem:v34+s2+$0x0], $0xffff  }
0x1b5: {  	v27 =	vld.idx.msk [tilespmem:v38+s2+$0x0], $0xffff;
	[tilespmem:s28+$0x130] =	vst v28  }
0x1b6: {  	v28 =	vld.idx.msk [tilespmem:v39+s2+$0x0], $0xffff;
	[tilespmem:s28+$0x140] =	vst v21  }
0x1b7: {  	v21 =	vld.idx.msk [tilespmem:v40+s2+$0x0], $0xffff;
	[tilespmem:s28+$0x1F0] =	vst v22  }
0x1b8: {  	[tilespmem:s28+$0x100] =	vst v23;
	v22 =	vld.idx.msk [tilespmem:v25+s2+$0x0], $0xffff  }
0x1b9: {  	v23 =	vld.idx.msk [tilespmem:v37+s2+$0x0], $0xffff;
	[tilespmem:s28+$0x150] =	vst v24  }
0x1ba: {  	v25 =	vadd.s32 $0x2A00, v0;
	v24 =	vld.idx.msk [tilespmem:v41+s2+$0x0], $0xffff;
	[tilespmem:s28+$0x160] =	vst v26  }
0x1bb: {  	[tilespmem:s28+$0x190] =	vst v27;
	v26 =	vld.idx.msk [tilespmem:v43+s2+$0x0], $0xffff  }
0x1bc: {  	[tilespmem:s28+$0x1A0] =	vst v28;
	v27 =	vld.idx.msk [tilespmem:v44+s2+$0x0], $0xffff  }
0x1bd: {  	v28 =	vld.idx.msk [tilespmem:v45+s2+$0x0], $0xffff;
	[tilespmem:s28+$0x1B0] =	vst v21  }
0x1be: {  	v21 =	vld.idx.msk [tilespmem:v46+s2+$0x0], $0xffff;
	[tilespmem:s28+$0x270] =	vst v22  }
0x1bf: {  	[tilespmem:s28+$0x180] =	vst v23;
	v22 =	vld.idx.msk [tilespmem:v25+s2+$0x0], $0xffff  }
0x1c0: {  	v23 =	vld.idx.msk [tilespmem:v42+s2+$0x0], $0xffff;
	[tilespmem:s28+$0x1C0] =	vst v24  }
0x1c1: {  	v25 =	vadd.s32 $0x2C00, v0;
	v24 =	vld.idx.msk [tilespmem:v47+s2+$0x0], $0xffff;
	[tilespmem:s28+$0x1D0] =	vst v26  }
0x1c2: {  	v26 =	vld.idx.msk [tilespmem:v48+s2+$0x0], $0xffff;
	[tilespmem:s28+$0x1E0] =	vst v27  }
0x1c3: {  	[tilespmem:s28+$0x210] =	vst v28;
	v27 =	vld.idx.msk [tilespmem:v49+s2+$0x0], $0xffff  }
0x1c4: {  	[tilespmem:s28+$0x220] =	vst v21;
	v21 =	vld.idx.msk [tilespmem:v50+s2+$0x0], $0xffff  }
0x1c5: {  	v28 =	vld.idx.msk [tilespmem:v52+s2+$0x0], $0xffff;
	[tilespmem:s28+$0x2F0] =	vst v22  }
0x1c6: {  	[tilespmem:s28+$0x200] =	vst v23;
	v22 =	vld.idx.msk [tilespmem:v25+s2+$0x0], $0xffff  }
0x1c7: {  	v17 =	vld.idx.msk [tilespmem:v17+s2+$0x0], $0xffff;
	[tilespmem:s28+$0x230] =	vst v24  }
0x1c8: {  	v0 =	vadd.s32 $0x2E00, v0;
	v18 =	vld.idx.msk [tilespmem:v18+s2+$0x0], $0xffff;
	[tilespmem:s28+$0x240] =	vst v26  }
0x1c9: {  	v19 =	vld.idx.msk [tilespmem:v19+s2+$0x0], $0xffff;
	[tilespmem:s28+$0x250] =	vst v27  }
0x1ca: {  	v15 =	vld.idx.msk [tilespmem:v15+s2+$0x0], $0xffff;
	[tilespmem:s28+$0x260] =	vst v21  }
0x1cb: {  	[tilespmem:s28+$0x290] =	vst v28;
	v20 =	vld.idx.msk [tilespmem:v20+s2+$0x0], $0xffff  }
0x1cc: {  	v16 =	vld.idx.msk [tilespmem:v16+s2+$0x0], $0xffff;
	[tilespmem:s28+$0x370] =	vst v22  }
0x1cd: {  	[tilespmem:s28+$0x280] =	vst v17;
	v0 =	vld.idx.msk [tilespmem:v0+s2+$0x0], $0xffff  }
0x1ce: {  	v10 =	vld.idx.msk [tilespmem:v10+s2+$0x0], $0xffff;
	[tilespmem:s28+$0x2A0] =	vst v18  }
0x1cf: {  	v14 =	vld.idx.msk [tilespmem:v14+s2+$0x0], $0xffff;
	[tilespmem:s28+$0x2B0] =	vst v19  }
0x1d0: {  	v12 =	vld.idx.msk [tilespmem:v12+s2+$0x0], $0xffff;
	[tilespmem:s28+$0x2C0] =	vst v15  }
0x1d1: {  	v11 =	vld.idx.msk [tilespmem:v11+s2+$0x0], $0xffff;
	[tilespmem:s28+$0x2D0] =	vst v20  }
0x1d2: {  	v13 =	vld.idx.msk [tilespmem:v13+s2+$0x0], $0xffff;
	[tilespmem:s28+$0x2E0] =	vst v16  }
0x1d3: {  	v9 =	vld.idx.msk [tilespmem:v9+s2+$0x0], $0xffff;
	[tilespmem:s28+$0x3F0] =	vst v0  }
0x1d4: {  	[tilespmem:s28+$0x300] =	vst v10;
	v8 =	vld.idx.msk [tilespmem:v8+s2+$0x0], $0xffff  }
.Ltmp2:
0x1d5: {  	v7 =	vld.idx.msk [tilespmem:v7+s2+$0x0], $0xffff;
	[tilespmem:s28+$0x310] =	vst v14;
	(pc) =	sbr.rel @p0 .LBB2_6-.Ltmp2, $4  }
0x1d6: {  	v5 =	vld.idx.msk [tilespmem:v5+s2+$0x0], $0xffff;
	[tilespmem:s28+$0x320] =	vst v12  }
0x1d7: {  	v3 =	vld.idx.msk [tilespmem:v3+s2+$0x0], $0xffff;
	[tilespmem:s28+$0x330] =	vst v11  }
0x1d8: {  	v6 =	vld.idx.msk [tilespmem:v6+s2+$0x0], $0xffff;
	[tilespmem:s28+$0x340] =	vst v13  }
0x1d9: {  	s30 =	sadd.s32 $0x80, s30;
	v4 =	vld.idx.msk [tilespmem:v4+s2+$0x0], $0xffff;
	[tilespmem:s28+$0x350] =	vst v9  }
0x1da: {  	_ =	sdelay $0x2  }
0x1db: {  	[tilespmem:s28+$0x360] =	vst v8  }
0x1dc: {  	[tilespmem:s28+$0x380] =	vst v7;
	v0 =	vld.idx.msk [tilespmem:v2+s2+$0x0], $0xffff  }
0x1dd: {  	[tilespmem:s28+$0x390] =	vst v5;
	v1 =	vld.idx.msk [tilespmem:v1+s2+$0x0], $0xffff  }
0x1de: {  	[tilespmem:s28+$0x3A0] =	vst v3  }
0x1df: {  	[tilespmem:s28+$0x3B0] =	vst v6  }
0x1e0: {  	[tilespmem:s28+$0x3C0] =	vst v4  }
0x1e1: {  	[tilespmem:s28+$0x3D0] =	vst v0  }
0x1e2: {  	[tilespmem:s28+$0x3E0] =	vst v1;
	s28 =	simm.s32 $0x8040  }
0x1e3: {  	[hbm4b:s7+s2] =	stream.linear.scatter [tilespmem:s19], [sflag:$0x3], $0x2000, $0x38;
	[tilespmem:$0x18400] =	vst v63  }
0x1e4: {  	v7 =	vld [tilespmem:s28+$0x30]  }
0x1e5: {  	v5 =	vld [tilespmem:s28+$0xFFFFFFD0]  }
0x1e6: {  	v4 =	vld [tilespmem:s28+$0xFFFFFFE0]  }
0x1e7: {  	v3 =	vld [tilespmem:s28+$0xFFFFFFF0]  }
0x1e8: {  	v2 =	vld [tilespmem:s28+$0x0]  }
0x1e9: {  	v0 =	vld [tilespmem:s28+$0x10];
	v8 =	vadd.s32 $0x3000, v7  }
0x1ea: {  	v1 =	vld [tilespmem:s28+$0x20];
	v9 =	vadd.s32 $0x3000, v5  }
0x1eb: {  	v6 =	vld [tilespmem:s28+$0xFFFFFFC0];
	v10 =	vadd.s32 $0x3000, v4  }
0x1ec: {  	v11 =	vadd.s32 $0x3000, v3  }
0x1ed: {  	v12 =	vadd.s32 $0x3000, v2  }
0x1ee: {  	v13 =	vadd.s32 $0x3000, v0;
	v8 =	vld.idx.msk [tilespmem:v8+s2+$0x0], $0xffff  }
0x1ef: {  	v14 =	vadd.s32 $0x3000, v1;
	v9 =	vld.idx.msk [tilespmem:v9+s2+$0x0], $0xffff  }
0x1f0: {  	v16 =	vadd.s32 $0x3000, v6;
	v10 =	vld.idx.msk [tilespmem:v10+s2+$0x0], $0xffff  }
0x1f1: {  	v15 =	vadd.s32 $0x3200, v7;
	v11 =	vld.idx.msk [tilespmem:v11+s2+$0x0], $0xffff  }
0x1f2: {  	v17 =	vadd.s32 $0x3200, v5;
	v12 =	vld.idx.msk [tilespmem:v12+s2+$0x0], $0xffff  }
0x1f3: {  	s28 =	simm.s32 $0xE400;
	v18 =	vadd.s32 $0x3200, v4;
	v13 =	vld.idx.msk [tilespmem:v13+s2+$0x0], $0xffff  }
0x1f4: {  	v19 =	vadd.s32 $0x3200, v3;
	v14 =	vld.idx.msk [tilespmem:v14+s2+$0x0], $0xffff;
	[tilespmem:s28+$0x70] =	vst v8  }
0x1f5: {  	v28 =	vadd.s32 $0x3200, v0;
	v16 =	vld.idx.msk [tilespmem:v16+s2+$0x0], $0xffff;
	[tilespmem:s28+$0x10] =	vst v9  }
0x1f6: {  	v29 =	vadd.s32 $0x3200, v6;
	[tilespmem:s28+$0x20] =	vst v10;
	v9 =	vld.idx.msk [tilespmem:v15+s2+$0x0], $0xffff  }
0x1f7: {  	v8 =	vadd.s32 $0x3200, v2;
	[tilespmem:s28+$0x30] =	vst v11;
	v10 =	vld.idx.msk [tilespmem:v17+s2+$0x0], $0xffff  }
0x1f8: {  	v30 =	vadd.s32 $0x3200, v1;
	[tilespmem:s28+$0x40] =	vst v12;
	v18 =	vld.idx.msk [tilespmem:v18+s2+$0x0], $0xffff  }
0x1f9: {  	v11 =	vadd.s32 $0x3400, v7;
	[tilespmem:s28+$0x50] =	vst v13;
	v19 =	vld.idx.msk [tilespmem:v19+s2+$0x0], $0xffff  }
0x1fa: {  	v31 =	vadd.s32 $0x3400, v5;
	[tilespmem:s28+$0x0] =	vst v16;
	v15 =	vld.idx.msk [tilespmem:v28+s2+$0x0], $0xffff  }
0x1fb: {  	v32 =	vadd.s32 $0x3400, v4;
	[tilespmem:s28+$0x60] =	vst v14;
	v17 =	vld.idx.msk [tilespmem:v29+s2+$0x0], $0xffff  }
0x1fc: {  	v35 =	vadd.s32 $0x3400, v6;
	v8 =	vld.idx.msk [tilespmem:v8+s2+$0x0], $0xffff;
	[tilespmem:s28+$0xF0] =	vst v9  }
0x1fd: {  	v9 =	vadd.s32 $0x3400, v3;
	[tilespmem:s28+$0x90] =	vst v10;
	v10 =	vld.idx.msk [tilespmem:v30+s2+$0x0], $0xffff  }
0x1fe: {  	v33 =	vadd.s32 $0x3400, v2;
	[tilespmem:s28+$0xA0] =	vst v18;
	v11 =	vld.idx.msk [tilespmem:v11+s2+$0x0], $0xffff  }
0x1ff: {  	v36 =	vadd.s32 $0x3400, v0;
	[tilespmem:s28+$0xB0] =	vst v19;
	v13 =	vld.idx.msk [tilespmem:v31+s2+$0x0], $0xffff  }
0x200: {  	v34 =	vadd.s32 $0x3600, v7;
	[tilespmem:s28+$0x80] =	vst v17;
	v14 =	vld.idx.msk [tilespmem:v32+s2+$0x0], $0xffff  }
0x201: {  	v37 =	vadd.s32 $0x3600, v5;
	[tilespmem:s28+$0xD0] =	vst v15;
	v18 =	vld.idx.msk [tilespmem:v35+s2+$0x0], $0xffff  }
0x202: {  	v40 =	vadd.s32 $0x3600, v6;
	[tilespmem:s28+$0xC0] =	vst v8;
	v9 =	vld.idx.msk [tilespmem:v9+s2+$0x0], $0xffff  }
0x203: {  	v8 =	vadd.s32 $0x3400, v1;
	v16 =	vld.idx.msk [tilespmem:v33+s2+$0x0], $0xffff;
	[tilespmem:s28+$0xE0] =	vst v10  }
0x204: {  	v10 =	vld.idx.msk [tilespmem:v36+s2+$0x0], $0xffff;
	[tilespmem:s28+$0x170] =	vst v11;
	v11 =	vadd.s32 $0x3600, v4  }
0x205: {  	v38 =	vadd.s32 $0x3600, v3;
	[tilespmem:s28+$0x110] =	vst v13;
	v12 =	vld.idx.msk [tilespmem:v34+s2+$0x0], $0xffff  }
0x206: {  	v41 =	vadd.s32 $0x3600, v2;
	[tilespmem:s28+$0x100] =	vst v18;
	v15 =	vld.idx.msk [tilespmem:v37+s2+$0x0], $0xffff  }
0x207: {  	v39 =	vadd.s32 $0x3800, v7;
	[tilespmem:s28+$0x120] =	vst v14;
	v19 =	vld.idx.msk [tilespmem:v40+s2+$0x0], $0xffff  }
0x208: {  	v43 =	vadd.s32 $0x3800, v5;
	v8 =	vld.idx.msk [tilespmem:v8+s2+$0x0], $0xffff;
	[tilespmem:s28+$0x130] =	vst v9  }
0x209: {  	v45 =	vadd.s32 $0x3800, v6;
	[tilespmem:s28+$0x140] =	vst v16;
	v11 =	vld.idx.msk [tilespmem:v11+s2+$0x0], $0xffff  }
0x20a: {  	v9 =	vadd.s32 $0x3600, v0;
	[tilespmem:s28+$0x150] =	vst v10;
	v17 =	vld.idx.msk [tilespmem:v38+s2+$0x0], $0xffff  }
0x20b: {  	v42 =	vadd.s32 $0x3600, v1;
	v10 =	vld.idx.msk [tilespmem:v41+s2+$0x0], $0xffff;
	[tilespmem:s28+$0x1F0] =	vst v12  }
0x20c: {  	v44 =	vadd.s32 $0x3800, v4;
	[tilespmem:s28+$0x190] =	vst v15;
	v13 =	vld.idx.msk [tilespmem:v39+s2+$0x0], $0xffff  }
0x20d: {  	v46 =	vadd.s32 $0x3800, v3;
	[tilespmem:s28+$0x180] =	vst v19;
	v12 =	vld.idx.msk [tilespmem:v43+s2+$0x0], $0xffff  }
0x20e: {  	v47 =	vadd.s32 $0x3800, v2;
	v14 =	vld.idx.msk [tilespmem:v45+s2+$0x0], $0xffff;
	[tilespmem:s28+$0x160] =	vst v8  }
0x20f: {  	v8 =	vadd.s32 $0x3A00, v7;
	v9 =	vld.idx.msk [tilespmem:v9+s2+$0x0], $0xffff;
	[tilespmem:s28+$0x1A0] =	vst v11  }
0x210: {  	v50 =	vadd.s32 $0x3A00, v5;
	v11 =	vld.idx.msk [tilespmem:v42+s2+$0x0], $0xffff;
	[tilespmem:s28+$0x1B0] =	vst v17  }
0x211: {  	v51 =	vadd.s32 $0x3A00, v6;
	[tilespmem:s28+$0x1C0] =	vst v10;
	v18 =	vld.idx.msk [tilespmem:v44+s2+$0x0], $0xffff  }
0x212: {  	v48 =	vadd.s32 $0x3800, v0;
	v10 =	vld.idx.msk [tilespmem:v46+s2+$0x0], $0xffff;
	[tilespmem:s28+$0x270] =	vst v13  }
0x213: {  	v49 =	vadd.s32 $0x3800, v1;
	v16 =	vld.idx.msk [tilespmem:v47+s2+$0x0], $0xffff;
	[tilespmem:s28+$0x210] =	vst v12  }
0x214: {  	v53 =	vadd.s32 $0x3A00, v3;
	[tilespmem:s28+$0x200] =	vst v14;
	v8 =	vld.idx.msk [tilespmem:v8+s2+$0x0], $0xffff  }
0x215: {  	v54 =	vadd.s32 $0x3A00, v2;
	v19 =	vld.idx.msk [tilespmem:v50+s2+$0x0], $0xffff;
	[tilespmem:s28+$0x1D0] =	vst v9  }
0x216: {  	v15 =	vld.idx.msk [tilespmem:v51+s2+$0x0], $0xffff;
	v9 =	vadd.s32 $0x3C00, v7;
	[tilespmem:s28+$0x1E0] =	vst v11  }
0x217: {  	v57 =	vadd.s32 $0x3C00, v5;
	v52 =	vld.idx.msk [tilespmem:v48+s2+$0x0], $0xffff;
	[tilespmem:s28+$0x220] =	vst v18  }
0x218: {  	v11 =	vadd.s32 $0x3A00, v4;
	v13 =	vld.idx.msk [tilespmem:v49+s2+$0x0], $0xffff;
	[tilespmem:s28+$0x230] =	vst v10  }
0x219: {  	v55 =	vadd.s32 $0x3A00, v1;
	[tilespmem:s28+$0x240] =	vst v16;
	v56 =	vld.idx.msk [tilespmem:v53+s2+$0x0], $0xffff  }
0x21a: {  	v58 =	vld.idx.msk [tilespmem:v54+s2+$0x0], $0xffff;
	[tilespmem:s28+$0x2F0] =	vst v8;
	v8 =	vadd.s32 $0x3A00, v0  }
0x21b: {  	v60 =	vadd.s32 $0x3C00, v3;
	[tilespmem:s28+$0x290] =	vst v19;
	v9 =	vld.idx.msk [tilespmem:v9+s2+$0x0], $0xffff  }
0x21c: {  	v7 =	vadd.s32 $0x3E00, v7;
	[tilespmem:s28+$0x280] =	vst v15;
	v12 =	vld.idx.msk [tilespmem:v57+s2+$0x0], $0xffff  }
0x21d: {  	v10 =	vld.idx.msk [tilespmem:v11+s2+$0x0], $0xffff;
	v11 =	vadd.s32 $0x3C00, v6;
	[tilespmem:s28+$0x260] =	vst v13  }
0x21e: {  	v5 =	vadd.s32 $0x3E00, v5;
	[tilespmem:s28+$0x250] =	vst v52;
	v14 =	vld.idx.msk [tilespmem:v55+s2+$0x0], $0xffff  }
0x21f: {  	v59 =	vadd.s32 $0x3C00, v4;
	[tilespmem:s28+$0x2B0] =	vst v56;
	v8 =	vld.idx.msk [tilespmem:v8+s2+$0x0], $0xffff  }
0x220: {  	v16 =	vld.idx.msk [tilespmem:v60+s2+$0x0], $0xffff;
	[tilespmem:s28+$0x370] =	vst v9;
	v9 =	vadd.s32 $0x3C00, v2  }
0x221: {  	v61 =	vadd.s32 $0x3C00, v0;
	[tilespmem:s28+$0x310] =	vst v12;
	v7 =	vld.idx.msk [tilespmem:v7+s2+$0x0], $0xffff  }
0x222: {  	v11 =	vld.idx.msk [tilespmem:v11+s2+$0x0], $0xffff;
	[tilespmem:s28+$0x2A0] =	vst v10;
	v10 =	vadd.s32 $0x3C00, v1  }
0x223: {  	v6 =	vadd.s32 $0x3E00, v6;
	[tilespmem:s28+$0x2C0] =	vst v58;
	v5 =	vld.idx.msk [tilespmem:v5+s2+$0x0], $0xffff  }
0x224: {  	v62 =	vadd.s32 $0x3E00, v3;
	v13 =	vld.idx.msk [tilespmem:v59+s2+$0x0], $0xffff;
	[tilespmem:s28+$0x2E0] =	vst v14  }
0x225: {  	v4 =	vadd.s32 $0x3E00, v4;
	[tilespmem:s28+$0x2D0] =	vst v8;
	v9 =	vld.idx.msk [tilespmem:v9+s2+$0x0], $0xffff  }
0x226: {  	v63 =	vadd.s32 $0x3E00, v2;
	[tilespmem:s28+$0x330] =	vst v16;
	v15 =	vld.idx.msk [tilespmem:v61+s2+$0x0], $0xffff  }
0x227: {  	[tilespmem:s28+$0x300] =	vst v11;
	v8 =	vld.idx.msk [tilespmem:v10+s2+$0x0], $0xffff  }
0x228: {  	[tilespmem:s28+$0x3F0] =	vst v7;
	v7 =	vld.idx.msk [tilespmem:v6+s2+$0x0], $0xffff  }
0x229: {  	[tilespmem:s28+$0x320] =	vst v13;
	v6 =	vld.idx.msk [tilespmem:v62+s2+$0x0], $0xffff  }
0x22a: {  	v3 =	vld.idx.msk [tilespmem:v4+s2+$0x0], $0xffff;
	[tilespmem:s28+$0x340] =	vst v9  }
0x22b: {  	s29 =	simm.s32 $0x0;
	s30 =	simm.s32 $0x80C0;
	v2 =	vadd.s32 $0x3E00, v0;
	v1 =	vadd.s32 $0x3E00, v1;
	[tilespmem:s28+$0x350] =	vst v15;
	v4 =	vld.idx.msk [tilespmem:v63+s2+$0x0], $0xffff  }
.LBB2_8:
0x22c: {  	v0 =	vld [tilespmem:s30+$0x30];
	s29 =	sadd.s32 $0x8, s29;
	[tilespmem:s28+$0x360] =	vst v8  }
0x22d: {  	v21 =	vld [tilespmem:s30+$0xFFFFFFD0];
	p0 =	slt.u32 s29, $0x38;
	[tilespmem:s28+$0x380] =	vst v7  }
0x22e: {  	v22 =	vld [tilespmem:s30+$0xFFFFFFE0];
	[tilespmem:s28+$0x390] =	vst v5  }
0x22f: {  	v23 =	vld [tilespmem:s30+$0xFFFFFFF0];
	[tilespmem:s28+$0x3A0] =	vst v3  }
0x230: {  	v24 =	vld [tilespmem:s30+$0x0];
	[tilespmem:s28+$0x3B0] =	vst v6  }
0x231: {  	v25 =	vld [tilespmem:s30+$0x10];
	v3 =	vadd.s32 $0x3000, v0;
	[tilespmem:s28+$0x3C0] =	vst v4  }
0x232: {  	v4 =	vadd.s32 $0x3000, v21;
	v5 =	vadd.s32 $0x3200, v21;
	v26 =	vadd.s32 $0x3400, v21;
	v27 =	vld [tilespmem:s30+$0x20]  }
0x233: {  	v6 =	vld [tilespmem:s30+$0xFFFFFFC0];
	v7 =	vadd.s32 $0x3000, v22;
	v8 =	vadd.s32 $0x3200, v22;
	v28 =	vadd.s32 $0x3400, v22  }
0x234: {  	v9 =	vadd.s32 $0x3000, v23;
	v11 =	vadd.s32 $0x3200, v23;
	v29 =	vadd.s32 $0x3400, v23;
	v2 =	vld.idx.msk [tilespmem:v2+s2+$0x0], $0xffff  }
0x235: {  	v10 =	vadd.s32 $0x3000, v24;
	v13 =	vadd.s32 $0x3200, v24;
	v30 =	vadd.s32 $0x3400, v24;
	v1 =	vld.idx.msk [tilespmem:v1+s2+$0x0], $0xffff  }
0x236: {  	v12 =	vadd.s32 $0x3000, v25;
	v31 =	vadd.s32 $0x3200, v25;
	v32 =	vadd.s32 $0x3400, v25;
	v3 =	vld.idx.msk [tilespmem:v3+s2+$0x0], $0xffff  }
0x237: {  	v4 =	vld.idx.msk [tilespmem:v4+s2+$0x0], $0xffff;
	v14 =	vadd.s32 $0x3000, v27;
	v33 =	vadd.s32 $0x3200, v27;
	v34 =	vadd.s32 $0x3400, v27  }
0x238: {  	v16 =	vadd.s32 $0x3200, v0;
	v15 =	vadd.s32 $0x3000, v6;
	v35 =	vadd.s32 $0x3200, v6;
	v7 =	vld.idx.msk [tilespmem:v7+s2+$0x0], $0xffff  }
0x239: {  	v38 =	vadd.s32 $0x3600, v21;
	v36 =	vadd.s32 $0x3400, v6;
	v37 =	vadd.s32 $0x3600, v6;
	v9 =	vld.idx.msk [tilespmem:v9+s2+$0x0], $0xffff  }
0x23a: {  	v39 =	vadd.s32 $0x3600, v22;
	v40 =	vadd.s32 $0x3600, v23;
	v41 =	vadd.s32 $0x3600, v24;
	v20 =	vld.idx.msk [tilespmem:v10+s2+$0x0], $0xffff;
	[tilespmem:s28+$0x3D0] =	vst v2  }
0x23b: {  	v43 =	vadd.s32 $0x3600, v25;
	v44 =	vadd.s32 $0x3600, v27;
	v42 =	vadd.s32 $0x3800, v6;
	v2 =	vld.idx.msk [tilespmem:v12+s2+$0x0], $0xffff;
	[tilespmem:s28+$0x3E0] =	vst v1;
	s28 =	sadd.s32 $0x400, s28  }
0x23c: {  	v45 =	vadd.s32 $0x3800, v21;
	v46 =	vadd.s32 $0x3800, v22;
	v47 =	vadd.s32 $0x3800, v23;
	v1 =	vld.idx.msk [tilespmem:v14+s2+$0x0], $0xffff;
	[tilespmem:s28+$0x70] =	vst v3  }
0x23d: {  	v48 =	vadd.s32 $0x3800, v24;
	v49 =	vadd.s32 $0x3800, v25;
	v50 =	vadd.s32 $0x3800, v27;
	[tilespmem:s28+$0x10] =	vst v4;
	v4 =	vld.idx.msk [tilespmem:v16+s2+$0x0], $0xffff  }
0x23e: {  	v52 =	vadd.s32 $0x3A00, v21;
	v18 =	vadd.s32 $0x3A00, v22;
	v17 =	vadd.s32 $0x3A00, v6;
	v51 =	vld.idx.msk [tilespmem:v15+s2+$0x0], $0xffff;
	[tilespmem:s28+$0x20] =	vst v7  }
0x23f: {  	v54 =	vadd.s32 $0x3400, v0;
	v19 =	vadd.s32 $0x3A00, v23;
	v15 =	vadd.s32 $0x3A00, v24;
	v53 =	vld.idx.msk [tilespmem:v5+s2+$0x0], $0xffff;
	[tilespmem:s28+$0x30] =	vst v9  }
0x240: {  	v10 =	vadd.s32 $0x3C00, v6;
	v16 =	vadd.s32 $0x3A00, v27;
	v55 =	vld.idx.msk [tilespmem:v8+s2+$0x0], $0xffff;
	[tilespmem:s28+$0x40] =	vst v20;
	v20 =	vadd.s32 $0x3A00, v25  }
0x241: {  	v12 =	vadd.s32 $0x3C00, v22;
	v14 =	vadd.s32 $0x3C00, v21;
	v56 =	vld.idx.msk [tilespmem:v11+s2+$0x0], $0xffff;
	v11 =	vadd.s32 $0x3C00, v23;
	[tilespmem:s28+$0x50] =	vst v2  }
0x242: {  	v9 =	vadd.s32 $0x3C00, v25;
	v8 =	vadd.s32 $0x3C00, v27;
	v57 =	vld.idx.msk [tilespmem:v13+s2+$0x0], $0xffff;
	v13 =	vadd.s32 $0x3C00, v24;
	[tilespmem:s28+$0x60] =	vst v1  }
0x243: {  	v3 =	vadd.s32 $0x3E00, v22;
	v7 =	vadd.s32 $0x3E00, v6;
	v5 =	vadd.s32 $0x3E00, v21;
	v21 =	vld.idx.msk [tilespmem:v31+s2+$0x0], $0xffff;
	[tilespmem:s28+$0xF0] =	vst v4  }
0x244: {  	v6 =	vadd.s32 $0x3E00, v23;
	v2 =	vadd.s32 $0x3E00, v25;
	v4 =	vadd.s32 $0x3E00, v24;
	[tilespmem:s28+$0x0] =	vst v51;
	v22 =	vld.idx.msk [tilespmem:v54+s2+$0x0], $0xffff  }
0x245: {  	v1 =	vadd.s32 $0x3E00, v27;
	v23 =	vld.idx.msk [tilespmem:v35+s2+$0x0], $0xffff;
	[tilespmem:s28+$0x90] =	vst v53  }
0x246: {  	v25 =	vadd.s32 $0x3600, v0;
	[tilespmem:s28+$0xA0] =	vst v55;
	v24 =	vld.idx.msk [tilespmem:v33+s2+$0x0], $0xffff  }
0x247: {  	v26 =	vld.idx.msk [tilespmem:v26+s2+$0x0], $0xffff;
	[tilespmem:s28+$0xB0] =	vst v56  }
0x248: {  	v27 =	vld.idx.msk [tilespmem:v28+s2+$0x0], $0xffff;
	[tilespmem:s28+$0xC0] =	vst v57  }
0x249: {  	v28 =	vld.idx.msk [tilespmem:v29+s2+$0x0], $0xffff;
	[tilespmem:s28+$0xD0] =	vst v21  }
0x24a: {  	v21 =	vld.idx.msk [tilespmem:v30+s2+$0x0], $0xffff;
	[tilespmem:s28+$0x170] =	vst v22  }
0x24b: {  	[tilespmem:s28+$0x80] =	vst v23;
	v22 =	vld.idx.msk [tilespmem:v25+s2+$0x0], $0xffff  }
0x24c: {  	v23 =	vld.idx.msk [tilespmem:v36+s2+$0x0], $0xffff;
	[tilespmem:s28+$0xE0] =	vst v24  }
0x24d: {  	v25 =	vadd.s32 $0x3800, v0;
	[tilespmem:s28+$0x110] =	vst v26;
	v24 =	vld.idx.msk [tilespmem:v32+s2+$0x0], $0xffff  }
0x24e: {  	[tilespmem:s28+$0x120] =	vst v27;
	v26 =	vld.idx.msk [tilespmem:v34+s2+$0x0], $0xffff  }
0x24f: {  	v27 =	vld.idx.msk [tilespmem:v38+s2+$0x0], $0xffff;
	[tilespmem:s28+$0x130] =	vst v28  }
0x250: {  	v28 =	vld.idx.msk [tilespmem:v39+s2+$0x0], $0xffff;
	[tilespmem:s28+$0x140] =	vst v21  }
0x251: {  	v21 =	vld.idx.msk [tilespmem:v40+s2+$0x0], $0xffff;
	[tilespmem:s28+$0x1F0] =	vst v22  }
0x252: {  	[tilespmem:s28+$0x100] =	vst v23;
	v22 =	vld.idx.msk [tilespmem:v25+s2+$0x0], $0xffff  }
0x253: {  	v23 =	vld.idx.msk [tilespmem:v37+s2+$0x0], $0xffff;
	[tilespmem:s28+$0x150] =	vst v24  }
0x254: {  	v25 =	vadd.s32 $0x3A00, v0;
	v24 =	vld.idx.msk [tilespmem:v41+s2+$0x0], $0xffff;
	[tilespmem:s28+$0x160] =	vst v26  }
0x255: {  	[tilespmem:s28+$0x190] =	vst v27;
	v26 =	vld.idx.msk [tilespmem:v43+s2+$0x0], $0xffff  }
0x256: {  	[tilespmem:s28+$0x1A0] =	vst v28;
	v27 =	vld.idx.msk [tilespmem:v44+s2+$0x0], $0xffff  }
0x257: {  	v28 =	vld.idx.msk [tilespmem:v45+s2+$0x0], $0xffff;
	[tilespmem:s28+$0x1B0] =	vst v21  }
0x258: {  	v21 =	vld.idx.msk [tilespmem:v46+s2+$0x0], $0xffff;
	[tilespmem:s28+$0x270] =	vst v22  }
0x259: {  	[tilespmem:s28+$0x180] =	vst v23;
	v22 =	vld.idx.msk [tilespmem:v25+s2+$0x0], $0xffff  }
0x25a: {  	v23 =	vld.idx.msk [tilespmem:v42+s2+$0x0], $0xffff;
	[tilespmem:s28+$0x1C0] =	vst v24  }
0x25b: {  	v25 =	vadd.s32 $0x3C00, v0;
	v24 =	vld.idx.msk [tilespmem:v47+s2+$0x0], $0xffff;
	[tilespmem:s28+$0x1D0] =	vst v26  }
0x25c: {  	v26 =	vld.idx.msk [tilespmem:v48+s2+$0x0], $0xffff;
	[tilespmem:s28+$0x1E0] =	vst v27  }
0x25d: {  	[tilespmem:s28+$0x210] =	vst v28;
	v27 =	vld.idx.msk [tilespmem:v49+s2+$0x0], $0xffff  }
0x25e: {  	[tilespmem:s28+$0x220] =	vst v21;
	v21 =	vld.idx.msk [tilespmem:v50+s2+$0x0], $0xffff  }
0x25f: {  	v28 =	vld.idx.msk [tilespmem:v52+s2+$0x0], $0xffff;
	[tilespmem:s28+$0x2F0] =	vst v22  }
0x260: {  	[tilespmem:s28+$0x200] =	vst v23;
	v22 =	vld.idx.msk [tilespmem:v25+s2+$0x0], $0xffff  }
0x261: {  	v17 =	vld.idx.msk [tilespmem:v17+s2+$0x0], $0xffff;
	[tilespmem:s28+$0x230] =	vst v24  }
0x262: {  	v0 =	vadd.s32 $0x3E00, v0;
	v18 =	vld.idx.msk [tilespmem:v18+s2+$0x0], $0xffff;
	[tilespmem:s28+$0x240] =	vst v26  }
0x263: {  	v19 =	vld.idx.msk [tilespmem:v19+s2+$0x0], $0xffff;
	[tilespmem:s28+$0x250] =	vst v27  }
0x264: {  	v15 =	vld.idx.msk [tilespmem:v15+s2+$0x0], $0xffff;
	[tilespmem:s28+$0x260] =	vst v21  }
0x265: {  	[tilespmem:s28+$0x290] =	vst v28;
	v20 =	vld.idx.msk [tilespmem:v20+s2+$0x0], $0xffff  }
0x266: {  	v16 =	vld.idx.msk [tilespmem:v16+s2+$0x0], $0xffff;
	[tilespmem:s28+$0x370] =	vst v22  }
0x267: {  	[tilespmem:s28+$0x280] =	vst v17;
	v0 =	vld.idx.msk [tilespmem:v0+s2+$0x0], $0xffff  }
0x268: {  	v10 =	vld.idx.msk [tilespmem:v10+s2+$0x0], $0xffff;
	[tilespmem:s28+$0x2A0] =	vst v18  }
0x269: {  	v14 =	vld.idx.msk [tilespmem:v14+s2+$0x0], $0xffff;
	[tilespmem:s28+$0x2B0] =	vst v19  }
0x26a: {  	v12 =	vld.idx.msk [tilespmem:v12+s2+$0x0], $0xffff;
	[tilespmem:s28+$0x2C0] =	vst v15  }
0x26b: {  	v11 =	vld.idx.msk [tilespmem:v11+s2+$0x0], $0xffff;
	[tilespmem:s28+$0x2D0] =	vst v20  }
0x26c: {  	v13 =	vld.idx.msk [tilespmem:v13+s2+$0x0], $0xffff;
	[tilespmem:s28+$0x2E0] =	vst v16  }
0x26d: {  	v9 =	vld.idx.msk [tilespmem:v9+s2+$0x0], $0xffff;
	[tilespmem:s28+$0x3F0] =	vst v0  }
0x26e: {  	[tilespmem:s28+$0x300] =	vst v10;
	v8 =	vld.idx.msk [tilespmem:v8+s2+$0x0], $0xffff  }
.Ltmp3:
0x26f: {  	v7 =	vld.idx.msk [tilespmem:v7+s2+$0x0], $0xffff;
	[tilespmem:s28+$0x310] =	vst v14;
	(pc) =	sbr.rel @p0 .LBB2_8-.Ltmp3, $4  }
0x270: {  	v5 =	vld.idx.msk [tilespmem:v5+s2+$0x0], $0xffff;
	[tilespmem:s28+$0x320] =	vst v12  }
0x271: {  	v3 =	vld.idx.msk [tilespmem:v3+s2+$0x0], $0xffff;
	[tilespmem:s28+$0x330] =	vst v11  }
0x272: {  	v6 =	vld.idx.msk [tilespmem:v6+s2+$0x0], $0xffff;
	[tilespmem:s28+$0x340] =	vst v13  }
0x273: {  	s30 =	sadd.s32 $0x80, s30;
	v4 =	vld.idx.msk [tilespmem:v4+s2+$0x0], $0xffff;
	[tilespmem:s28+$0x350] =	vst v9  }
0x274: {  	_ =	sdelay $0x2  }
0x275: {  	[tilespmem:s28+$0x360] =	vst v8  }
0x276: {  	[tilespmem:s28+$0x380] =	vst v7;
	v0 =	vld.idx.msk [tilespmem:v2+s2+$0x0], $0xffff  }
0x277: {  	[tilespmem:s28+$0x390] =	vst v5;
	v1 =	vld.idx.msk [tilespmem:v1+s2+$0x0], $0xffff  }
0x278: {  	[tilespmem:s28+$0x3A0] =	vst v3  }
0x279: {  	[tilespmem:s28+$0x3B0] =	vst v6  }
0x27a: {  	[tilespmem:s28+$0x3C0] =	vst v4  }
0x27b: {  	[tilespmem:s28+$0x3D0] =	vst v0  }
0x27c: {  	[tilespmem:s28+$0x3E0] =	vst v1;
	s28 =	simm.s32 $0x8040  }
0x27d: {  	[hbm4b:s8+s2] =	stream.linear.scatter [tilespmem:s20], [sflag:$0x3], $0x2000, $0x38;
	[tilespmem:$0x18400] =	vst v63  }
0x27e: {  	v7 =	vld [tilespmem:s28+$0x30]  }
0x27f: {  	v5 =	vld [tilespmem:s28+$0xFFFFFFD0]  }
0x280: {  	v4 =	vld [tilespmem:s28+$0xFFFFFFE0]  }
0x281: {  	v3 =	vld [tilespmem:s28+$0xFFFFFFF0]  }
0x282: {  	v2 =	vld [tilespmem:s28+$0x0]  }
0x283: {  	v0 =	vld [tilespmem:s28+$0x10];
	v8 =	vadd.s32 $0x4000, v7  }
0x284: {  	v1 =	vld [tilespmem:s28+$0x20];
	v9 =	vadd.s32 $0x4000, v5  }
0x285: {  	v6 =	vld [tilespmem:s28+$0xFFFFFFC0];
	v10 =	vadd.s32 $0x4000, v4  }
0x286: {  	v11 =	vadd.s32 $0x4000, v3  }
0x287: {  	v12 =	vadd.s32 $0x4000, v2  }
0x288: {  	v13 =	vadd.s32 $0x4000, v0;
	v8 =	vld.idx.msk [tilespmem:v8+s2+$0x0], $0xffff  }
0x289: {  	v14 =	vadd.s32 $0x4000, v1;
	v9 =	vld.idx.msk [tilespmem:v9+s2+$0x0], $0xffff  }
0x28a: {  	v16 =	vadd.s32 $0x4000, v6;
	v10 =	vld.idx.msk [tilespmem:v10+s2+$0x0], $0xffff  }
0x28b: {  	v15 =	vadd.s32 $0x4200, v7;
	v11 =	vld.idx.msk [tilespmem:v11+s2+$0x0], $0xffff  }
0x28c: {  	v17 =	vadd.s32 $0x4200, v5;
	v12 =	vld.idx.msk [tilespmem:v12+s2+$0x0], $0xffff  }
0x28d: {  	s28 =	simm.s32 $0x10400;
	v18 =	vadd.s32 $0x4200, v4;
	v13 =	vld.idx.msk [tilespmem:v13+s2+$0x0], $0xffff  }
0x28e: {  	v19 =	vadd.s32 $0x4200, v3;
	v14 =	vld.idx.msk [tilespmem:v14+s2+$0x0], $0xffff;
	[tilespmem:s28+$0x70] =	vst v8  }
0x28f: {  	v28 =	vadd.s32 $0x4200, v0;
	v16 =	vld.idx.msk [tilespmem:v16+s2+$0x0], $0xffff;
	[tilespmem:s28+$0x10] =	vst v9  }
0x290: {  	v29 =	vadd.s32 $0x4200, v6;
	[tilespmem:s28+$0x20] =	vst v10;
	v9 =	vld.idx.msk [tilespmem:v15+s2+$0x0], $0xffff  }
0x291: {  	v8 =	vadd.s32 $0x4200, v2;
	[tilespmem:s28+$0x30] =	vst v11;
	v10 =	vld.idx.msk [tilespmem:v17+s2+$0x0], $0xffff  }
0x292: {  	v30 =	vadd.s32 $0x4200, v1;
	[tilespmem:s28+$0x40] =	vst v12;
	v18 =	vld.idx.msk [tilespmem:v18+s2+$0x0], $0xffff  }
0x293: {  	v11 =	vadd.s32 $0x4400, v7;
	[tilespmem:s28+$0x50] =	vst v13;
	v19 =	vld.idx.msk [tilespmem:v19+s2+$0x0], $0xffff  }
0x294: {  	v31 =	vadd.s32 $0x4400, v5;
	[tilespmem:s28+$0x0] =	vst v16;
	v15 =	vld.idx.msk [tilespmem:v28+s2+$0x0], $0xffff  }
0x295: {  	v32 =	vadd.s32 $0x4400, v4;
	[tilespmem:s28+$0x60] =	vst v14;
	v17 =	vld.idx.msk [tilespmem:v29+s2+$0x0], $0xffff  }
0x296: {  	v35 =	vadd.s32 $0x4400, v6;
	v8 =	vld.idx.msk [tilespmem:v8+s2+$0x0], $0xffff;
	[tilespmem:s28+$0xF0] =	vst v9  }
0x297: {  	v9 =	vadd.s32 $0x4400, v3;
	[tilespmem:s28+$0x90] =	vst v10;
	v10 =	vld.idx.msk [tilespmem:v30+s2+$0x0], $0xffff  }
0x298: {  	v33 =	vadd.s32 $0x4400, v2;
	[tilespmem:s28+$0xA0] =	vst v18;
	v11 =	vld.idx.msk [tilespmem:v11+s2+$0x0], $0xffff  }
0x299: {  	v36 =	vadd.s32 $0x4400, v0;
	[tilespmem:s28+$0xB0] =	vst v19;
	v13 =	vld.idx.msk [tilespmem:v31+s2+$0x0], $0xffff  }
0x29a: {  	v34 =	vadd.s32 $0x4600, v7;
	[tilespmem:s28+$0x80] =	vst v17;
	v14 =	vld.idx.msk [tilespmem:v32+s2+$0x0], $0xffff  }
0x29b: {  	v37 =	vadd.s32 $0x4600, v5;
	[tilespmem:s28+$0xD0] =	vst v15;
	v18 =	vld.idx.msk [tilespmem:v35+s2+$0x0], $0xffff  }
0x29c: {  	v40 =	vadd.s32 $0x4600, v6;
	[tilespmem:s28+$0xC0] =	vst v8;
	v9 =	vld.idx.msk [tilespmem:v9+s2+$0x0], $0xffff  }
0x29d: {  	v8 =	vadd.s32 $0x4400, v1;
	v16 =	vld.idx.msk [tilespmem:v33+s2+$0x0], $0xffff;
	[tilespmem:s28+$0xE0] =	vst v10  }
0x29e: {  	v10 =	vld.idx.msk [tilespmem:v36+s2+$0x0], $0xffff;
	[tilespmem:s28+$0x170] =	vst v11;
	v11 =	vadd.s32 $0x4600, v4  }
0x29f: {  	v38 =	vadd.s32 $0x4600, v3;
	[tilespmem:s28+$0x110] =	vst v13;
	v12 =	vld.idx.msk [tilespmem:v34+s2+$0x0], $0xffff  }
0x2a0: {  	v41 =	vadd.s32 $0x4600, v2;
	[tilespmem:s28+$0x100] =	vst v18;
	v15 =	vld.idx.msk [tilespmem:v37+s2+$0x0], $0xffff  }
0x2a1: {  	v39 =	vadd.s32 $0x4800, v7;
	[tilespmem:s28+$0x120] =	vst v14;
	v19 =	vld.idx.msk [tilespmem:v40+s2+$0x0], $0xffff  }
0x2a2: {  	v43 =	vadd.s32 $0x4800, v5;
	v8 =	vld.idx.msk [tilespmem:v8+s2+$0x0], $0xffff;
	[tilespmem:s28+$0x130] =	vst v9  }
0x2a3: {  	v45 =	vadd.s32 $0x4800, v6;
	[tilespmem:s28+$0x140] =	vst v16;
	v11 =	vld.idx.msk [tilespmem:v11+s2+$0x0], $0xffff  }
0x2a4: {  	v9 =	vadd.s32 $0x4600, v0;
	[tilespmem:s28+$0x150] =	vst v10;
	v17 =	vld.idx.msk [tilespmem:v38+s2+$0x0], $0xffff  }
0x2a5: {  	v42 =	vadd.s32 $0x4600, v1;
	v10 =	vld.idx.msk [tilespmem:v41+s2+$0x0], $0xffff;
	[tilespmem:s28+$0x1F0] =	vst v12  }
0x2a6: {  	v44 =	vadd.s32 $0x4800, v4;
	[tilespmem:s28+$0x190] =	vst v15;
	v13 =	vld.idx.msk [tilespmem:v39+s2+$0x0], $0xffff  }
0x2a7: {  	v46 =	vadd.s32 $0x4800, v3;
	[tilespmem:s28+$0x180] =	vst v19;
	v12 =	vld.idx.msk [tilespmem:v43+s2+$0x0], $0xffff  }
0x2a8: {  	v47 =	vadd.s32 $0x4800, v2;
	v14 =	vld.idx.msk [tilespmem:v45+s2+$0x0], $0xffff;
	[tilespmem:s28+$0x160] =	vst v8  }
0x2a9: {  	v8 =	vadd.s32 $0x4A00, v7;
	v9 =	vld.idx.msk [tilespmem:v9+s2+$0x0], $0xffff;
	[tilespmem:s28+$0x1A0] =	vst v11  }
0x2aa: {  	v50 =	vadd.s32 $0x4A00, v5;
	v11 =	vld.idx.msk [tilespmem:v42+s2+$0x0], $0xffff;
	[tilespmem:s28+$0x1B0] =	vst v17  }
0x2ab: {  	v51 =	vadd.s32 $0x4A00, v6;
	[tilespmem:s28+$0x1C0] =	vst v10;
	v18 =	vld.idx.msk [tilespmem:v44+s2+$0x0], $0xffff  }
0x2ac: {  	v48 =	vadd.s32 $0x4800, v0;
	v10 =	vld.idx.msk [tilespmem:v46+s2+$0x0], $0xffff;
	[tilespmem:s28+$0x270] =	vst v13  }
0x2ad: {  	v49 =	vadd.s32 $0x4800, v1;
	v16 =	vld.idx.msk [tilespmem:v47+s2+$0x0], $0xffff;
	[tilespmem:s28+$0x210] =	vst v12  }
0x2ae: {  	v53 =	vadd.s32 $0x4A00, v3;
	[tilespmem:s28+$0x200] =	vst v14;
	v8 =	vld.idx.msk [tilespmem:v8+s2+$0x0], $0xffff  }
0x2af: {  	v54 =	vadd.s32 $0x4A00, v2;
	v19 =	vld.idx.msk [tilespmem:v50+s2+$0x0], $0xffff;
	[tilespmem:s28+$0x1D0] =	vst v9  }
0x2b0: {  	v15 =	vld.idx.msk [tilespmem:v51+s2+$0x0], $0xffff;
	v9 =	vadd.s32 $0x4C00, v7;
	[tilespmem:s28+$0x1E0] =	vst v11  }
0x2b1: {  	v57 =	vadd.s32 $0x4C00, v5;
	v52 =	vld.idx.msk [tilespmem:v48+s2+$0x0], $0xffff;
	[tilespmem:s28+$0x220] =	vst v18  }
0x2b2: {  	v11 =	vadd.s32 $0x4A00, v4;
	v13 =	vld.idx.msk [tilespmem:v49+s2+$0x0], $0xffff;
	[tilespmem:s28+$0x230] =	vst v10  }
0x2b3: {  	v55 =	vadd.s32 $0x4A00, v1;
	[tilespmem:s28+$0x240] =	vst v16;
	v56 =	vld.idx.msk [tilespmem:v53+s2+$0x0], $0xffff  }
0x2b4: {  	v58 =	vld.idx.msk [tilespmem:v54+s2+$0x0], $0xffff;
	[tilespmem:s28+$0x2F0] =	vst v8;
	v8 =	vadd.s32 $0x4A00, v0  }
0x2b5: {  	v60 =	vadd.s32 $0x4C00, v3;
	[tilespmem:s28+$0x290] =	vst v19;
	v9 =	vld.idx.msk [tilespmem:v9+s2+$0x0], $0xffff  }
0x2b6: {  	v7 =	vadd.s32 $0x4E00, v7;
	[tilespmem:s28+$0x280] =	vst v15;
	v12 =	vld.idx.msk [tilespmem:v57+s2+$0x0], $0xffff  }
0x2b7: {  	v10 =	vld.idx.msk [tilespmem:v11+s2+$0x0], $0xffff;
	v11 =	vadd.s32 $0x4C00, v6;
	[tilespmem:s28+$0x260] =	vst v13  }
0x2b8: {  	v5 =	vadd.s32 $0x4E00, v5;
	[tilespmem:s28+$0x250] =	vst v52;
	v14 =	vld.idx.msk [tilespmem:v55+s2+$0x0], $0xffff  }
0x2b9: {  	v59 =	vadd.s32 $0x4C00, v4;
	[tilespmem:s28+$0x2B0] =	vst v56;
	v8 =	vld.idx.msk [tilespmem:v8+s2+$0x0], $0xffff  }
0x2ba: {  	v16 =	vld.idx.msk [tilespmem:v60+s2+$0x0], $0xffff;
	[tilespmem:s28+$0x370] =	vst v9;
	v9 =	vadd.s32 $0x4C00, v2  }
0x2bb: {  	v61 =	vadd.s32 $0x4C00, v0;
	[tilespmem:s28+$0x310] =	vst v12;
	v7 =	vld.idx.msk [tilespmem:v7+s2+$0x0], $0xffff  }
0x2bc: {  	v11 =	vld.idx.msk [tilespmem:v11+s2+$0x0], $0xffff;
	[tilespmem:s28+$0x2A0] =	vst v10;
	v10 =	vadd.s32 $0x4C00, v1  }
0x2bd: {  	v6 =	vadd.s32 $0x4E00, v6;
	[tilespmem:s28+$0x2C0] =	vst v58;
	v5 =	vld.idx.msk [tilespmem:v5+s2+$0x0], $0xffff  }
0x2be: {  	v62 =	vadd.s32 $0x4E00, v3;
	v13 =	vld.idx.msk [tilespmem:v59+s2+$0x0], $0xffff;
	[tilespmem:s28+$0x2E0] =	vst v14  }
0x2bf: {  	v4 =	vadd.s32 $0x4E00, v4;
	[tilespmem:s28+$0x2D0] =	vst v8;
	v9 =	vld.idx.msk [tilespmem:v9+s2+$0x0], $0xffff  }
0x2c0: {  	v63 =	vadd.s32 $0x4E00, v2;
	[tilespmem:s28+$0x330] =	vst v16;
	v15 =	vld.idx.msk [tilespmem:v61+s2+$0x0], $0xffff  }
0x2c1: {  	[tilespmem:s28+$0x300] =	vst v11;
	v8 =	vld.idx.msk [tilespmem:v10+s2+$0x0], $0xffff  }
0x2c2: {  	[tilespmem:s28+$0x3F0] =	vst v7;
	v7 =	vld.idx.msk [tilespmem:v6+s2+$0x0], $0xffff  }
0x2c3: {  	[tilespmem:s28+$0x320] =	vst v13;
	v6 =	vld.idx.msk [tilespmem:v62+s2+$0x0], $0xffff  }
0x2c4: {  	v3 =	vld.idx.msk [tilespmem:v4+s2+$0x0], $0xffff;
	[tilespmem:s28+$0x340] =	vst v9  }
0x2c5: {  	s29 =	simm.s32 $0x0;
	s30 =	simm.s32 $0x80C0;
	v2 =	vadd.s32 $0x4E00, v0;
	v1 =	vadd.s32 $0x4E00, v1;
	[tilespmem:s28+$0x350] =	vst v15;
	v4 =	vld.idx.msk [tilespmem:v63+s2+$0x0], $0xffff  }
.LBB2_10:
0x2c6: {  	v0 =	vld [tilespmem:s30+$0x30];
	s29 =	sadd.s32 $0x8, s29;
	[tilespmem:s28+$0x360] =	vst v8  }
0x2c7: {  	v21 =	vld [tilespmem:s30+$0xFFFFFFD0];
	p0 =	slt.u32 s29, $0x38;
	[tilespmem:s28+$0x380] =	vst v7  }
0x2c8: {  	v22 =	vld [tilespmem:s30+$0xFFFFFFE0];
	[tilespmem:s28+$0x390] =	vst v5  }
0x2c9: {  	v23 =	vld [tilespmem:s30+$0xFFFFFFF0];
	[tilespmem:s28+$0x3A0] =	vst v3  }
0x2ca: {  	v24 =	vld [tilespmem:s30+$0x0];
	[tilespmem:s28+$0x3B0] =	vst v6  }
0x2cb: {  	v25 =	vld [tilespmem:s30+$0x10];
	v3 =	vadd.s32 $0x4000, v0;
	[tilespmem:s28+$0x3C0] =	vst v4  }
0x2cc: {  	v4 =	vadd.s32 $0x4000, v21;
	v5 =	vadd.s32 $0x4200, v21;
	v26 =	vadd.s32 $0x4400, v21;
	v27 =	vld [tilespmem:s30+$0x20]  }
0x2cd: {  	v6 =	vld [tilespmem:s30+$0xFFFFFFC0];
	v7 =	vadd.s32 $0x4000, v22;
	v8 =	vadd.s32 $0x4200, v22;
	v28 =	vadd.s32 $0x4400, v22  }
0x2ce: {  	v9 =	vadd.s32 $0x4000, v23;
	v11 =	vadd.s32 $0x4200, v23;
	v29 =	vadd.s32 $0x4400, v23;
	v2 =	vld.idx.msk [tilespmem:v2+s2+$0x0], $0xffff  }
0x2cf: {  	v10 =	vadd.s32 $0x4000, v24;
	v13 =	vadd.s32 $0x4200, v24;
	v30 =	vadd.s32 $0x4400, v24;
	v1 =	vld.idx.msk [tilespmem:v1+s2+$0x0], $0xffff  }
0x2d0: {  	v12 =	vadd.s32 $0x4000, v25;
	v31 =	vadd.s32 $0x4200, v25;
	v32 =	vadd.s32 $0x4400, v25;
	v3 =	vld.idx.msk [tilespmem:v3+s2+$0x0], $0xffff  }
0x2d1: {  	v4 =	vld.idx.msk [tilespmem:v4+s2+$0x0], $0xffff;
	v14 =	vadd.s32 $0x4000, v27;
	v33 =	vadd.s32 $0x4200, v27;
	v34 =	vadd.s32 $0x4400, v27  }
0x2d2: {  	v16 =	vadd.s32 $0x4200, v0;
	v15 =	vadd.s32 $0x4000, v6;
	v35 =	vadd.s32 $0x4200, v6;
	v7 =	vld.idx.msk [tilespmem:v7+s2+$0x0], $0xffff  }
0x2d3: {  	v38 =	vadd.s32 $0x4600, v21;
	v36 =	vadd.s32 $0x4400, v6;
	v37 =	vadd.s32 $0x4600, v6;
	v9 =	vld.idx.msk [tilespmem:v9+s2+$0x0], $0xffff  }
0x2d4: {  	v39 =	vadd.s32 $0x4600, v22;
	v40 =	vadd.s32 $0x4600, v23;
	v41 =	vadd.s32 $0x4600, v24;
	v20 =	vld.idx.msk [tilespmem:v10+s2+$0x0], $0xffff;
	[tilespmem:s28+$0x3D0] =	vst v2  }
0x2d5: {  	v43 =	vadd.s32 $0x4600, v25;
	v44 =	vadd.s32 $0x4600, v27;
	v42 =	vadd.s32 $0x4800, v6;
	v2 =	vld.idx.msk [tilespmem:v12+s2+$0x0], $0xffff;
	[tilespmem:s28+$0x3E0] =	vst v1;
	s28 =	sadd.s32 $0x400, s28  }
0x2d6: {  	v45 =	vadd.s32 $0x4800, v21;
	v46 =	vadd.s32 $0x4800, v22;
	v47 =	vadd.s32 $0x4800, v23;
	v1 =	vld.idx.msk [tilespmem:v14+s2+$0x0], $0xffff;
	[tilespmem:s28+$0x70] =	vst v3  }
0x2d7: {  	v48 =	vadd.s32 $0x4800, v24;
	v49 =	vadd.s32 $0x4800, v25;
	v50 =	vadd.s32 $0x4800, v27;
	[tilespmem:s28+$0x10] =	vst v4;
	v4 =	vld.idx.msk [tilespmem:v16+s2+$0x0], $0xffff  }
0x2d8: {  	v52 =	vadd.s32 $0x4A00, v21;
	v18 =	vadd.s32 $0x4A00, v22;
	v17 =	vadd.s32 $0x4A00, v6;
	v51 =	vld.idx.msk [tilespmem:v15+s2+$0x0], $0xffff;
	[tilespmem:s28+$0x20] =	vst v7  }
0x2d9: {  	v54 =	vadd.s32 $0x4400, v0;
	v19 =	vadd.s32 $0x4A00, v23;
	v15 =	vadd.s32 $0x4A00, v24;
	v53 =	vld.idx.msk [tilespmem:v5+s2+$0x0], $0xffff;
	[tilespmem:s28+$0x30] =	vst v9  }
0x2da: {  	v10 =	vadd.s32 $0x4C00, v6;
	v16 =	vadd.s32 $0x4A00, v27;
	v55 =	vld.idx.msk [tilespmem:v8+s2+$0x0], $0xffff;
	[tilespmem:s28+$0x40] =	vst v20;
	v20 =	vadd.s32 $0x4A00, v25  }
0x2db: {  	v12 =	vadd.s32 $0x4C00, v22;
	v14 =	vadd.s32 $0x4C00, v21;
	v56 =	vld.idx.msk [tilespmem:v11+s2+$0x0], $0xffff;
	v11 =	vadd.s32 $0x4C00, v23;
	[tilespmem:s28+$0x50] =	vst v2  }
0x2dc: {  	v9 =	vadd.s32 $0x4C00, v25;
	v8 =	vadd.s32 $0x4C00, v27;
	v57 =	vld.idx.msk [tilespmem:v13+s2+$0x0], $0xffff;
	v13 =	vadd.s32 $0x4C00, v24;
	[tilespmem:s28+$0x60] =	vst v1  }
0x2dd: {  	v3 =	vadd.s32 $0x4E00, v22;
	v7 =	vadd.s32 $0x4E00, v6;
	v5 =	vadd.s32 $0x4E00, v21;
	v21 =	vld.idx.msk [tilespmem:v31+s2+$0x0], $0xffff;
	[tilespmem:s28+$0xF0] =	vst v4  }
0x2de: {  	v6 =	vadd.s32 $0x4E00, v23;
	v2 =	vadd.s32 $0x4E00, v25;
	v4 =	vadd.s32 $0x4E00, v24;
	[tilespmem:s28+$0x0] =	vst v51;
	v22 =	vld.idx.msk [tilespmem:v54+s2+$0x0], $0xffff  }
0x2df: {  	v1 =	vadd.s32 $0x4E00, v27;
	v23 =	vld.idx.msk [tilespmem:v35+s2+$0x0], $0xffff;
	[tilespmem:s28+$0x90] =	vst v53  }
0x2e0: {  	v25 =	vadd.s32 $0x4600, v0;
	[tilespmem:s28+$0xA0] =	vst v55;
	v24 =	vld.idx.msk [tilespmem:v33+s2+$0x0], $0xffff  }
0x2e1: {  	v26 =	vld.idx.msk [tilespmem:v26+s2+$0x0], $0xffff;
	[tilespmem:s28+$0xB0] =	vst v56  }
0x2e2: {  	v27 =	vld.idx.msk [tilespmem:v28+s2+$0x0], $0xffff;
	[tilespmem:s28+$0xC0] =	vst v57  }
0x2e3: {  	v28 =	vld.idx.msk [tilespmem:v29+s2+$0x0], $0xffff;
	[tilespmem:s28+$0xD0] =	vst v21  }
0x2e4: {  	v21 =	vld.idx.msk [tilespmem:v30+s2+$0x0], $0xffff;
	[tilespmem:s28+$0x170] =	vst v22  }
0x2e5: {  	[tilespmem:s28+$0x80] =	vst v23;
	v22 =	vld.idx.msk [tilespmem:v25+s2+$0x0], $0xffff  }
0x2e6: {  	v23 =	vld.idx.msk [tilespmem:v36+s2+$0x0], $0xffff;
	[tilespmem:s28+$0xE0] =	vst v24  }
0x2e7: {  	v25 =	vadd.s32 $0x4800, v0;
	[tilespmem:s28+$0x110] =	vst v26;
	v24 =	vld.idx.msk [tilespmem:v32+s2+$0x0], $0xffff  }
0x2e8: {  	[tilespmem:s28+$0x120] =	vst v27;
	v26 =	vld.idx.msk [tilespmem:v34+s2+$0x0], $0xffff  }
0x2e9: {  	v27 =	vld.idx.msk [tilespmem:v38+s2+$0x0], $0xffff;
	[tilespmem:s28+$0x130] =	vst v28  }
0x2ea: {  	v28 =	vld.idx.msk [tilespmem:v39+s2+$0x0], $0xffff;
	[tilespmem:s28+$0x140] =	vst v21  }
0x2eb: {  	v21 =	vld.idx.msk [tilespmem:v40+s2+$0x0], $0xffff;
	[tilespmem:s28+$0x1F0] =	vst v22  }
0x2ec: {  	[tilespmem:s28+$0x100] =	vst v23;
	v22 =	vld.idx.msk [tilespmem:v25+s2+$0x0], $0xffff  }
0x2ed: {  	v23 =	vld.idx.msk [tilespmem:v37+s2+$0x0], $0xffff;
	[tilespmem:s28+$0x150] =	vst v24  }
0x2ee: {  	v25 =	vadd.s32 $0x4A00, v0;
	v24 =	vld.idx.msk [tilespmem:v41+s2+$0x0], $0xffff;
	[tilespmem:s28+$0x160] =	vst v26  }
0x2ef: {  	[tilespmem:s28+$0x190] =	vst v27;
	v26 =	vld.idx.msk [tilespmem:v43+s2+$0x0], $0xffff  }
0x2f0: {  	[tilespmem:s28+$0x1A0] =	vst v28;
	v27 =	vld.idx.msk [tilespmem:v44+s2+$0x0], $0xffff  }
0x2f1: {  	v28 =	vld.idx.msk [tilespmem:v45+s2+$0x0], $0xffff;
	[tilespmem:s28+$0x1B0] =	vst v21  }
0x2f2: {  	v21 =	vld.idx.msk [tilespmem:v46+s2+$0x0], $0xffff;
	[tilespmem:s28+$0x270] =	vst v22  }
0x2f3: {  	[tilespmem:s28+$0x180] =	vst v23;
	v22 =	vld.idx.msk [tilespmem:v25+s2+$0x0], $0xffff  }
0x2f4: {  	v23 =	vld.idx.msk [tilespmem:v42+s2+$0x0], $0xffff;
	[tilespmem:s28+$0x1C0] =	vst v24  }
0x2f5: {  	v25 =	vadd.s32 $0x4C00, v0;
	v24 =	vld.idx.msk [tilespmem:v47+s2+$0x0], $0xffff;
	[tilespmem:s28+$0x1D0] =	vst v26  }
0x2f6: {  	v26 =	vld.idx.msk [tilespmem:v48+s2+$0x0], $0xffff;
	[tilespmem:s28+$0x1E0] =	vst v27  }
0x2f7: {  	[tilespmem:s28+$0x210] =	vst v28;
	v27 =	vld.idx.msk [tilespmem:v49+s2+$0x0], $0xffff  }
0x2f8: {  	[tilespmem:s28+$0x220] =	vst v21;
	v21 =	vld.idx.msk [tilespmem:v50+s2+$0x0], $0xffff  }
0x2f9: {  	v28 =	vld.idx.msk [tilespmem:v52+s2+$0x0], $0xffff;
	[tilespmem:s28+$0x2F0] =	vst v22  }
0x2fa: {  	[tilespmem:s28+$0x200] =	vst v23;
	v22 =	vld.idx.msk [tilespmem:v25+s2+$0x0], $0xffff  }
0x2fb: {  	v17 =	vld.idx.msk [tilespmem:v17+s2+$0x0], $0xffff;
	[tilespmem:s28+$0x230] =	vst v24  }
0x2fc: {  	v0 =	vadd.s32 $0x4E00, v0;
	v18 =	vld.idx.msk [tilespmem:v18+s2+$0x0], $0xffff;
	[tilespmem:s28+$0x240] =	vst v26  }
0x2fd: {  	v19 =	vld.idx.msk [tilespmem:v19+s2+$0x0], $0xffff;
	[tilespmem:s28+$0x250] =	vst v27  }
0x2fe: {  	v15 =	vld.idx.msk [tilespmem:v15+s2+$0x0], $0xffff;
	[tilespmem:s28+$0x260] =	vst v21  }
0x2ff: {  	[tilespmem:s28+$0x290] =	vst v28;
	v20 =	vld.idx.msk [tilespmem:v20+s2+$0x0], $0xffff  }
0x300: {  	v16 =	vld.idx.msk [tilespmem:v16+s2+$0x0], $0xffff;
	[tilespmem:s28+$0x370] =	vst v22  }
0x301: {  	[tilespmem:s28+$0x280] =	vst v17;
	v0 =	vld.idx.msk [tilespmem:v0+s2+$0x0], $0xffff  }
0x302: {  	v10 =	vld.idx.msk [tilespmem:v10+s2+$0x0], $0xffff;
	[tilespmem:s28+$0x2A0] =	vst v18  }
0x303: {  	v14 =	vld.idx.msk [tilespmem:v14+s2+$0x0], $0xffff;
	[tilespmem:s28+$0x2B0] =	vst v19  }
0x304: {  	v12 =	vld.idx.msk [tilespmem:v12+s2+$0x0], $0xffff;
	[tilespmem:s28+$0x2C0] =	vst v15  }
0x305: {  	v11 =	vld.idx.msk [tilespmem:v11+s2+$0x0], $0xffff;
	[tilespmem:s28+$0x2D0] =	vst v20  }
0x306: {  	v13 =	vld.idx.msk [tilespmem:v13+s2+$0x0], $0xffff;
	[tilespmem:s28+$0x2E0] =	vst v16  }
0x307: {  	v9 =	vld.idx.msk [tilespmem:v9+s2+$0x0], $0xffff;
	[tilespmem:s28+$0x3F0] =	vst v0  }
0x308: {  	[tilespmem:s28+$0x300] =	vst v10;
	v8 =	vld.idx.msk [tilespmem:v8+s2+$0x0], $0xffff  }
.Ltmp4:
0x309: {  	v7 =	vld.idx.msk [tilespmem:v7+s2+$0x0], $0xffff;
	[tilespmem:s28+$0x310] =	vst v14;
	(pc) =	sbr.rel @p0 .LBB2_10-.Ltmp4, $4  }
0x30a: {  	v5 =	vld.idx.msk [tilespmem:v5+s2+$0x0], $0xffff;
	[tilespmem:s28+$0x320] =	vst v12  }
0x30b: {  	v3 =	vld.idx.msk [tilespmem:v3+s2+$0x0], $0xffff;
	[tilespmem:s28+$0x330] =	vst v11  }
0x30c: {  	v6 =	vld.idx.msk [tilespmem:v6+s2+$0x0], $0xffff;
	[tilespmem:s28+$0x340] =	vst v13  }
0x30d: {  	s30 =	sadd.s32 $0x80, s30;
	v4 =	vld.idx.msk [tilespmem:v4+s2+$0x0], $0xffff;
	[tilespmem:s28+$0x350] =	vst v9  }
0x30e: {  	_ =	sdelay $0x2  }
0x30f: {  	[tilespmem:s28+$0x360] =	vst v8  }
0x310: {  	[tilespmem:s28+$0x380] =	vst v7;
	v0 =	vld.idx.msk [tilespmem:v2+s2+$0x0], $0xffff  }
0x311: {  	[tilespmem:s28+$0x390] =	vst v5;
	v1 =	vld.idx.msk [tilespmem:v1+s2+$0x0], $0xffff  }
0x312: {  	[tilespmem:s28+$0x3A0] =	vst v3  }
0x313: {  	[tilespmem:s28+$0x3B0] =	vst v6  }
0x314: {  	[tilespmem:s28+$0x3C0] =	vst v4  }
0x315: {  	[tilespmem:s28+$0x3D0] =	vst v0  }
0x316: {  	[tilespmem:s28+$0x3E0] =	vst v1;
	s28 =	simm.s32 $0x8040  }
0x317: {  	[hbm4b:s9+s2] =	stream.linear.scatter [tilespmem:s21], [sflag:$0x3], $0x2000, $0x38;
	[tilespmem:$0x18400] =	vst v63  }
0x318: {  	v7 =	vld [tilespmem:s28+$0x30]  }
0x319: {  	v5 =	vld [tilespmem:s28+$0xFFFFFFD0]  }
0x31a: {  	v4 =	vld [tilespmem:s28+$0xFFFFFFE0]  }
0x31b: {  	v3 =	vld [tilespmem:s28+$0xFFFFFFF0]  }
0x31c: {  	v2 =	vld [tilespmem:s28+$0x0]  }
0x31d: {  	v0 =	vld [tilespmem:s28+$0x10];
	v8 =	vadd.s32 $0x5000, v7  }
0x31e: {  	v1 =	vld [tilespmem:s28+$0x20];
	v9 =	vadd.s32 $0x5000, v5  }
0x31f: {  	v6 =	vld [tilespmem:s28+$0xFFFFFFC0];
	v10 =	vadd.s32 $0x5000, v4  }
0x320: {  	v11 =	vadd.s32 $0x5000, v3  }
0x321: {  	v12 =	vadd.s32 $0x5000, v2  }
0x322: {  	v13 =	vadd.s32 $0x5000, v0;
	v8 =	vld.idx.msk [tilespmem:v8+s2+$0x0], $0xffff  }
0x323: {  	v14 =	vadd.s32 $0x5000, v1;
	v9 =	vld.idx.msk [tilespmem:v9+s2+$0x0], $0xffff  }
0x324: {  	v16 =	vadd.s32 $0x5000, v6;
	v10 =	vld.idx.msk [tilespmem:v10+s2+$0x0], $0xffff  }
0x325: {  	v15 =	vadd.s32 $0x5200, v7;
	v11 =	vld.idx.msk [tilespmem:v11+s2+$0x0], $0xffff  }
0x326: {  	v17 =	vadd.s32 $0x5200, v5;
	v12 =	vld.idx.msk [tilespmem:v12+s2+$0x0], $0xffff  }
0x327: {  	s28 =	simm.s32 $0x12400;
	v18 =	vadd.s32 $0x5200, v4;
	v13 =	vld.idx.msk [tilespmem:v13+s2+$0x0], $0xffff  }
0x328: {  	v19 =	vadd.s32 $0x5200, v3;
	v14 =	vld.idx.msk [tilespmem:v14+s2+$0x0], $0xffff;
	[tilespmem:s28+$0x70] =	vst v8  }
0x329: {  	v28 =	vadd.s32 $0x5200, v0;
	v16 =	vld.idx.msk [tilespmem:v16+s2+$0x0], $0xffff;
	[tilespmem:s28+$0x10] =	vst v9  }
0x32a: {  	v29 =	vadd.s32 $0x5200, v6;
	[tilespmem:s28+$0x20] =	vst v10;
	v9 =	vld.idx.msk [tilespmem:v15+s2+$0x0], $0xffff  }
0x32b: {  	v8 =	vadd.s32 $0x5200, v2;
	[tilespmem:s28+$0x30] =	vst v11;
	v10 =	vld.idx.msk [tilespmem:v17+s2+$0x0], $0xffff  }
0x32c: {  	v30 =	vadd.s32 $0x5200, v1;
	[tilespmem:s28+$0x40] =	vst v12;
	v18 =	vld.idx.msk [tilespmem:v18+s2+$0x0], $0xffff  }
0x32d: {  	v11 =	vadd.s32 $0x5400, v7;
	[tilespmem:s28+$0x50] =	vst v13;
	v19 =	vld.idx.msk [tilespmem:v19+s2+$0x0], $0xffff  }
0x32e: {  	v31 =	vadd.s32 $0x5400, v5;
	[tilespmem:s28+$0x0] =	vst v16;
	v15 =	vld.idx.msk [tilespmem:v28+s2+$0x0], $0xffff  }
0x32f: {  	v32 =	vadd.s32 $0x5400, v4;
	[tilespmem:s28+$0x60] =	vst v14;
	v17 =	vld.idx.msk [tilespmem:v29+s2+$0x0], $0xffff  }
0x330: {  	v35 =	vadd.s32 $0x5400, v6;
	v8 =	vld.idx.msk [tilespmem:v8+s2+$0x0], $0xffff;
	[tilespmem:s28+$0xF0] =	vst v9  }
0x331: {  	v9 =	vadd.s32 $0x5400, v3;
	[tilespmem:s28+$0x90] =	vst v10;
	v10 =	vld.idx.msk [tilespmem:v30+s2+$0x0], $0xffff  }
0x332: {  	v33 =	vadd.s32 $0x5400, v2;
	[tilespmem:s28+$0xA0] =	vst v18;
	v11 =	vld.idx.msk [tilespmem:v11+s2+$0x0], $0xffff  }
0x333: {  	v36 =	vadd.s32 $0x5400, v0;
	[tilespmem:s28+$0xB0] =	vst v19;
	v13 =	vld.idx.msk [tilespmem:v31+s2+$0x0], $0xffff  }
0x334: {  	v34 =	vadd.s32 $0x5600, v7;
	[tilespmem:s28+$0x80] =	vst v17;
	v14 =	vld.idx.msk [tilespmem:v32+s2+$0x0], $0xffff  }
0x335: {  	v37 =	vadd.s32 $0x5600, v5;
	[tilespmem:s28+$0xD0] =	vst v15;
	v18 =	vld.idx.msk [tilespmem:v35+s2+$0x0], $0xffff  }
0x336: {  	v40 =	vadd.s32 $0x5600, v6;
	[tilespmem:s28+$0xC0] =	vst v8;
	v9 =	vld.idx.msk [tilespmem:v9+s2+$0x0], $0xffff  }
0x337: {  	v8 =	vadd.s32 $0x5400, v1;
	v16 =	vld.idx.msk [tilespmem:v33+s2+$0x0], $0xffff;
	[tilespmem:s28+$0xE0] =	vst v10  }
0x338: {  	v10 =	vld.idx.msk [tilespmem:v36+s2+$0x0], $0xffff;
	[tilespmem:s28+$0x170] =	vst v11;
	v11 =	vadd.s32 $0x5600, v4  }
0x339: {  	v38 =	vadd.s32 $0x5600, v3;
	[tilespmem:s28+$0x110] =	vst v13;
	v12 =	vld.idx.msk [tilespmem:v34+s2+$0x0], $0xffff  }
0x33a: {  	v41 =	vadd.s32 $0x5600, v2;
	[tilespmem:s28+$0x100] =	vst v18;
	v15 =	vld.idx.msk [tilespmem:v37+s2+$0x0], $0xffff  }
0x33b: {  	v39 =	vadd.s32 $0x5800, v7;
	[tilespmem:s28+$0x120] =	vst v14;
	v19 =	vld.idx.msk [tilespmem:v40+s2+$0x0], $0xffff  }
0x33c: {  	v43 =	vadd.s32 $0x5800, v5;
	v8 =	vld.idx.msk [tilespmem:v8+s2+$0x0], $0xffff;
	[tilespmem:s28+$0x130] =	vst v9  }
0x33d: {  	v45 =	vadd.s32 $0x5800, v6;
	[tilespmem:s28+$0x140] =	vst v16;
	v11 =	vld.idx.msk [tilespmem:v11+s2+$0x0], $0xffff  }
0x33e: {  	v9 =	vadd.s32 $0x5600, v0;
	[tilespmem:s28+$0x150] =	vst v10;
	v17 =	vld.idx.msk [tilespmem:v38+s2+$0x0], $0xffff  }
0x33f: {  	v42 =	vadd.s32 $0x5600, v1;
	v10 =	vld.idx.msk [tilespmem:v41+s2+$0x0], $0xffff;
	[tilespmem:s28+$0x1F0] =	vst v12  }
0x340: {  	v44 =	vadd.s32 $0x5800, v4;
	[tilespmem:s28+$0x190] =	vst v15;
	v13 =	vld.idx.msk [tilespmem:v39+s2+$0x0], $0xffff  }
0x341: {  	v46 =	vadd.s32 $0x5800, v3;
	[tilespmem:s28+$0x180] =	vst v19;
	v12 =	vld.idx.msk [tilespmem:v43+s2+$0x0], $0xffff  }
0x342: {  	v47 =	vadd.s32 $0x5800, v2;
	v14 =	vld.idx.msk [tilespmem:v45+s2+$0x0], $0xffff;
	[tilespmem:s28+$0x160] =	vst v8  }
0x343: {  	v8 =	vadd.s32 $0x5A00, v7;
	v9 =	vld.idx.msk [tilespmem:v9+s2+$0x0], $0xffff;
	[tilespmem:s28+$0x1A0] =	vst v11  }
0x344: {  	v50 =	vadd.s32 $0x5A00, v5;
	v11 =	vld.idx.msk [tilespmem:v42+s2+$0x0], $0xffff;
	[tilespmem:s28+$0x1B0] =	vst v17  }
0x345: {  	v51 =	vadd.s32 $0x5A00, v6;
	[tilespmem:s28+$0x1C0] =	vst v10;
	v18 =	vld.idx.msk [tilespmem:v44+s2+$0x0], $0xffff  }
0x346: {  	v48 =	vadd.s32 $0x5800, v0;
	v10 =	vld.idx.msk [tilespmem:v46+s2+$0x0], $0xffff;
	[tilespmem:s28+$0x270] =	vst v13  }
0x347: {  	v49 =	vadd.s32 $0x5800, v1;
	v16 =	vld.idx.msk [tilespmem:v47+s2+$0x0], $0xffff;
	[tilespmem:s28+$0x210] =	vst v12  }
0x348: {  	v53 =	vadd.s32 $0x5A00, v3;
	[tilespmem:s28+$0x200] =	vst v14;
	v8 =	vld.idx.msk [tilespmem:v8+s2+$0x0], $0xffff  }
0x349: {  	v54 =	vadd.s32 $0x5A00, v2;
	v19 =	vld.idx.msk [tilespmem:v50+s2+$0x0], $0xffff;
	[tilespmem:s28+$0x1D0] =	vst v9  }
0x34a: {  	v15 =	vld.idx.msk [tilespmem:v51+s2+$0x0], $0xffff;
	v9 =	vadd.s32 $0x5C00, v7;
	[tilespmem:s28+$0x1E0] =	vst v11  }
0x34b: {  	v57 =	vadd.s32 $0x5C00, v5;
	v52 =	vld.idx.msk [tilespmem:v48+s2+$0x0], $0xffff;
	[tilespmem:s28+$0x220] =	vst v18  }
0x34c: {  	v11 =	vadd.s32 $0x5A00, v4;
	v13 =	vld.idx.msk [tilespmem:v49+s2+$0x0], $0xffff;
	[tilespmem:s28+$0x230] =	vst v10  }
0x34d: {  	v55 =	vadd.s32 $0x5A00, v1;
	[tilespmem:s28+$0x240] =	vst v16;
	v56 =	vld.idx.msk [tilespmem:v53+s2+$0x0], $0xffff  }
0x34e: {  	v58 =	vld.idx.msk [tilespmem:v54+s2+$0x0], $0xffff;
	[tilespmem:s28+$0x2F0] =	vst v8;
	v8 =	vadd.s32 $0x5A00, v0  }
0x34f: {  	v60 =	vadd.s32 $0x5C00, v3;
	[tilespmem:s28+$0x290] =	vst v19;
	v9 =	vld.idx.msk [tilespmem:v9+s2+$0x0], $0xffff  }
0x350: {  	v7 =	vadd.s32 $0x5E00, v7;
	[tilespmem:s28+$0x280] =	vst v15;
	v12 =	vld.idx.msk [tilespmem:v57+s2+$0x0], $0xffff  }
0x351: {  	v10 =	vld.idx.msk [tilespmem:v11+s2+$0x0], $0xffff;
	v11 =	vadd.s32 $0x5C00, v6;
	[tilespmem:s28+$0x260] =	vst v13  }
0x352: {  	v5 =	vadd.s32 $0x5E00, v5;
	[tilespmem:s28+$0x250] =	vst v52;
	v14 =	vld.idx.msk [tilespmem:v55+s2+$0x0], $0xffff  }
0x353: {  	v59 =	vadd.s32 $0x5C00, v4;
	[tilespmem:s28+$0x2B0] =	vst v56;
	v8 =	vld.idx.msk [tilespmem:v8+s2+$0x0], $0xffff  }
0x354: {  	v16 =	vld.idx.msk [tilespmem:v60+s2+$0x0], $0xffff;
	[tilespmem:s28+$0x370] =	vst v9;
	v9 =	vadd.s32 $0x5C00, v2  }
0x355: {  	v61 =	vadd.s32 $0x5C00, v0;
	[tilespmem:s28+$0x310] =	vst v12;
	v7 =	vld.idx.msk [tilespmem:v7+s2+$0x0], $0xffff  }
0x356: {  	v11 =	vld.idx.msk [tilespmem:v11+s2+$0x0], $0xffff;
	[tilespmem:s28+$0x2A0] =	vst v10;
	v10 =	vadd.s32 $0x5C00, v1  }
0x357: {  	v6 =	vadd.s32 $0x5E00, v6;
	[tilespmem:s28+$0x2C0] =	vst v58;
	v5 =	vld.idx.msk [tilespmem:v5+s2+$0x0], $0xffff  }
0x358: {  	v62 =	vadd.s32 $0x5E00, v3;
	v13 =	vld.idx.msk [tilespmem:v59+s2+$0x0], $0xffff;
	[tilespmem:s28+$0x2E0] =	vst v14  }
0x359: {  	v4 =	vadd.s32 $0x5E00, v4;
	[tilespmem:s28+$0x2D0] =	vst v8;
	v9 =	vld.idx.msk [tilespmem:v9+s2+$0x0], $0xffff  }
0x35a: {  	v63 =	vadd.s32 $0x5E00, v2;
	[tilespmem:s28+$0x330] =	vst v16;
	v15 =	vld.idx.msk [tilespmem:v61+s2+$0x0], $0xffff  }
0x35b: {  	[tilespmem:s28+$0x300] =	vst v11;
	v8 =	vld.idx.msk [tilespmem:v10+s2+$0x0], $0xffff  }
0x35c: {  	[tilespmem:s28+$0x3F0] =	vst v7;
	v7 =	vld.idx.msk [tilespmem:v6+s2+$0x0], $0xffff  }
0x35d: {  	[tilespmem:s28+$0x320] =	vst v13;
	v6 =	vld.idx.msk [tilespmem:v62+s2+$0x0], $0xffff  }
0x35e: {  	v3 =	vld.idx.msk [tilespmem:v4+s2+$0x0], $0xffff;
	[tilespmem:s28+$0x340] =	vst v9  }
0x35f: {  	s29 =	simm.s32 $0x0;
	s30 =	simm.s32 $0x80C0;
	v2 =	vadd.s32 $0x5E00, v0;
	v1 =	vadd.s32 $0x5E00, v1;
	[tilespmem:s28+$0x350] =	vst v15;
	v4 =	vld.idx.msk [tilespmem:v63+s2+$0x0], $0xffff  }
.LBB2_12:
0x360: {  	v0 =	vld [tilespmem:s30+$0x30];
	s29 =	sadd.s32 $0x8, s29;
	[tilespmem:s28+$0x360] =	vst v8  }
0x361: {  	v21 =	vld [tilespmem:s30+$0xFFFFFFD0];
	p0 =	slt.u32 s29, $0x38;
	[tilespmem:s28+$0x380] =	vst v7  }
0x362: {  	v22 =	vld [tilespmem:s30+$0xFFFFFFE0];
	[tilespmem:s28+$0x390] =	vst v5  }
0x363: {  	v23 =	vld [tilespmem:s30+$0xFFFFFFF0];
	[tilespmem:s28+$0x3A0] =	vst v3  }
0x364: {  	v24 =	vld [tilespmem:s30+$0x0];
	[tilespmem:s28+$0x3B0] =	vst v6  }
0x365: {  	v25 =	vld [tilespmem:s30+$0x10];
	v3 =	vadd.s32 $0x5000, v0;
	[tilespmem:s28+$0x3C0] =	vst v4  }
0x366: {  	v4 =	vadd.s32 $0x5000, v21;
	v5 =	vadd.s32 $0x5200, v21;
	v26 =	vadd.s32 $0x5400, v21;
	v27 =	vld [tilespmem:s30+$0x20]  }
0x367: {  	v6 =	vld [tilespmem:s30+$0xFFFFFFC0];
	v7 =	vadd.s32 $0x5000, v22;
	v8 =	vadd.s32 $0x5200, v22;
	v28 =	vadd.s32 $0x5400, v22  }
0x368: {  	v9 =	vadd.s32 $0x5000, v23;
	v11 =	vadd.s32 $0x5200, v23;
	v29 =	vadd.s32 $0x5400, v23;
	v2 =	vld.idx.msk [tilespmem:v2+s2+$0x0], $0xffff  }
0x369: {  	v10 =	vadd.s32 $0x5000, v24;
	v13 =	vadd.s32 $0x5200, v24;
	v30 =	vadd.s32 $0x5400, v24;
	v1 =	vld.idx.msk [tilespmem:v1+s2+$0x0], $0xffff  }
0x36a: {  	v12 =	vadd.s32 $0x5000, v25;
	v31 =	vadd.s32 $0x5200, v25;
	v32 =	vadd.s32 $0x5400, v25;
	v3 =	vld.idx.msk [tilespmem:v3+s2+$0x0], $0xffff  }
0x36b: {  	v4 =	vld.idx.msk [tilespmem:v4+s2+$0x0], $0xffff;
	v14 =	vadd.s32 $0x5000, v27;
	v33 =	vadd.s32 $0x5200, v27;
	v34 =	vadd.s32 $0x5400, v27  }
0x36c: {  	v16 =	vadd.s32 $0x5200, v0;
	v15 =	vadd.s32 $0x5000, v6;
	v35 =	vadd.s32 $0x5200, v6;
	v7 =	vld.idx.msk [tilespmem:v7+s2+$0x0], $0xffff  }
0x36d: {  	v38 =	vadd.s32 $0x5600, v21;
	v36 =	vadd.s32 $0x5400, v6;
	v37 =	vadd.s32 $0x5600, v6;
	v9 =	vld.idx.msk [tilespmem:v9+s2+$0x0], $0xffff  }
0x36e: {  	v39 =	vadd.s32 $0x5600, v22;
	v40 =	vadd.s32 $0x5600, v23;
	v41 =	vadd.s32 $0x5600, v24;
	v20 =	vld.idx.msk [tilespmem:v10+s2+$0x0], $0xffff;
	[tilespmem:s28+$0x3D0] =	vst v2  }
0x36f: {  	v43 =	vadd.s32 $0x5600, v25;
	v44 =	vadd.s32 $0x5600, v27;
	v42 =	vadd.s32 $0x5800, v6;
	v2 =	vld.idx.msk [tilespmem:v12+s2+$0x0], $0xffff;
	[tilespmem:s28+$0x3E0] =	vst v1;
	s28 =	sadd.s32 $0x400, s28  }
0x370: {  	v45 =	vadd.s32 $0x5800, v21;
	v46 =	vadd.s32 $0x5800, v22;
	v47 =	vadd.s32 $0x5800, v23;
	v1 =	vld.idx.msk [tilespmem:v14+s2+$0x0], $0xffff;
	[tilespmem:s28+$0x70] =	vst v3  }
0x371: {  	v48 =	vadd.s32 $0x5800, v24;
	v49 =	vadd.s32 $0x5800, v25;
	v50 =	vadd.s32 $0x5800, v27;
	[tilespmem:s28+$0x10] =	vst v4;
	v4 =	vld.idx.msk [tilespmem:v16+s2+$0x0], $0xffff  }
0x372: {  	v52 =	vadd.s32 $0x5A00, v21;
	v18 =	vadd.s32 $0x5A00, v22;
	v17 =	vadd.s32 $0x5A00, v6;
	v51 =	vld.idx.msk [tilespmem:v15+s2+$0x0], $0xffff;
	[tilespmem:s28+$0x20] =	vst v7  }
0x373: {  	v54 =	vadd.s32 $0x5400, v0;
	v19 =	vadd.s32 $0x5A00, v23;
	v15 =	vadd.s32 $0x5A00, v24;
	v53 =	vld.idx.msk [tilespmem:v5+s2+$0x0], $0xffff;
	[tilespmem:s28+$0x30] =	vst v9  }
0x374: {  	v10 =	vadd.s32 $0x5C00, v6;
	v16 =	vadd.s32 $0x5A00, v27;
	v55 =	vld.idx.msk [tilespmem:v8+s2+$0x0], $0xffff;
	[tilespmem:s28+$0x40] =	vst v20;
	v20 =	vadd.s32 $0x5A00, v25  }
0x375: {  	v12 =	vadd.s32 $0x5C00, v22;
	v14 =	vadd.s32 $0x5C00, v21;
	v56 =	vld.idx.msk [tilespmem:v11+s2+$0x0], $0xffff;
	v11 =	vadd.s32 $0x5C00, v23;
	[tilespmem:s28+$0x50] =	vst v2  }
0x376: {  	v9 =	vadd.s32 $0x5C00, v25;
	v8 =	vadd.s32 $0x5C00, v27;
	v57 =	vld.idx.msk [tilespmem:v13+s2+$0x0], $0xffff;
	v13 =	vadd.s32 $0x5C00, v24;
	[tilespmem:s28+$0x60] =	vst v1  }
0x377: {  	v3 =	vadd.s32 $0x5E00, v22;
	v7 =	vadd.s32 $0x5E00, v6;
	v5 =	vadd.s32 $0x5E00, v21;
	v21 =	vld.idx.msk [tilespmem:v31+s2+$0x0], $0xffff;
	[tilespmem:s28+$0xF0] =	vst v4  }
0x378: {  	v6 =	vadd.s32 $0x5E00, v23;
	v2 =	vadd.s32 $0x5E00, v25;
	v4 =	vadd.s32 $0x5E00, v24;
	[tilespmem:s28+$0x0] =	vst v51;
	v22 =	vld.idx.msk [tilespmem:v54+s2+$0x0], $0xffff  }
0x379: {  	v1 =	vadd.s32 $0x5E00, v27;
	v23 =	vld.idx.msk [tilespmem:v35+s2+$0x0], $0xffff;
	[tilespmem:s28+$0x90] =	vst v53  }
0x37a: {  	v25 =	vadd.s32 $0x5600, v0;
	[tilespmem:s28+$0xA0] =	vst v55;
	v24 =	vld.idx.msk [tilespmem:v33+s2+$0x0], $0xffff  }
0x37b: {  	v26 =	vld.idx.msk [tilespmem:v26+s2+$0x0], $0xffff;
	[tilespmem:s28+$0xB0] =	vst v56  }
0x37c: {  	v27 =	vld.idx.msk [tilespmem:v28+s2+$0x0], $0xffff;
	[tilespmem:s28+$0xC0] =	vst v57  }
0x37d: {  	v28 =	vld.idx.msk [tilespmem:v29+s2+$0x0], $0xffff;
	[tilespmem:s28+$0xD0] =	vst v21  }
0x37e: {  	v21 =	vld.idx.msk [tilespmem:v30+s2+$0x0], $0xffff;
	[tilespmem:s28+$0x170] =	vst v22  }
0x37f: {  	[tilespmem:s28+$0x80] =	vst v23;
	v22 =	vld.idx.msk [tilespmem:v25+s2+$0x0], $0xffff  }
0x380: {  	v23 =	vld.idx.msk [tilespmem:v36+s2+$0x0], $0xffff;
	[tilespmem:s28+$0xE0] =	vst v24  }
0x381: {  	v25 =	vadd.s32 $0x5800, v0;
	[tilespmem:s28+$0x110] =	vst v26;
	v24 =	vld.idx.msk [tilespmem:v32+s2+$0x0], $0xffff  }
0x382: {  	[tilespmem:s28+$0x120] =	vst v27;
	v26 =	vld.idx.msk [tilespmem:v34+s2+$0x0], $0xffff  }
0x383: {  	v27 =	vld.idx.msk [tilespmem:v38+s2+$0x0], $0xffff;
	[tilespmem:s28+$0x130] =	vst v28  }
0x384: {  	v28 =	vld.idx.msk [tilespmem:v39+s2+$0x0], $0xffff;
	[tilespmem:s28+$0x140] =	vst v21  }
0x385: {  	v21 =	vld.idx.msk [tilespmem:v40+s2+$0x0], $0xffff;
	[tilespmem:s28+$0x1F0] =	vst v22  }
0x386: {  	[tilespmem:s28+$0x100] =	vst v23;
	v22 =	vld.idx.msk [tilespmem:v25+s2+$0x0], $0xffff  }
0x387: {  	v23 =	vld.idx.msk [tilespmem:v37+s2+$0x0], $0xffff;
	[tilespmem:s28+$0x150] =	vst v24  }
0x388: {  	v25 =	vadd.s32 $0x5A00, v0;
	v24 =	vld.idx.msk [tilespmem:v41+s2+$0x0], $0xffff;
	[tilespmem:s28+$0x160] =	vst v26  }
0x389: {  	[tilespmem:s28+$0x190] =	vst v27;
	v26 =	vld.idx.msk [tilespmem:v43+s2+$0x0], $0xffff  }
0x38a: {  	[tilespmem:s28+$0x1A0] =	vst v28;
	v27 =	vld.idx.msk [tilespmem:v44+s2+$0x0], $0xffff  }
0x38b: {  	v28 =	vld.idx.msk [tilespmem:v45+s2+$0x0], $0xffff;
	[tilespmem:s28+$0x1B0] =	vst v21  }
0x38c: {  	v21 =	vld.idx.msk [tilespmem:v46+s2+$0x0], $0xffff;
	[tilespmem:s28+$0x270] =	vst v22  }
0x38d: {  	[tilespmem:s28+$0x180] =	vst v23;
	v22 =	vld.idx.msk [tilespmem:v25+s2+$0x0], $0xffff  }
0x38e: {  	v23 =	vld.idx.msk [tilespmem:v42+s2+$0x0], $0xffff;
	[tilespmem:s28+$0x1C0] =	vst v24  }
0x38f: {  	v25 =	vadd.s32 $0x5C00, v0;
	v24 =	vld.idx.msk [tilespmem:v47+s2+$0x0], $0xffff;
	[tilespmem:s28+$0x1D0] =	vst v26  }
0x390: {  	v26 =	vld.idx.msk [tilespmem:v48+s2+$0x0], $0xffff;
	[tilespmem:s28+$0x1E0] =	vst v27  }
0x391: {  	[tilespmem:s28+$0x210] =	vst v28;
	v27 =	vld.idx.msk [tilespmem:v49+s2+$0x0], $0xffff  }
0x392: {  	[tilespmem:s28+$0x220] =	vst v21;
	v21 =	vld.idx.msk [tilespmem:v50+s2+$0x0], $0xffff  }
0x393: {  	v28 =	vld.idx.msk [tilespmem:v52+s2+$0x0], $0xffff;
	[tilespmem:s28+$0x2F0] =	vst v22  }
0x394: {  	[tilespmem:s28+$0x200] =	vst v23;
	v22 =	vld.idx.msk [tilespmem:v25+s2+$0x0], $0xffff  }
0x395: {  	v17 =	vld.idx.msk [tilespmem:v17+s2+$0x0], $0xffff;
	[tilespmem:s28+$0x230] =	vst v24  }
0x396: {  	v0 =	vadd.s32 $0x5E00, v0;
	v18 =	vld.idx.msk [tilespmem:v18+s2+$0x0], $0xffff;
	[tilespmem:s28+$0x240] =	vst v26  }
0x397: {  	v19 =	vld.idx.msk [tilespmem:v19+s2+$0x0], $0xffff;
	[tilespmem:s28+$0x250] =	vst v27  }
0x398: {  	v15 =	vld.idx.msk [tilespmem:v15+s2+$0x0], $0xffff;
	[tilespmem:s28+$0x260] =	vst v21  }
0x399: {  	[tilespmem:s28+$0x290] =	vst v28;
	v20 =	vld.idx.msk [tilespmem:v20+s2+$0x0], $0xffff  }
0x39a: {  	v16 =	vld.idx.msk [tilespmem:v16+s2+$0x0], $0xffff;
	[tilespmem:s28+$0x370] =	vst v22  }
0x39b: {  	[tilespmem:s28+$0x280] =	vst v17;
	v0 =	vld.idx.msk [tilespmem:v0+s2+$0x0], $0xffff  }
0x39c: {  	v10 =	vld.idx.msk [tilespmem:v10+s2+$0x0], $0xffff;
	[tilespmem:s28+$0x2A0] =	vst v18  }
0x39d: {  	v14 =	vld.idx.msk [tilespmem:v14+s2+$0x0], $0xffff;
	[tilespmem:s28+$0x2B0] =	vst v19  }
0x39e: {  	v12 =	vld.idx.msk [tilespmem:v12+s2+$0x0], $0xffff;
	[tilespmem:s28+$0x2C0] =	vst v15  }
0x39f: {  	v11 =	vld.idx.msk [tilespmem:v11+s2+$0x0], $0xffff;
	[tilespmem:s28+$0x2D0] =	vst v20  }
0x3a0: {  	v13 =	vld.idx.msk [tilespmem:v13+s2+$0x0], $0xffff;
	[tilespmem:s28+$0x2E0] =	vst v16  }
0x3a1: {  	v9 =	vld.idx.msk [tilespmem:v9+s2+$0x0], $0xffff;
	[tilespmem:s28+$0x3F0] =	vst v0  }
0x3a2: {  	[tilespmem:s28+$0x300] =	vst v10;
	v8 =	vld.idx.msk [tilespmem:v8+s2+$0x0], $0xffff  }
.Ltmp5:
0x3a3: {  	v7 =	vld.idx.msk [tilespmem:v7+s2+$0x0], $0xffff;
	[tilespmem:s28+$0x310] =	vst v14;
	(pc) =	sbr.rel @p0 .LBB2_12-.Ltmp5, $4  }
0x3a4: {  	v5 =	vld.idx.msk [tilespmem:v5+s2+$0x0], $0xffff;
	[tilespmem:s28+$0x320] =	vst v12  }
0x3a5: {  	v3 =	vld.idx.msk [tilespmem:v3+s2+$0x0], $0xffff;
	[tilespmem:s28+$0x330] =	vst v11  }
0x3a6: {  	v6 =	vld.idx.msk [tilespmem:v6+s2+$0x0], $0xffff;
	[tilespmem:s28+$0x340] =	vst v13  }
0x3a7: {  	s30 =	sadd.s32 $0x80, s30;
	v4 =	vld.idx.msk [tilespmem:v4+s2+$0x0], $0xffff;
	[tilespmem:s28+$0x350] =	vst v9  }
0x3a8: {  	_ =	sdelay $0x2  }
0x3a9: {  	[tilespmem:s28+$0x360] =	vst v8  }
0x3aa: {  	[tilespmem:s28+$0x380] =	vst v7;
	v0 =	vld.idx.msk [tilespmem:v2+s2+$0x0], $0xffff  }
0x3ab: {  	[tilespmem:s28+$0x390] =	vst v5;
	v1 =	vld.idx.msk [tilespmem:v1+s2+$0x0], $0xffff  }
0x3ac: {  	[tilespmem:s28+$0x3A0] =	vst v3  }
0x3ad: {  	[tilespmem:s28+$0x3B0] =	vst v6  }
0x3ae: {  	[tilespmem:s28+$0x3C0] =	vst v4  }
0x3af: {  	[tilespmem:s28+$0x3D0] =	vst v0  }
0x3b0: {  	[tilespmem:s28+$0x3E0] =	vst v1;
	s28 =	simm.s32 $0x8040  }
0x3b1: {  	[hbm4b:s10+s2] =	stream.linear.scatter [tilespmem:s22], [sflag:$0x3], $0x2000, $0x38;
	[tilespmem:$0x18400] =	vst v63  }
0x3b2: {  	v7 =	vld [tilespmem:s28+$0x30]  }
0x3b3: {  	v5 =	vld [tilespmem:s28+$0xFFFFFFD0]  }
0x3b4: {  	v4 =	vld [tilespmem:s28+$0xFFFFFFE0]  }
0x3b5: {  	v3 =	vld [tilespmem:s28+$0xFFFFFFF0]  }
0x3b6: {  	v2 =	vld [tilespmem:s28+$0x0]  }
0x3b7: {  	v0 =	vld [tilespmem:s28+$0x10];
	v8 =	vadd.s32 $0x6000, v7  }
0x3b8: {  	v1 =	vld [tilespmem:s28+$0x20];
	v9 =	vadd.s32 $0x6000, v5  }
0x3b9: {  	v6 =	vld [tilespmem:s28+$0xFFFFFFC0];
	v10 =	vadd.s32 $0x6000, v4  }
0x3ba: {  	v11 =	vadd.s32 $0x6000, v3  }
0x3bb: {  	v12 =	vadd.s32 $0x6000, v2  }
0x3bc: {  	v13 =	vadd.s32 $0x6000, v0;
	v8 =	vld.idx.msk [tilespmem:v8+s2+$0x0], $0xffff  }
0x3bd: {  	v14 =	vadd.s32 $0x6000, v1;
	v9 =	vld.idx.msk [tilespmem:v9+s2+$0x0], $0xffff  }
0x3be: {  	v16 =	vadd.s32 $0x6000, v6;
	v10 =	vld.idx.msk [tilespmem:v10+s2+$0x0], $0xffff  }
0x3bf: {  	v15 =	vadd.s32 $0x6200, v7;
	v11 =	vld.idx.msk [tilespmem:v11+s2+$0x0], $0xffff  }
0x3c0: {  	v17 =	vadd.s32 $0x6200, v5;
	v12 =	vld.idx.msk [tilespmem:v12+s2+$0x0], $0xffff  }
0x3c1: {  	s28 =	simm.s32 $0x14400;
	v18 =	vadd.s32 $0x6200, v4;
	v13 =	vld.idx.msk [tilespmem:v13+s2+$0x0], $0xffff  }
0x3c2: {  	v19 =	vadd.s32 $0x6200, v3;
	v14 =	vld.idx.msk [tilespmem:v14+s2+$0x0], $0xffff;
	[tilespmem:s28+$0x70] =	vst v8  }
0x3c3: {  	v28 =	vadd.s32 $0x6200, v0;
	v16 =	vld.idx.msk [tilespmem:v16+s2+$0x0], $0xffff;
	[tilespmem:s28+$0x10] =	vst v9  }
0x3c4: {  	v29 =	vadd.s32 $0x6200, v6;
	[tilespmem:s28+$0x20] =	vst v10;
	v9 =	vld.idx.msk [tilespmem:v15+s2+$0x0], $0xffff  }
0x3c5: {  	v8 =	vadd.s32 $0x6200, v2;
	[tilespmem:s28+$0x30] =	vst v11;
	v10 =	vld.idx.msk [tilespmem:v17+s2+$0x0], $0xffff  }
0x3c6: {  	v30 =	vadd.s32 $0x6200, v1;
	[tilespmem:s28+$0x40] =	vst v12;
	v18 =	vld.idx.msk [tilespmem:v18+s2+$0x0], $0xffff  }
0x3c7: {  	v11 =	vadd.s32 $0x6400, v7;
	[tilespmem:s28+$0x50] =	vst v13;
	v19 =	vld.idx.msk [tilespmem:v19+s2+$0x0], $0xffff  }
0x3c8: {  	v31 =	vadd.s32 $0x6400, v5;
	[tilespmem:s28+$0x0] =	vst v16;
	v15 =	vld.idx.msk [tilespmem:v28+s2+$0x0], $0xffff  }
0x3c9: {  	v32 =	vadd.s32 $0x6400, v4;
	[tilespmem:s28+$0x60] =	vst v14;
	v17 =	vld.idx.msk [tilespmem:v29+s2+$0x0], $0xffff  }
0x3ca: {  	v35 =	vadd.s32 $0x6400, v6;
	v8 =	vld.idx.msk [tilespmem:v8+s2+$0x0], $0xffff;
	[tilespmem:s28+$0xF0] =	vst v9  }
0x3cb: {  	v9 =	vadd.s32 $0x6400, v3;
	[tilespmem:s28+$0x90] =	vst v10;
	v10 =	vld.idx.msk [tilespmem:v30+s2+$0x0], $0xffff  }
0x3cc: {  	v33 =	vadd.s32 $0x6400, v2;
	[tilespmem:s28+$0xA0] =	vst v18;
	v11 =	vld.idx.msk [tilespmem:v11+s2+$0x0], $0xffff  }
0x3cd: {  	v36 =	vadd.s32 $0x6400, v0;
	[tilespmem:s28+$0xB0] =	vst v19;
	v13 =	vld.idx.msk [tilespmem:v31+s2+$0x0], $0xffff  }
0x3ce: {  	v34 =	vadd.s32 $0x6600, v7;
	[tilespmem:s28+$0x80] =	vst v17;
	v14 =	vld.idx.msk [tilespmem:v32+s2+$0x0], $0xffff  }
0x3cf: {  	v37 =	vadd.s32 $0x6600, v5;
	[tilespmem:s28+$0xD0] =	vst v15;
	v18 =	vld.idx.msk [tilespmem:v35+s2+$0x0], $0xffff  }
0x3d0: {  	v40 =	vadd.s32 $0x6600, v6;
	[tilespmem:s28+$0xC0] =	vst v8;
	v9 =	vld.idx.msk [tilespmem:v9+s2+$0x0], $0xffff  }
0x3d1: {  	v8 =	vadd.s32 $0x6400, v1;
	v16 =	vld.idx.msk [tilespmem:v33+s2+$0x0], $0xffff;
	[tilespmem:s28+$0xE0] =	vst v10  }
0x3d2: {  	v10 =	vld.idx.msk [tilespmem:v36+s2+$0x0], $0xffff;
	[tilespmem:s28+$0x170] =	vst v11;
	v11 =	vadd.s32 $0x6600, v4  }
0x3d3: {  	v38 =	vadd.s32 $0x6600, v3;
	[tilespmem:s28+$0x110] =	vst v13;
	v12 =	vld.idx.msk [tilespmem:v34+s2+$0x0], $0xffff  }
0x3d4: {  	v41 =	vadd.s32 $0x6600, v2;
	[tilespmem:s28+$0x100] =	vst v18;
	v15 =	vld.idx.msk [tilespmem:v37+s2+$0x0], $0xffff  }
0x3d5: {  	v39 =	vadd.s32 $0x6800, v7;
	[tilespmem:s28+$0x120] =	vst v14;
	v19 =	vld.idx.msk [tilespmem:v40+s2+$0x0], $0xffff  }
0x3d6: {  	v43 =	vadd.s32 $0x6800, v5;
	v8 =	vld.idx.msk [tilespmem:v8+s2+$0x0], $0xffff;
	[tilespmem:s28+$0x130] =	vst v9  }
0x3d7: {  	v45 =	vadd.s32 $0x6800, v6;
	[tilespmem:s28+$0x140] =	vst v16;
	v11 =	vld.idx.msk [tilespmem:v11+s2+$0x0], $0xffff  }
0x3d8: {  	v9 =	vadd.s32 $0x6600, v0;
	[tilespmem:s28+$0x150] =	vst v10;
	v17 =	vld.idx.msk [tilespmem:v38+s2+$0x0], $0xffff  }
0x3d9: {  	v42 =	vadd.s32 $0x6600, v1;
	v10 =	vld.idx.msk [tilespmem:v41+s2+$0x0], $0xffff;
	[tilespmem:s28+$0x1F0] =	vst v12  }
0x3da: {  	v44 =	vadd.s32 $0x6800, v4;
	[tilespmem:s28+$0x190] =	vst v15;
	v13 =	vld.idx.msk [tilespmem:v39+s2+$0x0], $0xffff  }
0x3db: {  	v46 =	vadd.s32 $0x6800, v3;
	[tilespmem:s28+$0x180] =	vst v19;
	v12 =	vld.idx.msk [tilespmem:v43+s2+$0x0], $0xffff  }
0x3dc: {  	v47 =	vadd.s32 $0x6800, v2;
	v14 =	vld.idx.msk [tilespmem:v45+s2+$0x0], $0xffff;
	[tilespmem:s28+$0x160] =	vst v8  }
0x3dd: {  	v8 =	vadd.s32 $0x6A00, v7;
	v9 =	vld.idx.msk [tilespmem:v9+s2+$0x0], $0xffff;
	[tilespmem:s28+$0x1A0] =	vst v11  }
0x3de: {  	v50 =	vadd.s32 $0x6A00, v5;
	v11 =	vld.idx.msk [tilespmem:v42+s2+$0x0], $0xffff;
	[tilespmem:s28+$0x1B0] =	vst v17  }
0x3df: {  	v51 =	vadd.s32 $0x6A00, v6;
	[tilespmem:s28+$0x1C0] =	vst v10;
	v18 =	vld.idx.msk [tilespmem:v44+s2+$0x0], $0xffff  }
0x3e0: {  	v48 =	vadd.s32 $0x6800, v0;
	v10 =	vld.idx.msk [tilespmem:v46+s2+$0x0], $0xffff;
	[tilespmem:s28+$0x270] =	vst v13  }
0x3e1: {  	v49 =	vadd.s32 $0x6800, v1;
	v16 =	vld.idx.msk [tilespmem:v47+s2+$0x0], $0xffff;
	[tilespmem:s28+$0x210] =	vst v12  }
0x3e2: {  	v53 =	vadd.s32 $0x6A00, v3;
	[tilespmem:s28+$0x200] =	vst v14;
	v8 =	vld.idx.msk [tilespmem:v8+s2+$0x0], $0xffff  }
0x3e3: {  	v54 =	vadd.s32 $0x6A00, v2;
	v19 =	vld.idx.msk [tilespmem:v50+s2+$0x0], $0xffff;
	[tilespmem:s28+$0x1D0] =	vst v9  }
0x3e4: {  	v15 =	vld.idx.msk [tilespmem:v51+s2+$0x0], $0xffff;
	v9 =	vadd.s32 $0x6C00, v7;
	[tilespmem:s28+$0x1E0] =	vst v11  }
0x3e5: {  	v57 =	vadd.s32 $0x6C00, v5;
	v52 =	vld.idx.msk [tilespmem:v48+s2+$0x0], $0xffff;
	[tilespmem:s28+$0x220] =	vst v18  }
0x3e6: {  	v11 =	vadd.s32 $0x6A00, v4;
	v13 =	vld.idx.msk [tilespmem:v49+s2+$0x0], $0xffff;
	[tilespmem:s28+$0x230] =	vst v10  }
0x3e7: {  	v55 =	vadd.s32 $0x6A00, v1;
	[tilespmem:s28+$0x240] =	vst v16;
	v56 =	vld.idx.msk [tilespmem:v53+s2+$0x0], $0xffff  }
0x3e8: {  	v58 =	vld.idx.msk [tilespmem:v54+s2+$0x0], $0xffff;
	[tilespmem:s28+$0x2F0] =	vst v8;
	v8 =	vadd.s32 $0x6A00, v0  }
0x3e9: {  	v60 =	vadd.s32 $0x6C00, v3;
	[tilespmem:s28+$0x290] =	vst v19;
	v9 =	vld.idx.msk [tilespmem:v9+s2+$0x0], $0xffff  }
0x3ea: {  	v7 =	vadd.s32 $0x6E00, v7;
	[tilespmem:s28+$0x280] =	vst v15;
	v12 =	vld.idx.msk [tilespmem:v57+s2+$0x0], $0xffff  }
0x3eb: {  	v10 =	vld.idx.msk [tilespmem:v11+s2+$0x0], $0xffff;
	v11 =	vadd.s32 $0x6C00, v6;
	[tilespmem:s28+$0x260] =	vst v13  }
0x3ec: {  	v5 =	vadd.s32 $0x6E00, v5;
	[tilespmem:s28+$0x250] =	vst v52;
	v14 =	vld.idx.msk [tilespmem:v55+s2+$0x0], $0xffff  }
0x3ed: {  	v59 =	vadd.s32 $0x6C00, v4;
	[tilespmem:s28+$0x2B0] =	vst v56;
	v8 =	vld.idx.msk [tilespmem:v8+s2+$0x0], $0xffff  }
0x3ee: {  	v16 =	vld.idx.msk [tilespmem:v60+s2+$0x0], $0xffff;
	[tilespmem:s28+$0x370] =	vst v9;
	v9 =	vadd.s32 $0x6C00, v2  }
0x3ef: {  	v61 =	vadd.s32 $0x6C00, v0;
	[tilespmem:s28+$0x310] =	vst v12;
	v7 =	vld.idx.msk [tilespmem:v7+s2+$0x0], $0xffff  }
0x3f0: {  	v11 =	vld.idx.msk [tilespmem:v11+s2+$0x0], $0xffff;
	[tilespmem:s28+$0x2A0] =	vst v10;
	v10 =	vadd.s32 $0x6C00, v1  }
0x3f1: {  	v6 =	vadd.s32 $0x6E00, v6;
	[tilespmem:s28+$0x2C0] =	vst v58;
	v5 =	vld.idx.msk [tilespmem:v5+s2+$0x0], $0xffff  }
0x3f2: {  	v62 =	vadd.s32 $0x6E00, v3;
	v13 =	vld.idx.msk [tilespmem:v59+s2+$0x0], $0xffff;
	[tilespmem:s28+$0x2E0] =	vst v14  }
0x3f3: {  	v4 =	vadd.s32 $0x6E00, v4;
	[tilespmem:s28+$0x2D0] =	vst v8;
	v9 =	vld.idx.msk [tilespmem:v9+s2+$0x0], $0xffff  }
0x3f4: {  	v63 =	vadd.s32 $0x6E00, v2;
	[tilespmem:s28+$0x330] =	vst v16;
	v15 =	vld.idx.msk [tilespmem:v61+s2+$0x0], $0xffff  }
0x3f5: {  	[tilespmem:s28+$0x300] =	vst v11;
	v8 =	vld.idx.msk [tilespmem:v10+s2+$0x0], $0xffff  }
0x3f6: {  	[tilespmem:s28+$0x3F0] =	vst v7;
	v7 =	vld.idx.msk [tilespmem:v6+s2+$0x0], $0xffff  }
0x3f7: {  	[tilespmem:s28+$0x320] =	vst v13;
	v6 =	vld.idx.msk [tilespmem:v62+s2+$0x0], $0xffff  }
0x3f8: {  	v3 =	vld.idx.msk [tilespmem:v4+s2+$0x0], $0xffff;
	[tilespmem:s28+$0x340] =	vst v9  }
0x3f9: {  	s29 =	simm.s32 $0x0;
	s30 =	simm.s32 $0x80C0;
	v2 =	vadd.s32 $0x6E00, v0;
	v1 =	vadd.s32 $0x6E00, v1;
	[tilespmem:s28+$0x350] =	vst v15;
	v4 =	vld.idx.msk [tilespmem:v63+s2+$0x0], $0xffff  }
.LBB2_14:
0x3fa: {  	v0 =	vld [tilespmem:s30+$0x30];
	s29 =	sadd.s32 $0x8, s29;
	[tilespmem:s28+$0x360] =	vst v8  }
0x3fb: {  	v21 =	vld [tilespmem:s30+$0xFFFFFFD0];
	p0 =	slt.u32 s29, $0x38;
	[tilespmem:s28+$0x380] =	vst v7  }
0x3fc: {  	v22 =	vld [tilespmem:s30+$0xFFFFFFE0];
	[tilespmem:s28+$0x390] =	vst v5  }
0x3fd: {  	v23 =	vld [tilespmem:s30+$0xFFFFFFF0];
	[tilespmem:s28+$0x3A0] =	vst v3  }
0x3fe: {  	v24 =	vld [tilespmem:s30+$0x0];
	[tilespmem:s28+$0x3B0] =	vst v6  }
0x3ff: {  	v25 =	vld [tilespmem:s30+$0x10];
	v3 =	vadd.s32 $0x6000, v0;
	[tilespmem:s28+$0x3C0] =	vst v4  }
0x400: {  	v4 =	vadd.s32 $0x6000, v21;
	v5 =	vadd.s32 $0x6200, v21;
	v26 =	vadd.s32 $0x6400, v21;
	v27 =	vld [tilespmem:s30+$0x20]  }
0x401: {  	v6 =	vld [tilespmem:s30+$0xFFFFFFC0];
	v7 =	vadd.s32 $0x6000, v22;
	v8 =	vadd.s32 $0x6200, v22;
	v28 =	vadd.s32 $0x6400, v22  }
0x402: {  	v9 =	vadd.s32 $0x6000, v23;
	v11 =	vadd.s32 $0x6200, v23;
	v29 =	vadd.s32 $0x6400, v23;
	v2 =	vld.idx.msk [tilespmem:v2+s2+$0x0], $0xffff  }
0x403: {  	v10 =	vadd.s32 $0x6000, v24;
	v13 =	vadd.s32 $0x6200, v24;
	v30 =	vadd.s32 $0x6400, v24;
	v1 =	vld.idx.msk [tilespmem:v1+s2+$0x0], $0xffff  }
0x404: {  	v12 =	vadd.s32 $0x6000, v25;
	v31 =	vadd.s32 $0x6200, v25;
	v32 =	vadd.s32 $0x6400, v25;
	v3 =	vld.idx.msk [tilespmem:v3+s2+$0x0], $0xffff  }
0x405: {  	v4 =	vld.idx.msk [tilespmem:v4+s2+$0x0], $0xffff;
	v14 =	vadd.s32 $0x6000, v27;
	v33 =	vadd.s32 $0x6200, v27;
	v34 =	vadd.s32 $0x6400, v27  }
0x406: {  	v16 =	vadd.s32 $0x6200, v0;
	v15 =	vadd.s32 $0x6000, v6;
	v35 =	vadd.s32 $0x6200, v6;
	v7 =	vld.idx.msk [tilespmem:v7+s2+$0x0], $0xffff  }
0x407: {  	v38 =	vadd.s32 $0x6600, v21;
	v36 =	vadd.s32 $0x6400, v6;
	v37 =	vadd.s32 $0x6600, v6;
	v9 =	vld.idx.msk [tilespmem:v9+s2+$0x0], $0xffff  }
0x408: {  	v39 =	vadd.s32 $0x6600, v22;
	v40 =	vadd.s32 $0x6600, v23;
	v41 =	vadd.s32 $0x6600, v24;
	v20 =	vld.idx.msk [tilespmem:v10+s2+$0x0], $0xffff;
	[tilespmem:s28+$0x3D0] =	vst v2  }
0x409: {  	v43 =	vadd.s32 $0x6600, v25;
	v44 =	vadd.s32 $0x6600, v27;
	v42 =	vadd.s32 $0x6800, v6;
	v2 =	vld.idx.msk [tilespmem:v12+s2+$0x0], $0xffff;
	[tilespmem:s28+$0x3E0] =	vst v1;
	s28 =	sadd.s32 $0x400, s28  }
0x40a: {  	v45 =	vadd.s32 $0x6800, v21;
	v46 =	vadd.s32 $0x6800, v22;
	v47 =	vadd.s32 $0x6800, v23;
	v1 =	vld.idx.msk [tilespmem:v14+s2+$0x0], $0xffff;
	[tilespmem:s28+$0x70] =	vst v3  }
0x40b: {  	v48 =	vadd.s32 $0x6800, v24;
	v49 =	vadd.s32 $0x6800, v25;
	v50 =	vadd.s32 $0x6800, v27;
	[tilespmem:s28+$0x10] =	vst v4;
	v4 =	vld.idx.msk [tilespmem:v16+s2+$0x0], $0xffff  }
0x40c: {  	v52 =	vadd.s32 $0x6A00, v21;
	v18 =	vadd.s32 $0x6A00, v22;
	v17 =	vadd.s32 $0x6A00, v6;
	v51 =	vld.idx.msk [tilespmem:v15+s2+$0x0], $0xffff;
	[tilespmem:s28+$0x20] =	vst v7  }
0x40d: {  	v54 =	vadd.s32 $0x6400, v0;
	v19 =	vadd.s32 $0x6A00, v23;
	v15 =	vadd.s32 $0x6A00, v24;
	v53 =	vld.idx.msk [tilespmem:v5+s2+$0x0], $0xffff;
	[tilespmem:s28+$0x30] =	vst v9  }
0x40e: {  	v10 =	vadd.s32 $0x6C00, v6;
	v16 =	vadd.s32 $0x6A00, v27;
	v55 =	vld.idx.msk [tilespmem:v8+s2+$0x0], $0xffff;
	[tilespmem:s28+$0x40] =	vst v20;
	v20 =	vadd.s32 $0x6A00, v25  }
0x40f: {  	v12 =	vadd.s32 $0x6C00, v22;
	v14 =	vadd.s32 $0x6C00, v21;
	v56 =	vld.idx.msk [tilespmem:v11+s2+$0x0], $0xffff;
	v11 =	vadd.s32 $0x6C00, v23;
	[tilespmem:s28+$0x50] =	vst v2  }
0x410: {  	v9 =	vadd.s32 $0x6C00, v25;
	v8 =	vadd.s32 $0x6C00, v27;
	v57 =	vld.idx.msk [tilespmem:v13+s2+$0x0], $0xffff;
	v13 =	vadd.s32 $0x6C00, v24;
	[tilespmem:s28+$0x60] =	vst v1  }
0x411: {  	v3 =	vadd.s32 $0x6E00, v22;
	v7 =	vadd.s32 $0x6E00, v6;
	v5 =	vadd.s32 $0x6E00, v21;
	v21 =	vld.idx.msk [tilespmem:v31+s2+$0x0], $0xffff;
	[tilespmem:s28+$0xF0] =	vst v4  }
0x412: {  	v6 =	vadd.s32 $0x6E00, v23;
	v2 =	vadd.s32 $0x6E00, v25;
	v4 =	vadd.s32 $0x6E00, v24;
	[tilespmem:s28+$0x0] =	vst v51;
	v22 =	vld.idx.msk [tilespmem:v54+s2+$0x0], $0xffff  }
0x413: {  	v1 =	vadd.s32 $0x6E00, v27;
	v23 =	vld.idx.msk [tilespmem:v35+s2+$0x0], $0xffff;
	[tilespmem:s28+$0x90] =	vst v53  }
0x414: {  	v25 =	vadd.s32 $0x6600, v0;
	[tilespmem:s28+$0xA0] =	vst v55;
	v24 =	vld.idx.msk [tilespmem:v33+s2+$0x0], $0xffff  }
0x415: {  	v26 =	vld.idx.msk [tilespmem:v26+s2+$0x0], $0xffff;
	[tilespmem:s28+$0xB0] =	vst v56  }
0x416: {  	v27 =	vld.idx.msk [tilespmem:v28+s2+$0x0], $0xffff;
	[tilespmem:s28+$0xC0] =	vst v57  }
0x417: {  	v28 =	vld.idx.msk [tilespmem:v29+s2+$0x0], $0xffff;
	[tilespmem:s28+$0xD0] =	vst v21  }
0x418: {  	v21 =	vld.idx.msk [tilespmem:v30+s2+$0x0], $0xffff;
	[tilespmem:s28+$0x170] =	vst v22  }
0x419: {  	[tilespmem:s28+$0x80] =	vst v23;
	v22 =	vld.idx.msk [tilespmem:v25+s2+$0x0], $0xffff  }
0x41a: {  	v23 =	vld.idx.msk [tilespmem:v36+s2+$0x0], $0xffff;
	[tilespmem:s28+$0xE0] =	vst v24  }
0x41b: {  	v25 =	vadd.s32 $0x6800, v0;
	[tilespmem:s28+$0x110] =	vst v26;
	v24 =	vld.idx.msk [tilespmem:v32+s2+$0x0], $0xffff  }
0x41c: {  	[tilespmem:s28+$0x120] =	vst v27;
	v26 =	vld.idx.msk [tilespmem:v34+s2+$0x0], $0xffff  }
0x41d: {  	v27 =	vld.idx.msk [tilespmem:v38+s2+$0x0], $0xffff;
	[tilespmem:s28+$0x130] =	vst v28  }
0x41e: {  	v28 =	vld.idx.msk [tilespmem:v39+s2+$0x0], $0xffff;
	[tilespmem:s28+$0x140] =	vst v21  }
0x41f: {  	v21 =	vld.idx.msk [tilespmem:v40+s2+$0x0], $0xffff;
	[tilespmem:s28+$0x1F0] =	vst v22  }
0x420: {  	[tilespmem:s28+$0x100] =	vst v23;
	v22 =	vld.idx.msk [tilespmem:v25+s2+$0x0], $0xffff  }
0x421: {  	v23 =	vld.idx.msk [tilespmem:v37+s2+$0x0], $0xffff;
	[tilespmem:s28+$0x150] =	vst v24  }
0x422: {  	v25 =	vadd.s32 $0x6A00, v0;
	v24 =	vld.idx.msk [tilespmem:v41+s2+$0x0], $0xffff;
	[tilespmem:s28+$0x160] =	vst v26  }
0x423: {  	[tilespmem:s28+$0x190] =	vst v27;
	v26 =	vld.idx.msk [tilespmem:v43+s2+$0x0], $0xffff  }
0x424: {  	[tilespmem:s28+$0x1A0] =	vst v28;
	v27 =	vld.idx.msk [tilespmem:v44+s2+$0x0], $0xffff  }
0x425: {  	v28 =	vld.idx.msk [tilespmem:v45+s2+$0x0], $0xffff;
	[tilespmem:s28+$0x1B0] =	vst v21  }
0x426: {  	v21 =	vld.idx.msk [tilespmem:v46+s2+$0x0], $0xffff;
	[tilespmem:s28+$0x270] =	vst v22  }
0x427: {  	[tilespmem:s28+$0x180] =	vst v23;
	v22 =	vld.idx.msk [tilespmem:v25+s2+$0x0], $0xffff  }
0x428: {  	v23 =	vld.idx.msk [tilespmem:v42+s2+$0x0], $0xffff;
	[tilespmem:s28+$0x1C0] =	vst v24  }
0x429: {  	v25 =	vadd.s32 $0x6C00, v0;
	v24 =	vld.idx.msk [tilespmem:v47+s2+$0x0], $0xffff;
	[tilespmem:s28+$0x1D0] =	vst v26  }
0x42a: {  	v26 =	vld.idx.msk [tilespmem:v48+s2+$0x0], $0xffff;
	[tilespmem:s28+$0x1E0] =	vst v27  }
0x42b: {  	[tilespmem:s28+$0x210] =	vst v28;
	v27 =	vld.idx.msk [tilespmem:v49+s2+$0x0], $0xffff  }
0x42c: {  	[tilespmem:s28+$0x220] =	vst v21;
	v21 =	vld.idx.msk [tilespmem:v50+s2+$0x0], $0xffff  }
0x42d: {  	v28 =	vld.idx.msk [tilespmem:v52+s2+$0x0], $0xffff;
	[tilespmem:s28+$0x2F0] =	vst v22  }
0x42e: {  	[tilespmem:s28+$0x200] =	vst v23;
	v22 =	vld.idx.msk [tilespmem:v25+s2+$0x0], $0xffff  }
0x42f: {  	v17 =	vld.idx.msk [tilespmem:v17+s2+$0x0], $0xffff;
	[tilespmem:s28+$0x230] =	vst v24  }
0x430: {  	v0 =	vadd.s32 $0x6E00, v0;
	v18 =	vld.idx.msk [tilespmem:v18+s2+$0x0], $0xffff;
	[tilespmem:s28+$0x240] =	vst v26  }
0x431: {  	v19 =	vld.idx.msk [tilespmem:v19+s2+$0x0], $0xffff;
	[tilespmem:s28+$0x250] =	vst v27  }
0x432: {  	v15 =	vld.idx.msk [tilespmem:v15+s2+$0x0], $0xffff;
	[tilespmem:s28+$0x260] =	vst v21  }
0x433: {  	[tilespmem:s28+$0x290] =	vst v28;
	v20 =	vld.idx.msk [tilespmem:v20+s2+$0x0], $0xffff  }
0x434: {  	v16 =	vld.idx.msk [tilespmem:v16+s2+$0x0], $0xffff;
	[tilespmem:s28+$0x370] =	vst v22  }
0x435: {  	[tilespmem:s28+$0x280] =	vst v17;
	v0 =	vld.idx.msk [tilespmem:v0+s2+$0x0], $0xffff  }
0x436: {  	v10 =	vld.idx.msk [tilespmem:v10+s2+$0x0], $0xffff;
	[tilespmem:s28+$0x2A0] =	vst v18  }
0x437: {  	v14 =	vld.idx.msk [tilespmem:v14+s2+$0x0], $0xffff;
	[tilespmem:s28+$0x2B0] =	vst v19  }
0x438: {  	v12 =	vld.idx.msk [tilespmem:v12+s2+$0x0], $0xffff;
	[tilespmem:s28+$0x2C0] =	vst v15  }
0x439: {  	v11 =	vld.idx.msk [tilespmem:v11+s2+$0x0], $0xffff;
	[tilespmem:s28+$0x2D0] =	vst v20  }
0x43a: {  	v13 =	vld.idx.msk [tilespmem:v13+s2+$0x0], $0xffff;
	[tilespmem:s28+$0x2E0] =	vst v16  }
0x43b: {  	v9 =	vld.idx.msk [tilespmem:v9+s2+$0x0], $0xffff;
	[tilespmem:s28+$0x3F0] =	vst v0  }
0x43c: {  	[tilespmem:s28+$0x300] =	vst v10;
	v8 =	vld.idx.msk [tilespmem:v8+s2+$0x0], $0xffff  }
.Ltmp6:
0x43d: {  	v7 =	vld.idx.msk [tilespmem:v7+s2+$0x0], $0xffff;
	[tilespmem:s28+$0x310] =	vst v14;
	(pc) =	sbr.rel @p0 .LBB2_14-.Ltmp6, $4  }
0x43e: {  	v5 =	vld.idx.msk [tilespmem:v5+s2+$0x0], $0xffff;
	[tilespmem:s28+$0x320] =	vst v12  }
0x43f: {  	v3 =	vld.idx.msk [tilespmem:v3+s2+$0x0], $0xffff;
	[tilespmem:s28+$0x330] =	vst v11  }
0x440: {  	v6 =	vld.idx.msk [tilespmem:v6+s2+$0x0], $0xffff;
	[tilespmem:s28+$0x340] =	vst v13  }
0x441: {  	s30 =	sadd.s32 $0x80, s30;
	v4 =	vld.idx.msk [tilespmem:v4+s2+$0x0], $0xffff;
	[tilespmem:s28+$0x350] =	vst v9  }
0x442: {  	_ =	sdelay $0x2  }
0x443: {  	[tilespmem:s28+$0x360] =	vst v8  }
0x444: {  	[tilespmem:s28+$0x380] =	vst v7;
	v0 =	vld.idx.msk [tilespmem:v2+s2+$0x0], $0xffff  }
0x445: {  	[tilespmem:s28+$0x390] =	vst v5;
	v1 =	vld.idx.msk [tilespmem:v1+s2+$0x0], $0xffff  }
0x446: {  	[tilespmem:s28+$0x3A0] =	vst v3  }
0x447: {  	[tilespmem:s28+$0x3B0] =	vst v6  }
0x448: {  	[tilespmem:s28+$0x3C0] =	vst v4  }
0x449: {  	[tilespmem:s28+$0x3D0] =	vst v0  }
0x44a: {  	[tilespmem:s28+$0x3E0] =	vst v1;
	s28 =	simm.s32 $0x8040  }
0x44b: {  	[hbm4b:s11+s2] =	stream.linear.scatter [tilespmem:s23], [sflag:$0x3], $0x2000, $0x38;
	[tilespmem:$0x18400] =	vst v63  }
0x44c: {  	v7 =	vld [tilespmem:s28+$0x30]  }
0x44d: {  	v5 =	vld [tilespmem:s28+$0xFFFFFFD0]  }
0x44e: {  	v4 =	vld [tilespmem:s28+$0xFFFFFFE0]  }
0x44f: {  	v3 =	vld [tilespmem:s28+$0xFFFFFFF0]  }
0x450: {  	v2 =	vld [tilespmem:s28+$0x0]  }
0x451: {  	v0 =	vld [tilespmem:s28+$0x10];
	v8 =	vadd.s32 $0x7000, v7  }
0x452: {  	v1 =	vld [tilespmem:s28+$0x20];
	v9 =	vadd.s32 $0x7000, v5  }
0x453: {  	v6 =	vld [tilespmem:s28+$0xFFFFFFC0];
	v10 =	vadd.s32 $0x7000, v4  }
0x454: {  	v11 =	vadd.s32 $0x7000, v3  }
0x455: {  	v12 =	vadd.s32 $0x7000, v2  }
0x456: {  	v13 =	vadd.s32 $0x7000, v0;
	v8 =	vld.idx.msk [tilespmem:v8+s2+$0x0], $0xffff  }
0x457: {  	v14 =	vadd.s32 $0x7000, v1;
	v9 =	vld.idx.msk [tilespmem:v9+s2+$0x0], $0xffff  }
0x458: {  	v16 =	vadd.s32 $0x7000, v6;
	v10 =	vld.idx.msk [tilespmem:v10+s2+$0x0], $0xffff  }
0x459: {  	v15 =	vadd.s32 $0x7200, v7;
	v11 =	vld.idx.msk [tilespmem:v11+s2+$0x0], $0xffff  }
0x45a: {  	v17 =	vadd.s32 $0x7200, v5;
	v12 =	vld.idx.msk [tilespmem:v12+s2+$0x0], $0xffff  }
0x45b: {  	s28 =	simm.s32 $0x16400;
	v18 =	vadd.s32 $0x7200, v4;
	v13 =	vld.idx.msk [tilespmem:v13+s2+$0x0], $0xffff  }
0x45c: {  	v19 =	vadd.s32 $0x7200, v3;
	v14 =	vld.idx.msk [tilespmem:v14+s2+$0x0], $0xffff;
	[tilespmem:s28+$0x70] =	vst v8  }
0x45d: {  	v28 =	vadd.s32 $0x7200, v0;
	v16 =	vld.idx.msk [tilespmem:v16+s2+$0x0], $0xffff;
	[tilespmem:s28+$0x10] =	vst v9  }
0x45e: {  	v29 =	vadd.s32 $0x7200, v6;
	[tilespmem:s28+$0x20] =	vst v10;
	v9 =	vld.idx.msk [tilespmem:v15+s2+$0x0], $0xffff  }
0x45f: {  	v8 =	vadd.s32 $0x7200, v2;
	[tilespmem:s28+$0x30] =	vst v11;
	v10 =	vld.idx.msk [tilespmem:v17+s2+$0x0], $0xffff  }
0x460: {  	v30 =	vadd.s32 $0x7200, v1;
	[tilespmem:s28+$0x40] =	vst v12;
	v18 =	vld.idx.msk [tilespmem:v18+s2+$0x0], $0xffff  }
0x461: {  	v11 =	vadd.s32 $0x7400, v7;
	[tilespmem:s28+$0x50] =	vst v13;
	v19 =	vld.idx.msk [tilespmem:v19+s2+$0x0], $0xffff  }
0x462: {  	v31 =	vadd.s32 $0x7400, v5;
	[tilespmem:s28+$0x0] =	vst v16;
	v15 =	vld.idx.msk [tilespmem:v28+s2+$0x0], $0xffff  }
0x463: {  	v32 =	vadd.s32 $0x7400, v4;
	[tilespmem:s28+$0x60] =	vst v14;
	v17 =	vld.idx.msk [tilespmem:v29+s2+$0x0], $0xffff  }
0x464: {  	v35 =	vadd.s32 $0x7400, v6;
	v8 =	vld.idx.msk [tilespmem:v8+s2+$0x0], $0xffff;
	[tilespmem:s28+$0xF0] =	vst v9  }
0x465: {  	v9 =	vadd.s32 $0x7400, v3;
	[tilespmem:s28+$0x90] =	vst v10;
	v10 =	vld.idx.msk [tilespmem:v30+s2+$0x0], $0xffff  }
0x466: {  	v33 =	vadd.s32 $0x7400, v2;
	[tilespmem:s28+$0xA0] =	vst v18;
	v11 =	vld.idx.msk [tilespmem:v11+s2+$0x0], $0xffff  }
0x467: {  	v36 =	vadd.s32 $0x7400, v0;
	[tilespmem:s28+$0xB0] =	vst v19;
	v13 =	vld.idx.msk [tilespmem:v31+s2+$0x0], $0xffff  }
0x468: {  	v34 =	vadd.s32 $0x7600, v7;
	[tilespmem:s28+$0x80] =	vst v17;
	v14 =	vld.idx.msk [tilespmem:v32+s2+$0x0], $0xffff  }
0x469: {  	v37 =	vadd.s32 $0x7600, v5;
	[tilespmem:s28+$0xD0] =	vst v15;
	v18 =	vld.idx.msk [tilespmem:v35+s2+$0x0], $0xffff  }
0x46a: {  	v40 =	vadd.s32 $0x7600, v6;
	[tilespmem:s28+$0xC0] =	vst v8;
	v9 =	vld.idx.msk [tilespmem:v9+s2+$0x0], $0xffff  }
0x46b: {  	v8 =	vadd.s32 $0x7400, v1;
	v16 =	vld.idx.msk [tilespmem:v33+s2+$0x0], $0xffff;
	[tilespmem:s28+$0xE0] =	vst v10  }
0x46c: {  	v10 =	vld.idx.msk [tilespmem:v36+s2+$0x0], $0xffff;
	[tilespmem:s28+$0x170] =	vst v11;
	v11 =	vadd.s32 $0x7600, v4  }
0x46d: {  	v38 =	vadd.s32 $0x7600, v3;
	[tilespmem:s28+$0x110] =	vst v13;
	v12 =	vld.idx.msk [tilespmem:v34+s2+$0x0], $0xffff  }
0x46e: {  	v41 =	vadd.s32 $0x7600, v2;
	[tilespmem:s28+$0x100] =	vst v18;
	v15 =	vld.idx.msk [tilespmem:v37+s2+$0x0], $0xffff  }
0x46f: {  	v39 =	vadd.s32 $0x7800, v7;
	[tilespmem:s28+$0x120] =	vst v14;
	v19 =	vld.idx.msk [tilespmem:v40+s2+$0x0], $0xffff  }
0x470: {  	v43 =	vadd.s32 $0x7800, v5;
	v8 =	vld.idx.msk [tilespmem:v8+s2+$0x0], $0xffff;
	[tilespmem:s28+$0x130] =	vst v9  }
0x471: {  	v45 =	vadd.s32 $0x7800, v6;
	[tilespmem:s28+$0x140] =	vst v16;
	v11 =	vld.idx.msk [tilespmem:v11+s2+$0x0], $0xffff  }
0x472: {  	v9 =	vadd.s32 $0x7600, v0;
	[tilespmem:s28+$0x150] =	vst v10;
	v17 =	vld.idx.msk [tilespmem:v38+s2+$0x0], $0xffff  }
0x473: {  	v42 =	vadd.s32 $0x7600, v1;
	v10 =	vld.idx.msk [tilespmem:v41+s2+$0x0], $0xffff;
	[tilespmem:s28+$0x1F0] =	vst v12  }
0x474: {  	v44 =	vadd.s32 $0x7800, v4;
	[tilespmem:s28+$0x190] =	vst v15;
	v13 =	vld.idx.msk [tilespmem:v39+s2+$0x0], $0xffff  }
0x475: {  	v46 =	vadd.s32 $0x7800, v3;
	[tilespmem:s28+$0x180] =	vst v19;
	v12 =	vld.idx.msk [tilespmem:v43+s2+$0x0], $0xffff  }
0x476: {  	v47 =	vadd.s32 $0x7800, v2;
	v14 =	vld.idx.msk [tilespmem:v45+s2+$0x0], $0xffff;
	[tilespmem:s28+$0x160] =	vst v8  }
0x477: {  	v8 =	vadd.s32 $0x7A00, v7;
	v9 =	vld.idx.msk [tilespmem:v9+s2+$0x0], $0xffff;
	[tilespmem:s28+$0x1A0] =	vst v11  }
0x478: {  	v50 =	vadd.s32 $0x7A00, v5;
	v11 =	vld.idx.msk [tilespmem:v42+s2+$0x0], $0xffff;
	[tilespmem:s28+$0x1B0] =	vst v17  }
0x479: {  	v51 =	vadd.s32 $0x7A00, v6;
	[tilespmem:s28+$0x1C0] =	vst v10;
	v18 =	vld.idx.msk [tilespmem:v44+s2+$0x0], $0xffff  }
0x47a: {  	v48 =	vadd.s32 $0x7800, v0;
	v10 =	vld.idx.msk [tilespmem:v46+s2+$0x0], $0xffff;
	[tilespmem:s28+$0x270] =	vst v13  }
0x47b: {  	v49 =	vadd.s32 $0x7800, v1;
	v16 =	vld.idx.msk [tilespmem:v47+s2+$0x0], $0xffff;
	[tilespmem:s28+$0x210] =	vst v12  }
0x47c: {  	v53 =	vadd.s32 $0x7A00, v3;
	[tilespmem:s28+$0x200] =	vst v14;
	v8 =	vld.idx.msk [tilespmem:v8+s2+$0x0], $0xffff  }
0x47d: {  	v54 =	vadd.s32 $0x7A00, v2;
	v19 =	vld.idx.msk [tilespmem:v50+s2+$0x0], $0xffff;
	[tilespmem:s28+$0x1D0] =	vst v9  }
0x47e: {  	v15 =	vld.idx.msk [tilespmem:v51+s2+$0x0], $0xffff;
	v9 =	vadd.s32 $0x7C00, v7;
	[tilespmem:s28+$0x1E0] =	vst v11  }
0x47f: {  	v57 =	vadd.s32 $0x7C00, v5;
	v52 =	vld.idx.msk [tilespmem:v48+s2+$0x0], $0xffff;
	[tilespmem:s28+$0x220] =	vst v18  }
0x480: {  	v11 =	vadd.s32 $0x7A00, v4;
	v13 =	vld.idx.msk [tilespmem:v49+s2+$0x0], $0xffff;
	[tilespmem:s28+$0x230] =	vst v10  }
0x481: {  	v55 =	vadd.s32 $0x7A00, v1;
	[tilespmem:s28+$0x240] =	vst v16;
	v56 =	vld.idx.msk [tilespmem:v53+s2+$0x0], $0xffff  }
0x482: {  	v58 =	vld.idx.msk [tilespmem:v54+s2+$0x0], $0xffff;
	[tilespmem:s28+$0x2F0] =	vst v8;
	v8 =	vadd.s32 $0x7A00, v0  }
0x483: {  	v60 =	vadd.s32 $0x7C00, v3;
	[tilespmem:s28+$0x290] =	vst v19;
	v9 =	vld.idx.msk [tilespmem:v9+s2+$0x0], $0xffff  }
0x484: {  	v7 =	vadd.s32 $0x7E00, v7;
	[tilespmem:s28+$0x280] =	vst v15;
	v12 =	vld.idx.msk [tilespmem:v57+s2+$0x0], $0xffff  }
0x485: {  	v10 =	vld.idx.msk [tilespmem:v11+s2+$0x0], $0xffff;
	v11 =	vadd.s32 $0x7C00, v6;
	[tilespmem:s28+$0x260] =	vst v13  }
0x486: {  	v5 =	vadd.s32 $0x7E00, v5;
	[tilespmem:s28+$0x250] =	vst v52;
	v14 =	vld.idx.msk [tilespmem:v55+s2+$0x0], $0xffff  }
0x487: {  	v59 =	vadd.s32 $0x7C00, v4;
	[tilespmem:s28+$0x2B0] =	vst v56;
	v8 =	vld.idx.msk [tilespmem:v8+s2+$0x0], $0xffff  }
0x488: {  	v16 =	vld.idx.msk [tilespmem:v60+s2+$0x0], $0xffff;
	[tilespmem:s28+$0x370] =	vst v9;
	v9 =	vadd.s32 $0x7C00, v2  }
0x489: {  	v61 =	vadd.s32 $0x7C00, v0;
	[tilespmem:s28+$0x310] =	vst v12;
	v7 =	vld.idx.msk [tilespmem:v7+s2+$0x0], $0xffff  }
0x48a: {  	v11 =	vld.idx.msk [tilespmem:v11+s2+$0x0], $0xffff;
	[tilespmem:s28+$0x2A0] =	vst v10;
	v10 =	vadd.s32 $0x7C00, v1  }
0x48b: {  	v6 =	vadd.s32 $0x7E00, v6;
	[tilespmem:s28+$0x2C0] =	vst v58;
	v5 =	vld.idx.msk [tilespmem:v5+s2+$0x0], $0xffff  }
0x48c: {  	v62 =	vadd.s32 $0x7E00, v3;
	v13 =	vld.idx.msk [tilespmem:v59+s2+$0x0], $0xffff;
	[tilespmem:s28+$0x2E0] =	vst v14  }
0x48d: {  	v4 =	vadd.s32 $0x7E00, v4;
	[tilespmem:s28+$0x2D0] =	vst v8;
	v9 =	vld.idx.msk [tilespmem:v9+s2+$0x0], $0xffff  }
0x48e: {  	v63 =	vadd.s32 $0x7E00, v2;
	[tilespmem:s28+$0x330] =	vst v16;
	v15 =	vld.idx.msk [tilespmem:v61+s2+$0x0], $0xffff  }
0x48f: {  	[tilespmem:s28+$0x300] =	vst v11;
	v8 =	vld.idx.msk [tilespmem:v10+s2+$0x0], $0xffff  }
0x490: {  	[tilespmem:s28+$0x3F0] =	vst v7;
	v7 =	vld.idx.msk [tilespmem:v6+s2+$0x0], $0xffff  }
0x491: {  	[tilespmem:s28+$0x320] =	vst v13;
	v6 =	vld.idx.msk [tilespmem:v62+s2+$0x0], $0xffff  }
0x492: {  	v3 =	vld.idx.msk [tilespmem:v4+s2+$0x0], $0xffff;
	[tilespmem:s28+$0x340] =	vst v9  }
0x493: {  	s29 =	simm.s32 $0x0;
	s30 =	simm.s32 $0x80C0;
	v2 =	vadd.s32 $0x7E00, v0;
	v1 =	vadd.s32 $0x7E00, v1;
	[tilespmem:s28+$0x350] =	vst v15;
	v4 =	vld.idx.msk [tilespmem:v63+s2+$0x0], $0xffff  }
.LBB2_16:
0x494: {  	v0 =	vld [tilespmem:s30+$0x30];
	s29 =	sadd.s32 $0x8, s29;
	[tilespmem:s28+$0x360] =	vst v8  }
0x495: {  	v21 =	vld [tilespmem:s30+$0xFFFFFFD0];
	p0 =	slt.u32 s29, $0x38;
	[tilespmem:s28+$0x380] =	vst v7  }
0x496: {  	v22 =	vld [tilespmem:s30+$0xFFFFFFE0];
	[tilespmem:s28+$0x390] =	vst v5  }
0x497: {  	v23 =	vld [tilespmem:s30+$0xFFFFFFF0];
	[tilespmem:s28+$0x3A0] =	vst v3  }
0x498: {  	v24 =	vld [tilespmem:s30+$0x0];
	[tilespmem:s28+$0x3B0] =	vst v6  }
0x499: {  	v25 =	vld [tilespmem:s30+$0x10];
	v3 =	vadd.s32 $0x7000, v0;
	[tilespmem:s28+$0x3C0] =	vst v4  }
0x49a: {  	v4 =	vadd.s32 $0x7000, v21;
	v5 =	vadd.s32 $0x7200, v21;
	v26 =	vadd.s32 $0x7400, v21;
	v27 =	vld [tilespmem:s30+$0x20]  }
0x49b: {  	v6 =	vld [tilespmem:s30+$0xFFFFFFC0];
	v7 =	vadd.s32 $0x7000, v22;
	v8 =	vadd.s32 $0x7200, v22;
	v28 =	vadd.s32 $0x7400, v22  }
0x49c: {  	v9 =	vadd.s32 $0x7000, v23;
	v11 =	vadd.s32 $0x7200, v23;
	v29 =	vadd.s32 $0x7400, v23;
	v2 =	vld.idx.msk [tilespmem:v2+s2+$0x0], $0xffff  }
0x49d: {  	v10 =	vadd.s32 $0x7000, v24;
	v13 =	vadd.s32 $0x7200, v24;
	v30 =	vadd.s32 $0x7400, v24;
	v1 =	vld.idx.msk [tilespmem:v1+s2+$0x0], $0xffff  }
0x49e: {  	v12 =	vadd.s32 $0x7000, v25;
	v31 =	vadd.s32 $0x7200, v25;
	v32 =	vadd.s32 $0x7400, v25;
	v3 =	vld.idx.msk [tilespmem:v3+s2+$0x0], $0xffff  }
0x49f: {  	v4 =	vld.idx.msk [tilespmem:v4+s2+$0x0], $0xffff;
	v14 =	vadd.s32 $0x7000, v27;
	v33 =	vadd.s32 $0x7200, v27;
	v34 =	vadd.s32 $0x7400, v27  }
0x4a0: {  	v16 =	vadd.s32 $0x7200, v0;
	v15 =	vadd.s32 $0x7000, v6;
	v35 =	vadd.s32 $0x7200, v6;
	v7 =	vld.idx.msk [tilespmem:v7+s2+$0x0], $0xffff  }
0x4a1: {  	v38 =	vadd.s32 $0x7600, v21;
	v36 =	vadd.s32 $0x7400, v6;
	v37 =	vadd.s32 $0x7600, v6;
	v9 =	vld.idx.msk [tilespmem:v9+s2+$0x0], $0xffff  }
0x4a2: {  	v39 =	vadd.s32 $0x7600, v22;
	v40 =	vadd.s32 $0x7600, v23;
	v41 =	vadd.s32 $0x7600, v24;
	v20 =	vld.idx.msk [tilespmem:v10+s2+$0x0], $0xffff;
	[tilespmem:s28+$0x3D0] =	vst v2  }
0x4a3: {  	v43 =	vadd.s32 $0x7600, v25;
	v44 =	vadd.s32 $0x7600, v27;
	v42 =	vadd.s32 $0x7800, v6;
	v2 =	vld.idx.msk [tilespmem:v12+s2+$0x0], $0xffff;
	[tilespmem:s28+$0x3E0] =	vst v1;
	s28 =	sadd.s32 $0x400, s28  }
0x4a4: {  	v45 =	vadd.s32 $0x7800, v21;
	v46 =	vadd.s32 $0x7800, v22;
	v47 =	vadd.s32 $0x7800, v23;
	v1 =	vld.idx.msk [tilespmem:v14+s2+$0x0], $0xffff;
	[tilespmem:s28+$0x70] =	vst v3  }
0x4a5: {  	v48 =	vadd.s32 $0x7800, v24;
	v49 =	vadd.s32 $0x7800, v25;
	v50 =	vadd.s32 $0x7800, v27;
	[tilespmem:s28+$0x10] =	vst v4;
	v4 =	vld.idx.msk [tilespmem:v16+s2+$0x0], $0xffff  }
0x4a6: {  	v52 =	vadd.s32 $0x7A00, v21;
	v18 =	vadd.s32 $0x7A00, v22;
	v17 =	vadd.s32 $0x7A00, v6;
	v51 =	vld.idx.msk [tilespmem:v15+s2+$0x0], $0xffff;
	[tilespmem:s28+$0x20] =	vst v7  }
0x4a7: {  	v54 =	vadd.s32 $0x7400, v0;
	v19 =	vadd.s32 $0x7A00, v23;
	v15 =	vadd.s32 $0x7A00, v24;
	v53 =	vld.idx.msk [tilespmem:v5+s2+$0x0], $0xffff;
	[tilespmem:s28+$0x30] =	vst v9  }
0x4a8: {  	v10 =	vadd.s32 $0x7C00, v6;
	v16 =	vadd.s32 $0x7A00, v27;
	v55 =	vld.idx.msk [tilespmem:v8+s2+$0x0], $0xffff;
	[tilespmem:s28+$0x40] =	vst v20;
	v20 =	vadd.s32 $0x7A00, v25  }
0x4a9: {  	v12 =	vadd.s32 $0x7C00, v22;
	v14 =	vadd.s32 $0x7C00, v21;
	v56 =	vld.idx.msk [tilespmem:v11+s2+$0x0], $0xffff;
	v11 =	vadd.s32 $0x7C00, v23;
	[tilespmem:s28+$0x50] =	vst v2  }
0x4aa: {  	v9 =	vadd.s32 $0x7C00, v25;
	v8 =	vadd.s32 $0x7C00, v27;
	v57 =	vld.idx.msk [tilespmem:v13+s2+$0x0], $0xffff;
	v13 =	vadd.s32 $0x7C00, v24;
	[tilespmem:s28+$0x60] =	vst v1  }
0x4ab: {  	v3 =	vadd.s32 $0x7E00, v22;
	v7 =	vadd.s32 $0x7E00, v6;
	v5 =	vadd.s32 $0x7E00, v21;
	v21 =	vld.idx.msk [tilespmem:v31+s2+$0x0], $0xffff;
	[tilespmem:s28+$0xF0] =	vst v4  }
0x4ac: {  	v6 =	vadd.s32 $0x7E00, v23;
	v2 =	vadd.s32 $0x7E00, v25;
	v4 =	vadd.s32 $0x7E00, v24;
	[tilespmem:s28+$0x0] =	vst v51;
	v22 =	vld.idx.msk [tilespmem:v54+s2+$0x0], $0xffff  }
0x4ad: {  	v1 =	vadd.s32 $0x7E00, v27;
	v23 =	vld.idx.msk [tilespmem:v35+s2+$0x0], $0xffff;
	[tilespmem:s28+$0x90] =	vst v53  }
0x4ae: {  	v25 =	vadd.s32 $0x7600, v0;
	[tilespmem:s28+$0xA0] =	vst v55;
	v24 =	vld.idx.msk [tilespmem:v33+s2+$0x0], $0xffff  }
0x4af: {  	v26 =	vld.idx.msk [tilespmem:v26+s2+$0x0], $0xffff;
	[tilespmem:s28+$0xB0] =	vst v56  }
0x4b0: {  	v27 =	vld.idx.msk [tilespmem:v28+s2+$0x0], $0xffff;
	[tilespmem:s28+$0xC0] =	vst v57  }
0x4b1: {  	v28 =	vld.idx.msk [tilespmem:v29+s2+$0x0], $0xffff;
	[tilespmem:s28+$0xD0] =	vst v21  }
0x4b2: {  	v21 =	vld.idx.msk [tilespmem:v30+s2+$0x0], $0xffff;
	[tilespmem:s28+$0x170] =	vst v22  }
0x4b3: {  	[tilespmem:s28+$0x80] =	vst v23;
	v22 =	vld.idx.msk [tilespmem:v25+s2+$0x0], $0xffff  }
0x4b4: {  	v23 =	vld.idx.msk [tilespmem:v36+s2+$0x0], $0xffff;
	[tilespmem:s28+$0xE0] =	vst v24  }
0x4b5: {  	v25 =	vadd.s32 $0x7800, v0;
	[tilespmem:s28+$0x110] =	vst v26;
	v24 =	vld.idx.msk [tilespmem:v32+s2+$0x0], $0xffff  }
0x4b6: {  	[tilespmem:s28+$0x120] =	vst v27;
	v26 =	vld.idx.msk [tilespmem:v34+s2+$0x0], $0xffff  }
0x4b7: {  	v27 =	vld.idx.msk [tilespmem:v38+s2+$0x0], $0xffff;
	[tilespmem:s28+$0x130] =	vst v28  }
0x4b8: {  	v28 =	vld.idx.msk [tilespmem:v39+s2+$0x0], $0xffff;
	[tilespmem:s28+$0x140] =	vst v21  }
0x4b9: {  	v21 =	vld.idx.msk [tilespmem:v40+s2+$0x0], $0xffff;
	[tilespmem:s28+$0x1F0] =	vst v22  }
0x4ba: {  	[tilespmem:s28+$0x100] =	vst v23;
	v22 =	vld.idx.msk [tilespmem:v25+s2+$0x0], $0xffff  }
0x4bb: {  	v23 =	vld.idx.msk [tilespmem:v37+s2+$0x0], $0xffff;
	[tilespmem:s28+$0x150] =	vst v24  }
0x4bc: {  	v25 =	vadd.s32 $0x7A00, v0;
	v24 =	vld.idx.msk [tilespmem:v41+s2+$0x0], $0xffff;
	[tilespmem:s28+$0x160] =	vst v26  }
0x4bd: {  	[tilespmem:s28+$0x190] =	vst v27;
	v26 =	vld.idx.msk [tilespmem:v43+s2+$0x0], $0xffff  }
0x4be: {  	[tilespmem:s28+$0x1A0] =	vst v28;
	v27 =	vld.idx.msk [tilespmem:v44+s2+$0x0], $0xffff  }
0x4bf: {  	v28 =	vld.idx.msk [tilespmem:v45+s2+$0x0], $0xffff;
	[tilespmem:s28+$0x1B0] =	vst v21  }
0x4c0: {  	v21 =	vld.idx.msk [tilespmem:v46+s2+$0x0], $0xffff;
	[tilespmem:s28+$0x270] =	vst v22  }
0x4c1: {  	[tilespmem:s28+$0x180] =	vst v23;
	v22 =	vld.idx.msk [tilespmem:v25+s2+$0x0], $0xffff  }
0x4c2: {  	v23 =	vld.idx.msk [tilespmem:v42+s2+$0x0], $0xffff;
	[tilespmem:s28+$0x1C0] =	vst v24  }
0x4c3: {  	v25 =	vadd.s32 $0x7C00, v0;
	v24 =	vld.idx.msk [tilespmem:v47+s2+$0x0], $0xffff;
	[tilespmem:s28+$0x1D0] =	vst v26  }
0x4c4: {  	v26 =	vld.idx.msk [tilespmem:v48+s2+$0x0], $0xffff;
	[tilespmem:s28+$0x1E0] =	vst v27  }
0x4c5: {  	[tilespmem:s28+$0x210] =	vst v28;
	v27 =	vld.idx.msk [tilespmem:v49+s2+$0x0], $0xffff  }
0x4c6: {  	[tilespmem:s28+$0x220] =	vst v21;
	v21 =	vld.idx.msk [tilespmem:v50+s2+$0x0], $0xffff  }
0x4c7: {  	v28 =	vld.idx.msk [tilespmem:v52+s2+$0x0], $0xffff;
	[tilespmem:s28+$0x2F0] =	vst v22  }
0x4c8: {  	[tilespmem:s28+$0x200] =	vst v23;
	v22 =	vld.idx.msk [tilespmem:v25+s2+$0x0], $0xffff  }
0x4c9: {  	v17 =	vld.idx.msk [tilespmem:v17+s2+$0x0], $0xffff;
	[tilespmem:s28+$0x230] =	vst v24  }
0x4ca: {  	v0 =	vadd.s32 $0x7E00, v0;
	v18 =	vld.idx.msk [tilespmem:v18+s2+$0x0], $0xffff;
	[tilespmem:s28+$0x240] =	vst v26  }
0x4cb: {  	v19 =	vld.idx.msk [tilespmem:v19+s2+$0x0], $0xffff;
	[tilespmem:s28+$0x250] =	vst v27  }
0x4cc: {  	v15 =	vld.idx.msk [tilespmem:v15+s2+$0x0], $0xffff;
	[tilespmem:s28+$0x260] =	vst v21  }
0x4cd: {  	[tilespmem:s28+$0x290] =	vst v28;
	v20 =	vld.idx.msk [tilespmem:v20+s2+$0x0], $0xffff  }
0x4ce: {  	v16 =	vld.idx.msk [tilespmem:v16+s2+$0x0], $0xffff;
	[tilespmem:s28+$0x370] =	vst v22  }
0x4cf: {  	[tilespmem:s28+$0x280] =	vst v17;
	v0 =	vld.idx.msk [tilespmem:v0+s2+$0x0], $0xffff  }
0x4d0: {  	v10 =	vld.idx.msk [tilespmem:v10+s2+$0x0], $0xffff;
	[tilespmem:s28+$0x2A0] =	vst v18  }
0x4d1: {  	v14 =	vld.idx.msk [tilespmem:v14+s2+$0x0], $0xffff;
	[tilespmem:s28+$0x2B0] =	vst v19  }
0x4d2: {  	v12 =	vld.idx.msk [tilespmem:v12+s2+$0x0], $0xffff;
	[tilespmem:s28+$0x2C0] =	vst v15  }
0x4d3: {  	v11 =	vld.idx.msk [tilespmem:v11+s2+$0x0], $0xffff;
	[tilespmem:s28+$0x2D0] =	vst v20  }
0x4d4: {  	v13 =	vld.idx.msk [tilespmem:v13+s2+$0x0], $0xffff;
	[tilespmem:s28+$0x2E0] =	vst v16  }
0x4d5: {  	v9 =	vld.idx.msk [tilespmem:v9+s2+$0x0], $0xffff;
	[tilespmem:s28+$0x3F0] =	vst v0  }
0x4d6: {  	[tilespmem:s28+$0x300] =	vst v10;
	v8 =	vld.idx.msk [tilespmem:v8+s2+$0x0], $0xffff  }
.Ltmp7:
0x4d7: {  	v7 =	vld.idx.msk [tilespmem:v7+s2+$0x0], $0xffff;
	[tilespmem:s28+$0x310] =	vst v14;
	(pc) =	sbr.rel @p0 .LBB2_16-.Ltmp7, $4  }
0x4d8: {  	v5 =	vld.idx.msk [tilespmem:v5+s2+$0x0], $0xffff;
	[tilespmem:s28+$0x320] =	vst v12  }
0x4d9: {  	v3 =	vld.idx.msk [tilespmem:v3+s2+$0x0], $0xffff;
	[tilespmem:s28+$0x330] =	vst v11  }
0x4da: {  	v6 =	vld.idx.msk [tilespmem:v6+s2+$0x0], $0xffff;
	[tilespmem:s28+$0x340] =	vst v13  }
0x4db: {  	s30 =	sadd.s32 $0x80, s30;
	v4 =	vld.idx.msk [tilespmem:v4+s2+$0x0], $0xffff;
	[tilespmem:s28+$0x350] =	vst v9  }
0x4dc: {  	_ =	sdelay $0x2  }
0x4dd: {  	[tilespmem:s28+$0x360] =	vst v8  }
0x4de: {  	[tilespmem:s28+$0x380] =	vst v7;
	v0 =	vld.idx.msk [tilespmem:v2+s2+$0x0], $0xffff  }
0x4df: {  	[tilespmem:s28+$0x390] =	vst v5;
	v1 =	vld.idx.msk [tilespmem:v1+s2+$0x0], $0xffff  }
0x4e0: {  	[tilespmem:s28+$0x3A0] =	vst v3  }
0x4e1: {  	[tilespmem:s28+$0x3B0] =	vst v6  }
0x4e2: {  	[tilespmem:s28+$0x3C0] =	vst v4  }
0x4e3: {  	[tilespmem:s28+$0x3D0] =	vst v0  }
0x4e4: {  	[tilespmem:s28+$0x3E0] =	vst v1  }
0x4e5: {  	[hbm4b:s12+s2] =	stream.linear.scatter [tilespmem:s24], [sflag:$0x3], $0x2000, $0x38;
	[tilespmem:$0x18400] =	vst v63  }
0x4e6: {  	_ =	swait.ge [sflag:s25], $0x2000  }
0x4e7: {  	[sflag:s25] =	ssyncset.done $0x0  }
0x4e8: {  	[sflag:s25] =	ssyncadd.s32 $0xFFFFE000  }
0x4e9: {  	_ =	swait.ge [sflag:s25], $0x2000  }
0x4ea: {  	[sflag:s25] =	ssyncset.done $0x0  }
0x4eb: {  	[sflag:s25] =	ssyncadd.s32 $0xFFFFE000  }
0x4ec: {  	_ =	swait.ge [sflag:s25], $0x2000  }
0x4ed: {  	[sflag:s25] =	ssyncset.done $0x0  }
0x4ee: {  	[sflag:s25] =	ssyncadd.s32 $0xFFFFE000  }
0x4ef: {  	_ =	swait.ge [sflag:s25], $0x2000  }
0x4f0: {  	[sflag:s25] =	ssyncset.done $0x0  }
0x4f1: {  	[sflag:s25] =	ssyncadd.s32 $0xFFFFE000  }
0x4f2: {  	_ =	swait.ge [sflag:s25], $0x2000  }
0x4f3: {  	[sflag:s25] =	ssyncset.done $0x0  }
0x4f4: {  	[sflag:s25] =	ssyncadd.s32 $0xFFFFE000  }
0x4f5: {  	_ =	swait.ge [sflag:s25], $0x2000  }
0x4f6: {  	[sflag:s25] =	ssyncset.done $0x0  }
0x4f7: {  	s26 =	sadd.s32 $0x1, s26;
	[sflag:s25] =	ssyncadd.s32 $0xFFFFE000  }
0x4f8: {  	p0 =	sne.s32 s26, s13;
	_ =	swait.ge [sflag:s25], $0x2000  }
.Ltmp8:
0x4f9: {  	[sflag:s25] =	ssyncset.done $0x0;
	(pc) =	sbr.rel @p0 .LBB2_1-.Ltmp8, $4  }
0x4fa: {  	[sflag:s25] =	ssyncadd.s32 $0xFFFFE000  }
0x4fb: {  	_ =	swait.ge [sflag:s25], $0x2000  }
0x4fc: {  	[sflag:s25] =	ssyncset.done $0x0  }
0x4fd: {  	[sflag:s25] =	ssyncadd.s32 $0xFFFFE000  }
0x4fe: {  	_ =	sfence.sel $0x180000  }
0x4ff: {  	[bflag:$0x0] =	sbarrier.arrive $0xFFFF  }
0x500: {  	p0 =	sne.s32 s1, $0x0;
	_ =	strace $0x90000047  }
0x501: {  	s0 =	sadd.s32 @!p0 $0x100000, s0;
	[bflag:$0x2] =	sbarrier.arrive $0xFFFF  }
0x502: {  	[sflag:s0] =	ssyncadd.tile.s32 @!p0 $0x1;
	_ =	shalt  }
.Lfunc_end2:
_tile_overlayer_lowered:
.L_overlay_start_2:
0x503: {  	(tag) =	ssettag $0x2  }
0x504: {  	s0 =	rddreg [dreg:$0x0];
	s2 =	stileid.u32  }
0x505: {  	s1 =	rddreg [dreg:$0x1];
	p0 =	sne.s32 s2, $0x0  }
0x506: {  	s3 =	rddreg [dreg:$0x2];
	[bflag:$0x3] =	sbarrier.arrive $0xFFFF;
	s2 =	simm.s32 @!p0 $0x1C04  }
0x507: {  	[timem:s3], [sflag:s2] =	dma.local @!p0 [hbm:s0], s1  }
0x508: {  	s0 =	simm.s32 @!p0 $0x4  }
0x509: {  	_ =	swait.ge @!p0 [sflag:s0], s1  }
0x50a: {  	s1 =	ssub.s32 @!p0 $0x0, s1;
	[sflag:s0] =	ssyncset.done @!p0 $0x0  }
0x50b: {  	[sflag:s0] =	ssyncadd.s32 @!p0 s1  }
0x50c: {  	[bflag:$0x3] =	sbarrier.arrive $0xFFFF  }
0x50d: {  	_ =	shalt  }

</sc_bundles>
